<compile_context>
chip_gen: v7x
topology: tpu7x:2x2x1
jax: 0.10.2.dev20260603
libtpu: 0.0.44.dev20260713+nightly
codegen_flags: <defaults>
</compile_context>

<pallas_src>
import jax
import jax.numpy as jnp
from jax import lax
from jax.experimental import pallas as pl
from jax.experimental.pallas import tpu as pltpu
from jax.experimental.pallas import tpu_sc as plsc

NU = 25000
NI = 25000
NN = NU + NI
D = 64
E = 800000
HALF = E // 2
B = 4096

NC, NS, L = 2, 16, 16
K = 128
ROWS_HALF = HALF // K
RPT = ROWS_HALF // NS
REM = ROWS_HALF - RPT * NS
TPT = 1568
NUP = TPT * NS
TAIL = NU - (NS - 1) * TPT
FCH = TPT // K
RCH = TPT - FCH * K
FCT = TAIL // K
RCT = TAIL - FCT * K

_mesh = plsc.VectorSubcoreMesh(
    core_axis_name="c", subcore_axis_name="s", num_cores=NC, num_subcores=NS)
_sc_params = pltpu.CompilerParams(use_tc_tiling_on_sc=False)


def _edge_base(c, s):
    return (1 - c) * ROWS_HALF + s * RPT + jnp.minimum(s, REM)


def _n_rows(s):
    return RPT + jnp.where(s < REM, 1, 0)


def _deg_body(edst2_hbm, deg_hbm, idx_v, ones_v, zb_v, dbuf_v, deg_sh,
              isem, ssem):
    c = lax.axis_index("c")
    s = lax.axis_index("s")

    def fill(j, _):
        ones_v[pl.ds(j * L, L)] = jnp.ones((L,), jnp.float32)
        zb_v[pl.ds(j * L, L)] = jnp.zeros((L,), jnp.float32)
        return 0
    lax.fori_loop(0, K // L, fill, 0)

    def zero(j, _):
        pltpu.sync_copy(zb_v, deg_sh.at[pl.ds(s * TPT + j * K, K)])
        return 0
    lax.fori_loop(0, FCH, zero, 0)
    pltpu.sync_copy(zb_v.at[pl.ds(0, RCH)],
                    deg_sh.at[pl.ds(s * TPT + FCH * K, RCH)])
    plsc.subcore_barrier()

    base = _edge_base(c, s)
    n = _n_rows(s)

    pltpu.async_copy(edst2_hbm.at[base], idx_v.at[0], isem)
    pltpu.async_copy(edst2_hbm.at[base + 1], idx_v.at[1], isem)

    def step(j, _):
        @pl.when(j >= 2)
        def _drain_old():
            pltpu.make_async_copy(edst2_hbm.at[base], ones_v, ssem).wait()

        @pl.when(j + 2 < n)
        def _pf():
            pltpu.async_copy(edst2_hbm.at[base + j + 2],
                             idx_v.at[(j + 2) % 4], isem)
        pltpu.make_async_copy(edst2_hbm.at[base], idx_v.at[0], isem).wait()
        pltpu.async_copy(ones_v, deg_sh.at[idx_v.at[j % 4]], ssem, add=True)
        return 0
    lax.fori_loop(0, n, step, 0)

    def drain(j, _):
        pltpu.make_async_copy(edst2_hbm.at[base], ones_v, ssem).wait()
        return 0
    lax.fori_loop(0, 2, drain, 0)

    plsc.subcore_barrier()
    out0 = c * NU + s * TPT

    def bout(j, cnt):
        pltpu.sync_copy(deg_sh.at[pl.ds(s * TPT + j * K, cnt)],
                        zb_v.at[pl.ds(0, cnt)])

        def fillrow(i, _):
            bc = plsc.load_gather(zb_v, [jnp.full((L,), i, jnp.int32)])
            for jj in range(D // L):
                dbuf_v[i, pl.ds(jj * L, L)] = bc
            return 0
        lax.fori_loop(0, cnt, fillrow, 0)
        pltpu.sync_copy(dbuf_v.at[pl.ds(0, cnt)],
                        deg_hbm.at[pl.ds(out0 + j * K, cnt)])

    def out(j, _):
        bout(j, K)
        return 0

    @pl.when(s < NS - 1)
    def _full():
        lax.fori_loop(0, FCH, out, 0)
        bout(FCH, RCH)

    @pl.when(s == NS - 1)
    def _tail():
        lax.fori_loop(0, FCT, out, 0)
        bout(FCT, RCT)


_deg_call = pl.kernel(
    _deg_body,
    out_type=jax.ShapeDtypeStruct((NN, D), jnp.float32),
    mesh=_mesh,
    scratch_types=[
        pltpu.VMEM((4, K), jnp.int32),
        pltpu.VMEM((K,), jnp.float32),
        pltpu.VMEM((K,), jnp.float32),
        pltpu.VMEM((K, D), jnp.float32),
        pltpu.VMEM_SHARED((NUP,), jnp.float32),
        pltpu.SemaphoreType.DMA,
        pltpu.SemaphoreType.DMA,
    ],
    compiler_params=pltpu.CompilerParams(use_tc_tiling_on_sc=False,
                                         needs_layout_passes=False),
)


def _side_body(ego_hbm, esrc2_hbm, edst2_hbm, side_hbm,
               srci_v, dsti_v, rows_v, acc_sh, isem, gsem, ssem):
    c = lax.axis_index("c")
    s = lax.axis_index("s")

    def zfill(i, _):
        for jj in range(D // L):
            rows_v[0, i, pl.ds(jj * L, L)] = jnp.zeros((L,), jnp.float32)
        return 0
    lax.fori_loop(0, K, zfill, 0)

    def zero(j, _):
        pltpu.sync_copy(rows_v.at[0], acc_sh.at[pl.ds(s * TPT + j * K, K)])
        return 0
    lax.fori_loop(0, FCH, zero, 0)
    pltpu.sync_copy(rows_v.at[0, pl.ds(0, RCH)],
                    acc_sh.at[pl.ds(s * TPT + FCH * K, RCH)])
    plsc.subcore_barrier()

    base = _edge_base(c, s)
    n = _n_rows(s)

    def fire_idx(j):
        pltpu.async_copy(esrc2_hbm.at[base + j], srci_v.at[j % 4], isem)
        pltpu.async_copy(edst2_hbm.at[base + j], dsti_v.at[j % 4], isem)

    def wait_idx():
        pltpu.make_async_copy(esrc2_hbm.at[base], srci_v.at[0], isem).wait()
        pltpu.make_async_copy(edst2_hbm.at[base], dsti_v.at[0], isem).wait()

    fire_idx(0)
    fire_idx(1)
    wait_idx()
    pltpu.async_copy(ego_hbm.at[srci_v.at[0]], rows_v.at[0], gsem)

    def step(j, _):
        @pl.when(j >= 2)
        def _drain_old():
            pltpu.make_async_copy(ego_hbm.at[pl.ds(0, K)], rows_v.at[0],
                                  ssem).wait()

        @pl.when(j + 2 < n)
        def _pf_idx():
            fire_idx(j + 2)

        @pl.when(j + 1 < n)
        def _pf_gather():
            wait_idx()
            pltpu.async_copy(ego_hbm.at[srci_v.at[(j + 1) % 4]],
                             rows_v.at[(j + 1) % 3], gsem)

        pltpu.make_async_copy(ego_hbm.at[srci_v.at[0]], rows_v.at[0],
                              gsem).wait()
        pltpu.async_copy(rows_v.at[j % 3], acc_sh.at[dsti_v.at[j % 4]],
                         ssem, add=True)
        return 0
    lax.fori_loop(0, n, step, 0)

    def drain(j, _):
        pltpu.make_async_copy(ego_hbm.at[pl.ds(0, K)], rows_v.at[0],
                              ssem).wait()
        return 0
    lax.fori_loop(0, 2, drain, 0)

    plsc.subcore_barrier()
    out0 = c * NU + s * TPT

    def out(j, _):
        pltpu.sync_copy(acc_sh.at[pl.ds(s * TPT + j * K, K)], rows_v.at[0])
        pltpu.sync_copy(rows_v.at[0], side_hbm.at[pl.ds(out0 + j * K, K)])
        return 0

    @pl.when(s < NS - 1)
    def _full():
        lax.fori_loop(0, FCH, out, 0)
        pltpu.sync_copy(acc_sh.at[pl.ds(s * TPT + FCH * K, RCH)],
                        rows_v.at[0, pl.ds(0, RCH)])
        pltpu.sync_copy(rows_v.at[0, pl.ds(0, RCH)],
                        side_hbm.at[pl.ds(out0 + FCH * K, RCH)])

    @pl.when(s == NS - 1)
    def _tail():
        lax.fori_loop(0, FCT, out, 0)
        pltpu.sync_copy(acc_sh.at[pl.ds(s * TPT + FCT * K, RCT)],
                        rows_v.at[0, pl.ds(0, RCT)])
        pltpu.sync_copy(rows_v.at[0, pl.ds(0, RCT)],
                        side_hbm.at[pl.ds(out0 + FCT * K, RCT)])


_side_call = pl.kernel(
    _side_body,
    out_type=jax.ShapeDtypeStruct((NN, D), jnp.float32),
    mesh=_mesh,
    scratch_types=[
        pltpu.VMEM((4, K), jnp.int32),
        pltpu.VMEM((4, K), jnp.int32),
        pltpu.VMEM((3, K, D), jnp.float32),
        pltpu.VMEM_SHARED((NUP, D), jnp.float32),
        pltpu.SemaphoreType.DMA,
        pltpu.SemaphoreType.DMA,
        pltpu.SemaphoreType.DMA,
    ],
    compiler_params=_sc_params,
)


def _score_body(tab_hbm, idx3_hbm, ps_hbm, ns_hbm,
                idx_v, urows_v, prows_v, nrows_v, ps_v, ns_v, sem):
    c = lax.axis_index("c")
    s = lax.axis_index("s")
    wid = c * NS + s

    pltpu.sync_copy(idx3_hbm.at[wid], idx_v)
    d1 = pltpu.async_copy(tab_hbm.at[idx_v.at[0]], urows_v, sem)
    d2 = pltpu.async_copy(tab_hbm.at[idx_v.at[1]], prows_v, sem)
    d3 = pltpu.async_copy(tab_hbm.at[idx_v.at[2]], nrows_v, sem)
    d1.wait()
    d2.wait()
    d3.wait()

    iota = lax.iota(jnp.int32, L)

    def dot_group(g, _):
        rowidx = g * L + iota

        def dstep(d, carry):
            pacc, nacc = carry
            dcol = jnp.full((L,), d, jnp.int32)
            u = plsc.load_gather(urows_v, [rowidx, dcol])
            p = plsc.load_gather(prows_v, [rowidx, dcol])
            nn = plsc.load_gather(nrows_v, [rowidx, dcol])
            return pacc + u * p, nacc + u * nn
        z = jnp.zeros((L,), jnp.float32)
        pacc, nacc = lax.fori_loop(0, D, dstep, (z, z))
        ps_v[pl.ds(g * L, L)] = pacc
        ns_v[pl.ds(g * L, L)] = nacc
        return 0
    lax.fori_loop(0, K // L, dot_group, 0)

    pltpu.sync_copy(ps_v, ps_hbm.at[pl.ds(wid * K, K)])
    pltpu.sync_copy(ns_v, ns_hbm.at[pl.ds(wid * K, K)])


_score_call = pl.kernel(
    _score_body,
    out_type=[jax.ShapeDtypeStruct((B,), jnp.float32),
              jax.ShapeDtypeStruct((B,), jnp.float32)],
    mesh=_mesh,
    scratch_types=[
        pltpu.VMEM((3, K), jnp.int32),
        pltpu.VMEM((K, D), jnp.float32),
        pltpu.VMEM((K, D), jnp.float32),
        pltpu.VMEM((K, D), jnp.float32),
        pltpu.VMEM((K,), jnp.float32),
        pltpu.VMEM((K,), jnp.float32),
        pltpu.SemaphoreType.DMA,
    ],
    compiler_params=pltpu.CompilerParams(use_tc_tiling_on_sc=False,
                                         needs_layout_passes=False),
)


RB = 2000
NBLK = NN // RB


def _prep_body(degp_ref, emb_ref, rp_ref, es_ref):
    r = lax.rsqrt(jnp.maximum(degp_ref[...], 1.0))
    rp_ref[...] = r
    es_ref[...] = emb_ref[...] * r


_pk_spec = pl.BlockSpec((RB // 2, 2 * D), lambda i: (i, 0))
_prep_call = pl.pallas_call(
    _prep_body,
    grid=(NBLK,),
    in_specs=[_pk_spec, _pk_spec],
    out_specs=[_pk_spec, _pk_spec],
    out_shape=[jax.ShapeDtypeStruct((NN // 2, 2 * D), jnp.float32),
               jax.ShapeDtypeStruct((NN // 2, 2 * D), jnp.float32)],
)


RBP = 1000
DP = 2 * D


def _block_diag(w):
    z = jnp.zeros((D, D), jnp.float32)
    return jnp.concatenate([jnp.concatenate([w, z], 1),
                            jnp.concatenate([z, w], 1)], 0)


def _pair_cat(b):
    return jnp.concatenate([b, b], 1)


def _half_sum_mat():
    o = jnp.ones((D, 1), jnp.float32)
    z = jnp.zeros((D, 1), jnp.float32)
    return jnp.concatenate([jnp.concatenate([o, z], 1),
                            jnp.concatenate([z, o], 1)], 0)


def _half_bcast_mat():
    o = jnp.ones((1, D), jnp.float32)
    z = jnp.zeros((1, D), jnp.float32)
    return jnp.concatenate([jnp.concatenate([o, z], 1),
                            jnp.concatenate([z, o], 1)], 0)


def _ngcf_block_p(side_ref, rp_ref, ego_ref, wg_ref, bg_ref, wb_ref, bb_ref):
    rp = rp_ref[...]
    x = side_ref[...] * rp
    ego = ego_ref[...]
    h = (jnp.dot(x, _block_diag(wg_ref[...]),
                 preferred_element_type=jnp.float32) + _pair_cat(bg_ref[...])
         + jnp.dot(ego * x, _block_diag(wb_ref[...]),
                   preferred_element_type=jnp.float32) + _pair_cat(bb_ref[...]))
    ego_new = jnp.where(h > 0.0, h, 0.2 * h)
    nsq2 = jnp.dot(ego_new * ego_new, _half_sum_mat(),
                   preferred_element_type=jnp.float32)
    inv = 1.0 / jnp.maximum(jnp.sqrt(nsq2), 1e-12)
    scale = jnp.dot(inv, _half_bcast_mat(),
                    preferred_element_type=jnp.float32)
    normed = ego_new * scale
    return rp, ego_new, normed


def _layer0_body(side_ref, rp_ref, ego_ref, wg_ref, bg_ref, wb_ref, bb_ref,
                 ego1_ref, es1_ref, acc_ref):
    rp, ego_new, normed = _ngcf_block_p(side_ref, rp_ref, ego_ref,
                                        wg_ref, bg_ref, wb_ref, bb_ref)
    ego1_ref[...] = ego_new
    es1_ref[...] = ego_new * rp
    acc_ref[...] = ego_ref[...] + normed


def _layer1_body(side_ref, rp_ref, ego_ref, acc_ref, wg_ref, bg_ref, wb_ref,
                 bb_ref, out_ref):
    _, _, normed = _ngcf_block_p(side_ref, rp_ref, ego_ref,
                                 wg_ref, bg_ref, wb_ref, bb_ref)
    out_ref[...] = (acc_ref[...] + normed) * (1.0 / 3.0)


_rowp_spec = pl.BlockSpec((RBP, DP), lambda i: (i, 0))
_w_spec = pl.BlockSpec((D, D), lambda i: (0, 0))
_b_spec = pl.BlockSpec((1, D), lambda i: (0, 0))

_layer0_call = pl.pallas_call(
    _layer0_body,
    grid=(NBLK,),
    in_specs=[_rowp_spec, _rowp_spec, _rowp_spec,
              _w_spec, _b_spec, _w_spec, _b_spec],
    out_specs=[_rowp_spec, _rowp_spec, _rowp_spec],
    out_shape=[jax.ShapeDtypeStruct((NN // 2, DP), jnp.float32)] * 3,
)

_layer1_call = pl.pallas_call(
    _layer1_body,
    grid=(NBLK,),
    in_specs=[_rowp_spec, _rowp_spec, _rowp_spec, _rowp_spec,
              _w_spec, _b_spec, _w_spec, _b_spec],
    out_specs=_rowp_spec,
    out_shape=jax.ShapeDtypeStruct((NN // 2, DP), jnp.float32),
)


def kernel(user, pos, neg, edge_src, edge_dst, edge_vals, user_table,
           item_table, W_gc_0, b_gc_0, W_bi_0, b_bi_0, W_gc_1, b_gc_1,
           W_bi_1, b_bi_1):
    del edge_vals
    all_emb = jnp.concatenate([user_table, item_table], axis=0)
    dst_rel = jnp.where(edge_dst >= NU, edge_dst - NU, edge_dst)
    esrc2 = edge_src.reshape(E // K, K)
    edst2 = dst_rel.reshape(E // K, K)

    deg64 = _deg_call(edst2)
    rp, es0_p = _prep_call(deg64.reshape(NN // 2, DP),
                           all_emb.reshape(NN // 2, DP))
    side0 = _side_call(es0_p.reshape(NN, D), esrc2, edst2)
    ego1_p, es1_p, acc_p = _layer0_call(side0.reshape(NN // 2, DP), rp,
                                        all_emb.reshape(NN // 2, DP),
                                        W_gc_0, b_gc_0, W_bi_0, b_bi_0)
    side1 = _side_call(es1_p.reshape(NN, D), esrc2, edst2)
    out_p = _layer1_call(side1.reshape(NN // 2, DP), rp, ego1_p, acc_p,
                         W_gc_1, b_gc_1, W_bi_1, b_bi_1)
    out = out_p.reshape(NN, D)

    idx3 = jnp.stack([user.reshape(B // K, K),
                      (pos + NU).reshape(B // K, K),
                      (neg + NU).reshape(B // K, K)], axis=1)
    ps, ns = _score_call(out, idx3)
    return ps, ns

# --- scband reference (transcript-rebuilt; emitter-appended) ---
"""Pipeline reference for scband-ngcf-29592324669733 (READ-ONLY COPY).

The authoritative reference and input builder live on the scoring server;
editing this copy changes nothing except your own understanding.
"""

import jax, jax.numpy as jnp
import numpy as np

NUM_USERS = 25000
NUM_ITEMS = 25000
EMB_DIM = 64
NUM_EDGES = 800000
NUM_LAYERS = 2
BATCH = 4096


def setup_inputs(seed: int = 0):
    key = jax.random.key(seed)
    ks = jax.random.split(key, 20)
    N = NUM_USERS + NUM_ITEMS
    user = jax.random.randint(ks[0], (BATCH,), 0, NUM_USERS, dtype=jnp.int32)
    pos = jax.random.randint(ks[1], (BATCH,), 0, NUM_ITEMS, dtype=jnp.int32)
    neg = jax.random.randint(ks[2], (BATCH,), 0, NUM_ITEMS, dtype=jnp.int32)
    # bipartite user-item interaction graph, symmetrized (NGCF normalized adjacency)
    half = NUM_EDGES // 2
    src_u = jax.random.randint(ks[3], (half,), 0, NUM_USERS, dtype=jnp.int32)
    dst_i = jax.random.randint(ks[4], (half,), NUM_USERS, N, dtype=jnp.int32)
    edge_src = jnp.concatenate([src_u, dst_i])
    edge_dst = jnp.concatenate([dst_i, src_u])
    deg = jnp.bincount(edge_dst, length=N).astype(jnp.float32)
    deg = jnp.maximum(deg, 1.0)
    edge_vals = 1.0 / jnp.sqrt(deg[edge_src] * deg[edge_dst])
    user_table = 0.01 * jax.random.normal(ks[5], (NUM_USERS, EMB_DIM), dtype=jnp.float32)
    item_table = 0.01 * jax.random.normal(ks[6], (NUM_ITEMS, EMB_DIM), dtype=jnp.float32)
    inp = {
        'user': user, 'pos': pos, 'neg': neg,
        'edge_src': edge_src, 'edge_dst': edge_dst, 'edge_vals': edge_vals,
        'user_table': user_table, 'item_table': item_table,
    }
    ki = 7
    for k in range(NUM_LAYERS):
        inp['W_gc_%d' % k] = jax.random.normal(ks[ki], (EMB_DIM, EMB_DIM), dtype=jnp.float32); ki += 1
        inp['b_gc_%d' % k] = jax.random.normal(ks[ki], (1, EMB_DIM), dtype=jnp.float32); ki += 1
        inp['W_bi_%d' % k] = jax.random.normal(ks[ki], (EMB_DIM, EMB_DIM), dtype=jnp.float32); ki += 1
        inp['b_bi_%d' % k] = jax.random.normal(ks[ki], (1, EMB_DIM), dtype=jnp.float32); ki += 1
    return inp


def _l2_normalize(x, eps=1e-12):
    n = jnp.linalg.norm(x, axis=1, keepdims=True)
    return x / jnp.maximum(n, eps)


def _get_emb(user_table, item_table, edge_src, edge_dst, edge_vals, weights):
    N = NUM_USERS + NUM_ITEMS
    all_emb = jnp.concatenate([user_table, item_table], axis=0)
    embs = [all_emb]
    ego = all_emb
    for k in range(NUM_LAYERS):
        # sparse adjacency matmul: side = A @ ego, via edge gather + scatter-add
        msgs = edge_vals[:, None] * jnp.take(ego, edge_src, axis=0)
        side = jax.ops.segment_sum(msgs, edge_dst, num_segments=N)
        sum_emb = side @ weights['W_gc_%d' % k] + weights['b_gc_%d' % k]
        bi = ego * side
        bi_emb = bi @ weights['W_bi_%d' % k] + weights['b_bi_%d' % k]
        ego = jax.nn.leaky_relu(sum_emb + bi_emb, negative_slope=0.2)
        # mess_dropout is identity in eval mode
        embs.append(_l2_normalize(ego))
    stacked = jnp.stack(embs, axis=1)
    out = jnp.mean(stacked, axis=1)
    return out[:NUM_USERS], out[NUM_USERS:]


def reference(user, pos, neg, edge_src, edge_dst, edge_vals, user_table, item_table,
              W_gc_0, b_gc_0, W_bi_0, b_bi_0, W_gc_1, b_gc_1, W_bi_1, b_bi_1):
    weights = {'W_gc_0': W_gc_0, 'b_gc_0': b_gc_0, 'W_bi_0': W_bi_0, 'b_bi_0': b_bi_0,
               'W_gc_1': W_gc_1, 'b_gc_1': b_gc_1, 'W_bi_1': W_bi_1, 'b_bi_1': b_bi_1}
    u, i = _get_emb(user_table, item_table, edge_src, edge_dst, edge_vals, weights)
    user_latent = jnp.take(u, user, axis=0)
    pos_latent = jnp.take(i, pos, axis=0)
    neg_latent = jnp.take(i, neg, axis=0)
    pos_score = jnp.sum(user_latent * pos_latent, axis=1)
    neg_score = jnp.sum(user_latent * neg_latent, axis=1)
    return (pos_score, neg_score)

if __name__ == "__main__":
    import jax
    _d = setup_inputs()
    print(jax.jit(kernel)(*tuple(_d.values())))

</pallas_src>

<mosaic_0001>
#map = affine_map<(d0, d1) -> (0, 0)>
module attributes {stable_mosaic.version = 14 : i64} {
  func.func @_deg_body(%arg0: i32, %arg1: i32, %arg2: memref<6250x128xi32, #tpu.memory_space<hbm>>, %arg3: memref<50000x64xf32, #tpu.memory_space<hbm>>, %arg4: memref<4x128xi32, #tpu.memory_space<vmem>>, %arg5: memref<128xf32, #tpu.memory_space<vmem>>, %arg6: memref<128xf32, #tpu.memory_space<vmem>>, %arg7: memref<128x64xf32, #tpu.memory_space<vmem>>, %arg8: memref<25088xf32, #tpu.memory_space<vmem_shared>>, %arg9: memref<!tpu.dma_semaphore, #tpu.memory_space<semaphore_mem>>, %arg10: memref<!tpu.dma_semaphore, #tpu.memory_space<semaphore_mem>>) attributes {dimension_semantics = [#tpu.dimension_semantics<core_parallel>, #tpu.dimension_semantics<subcore_parallel>], iteration_bounds = array<i64: 2, 16>, scalar_prefetch = 0 : i64, scratch_operands = 7 : i64, tpu.core_type = #tpu.core_type<sc_vector_subcore>, window_params = [{transform_indices = #map}, {transform_indices = #map}]} {
    %scan3A = arith.constant 0 : i32
    %scan3A_0 = arith.constant 0 : i32
    %scan3A_1 = arith.constant 8 : i32
    %scan3A_2 = arith.addi %scan3A_0, %scan3A_1 : i32
    %scan3A_3 = arith.constant 1 : i32
    %scan3A_4 = scf.for %scan3A_85 = %scan3A_0 to %scan3A_2 step %scan3A_3 iter_args(%scan3A_86 = %scan3A) -> (i32)  : i32 {
      %broadcast_in_dim3A = arith.constant 1.000000e+00 : f32
      %broadcast_in_dim3A_87 = vector.broadcast %broadcast_in_dim3A : f32 to vector<16xf32>
      %mul3A_88 = arith.constant 16 : i32
      %mul3A_89 = arith.muli %scan3A_85, %mul3A_88 : i32
      %swap3A = arith.index_cast %mul3A_89 : i32 to index
      %swap3A_90 = tpu.vector_load %arg5[%swap3A] {strides = array<i32>} : memref<128xf32, #tpu.memory_space<vmem>>, vector<16xf32>,
      tpu.vector_store %arg5[%swap3A], %broadcast_in_dim3A_87 {strides = array<i32>} : memref<128xf32, #tpu.memory_space<vmem>>, vector<16xf32>,
      %broadcast_in_dim3A_91 = arith.constant 0.000000e+00 : f32
      %broadcast_in_dim3A_92 = vector.broadcast %broadcast_in_dim3A_91 : f32 to vector<16xf32>
      %mul3A_93 = arith.constant 16 : i32
      %mul3A_94 = arith.muli %scan3A_85, %mul3A_93 : i32
      %swap3A_95 = arith.index_cast %mul3A_94 : i32 to index
      %swap3A_96 = tpu.vector_load %arg6[%swap3A_95] {strides = array<i32>} : memref<128xf32, #tpu.memory_space<vmem>>, vector<16xf32>,
      tpu.vector_store %arg6[%swap3A_95], %broadcast_in_dim3A_92 {strides = array<i32>} : memref<128xf32, #tpu.memory_space<vmem>>, vector<16xf32>,
      %scan3A_97 = arith.constant 0 : i32
      scf.yield %scan3A_97 : i32
    }
    %scan3A_5 = arith.constant 8 : i32
    %scan3A_6 = arith.constant 0 : i32
    %scan3A_7 = arith.constant 0 : i32
    %scan3A_8 = arith.constant 12 : i32
    %scan3A_9 = arith.addi %scan3A_7, %scan3A_8 : i32
    %scan3A_10 = arith.constant 1 : i32
    %scan3A_11 = scf.for %scan3A_85 = %scan3A_7 to %scan3A_9 step %scan3A_10 iter_args(%scan3A_86 = %scan3A_6) -> (i32)  : i32 {
      %mul3A_87 = arith.constant 1568 : i32
      %mul3A_88 = arith.muli %arg1, %mul3A_87 : i32
      %mul3A_89 = arith.constant 128 : i32
      %mul3A_90 = arith.muli %scan3A_85, %mul3A_89 : i32
      %add3A_91 = arith.addi %mul3A_88, %mul3A_90 : i32
      "tpu.region"() ({
        %run_scoped3A = tpu.sem_alloc : memref<!tpu.dma_semaphore, #tpu.memory_space<semaphore_mem>>
        %dma_start3A_93 = tpu.memref_slice %arg8[%add3A_91] : memref<25088xf32, #tpu.memory_space<vmem_shared>> -> memref<128xf32, #tpu.memory_space<vmem_shared>>
        %dma_start3A_94 = tpu.memref_slice %arg8[%add3A_91] : memref<25088xf32, #tpu.memory_space<vmem_shared>> -> memref<128xf32, #tpu.memory_space<vmem_shared>>
        tpu.enqueue_dma source(%arg6 : memref<128xf32, #tpu.memory_space<vmem>>) target(%dma_start3A_94 : memref<128xf32, #tpu.memory_space<vmem_shared>>) target_semaphore(%run_scoped3A : memref<!tpu.dma_semaphore, #tpu.memory_space<semaphore_mem>>)
        %dma_wait3A = tpu.memref_slice %arg8[%add3A_91] : memref<25088xf32, #tpu.memory_space<vmem_shared>> -> memref<128xf32, #tpu.memory_space<vmem_shared>>
        %dma_wait3A_95 = tpu.memref_slice %arg8[%add3A_91] : memref<25088xf32, #tpu.memory_space<vmem_shared>> -> memref<128xf32, #tpu.memory_space<vmem_shared>>
        tpu.wait_dma2 semaphore(%run_scoped3A : memref<!tpu.dma_semaphore, #tpu.memory_space<semaphore_mem>>) src(%arg6 : memref<128xf32, #tpu.memory_space<vmem>>) dst(%dma_wait3A_95 : memref<128xf32, #tpu.memory_space<vmem_shared>>)
        tpu.yield
      }) : () -> ()
      %scan3A_92 = arith.constant 0 : i32
      scf.yield %scan3A_92 : i32
    }
    %scan3A_12 = arith.constant 12 : i32
    %mul3A = arith.constant 1568 : i32
    %mul3A_13 = arith.muli %arg1, %mul3A : i32
    %add3A = arith.constant 1536 : i32
    %add3A_14 = arith.addi %mul3A_13, %add3A : i32
    "tpu.region"() ({
      %run_scoped3A = tpu.sem_alloc : memref<!tpu.dma_semaphore, #tpu.memory_space<semaphore_mem>>
      %dma_start3A_85 = arith.constant 0 : i32
      %dma_start3A_86 = tpu.memref_slice %arg6[%dma_start3A_85] : memref<128xf32, #tpu.memory_space<vmem>> -> memref<32xf32, #tpu.memory_space<vmem>>
      %dma_start3A_87 = tpu.memref_slice %arg8[%add3A_14] : memref<25088xf32, #tpu.memory_space<vmem_shared>> -> memref<32xf32, #tpu.memory_space<vmem_shared>>
      %dma_start3A_88 = tpu.memref_slice %arg8[%add3A_14] : memref<25088xf32, #tpu.memory_space<vmem_shared>> -> memref<32xf32, #tpu.memory_space<vmem_shared>>
      %dma_start3A_89 = arith.constant 0 : i32
      %dma_start3A_90 = tpu.memref_slice %arg6[%dma_start3A_89] : memref<128xf32, #tpu.memory_space<vmem>> -> memref<32xf32, #tpu.memory_space<vmem>>
      tpu.enqueue_dma source(%dma_start3A_90 : memref<32xf32, #tpu.memory_space<vmem>>) target(%dma_start3A_88 : memref<32xf32, #tpu.memory_space<vmem_shared>>) target_semaphore(%run_scoped3A : memref<!tpu.dma_semaphore, #tpu.memory_space<semaphore_mem>>)
      %dma_wait3A = arith.constant 0 : i32
      %dma_wait3A_91 = tpu.memref_slice %arg6[%dma_wait3A] : memref<128xf32, #tpu.memory_space<vmem>> -> memref<32xf32, #tpu.memory_space<vmem>>
      %dma_wait3A_92 = tpu.memref_slice %arg8[%add3A_14] : memref<25088xf32, #tpu.memory_space<vmem_shared>> -> memref<32xf32, #tpu.memory_space<vmem_shared>>
      %dma_wait3A_93 = tpu.memref_slice %arg8[%add3A_14] : memref<25088xf32, #tpu.memory_space<vmem_shared>> -> memref<32xf32, #tpu.memory_space<vmem_shared>>
      %dma_wait3A_94 = arith.constant 0 : i32
      %dma_wait3A_95 = tpu.memref_slice %arg6[%dma_wait3A_94] : memref<128xf32, #tpu.memory_space<vmem>> -> memref<32xf32, #tpu.memory_space<vmem>>
      tpu.wait_dma2 semaphore(%run_scoped3A : memref<!tpu.dma_semaphore, #tpu.memory_space<semaphore_mem>>) src(%dma_wait3A_95 : memref<32xf32, #tpu.memory_space<vmem>>) dst(%dma_wait3A_93 : memref<32xf32, #tpu.memory_space<vmem_shared>>)
      tpu.yield
    }) : () -> ()
    %barrier3A = arith.constant 0 : index
    tpu.barrier barrier_id(%barrier3A)
    %sub3A = arith.constant 1 : i32
    %sub3A_15 = arith.subi %sub3A, %arg0 : i32
    %mul3A_16 = arith.constant 3125 : i32
    %mul3A_17 = arith.muli %sub3A_15, %mul3A_16 : i32
    %mul3A_18 = arith.constant 195 : i32
    %mul3A_19 = arith.muli %arg1, %mul3A_18 : i32
    %add3A_20 = arith.addi %mul3A_17, %mul3A_19 : i32
    %min3A = arith.constant 5 : i32
    %min3A_21 = arith.minsi %arg1, %min3A : i32
    %add3A_22 = arith.addi %add3A_20, %min3A_21 : i32
    %lt3A = arith.constant 5 : i32
    %lt3A_23 = arith.cmpi slt, %arg1, %lt3A : i32
    %jit3A = arith.constant 1 : i32
    %jit3A_24 = arith.constant 0 : i32
    %select_n3A = arith.select %lt3A_23, %jit3A, %jit3A_24 : i32
    %add3A_25 = arith.constant 195 : i32
    %add3A_26 = arith.addi %add3A_25, %select_n3A : i32
    %dma_start3A = arith.constant 0 : i32
    %dma_start3A_27 = arith.constant 0 : i32
    %dma_start3A_28 = tpu.memref_slice %arg4[%dma_start3A, %dma_start3A_27] : memref<4x128xi32, #tpu.memory_space<vmem>> -> memref<1x128xi32, #tpu.memory_space<vmem>>
    %dma_start3A_29 = tpu.memref_squeeze %dma_start3A_28 : memref<1x128xi32, #tpu.memory_space<vmem>> -> memref<128xi32, #tpu.memory_space<vmem>>
    %dma_start3A_30 = arith.constant 0 : i32
    %dma_start3A_31 = tpu.memref_slice %arg2[%add3A_22, %dma_start3A_30] : memref<6250x128xi32, #tpu.memory_space<hbm>> -> memref<1x128xi32, #tpu.memory_space<hbm>>
    %dma_start3A_32 = tpu.memref_squeeze %dma_start3A_31 : memref<1x128xi32, #tpu.memory_space<hbm>> -> memref<128xi32, #tpu.memory_space<hbm>>
    %dma_start3A_33 = arith.constant 0 : i32
    %dma_start3A_34 = tpu.memref_slice %arg4[%dma_start3A, %dma_start3A_33] : memref<4x128xi32, #tpu.memory_space<vmem>> -> memref<1x128xi32, #tpu.memory_space<vmem>>
    %dma_start3A_35 = tpu.memref_squeeze %dma_start3A_34 : memref<1x128xi32, #tpu.memory_space<vmem>> -> memref<128xi32, #tpu.memory_space<vmem>>
    %dma_start3A_36 = arith.constant 0 : i32
    %dma_start3A_37 = tpu.memref_slice %arg2[%add3A_22, %dma_start3A_36] : memref<6250x128xi32, #tpu.memory_space<hbm>> -> memref<1x128xi32, #tpu.memory_space<hbm>>
    %dma_start3A_38 = tpu.memref_squeeze %dma_start3A_37 : memref<1x128xi32, #tpu.memory_space<hbm>> -> memref<128xi32, #tpu.memory_space<hbm>>
    tpu.enqueue_dma source(%dma_start3A_38 : memref<128xi32, #tpu.memory_space<hbm>>) target(%dma_start3A_35 : memref<128xi32, #tpu.memory_space<vmem>>) target_semaphore(%arg9 : memref<!tpu.dma_semaphore, #tpu.memory_space<semaphore_mem>>)
    %add3A_39 = arith.constant 1 : i32
    %add3A_40 = arith.addi %add3A_22, %add3A_39 : i32
    %dma_start3A_41 = arith.constant 1 : i32
    %dma_start3A_42 = arith.constant 0 : i32
    %dma_start3A_43 = tpu.memref_slice %arg4[%dma_start3A_41, %dma_start3A_42] : memref<4x128xi32, #tpu.memory_space<vmem>> -> memref<1x128xi32, #tpu.memory_space<vmem>>
    %dma_start3A_44 = tpu.memref_squeeze %dma_start3A_43 : memref<1x128xi32, #tpu.memory_space<vmem>> -> memref<128xi32, #tpu.memory_space<vmem>>
    %dma_start3A_45 = arith.constant 0 : i32
    %dma_start3A_46 = tpu.memref_slice %arg2[%add3A_40, %dma_start3A_45] : memref<6250x128xi32, #tpu.memory_space<hbm>> -> memref<1x128xi32, #tpu.memory_space<hbm>>
    %dma_start3A_47 = tpu.memref_squeeze %dma_start3A_46 : memref<1x128xi32, #tpu.memory_space<hbm>> -> memref<128xi32, #tpu.memory_space<hbm>>
    %dma_start3A_48 = arith.constant 0 : i32
    %dma_start3A_49 = tpu.memref_slice %arg4[%dma_start3A_41, %dma_start3A_48] : memref<4x128xi32, #tpu.memory_space<vmem>> -> memref<1x128xi32, #tpu.memory_space<vmem>>
    %dma_start3A_50 = tpu.memref_squeeze %dma_start3A_49 : memref<1x128xi32, #tpu.memory_space<vmem>> -> memref<128xi32, #tpu.memory_space<vmem>>
    %dma_start3A_51 = arith.constant 0 : i32
    %dma_start3A_52 = tpu.memref_slice %arg2[%add3A_40, %dma_start3A_51] : memref<6250x128xi32, #tpu.memory_space<hbm>> -> memref<1x128xi32, #tpu.memory_space<hbm>>
    %dma_start3A_53 = tpu.memref_squeeze %dma_start3A_52 : memref<1x128xi32, #tpu.memory_space<hbm>> -> memref<128xi32, #tpu.memory_space<hbm>>
    tpu.enqueue_dma source(%dma_start3A_53 : memref<128xi32, #tpu.memory_space<hbm>>) target(%dma_start3A_50 : memref<128xi32, #tpu.memory_space<vmem>>) target_semaphore(%arg9 : memref<!tpu.dma_semaphore, #tpu.memory_space<semaphore_mem>>)
    %while3A = arith.constant 0 : i32
    %while3A_54 = arith.constant 0 : i32
    %while3A_55 = arith.subi %add3A_26, %while3A : i32
    %while3A_56 = arith.addi %while3A, %while3A_55 : i32
    %while3A_57 = arith.constant 1 : i32
    %while3A_58 = arith.divsi %while3A_55, %while3A_57 : i32
    %while3A_59 = arith.muli %while3A_58, %while3A_57 : i32
    %while3A_60 = arith.addi %while3A, %while3A_59 : i32
    %while3A_61 = arith.constant 1 : i32
    %while3A_62 = scf.for %while3A_85 = %while3A to %while3A_60 step %while3A_61 iter_args(%while3A_86 = %while3A_54) -> (i32)  : i32 {
      %ge3A = arith.constant 2 : i32
      %ge3A_87 = arith.cmpi sge, %while3A_85, %ge3A : i32
      %convert_element_type3A_88 = arith.extui %ge3A_87 : i1 to i32
      %cond3A_89 = arith.constant 0 : i32
      %cond3A_90 = arith.cmpi ne, %convert_element_type3A_88, %cond3A_89 : i32
      scf.if %cond3A_90 {
        %dma_wait3A_128 = arith.constant 0 : i32
        %dma_wait3A_129 = tpu.memref_slice %arg2[%add3A_22, %dma_wait3A_128] : memref<6250x128xi32, #tpu.memory_space<hbm>> -> memref<1x128xi32, #tpu.memory_space<hbm>>
        %dma_wait3A_130 = tpu.memref_squeeze %dma_wait3A_129 : memref<1x128xi32, #tpu.memory_space<hbm>> -> memref<128xi32, #tpu.memory_space<hbm>>
        %dma_wait3A_131 = arith.constant 0 : i32
        %dma_wait3A_132 = tpu.memref_slice %arg2[%add3A_22, %dma_wait3A_131] : memref<6250x128xi32, #tpu.memory_space<hbm>> -> memref<1x128xi32, #tpu.memory_space<hbm>>
        %dma_wait3A_133 = tpu.memref_squeeze %dma_wait3A_132 : memref<1x128xi32, #tpu.memory_space<hbm>> -> memref<128xi32, #tpu.memory_space<hbm>>
        tpu.wait_dma2 semaphore(%arg10 : memref<!tpu.dma_semaphore, #tpu.memory_space<semaphore_mem>>) src(%dma_wait3A_133 : memref<128xi32, #tpu.memory_space<hbm>>) dst(%arg5 : memref<128xf32, #tpu.memory_space<vmem>>)
      } else {
      }
      %add3A_91 = arith.constant 2 : i32
      %add3A_92 = arith.addi %while3A_85, %add3A_91 : i32
      %lt3A_93 = arith.cmpi slt, %add3A_92, %add3A_26 : i32
      %convert_element_type3A_94 = arith.extui %lt3A_93 : i1 to i32
      %cond3A_95 = arith.constant 0 : i32
      %cond3A_96 = arith.cmpi ne, %convert_element_type3A_94, %cond3A_95 : i32
      scf.if %cond3A_96 {
        %add3A_128 = arith.addi %add3A_22, %while3A_85 : i32
        %add3A_129 = arith.constant 2 : i32
        %add3A_130 = arith.addi %add3A_128, %add3A_129 : i32
        %add3A_131 = arith.constant 2 : i32
        %add3A_132 = arith.addi %while3A_85, %add3A_131 : i32
        %jit3A_133 = arith.constant 4 : i32
        %eq3A_134 = arith.constant 0 : i32
        %eq3A_135 = arith.cmpi eq, %jit3A_133, %eq3A_134 : i32
        %jit3A_136 = arith.constant 1 : i32
        %select_n3A_137 = arith.select %eq3A_135, %jit3A_136, %jit3A_133 : i32
        %rem3A_138 = arith.remsi %add3A_132, %select_n3A_137 : i32
        %ne3A_139 = arith.constant 0 : i32
        %ne3A_140 = arith.cmpi ne, %rem3A_138, %ne3A_139 : i32
        %lt3A_141 = arith.constant 0 : i32
        %lt3A_142 = arith.cmpi slt, %rem3A_138, %lt3A_141 : i32
        %lt3A_143 = arith.constant 0 : i32
        %lt3A_144 = arith.cmpi slt, %select_n3A_137, %lt3A_143 : i32
        %ne3A_145 = arith.xori %lt3A_142, %lt3A_144 : i1
        %and3A_146 = arith.andi %ne3A_145, %ne3A_140 : i1
        %add3A_147 = arith.addi %rem3A_138, %select_n3A_137 : i32
        %select_n3A_148 = arith.select %and3A_146, %add3A_147, %rem3A_138 : i32
        %dma_start3A_149 = arith.constant 0 : i32
        %dma_start3A_150 = tpu.memref_slice %arg4[%select_n3A_148, %dma_start3A_149] : memref<4x128xi32, #tpu.memory_space<vmem>> -> memref<1x128xi32, #tpu.memory_space<vmem>>
        %dma_start3A_151 = tpu.memref_squeeze %dma_start3A_150 : memref<1x128xi32, #tpu.memory_space<vmem>> -> memref<128xi32, #tpu.memory_space<vmem>>
        %dma_start3A_152 = arith.constant 0 : i32
        %dma_start3A_153 = tpu.memref_slice %arg2[%add3A_130, %dma_start3A_152] : memref<6250x128xi32, #tpu.memory_space<hbm>> -> memref<1x128xi32, #tpu.memory_space<hbm>>
        %dma_start3A_154 = tpu.memref_squeeze %dma_start3A_153 : memref<1x128xi32, #tpu.memory_space<hbm>> -> memref<128xi32, #tpu.memory_space<hbm>>
        %dma_start3A_155 = arith.constant 0 : i32
        %dma_start3A_156 = tpu.memref_slice %arg4[%select_n3A_148, %dma_start3A_155] : memref<4x128xi32, #tpu.memory_space<vmem>> -> memref<1x128xi32, #tpu.memory_space<vmem>>
        %dma_start3A_157 = tpu.memref_squeeze %dma_start3A_156 : memref<1x128xi32, #tpu.memory_space<vmem>> -> memref<128xi32, #tpu.memory_space<vmem>>
        %dma_start3A_158 = arith.constant 0 : i32
        %dma_start3A_159 = tpu.memref_slice %arg2[%add3A_130, %dma_start3A_158] : memref<6250x128xi32, #tpu.memory_space<hbm>> -> memref<1x128xi32, #tpu.memory_space<hbm>>
        %dma_start3A_160 = tpu.memref_squeeze %dma_start3A_159 : memref<1x128xi32, #tpu.memory_space<hbm>> -> memref<128xi32, #tpu.memory_space<hbm>>
        tpu.enqueue_dma source(%dma_start3A_160 : memref<128xi32, #tpu.memory_space<hbm>>) target(%dma_start3A_157 : memref<128xi32, #tpu.memory_space<vmem>>) target_semaphore(%arg9 : memref<!tpu.dma_semaphore, #tpu.memory_space<semaphore_mem>>)
      } else {
      }
      %dma_wait3A = arith.constant 0 : i32
      %dma_wait3A_97 = arith.constant 0 : i32
      %dma_wait3A_98 = tpu.memref_slice %arg4[%dma_wait3A, %dma_wait3A_97] : memref<4x128xi32, #tpu.memory_space<vmem>> -> memref<1x128xi32, #tpu.memory_space<vmem>>
      %dma_wait3A_99 = tpu.memref_squeeze %dma_wait3A_98 : memref<1x128xi32, #tpu.memory_space<vmem>> -> memref<128xi32, #tpu.memory_space<vmem>>
      %dma_wait3A_100 = arith.constant 0 : i32
      %dma_wait3A_101 = tpu.memref_slice %arg2[%add3A_22, %dma_wait3A_100] : memref<6250x128xi32, #tpu.memory_space<hbm>> -> memref<1x128xi32, #tpu.memory_space<hbm>>
      %dma_wait3A_102 = tpu.memref_squeeze %dma_wait3A_101 : memref<1x128xi32, #tpu.memory_space<hbm>> -> memref<128xi32, #tpu.memory_space<hbm>>
      %dma_wait3A_103 = arith.constant 0 : i32
      %dma_wait3A_104 = tpu.memref_slice %arg4[%dma_wait3A, %dma_wait3A_103] : memref<4x128xi32, #tpu.memory_space<vmem>> -> memref<1x128xi32, #tpu.memory_space<vmem>>
      %dma_wait3A_105 = tpu.memref_squeeze %dma_wait3A_104 : memref<1x128xi32, #tpu.memory_space<vmem>> -> memref<128xi32, #tpu.memory_space<vmem>>
      %dma_wait3A_106 = arith.constant 0 : i32
      %dma_wait3A_107 = tpu.memref_slice %arg2[%add3A_22, %dma_wait3A_106] : memref<6250x128xi32, #tpu.memory_space<hbm>> -> memref<1x128xi32, #tpu.memory_space<hbm>>
      %dma_wait3A_108 = tpu.memref_squeeze %dma_wait3A_107 : memref<1x128xi32, #tpu.memory_space<hbm>> -> memref<128xi32, #tpu.memory_space<hbm>>
      tpu.wait_dma2 semaphore(%arg9 : memref<!tpu.dma_semaphore, #tpu.memory_space<semaphore_mem>>) src(%dma_wait3A_108 : memref<128xi32, #tpu.memory_space<hbm>>) dst(%dma_wait3A_105 : memref<128xi32, #tpu.memory_space<vmem>>)
      %jit3A_109 = arith.constant 4 : i32
      %eq3A_110 = arith.constant 0 : i32
      %eq3A_111 = arith.cmpi eq, %jit3A_109, %eq3A_110 : i32
      %jit3A_112 = arith.constant 1 : i32
      %select_n3A_113 = arith.select %eq3A_111, %jit3A_112, %jit3A_109 : i32
      %rem3A = arith.remsi %while3A_85, %select_n3A_113 : i32
      %ne3A = arith.constant 0 : i32
      %ne3A_114 = arith.cmpi ne, %rem3A, %ne3A : i32
      %lt3A_115 = arith.constant 0 : i32
      %lt3A_116 = arith.cmpi slt, %rem3A, %lt3A_115 : i32
      %lt3A_117 = arith.constant 0 : i32
      %lt3A_118 = arith.cmpi slt, %select_n3A_113, %lt3A_117 : i32
      %ne3A_119 = arith.xori %lt3A_116, %lt3A_118 : i1
      %and3A = arith.andi %ne3A_119, %ne3A_114 : i1
      %add3A_120 = arith.addi %rem3A, %select_n3A_113 : i32
      %select_n3A_121 = arith.select %and3A, %add3A_120, %rem3A : i32
      %dma_start3A_122 = arith.constant 0 : i32
      %dma_start3A_123 = tpu.memref_slice %arg4[%select_n3A_121, %dma_start3A_122] : memref<4x128xi32, #tpu.memory_space<vmem>> -> memref<1x128xi32, #tpu.memory_space<vmem>>
      %dma_start3A_124 = tpu.memref_squeeze %dma_start3A_123 : memref<1x128xi32, #tpu.memory_space<vmem>> -> memref<128xi32, #tpu.memory_space<vmem>>
      %dma_start3A_125 = arith.constant 0 : i32
      %dma_start3A_126 = tpu.memref_slice %arg8[%dma_start3A_125] : memref<25088xf32, #tpu.memory_space<vmem_shared>> -> memref<25088xf32, #tpu.memory_space<vmem_shared>>
      tpu.enqueue_indirect_dma source(%arg5 : memref<128xf32, #tpu.memory_space<vmem>>) target(%dma_start3A_126 : memref<25088xf32, #tpu.memory_space<vmem_shared>>) offsets(%dma_start3A_124 : memref<128xi32, #tpu.memory_space<vmem>>) semaphore(%arg10 : memref<!tpu.dma_semaphore, #tpu.memory_space<semaphore_mem>>) {add = true}
      %while3A_127 = arith.constant 0 : i32
      scf.yield %while3A_127 : i32
    }
    %while3A_63 = arith.constant 1 : i32
    %while3A_64 = scf.for %while3A_85 = %while3A_60 to %while3A_56 step %while3A_63 iter_args(%while3A_86 = %while3A_62) -> (i32)  : i32 {
      %ge3A = arith.constant 2 : i32
      %ge3A_87 = arith.cmpi sge, %while3A_85, %ge3A : i32
      %convert_element_type3A_88 = arith.extui %ge3A_87 : i1 to i32
      %cond3A_89 = arith.constant 0 : i32
      %cond3A_90 = arith.cmpi ne, %convert_element_type3A_88, %cond3A_89 : i32
      scf.if %cond3A_90 {
        %dma_wait3A_128 = arith.constant 0 : i32
        %dma_wait3A_129 = tpu.memref_slice %arg2[%add3A_22, %dma_wait3A_128] : memref<6250x128xi32, #tpu.memory_space<hbm>> -> memref<1x128xi32, #tpu.memory_space<hbm>>
        %dma_wait3A_130 = tpu.memref_squeeze %dma_wait3A_129 : memref<1x128xi32, #tpu.memory_space<hbm>> -> memref<128xi32, #tpu.memory_space<hbm>>
        %dma_wait3A_131 = arith.constant 0 : i32
        %dma_wait3A_132 = tpu.memref_slice %arg2[%add3A_22, %dma_wait3A_131] : memref<6250x128xi32, #tpu.memory_space<hbm>> -> memref<1x128xi32, #tpu.memory_space<hbm>>
        %dma_wait3A_133 = tpu.memref_squeeze %dma_wait3A_132 : memref<1x128xi32, #tpu.memory_space<hbm>> -> memref<128xi32, #tpu.memory_space<hbm>>
        tpu.wait_dma2 semaphore(%arg10 : memref<!tpu.dma_semaphore, #tpu.memory_space<semaphore_mem>>) src(%dma_wait3A_133 : memref<128xi32, #tpu.memory_space<hbm>>) dst(%arg5 : memref<128xf32, #tpu.memory_space<vmem>>)
      } else {
      }
      %add3A_91 = arith.constant 2 : i32
      %add3A_92 = arith.addi %while3A_85, %add3A_91 : i32
      %lt3A_93 = arith.cmpi slt, %add3A_92, %add3A_26 : i32
      %convert_element_type3A_94 = arith.extui %lt3A_93 : i1 to i32
      %cond3A_95 = arith.constant 0 : i32
      %cond3A_96 = arith.cmpi ne, %convert_element_type3A_94, %cond3A_95 : i32
      scf.if %cond3A_96 {
        %add3A_128 = arith.addi %add3A_22, %while3A_85 : i32
        %add3A_129 = arith.constant 2 : i32
        %add3A_130 = arith.addi %add3A_128, %add3A_129 : i32
        %add3A_131 = arith.constant 2 : i32
        %add3A_132 = arith.addi %while3A_85, %add3A_131 : i32
        %jit3A_133 = arith.constant 4 : i32
        %eq3A_134 = arith.constant 0 : i32
        %eq3A_135 = arith.cmpi eq, %jit3A_133, %eq3A_134 : i32
        %jit3A_136 = arith.constant 1 : i32
        %select_n3A_137 = arith.select %eq3A_135, %jit3A_136, %jit3A_133 : i32
        %rem3A_138 = arith.remsi %add3A_132, %select_n3A_137 : i32
        %ne3A_139 = arith.constant 0 : i32
        %ne3A_140 = arith.cmpi ne, %rem3A_138, %ne3A_139 : i32
        %lt3A_141 = arith.constant 0 : i32
        %lt3A_142 = arith.cmpi slt, %rem3A_138, %lt3A_141 : i32
        %lt3A_143 = arith.constant 0 : i32
        %lt3A_144 = arith.cmpi slt, %select_n3A_137, %lt3A_143 : i32
        %ne3A_145 = arith.xori %lt3A_142, %lt3A_144 : i1
        %and3A_146 = arith.andi %ne3A_145, %ne3A_140 : i1
        %add3A_147 = arith.addi %rem3A_138, %select_n3A_137 : i32
        %select_n3A_148 = arith.select %and3A_146, %add3A_147, %rem3A_138 : i32
        %dma_start3A_149 = arith.constant 0 : i32
        %dma_start3A_150 = tpu.memref_slice %arg4[%select_n3A_148, %dma_start3A_149] : memref<4x128xi32, #tpu.memory_space<vmem>> -> memref<1x128xi32, #tpu.memory_space<vmem>>
        %dma_start3A_151 = tpu.memref_squeeze %dma_start3A_150 : memref<1x128xi32, #tpu.memory_space<vmem>> -> memref<128xi32, #tpu.memory_space<vmem>>
        %dma_start3A_152 = arith.constant 0 : i32
        %dma_start3A_153 = tpu.memref_slice %arg2[%add3A_130, %dma_start3A_152] : memref<6250x128xi32, #tpu.memory_space<hbm>> -> memref<1x128xi32, #tpu.memory_space<hbm>>
        %dma_start3A_154 = tpu.memref_squeeze %dma_start3A_153 : memref<1x128xi32, #tpu.memory_space<hbm>> -> memref<128xi32, #tpu.memory_space<hbm>>
        %dma_start3A_155 = arith.constant 0 : i32
        %dma_start3A_156 = tpu.memref_slice %arg4[%select_n3A_148, %dma_start3A_155] : memref<4x128xi32, #tpu.memory_space<vmem>> -> memref<1x128xi32, #tpu.memory_space<vmem>>
        %dma_start3A_157 = tpu.memref_squeeze %dma_start3A_156 : memref<1x128xi32, #tpu.memory_space<vmem>> -> memref<128xi32, #tpu.memory_space<vmem>>
        %dma_start3A_158 = arith.constant 0 : i32
        %dma_start3A_159 = tpu.memref_slice %arg2[%add3A_130, %dma_start3A_158] : memref<6250x128xi32, #tpu.memory_space<hbm>> -> memref<1x128xi32, #tpu.memory_space<hbm>>
        %dma_start3A_160 = tpu.memref_squeeze %dma_start3A_159 : memref<1x128xi32, #tpu.memory_space<hbm>> -> memref<128xi32, #tpu.memory_space<hbm>>
        tpu.enqueue_dma source(%dma_start3A_160 : memref<128xi32, #tpu.memory_space<hbm>>) target(%dma_start3A_157 : memref<128xi32, #tpu.memory_space<vmem>>) target_semaphore(%arg9 : memref<!tpu.dma_semaphore, #tpu.memory_space<semaphore_mem>>)
      } else {
      }
      %dma_wait3A = arith.constant 0 : i32
      %dma_wait3A_97 = arith.constant 0 : i32
      %dma_wait3A_98 = tpu.memref_slice %arg4[%dma_wait3A, %dma_wait3A_97] : memref<4x128xi32, #tpu.memory_space<vmem>> -> memref<1x128xi32, #tpu.memory_space<vmem>>
      %dma_wait3A_99 = tpu.memref_squeeze %dma_wait3A_98 : memref<1x128xi32, #tpu.memory_space<vmem>> -> memref<128xi32, #tpu.memory_space<vmem>>
      %dma_wait3A_100 = arith.constant 0 : i32
      %dma_wait3A_101 = tpu.memref_slice %arg2[%add3A_22, %dma_wait3A_100] : memref<6250x128xi32, #tpu.memory_space<hbm>> -> memref<1x128xi32, #tpu.memory_space<hbm>>
      %dma_wait3A_102 = tpu.memref_squeeze %dma_wait3A_101 : memref<1x128xi32, #tpu.memory_space<hbm>> -> memref<128xi32, #tpu.memory_space<hbm>>
      %dma_wait3A_103 = arith.constant 0 : i32
      %dma_wait3A_104 = tpu.memref_slice %arg4[%dma_wait3A, %dma_wait3A_103] : memref<4x128xi32, #tpu.memory_space<vmem>> -> memref<1x128xi32, #tpu.memory_space<vmem>>
      %dma_wait3A_105 = tpu.memref_squeeze %dma_wait3A_104 : memref<1x128xi32, #tpu.memory_space<vmem>> -> memref<128xi32, #tpu.memory_space<vmem>>
      %dma_wait3A_106 = arith.constant 0 : i32
      %dma_wait3A_107 = tpu.memref_slice %arg2[%add3A_22, %dma_wait3A_106] : memref<6250x128xi32, #tpu.memory_space<hbm>> -> memref<1x128xi32, #tpu.memory_space<hbm>>
      %dma_wait3A_108 = tpu.memref_squeeze %dma_wait3A_107 : memref<1x128xi32, #tpu.memory_space<hbm>> -> memref<128xi32, #tpu.memory_space<hbm>>
      tpu.wait_dma2 semaphore(%arg9 : memref<!tpu.dma_semaphore, #tpu.memory_space<semaphore_mem>>) src(%dma_wait3A_108 : memref<128xi32, #tpu.memory_space<hbm>>) dst(%dma_wait3A_105 : memref<128xi32, #tpu.memory_space<vmem>>)
      %jit3A_109 = arith.constant 4 : i32
      %eq3A_110 = arith.constant 0 : i32
      %eq3A_111 = arith.cmpi eq, %jit3A_109, %eq3A_110 : i32
      %jit3A_112 = arith.constant 1 : i32
      %select_n3A_113 = arith.select %eq3A_111, %jit3A_112, %jit3A_109 : i32
      %rem3A = arith.remsi %while3A_85, %select_n3A_113 : i32
      %ne3A = arith.constant 0 : i32
      %ne3A_114 = arith.cmpi ne, %rem3A, %ne3A : i32
      %lt3A_115 = arith.constant 0 : i32
      %lt3A_116 = arith.cmpi slt, %rem3A, %lt3A_115 : i32
      %lt3A_117 = arith.constant 0 : i32
      %lt3A_118 = arith.cmpi slt, %select_n3A_113, %lt3A_117 : i32
      %ne3A_119 = arith.xori %lt3A_116, %lt3A_118 : i1
      %and3A = arith.andi %ne3A_119, %ne3A_114 : i1
      %add3A_120 = arith.addi %rem3A, %select_n3A_113 : i32
      %select_n3A_121 = arith.select %and3A, %add3A_120, %rem3A : i32
      %dma_start3A_122 = arith.constant 0 : i32
      %dma_start3A_123 = tpu.memref_slice %arg4[%select_n3A_121, %dma_start3A_122] : memref<4x128xi32, #tpu.memory_space<vmem>> -> memref<1x128xi32, #tpu.memory_space<vmem>>
      %dma_start3A_124 = tpu.memref_squeeze %dma_start3A_123 : memref<1x128xi32, #tpu.memory_space<vmem>> -> memref<128xi32, #tpu.memory_space<vmem>>
      %dma_start3A_125 = arith.constant 0 : i32
      %dma_start3A_126 = tpu.memref_slice %arg8[%dma_start3A_125] : memref<25088xf32, #tpu.memory_space<vmem_shared>> -> memref<25088xf32, #tpu.memory_space<vmem_shared>>
      tpu.enqueue_indirect_dma source(%arg5 : memref<128xf32, #tpu.memory_space<vmem>>) target(%dma_start3A_126 : memref<25088xf32, #tpu.memory_space<vmem_shared>>) offsets(%dma_start3A_124 : memref<128xi32, #tpu.memory_space<vmem>>) semaphore(%arg10 : memref<!tpu.dma_semaphore, #tpu.memory_space<semaphore_mem>>) {add = true}
      %while3A_127 = arith.constant 0 : i32
      scf.yield %while3A_127 : i32
    }
    %scan3A_65 = arith.constant 0 : i32
    %scan3A_66 = arith.constant 0 : i32
    %scan3A_67 = arith.constant 2 : i32
    %scan3A_68 = arith.addi %scan3A_66, %scan3A_67 : i32
    %scan3A_69 = arith.constant 1 : i32
    %scan3A_70 = scf.for %scan3A_85 = %scan3A_66 to %scan3A_68 step %scan3A_69 iter_args(%scan3A_86 = %scan3A_65) -> (i32)  : i32 {
      %dma_wait3A = arith.constant 0 : i32
      %dma_wait3A_87 = tpu.memref_slice %arg2[%add3A_22, %dma_wait3A] : memref<6250x128xi32, #tpu.memory_space<hbm>> -> memref<1x128xi32, #tpu.memory_space<hbm>>
      %dma_wait3A_88 = tpu.memref_squeeze %dma_wait3A_87 : memref<1x128xi32, #tpu.memory_space<hbm>> -> memref<128xi32, #tpu.memory_space<hbm>>
      %dma_wait3A_89 = arith.constant 0 : i32
      %dma_wait3A_90 = tpu.memref_slice %arg2[%add3A_22, %dma_wait3A_89] : memref<6250x128xi32, #tpu.memory_space<hbm>> -> memref<1x128xi32, #tpu.memory_space<hbm>>
      %dma_wait3A_91 = tpu.memref_squeeze %dma_wait3A_90 : memref<1x128xi32, #tpu.memory_space<hbm>> -> memref<128xi32, #tpu.memory_space<hbm>>
      tpu.wait_dma2 semaphore(%arg10 : memref<!tpu.dma_semaphore, #tpu.memory_space<semaphore_mem>>) src(%dma_wait3A_91 : memref<128xi32, #tpu.memory_space<hbm>>) dst(%arg5 : memref<128xf32, #tpu.memory_space<vmem>>)
      %scan3A_92 = arith.constant 0 : i32
      scf.yield %scan3A_92 : i32
    }
    %scan3A_71 = arith.constant 2 : i32
    %barrier3A_72 = arith.constant 0 : index
    tpu.barrier barrier_id(%barrier3A_72)
    %mul3A_73 = arith.constant 25000 : i32
    %mul3A_74 = arith.muli %arg0, %mul3A_73 : i32
    %mul3A_75 = arith.constant 1568 : i32
    %mul3A_76 = arith.muli %arg1, %mul3A_75 : i32
    %add3A_77 = arith.addi %mul3A_74, %mul3A_76 : i32
    %lt3A_78 = arith.constant 15 : i32
    %lt3A_79 = arith.cmpi slt, %arg1, %lt3A_78 : i32
    %convert_element_type3A = arith.extui %lt3A_79 : i1 to i32
    %cond3A = arith.constant 0 : i32
    %cond3A_80 = arith.cmpi ne, %convert_element_type3A, %cond3A : i32
    scf.if %cond3A_80 {
      %scan3A_85 = arith.constant 0 : i32
      %scan3A_86 = arith.constant 0 : i32
      %scan3A_87 = arith.constant 12 : i32
      %scan3A_88 = arith.addi %scan3A_86, %scan3A_87 : i32
      %scan3A_89 = arith.constant 1 : i32
      %scan3A_90 = scf.for %scan3A_105 = %scan3A_86 to %scan3A_88 step %scan3A_89 iter_args(%scan3A_106 = %scan3A_85) -> (i32)  : i32 {
        %mul3A_107 = arith.constant 1568 : i32
        %mul3A_108 = arith.muli %arg1, %mul3A_107 : i32
        %mul3A_109 = arith.constant 128 : i32
        %mul3A_110 = arith.muli %scan3A_105, %mul3A_109 : i32
        %add3A_111 = arith.addi %mul3A_108, %mul3A_110 : i32
        "tpu.region"() ({
          %run_scoped3A = tpu.sem_alloc : memref<!tpu.dma_semaphore, #tpu.memory_space<semaphore_mem>>
          %dma_start3A_123 = arith.constant 0 : i32
          %dma_start3A_124 = tpu.memref_slice %arg6[%dma_start3A_123] : memref<128xf32, #tpu.memory_space<vmem>> -> memref<128xf32, #tpu.memory_space<vmem>>
          %dma_start3A_125 = tpu.memref_slice %arg8[%add3A_111] : memref<25088xf32, #tpu.memory_space<vmem_shared>> -> memref<128xf32, #tpu.memory_space<vmem_shared>>
          %dma_start3A_126 = arith.constant 0 : i32
          %dma_start3A_127 = tpu.memref_slice %arg6[%dma_start3A_126] : memref<128xf32, #tpu.memory_space<vmem>> -> memref<128xf32, #tpu.memory_space<vmem>>
          %dma_start3A_128 = tpu.memref_slice %arg8[%add3A_111] : memref<25088xf32, #tpu.memory_space<vmem_shared>> -> memref<128xf32, #tpu.memory_space<vmem_shared>>
          tpu.enqueue_dma source(%dma_start3A_128 : memref<128xf32, #tpu.memory_space<vmem_shared>>) target(%dma_start3A_127 : memref<128xf32, #tpu.memory_space<vmem>>) target_semaphore(%run_scoped3A : memref<!tpu.dma_semaphore, #tpu.memory_space<semaphore_mem>>)
          %dma_wait3A = arith.constant 0 : i32
          %dma_wait3A_129 = tpu.memref_slice %arg6[%dma_wait3A] : memref<128xf32, #tpu.memory_space<vmem>> -> memref<128xf32, #tpu.memory_space<vmem>>
          %dma_wait3A_130 = tpu.memref_slice %arg8[%add3A_111] : memref<25088xf32, #tpu.memory_space<vmem_shared>> -> memref<128xf32, #tpu.memory_space<vmem_shared>>
          %dma_wait3A_131 = arith.constant 0 : i32
          %dma_wait3A_132 = tpu.memref_slice %arg6[%dma_wait3A_131] : memref<128xf32, #tpu.memory_space<vmem>> -> memref<128xf32, #tpu.memory_space<vmem>>
          %dma_wait3A_133 = tpu.memref_slice %arg8[%add3A_111] : memref<25088xf32, #tpu.memory_space<vmem_shared>> -> memref<128xf32, #tpu.memory_space<vmem_shared>>
          tpu.wait_dma2 semaphore(%run_scoped3A : memref<!tpu.dma_semaphore, #tpu.memory_space<semaphore_mem>>) src(%dma_wait3A_133 : memref<128xf32, #tpu.memory_space<vmem_shared>>) dst(%dma_wait3A_132 : memref<128xf32, #tpu.memory_space<vmem>>)
          tpu.yield
        }) : () -> ()
        %scan3A_112 = arith.constant 0 : i32
        %scan3A_113 = arith.constant 0 : i32
        %scan3A_114 = arith.constant 128 : i32
        %scan3A_115 = arith.addi %scan3A_113, %scan3A_114 : i32
        %scan3A_116 = arith.constant 1 : i32
        %scan3A_117 = scf.for %scan3A_123 = %scan3A_113 to %scan3A_115 step %scan3A_116 iter_args(%scan3A_124 = %scan3A_112) -> (i32)  : i32 {
          %broadcast_in_dim3A = vector.broadcast %scan3A_123 : i32 to vector<16xi32>
          %gather3A = tpu.vector_load_idx %arg6[%broadcast_in_dim3A] : memref<128xf32, #tpu.memory_space<vmem>>[vector<16xi32>], vector<16xf32>,
          %swap3A = arith.index_cast %scan3A_123 : i32 to index
          %swap3A_125 = arith.constant 0 : index
          %swap3A_126 = tpu.vector_load %arg7[%swap3A, %swap3A_125] {strides = array<i32>} : memref<128x64xf32, #tpu.memory_space<vmem>>, vector<16xf32>,
          tpu.vector_store %arg7[%swap3A, %swap3A_125], %gather3A {strides = array<i32>} : memref<128x64xf32, #tpu.memory_space<vmem>>, vector<16xf32>,
          %swap3A_127 = arith.index_cast %scan3A_123 : i32 to index
          %swap3A_128 = arith.constant 16 : index
          %swap3A_129 = tpu.vector_load %arg7[%swap3A_127, %swap3A_128] {strides = array<i32>} : memref<128x64xf32, #tpu.memory_space<vmem>>, vector<16xf32>,
          tpu.vector_store %arg7[%swap3A_127, %swap3A_128], %gather3A {strides = array<i32>} : memref<128x64xf32, #tpu.memory_space<vmem>>, vector<16xf32>,
          %swap3A_130 = arith.index_cast %scan3A_123 : i32 to index
          %swap3A_131 = arith.constant 32 : index
          %swap3A_132 = tpu.vector_load %arg7[%swap3A_130, %swap3A_131] {strides = array<i32>} : memref<128x64xf32, #tpu.memory_space<vmem>>, vector<16xf32>,
          tpu.vector_store %arg7[%swap3A_130, %swap3A_131], %gather3A {strides = array<i32>} : memref<128x64xf32, #tpu.memory_space<vmem>>, vector<16xf32>,
          %swap3A_133 = arith.index_cast %scan3A_123 : i32 to index
          %swap3A_134 = arith.constant 48 : index
          %swap3A_135 = tpu.vector_load %arg7[%swap3A_133, %swap3A_134] {strides = array<i32>} : memref<128x64xf32, #tpu.memory_space<vmem>>, vector<16xf32>,
          tpu.vector_store %arg7[%swap3A_133, %swap3A_134], %gather3A {strides = array<i32>} : memref<128x64xf32, #tpu.memory_space<vmem>>, vector<16xf32>,
          %scan3A_136 = arith.constant 0 : i32
          scf.yield %scan3A_136 : i32
        }
        %scan3A_118 = arith.constant 128 : i32
        %mul3A_119 = arith.constant 128 : i32
        %mul3A_120 = arith.muli %scan3A_105, %mul3A_119 : i32
        %add3A_121 = arith.addi %add3A_77, %mul3A_120 : i32
        "tpu.region"() ({
          %run_scoped3A = tpu.sem_alloc : memref<!tpu.dma_semaphore, #tpu.memory_space<semaphore_mem>>
          %dma_start3A_123 = arith.constant 0 : i32
          %dma_start3A_124 = arith.constant 0 : i32
          %dma_start3A_125 = tpu.memref_slice %arg7[%dma_start3A_123, %dma_start3A_124] : memref<128x64xf32, #tpu.memory_space<vmem>> -> memref<128x64xf32, #tpu.memory_space<vmem>>
          %dma_start3A_126 = arith.constant 0 : i32
          %dma_start3A_127 = tpu.memref_slice %arg3[%add3A_121, %dma_start3A_126] : memref<50000x64xf32, #tpu.memory_space<hbm>> -> memref<128x64xf32, #tpu.memory_space<hbm>>
          %dma_start3A_128 = arith.constant 0 : i32
          %dma_start3A_129 = tpu.memref_slice %arg3[%add3A_121, %dma_start3A_128] : memref<50000x64xf32, #tpu.memory_space<hbm>> -> memref<128x64xf32, #tpu.memory_space<hbm>>
          %dma_start3A_130 = arith.constant 0 : i32
          %dma_start3A_131 = arith.constant 0 : i32
          %dma_start3A_132 = tpu.memref_slice %arg7[%dma_start3A_130, %dma_start3A_131] : memref<128x64xf32, #tpu.memory_space<vmem>> -> memref<128x64xf32, #tpu.memory_space<vmem>>
          tpu.enqueue_dma source(%dma_start3A_132 : memref<128x64xf32, #tpu.memory_space<vmem>>) target(%dma_start3A_129 : memref<128x64xf32, #tpu.memory_space<hbm>>) target_semaphore(%run_scoped3A : memref<!tpu.dma_semaphore, #tpu.memory_space<semaphore_mem>>)
          %dma_wait3A = arith.constant 0 : i32
          %dma_wait3A_133 = arith.constant 0 : i32
          %dma_wait3A_134 = tpu.memref_slice %arg7[%dma_wait3A, %dma_wait3A_133] : memref<128x64xf32, #tpu.memory_space<vmem>> -> memref<128x64xf32, #tpu.memory_space<vmem>>
          %dma_wait3A_135 = arith.constant 0 : i32
          %dma_wait3A_136 = tpu.memref_slice %arg3[%add3A_121, %dma_wait3A_135] : memref<50000x64xf32, #tpu.memory_space<hbm>> -> memref<128x64xf32, #tpu.memory_space<hbm>>
          %dma_wait3A_137 = arith.constant 0 : i32
          %dma_wait3A_138 = tpu.memref_slice %arg3[%add3A_121, %dma_wait3A_137] : memref<50000x64xf32, #tpu.memory_space<hbm>> -> memref<128x64xf32, #tpu.memory_space<hbm>>
          %dma_wait3A_139 = arith.constant 0 : i32
          %dma_wait3A_140 = arith.constant 0 : i32
          %dma_wait3A_141 = tpu.memref_slice %arg7[%dma_wait3A_139, %dma_wait3A_140] : memref<128x64xf32, #tpu.memory_space<vmem>> -> memref<128x64xf32, #tpu.memory_space<vmem>>
          tpu.wait_dma2 semaphore(%run_scoped3A : memref<!tpu.dma_semaphore, #tpu.memory_space<semaphore_mem>>) src(%dma_wait3A_141 : memref<128x64xf32, #tpu.memory_space<vmem>>) dst(%dma_wait3A_138 : memref<128x64xf32, #tpu.memory_space<hbm>>)
          tpu.yield
        }) : () -> ()
        %scan3A_122 = arith.constant 0 : i32
        scf.yield %scan3A_122 : i32
      }
      %scan3A_91 = arith.constant 12 : i32
      %mul3A_92 = arith.constant 1568 : i32
      %mul3A_93 = arith.muli %arg1, %mul3A_92 : i32
      %add3A_94 = arith.constant 1536 : i32
      %add3A_95 = arith.addi %mul3A_93, %add3A_94 : i32
      "tpu.region"() ({
        %run_scoped3A = tpu.sem_alloc : memref<!tpu.dma_semaphore, #tpu.memory_space<semaphore_mem>>
        %dma_start3A_105 = arith.constant 0 : i32
        %dma_start3A_106 = tpu.memref_slice %arg6[%dma_start3A_105] : memref<128xf32, #tpu.memory_space<vmem>> -> memref<32xf32, #tpu.memory_space<vmem>>
        %dma_start3A_107 = tpu.memref_slice %arg8[%add3A_95] : memref<25088xf32, #tpu.memory_space<vmem_shared>> -> memref<32xf32, #tpu.memory_space<vmem_shared>>
        %dma_start3A_108 = arith.constant 0 : i32
        %dma_start3A_109 = tpu.memref_slice %arg6[%dma_start3A_108] : memref<128xf32, #tpu.memory_space<vmem>> -> memref<32xf32, #tpu.memory_space<vmem>>
        %dma_start3A_110 = tpu.memref_slice %arg8[%add3A_95] : memref<25088xf32, #tpu.memory_space<vmem_shared>> -> memref<32xf32, #tpu.memory_space<vmem_shared>>
        tpu.enqueue_dma source(%dma_start3A_110 : memref<32xf32, #tpu.memory_space<vmem_shared>>) target(%dma_start3A_109 : memref<32xf32, #tpu.memory_space<vmem>>) target_semaphore(%run_scoped3A : memref<!tpu.dma_semaphore, #tpu.memory_space<semaphore_mem>>)
        %dma_wait3A = arith.constant 0 : i32
        %dma_wait3A_111 = tpu.memref_slice %arg6[%dma_wait3A] : memref<128xf32, #tpu.memory_space<vmem>> -> memref<32xf32, #tpu.memory_space<vmem>>
        %dma_wait3A_112 = tpu.memref_slice %arg8[%add3A_95] : memref<25088xf32, #tpu.memory_space<vmem_shared>> -> memref<32xf32, #tpu.memory_space<vmem_shared>>
        %dma_wait3A_113 = arith.constant 0 : i32
        %dma_wait3A_114 = tpu.memref_slice %arg6[%dma_wait3A_113] : memref<128xf32, #tpu.memory_space<vmem>> -> memref<32xf32, #tpu.memory_space<vmem>>
        %dma_wait3A_115 = tpu.memref_slice %arg8[%add3A_95] : memref<25088xf32, #tpu.memory_space<vmem_shared>> -> memref<32xf32, #tpu.memory_space<vmem_shared>>
        tpu.wait_dma2 semaphore(%run_scoped3A : memref<!tpu.dma_semaphore, #tpu.memory_space<semaphore_mem>>) src(%dma_wait3A_115 : memref<32xf32, #tpu.memory_space<vmem_shared>>) dst(%dma_wait3A_114 : memref<32xf32, #tpu.memory_space<vmem>>)
        tpu.yield
      }) : () -> ()
      %scan3A_96 = arith.constant 0 : i32
      %scan3A_97 = arith.constant 0 : i32
      %scan3A_98 = arith.constant 32 : i32
      %scan3A_99 = arith.addi %scan3A_97, %scan3A_98 : i32
      %scan3A_100 = arith.constant 1 : i32
      %scan3A_101 = scf.for %scan3A_105 = %scan3A_97 to %scan3A_99 step %scan3A_100 iter_args(%scan3A_106 = %scan3A_96) -> (i32)  : i32 {
        %broadcast_in_dim3A = vector.broadcast %scan3A_105 : i32 to vector<16xi32>
        %gather3A = tpu.vector_load_idx %arg6[%broadcast_in_dim3A] : memref<128xf32, #tpu.memory_space<vmem>>[vector<16xi32>], vector<16xf32>,
        %swap3A = arith.index_cast %scan3A_105 : i32 to index
        %swap3A_107 = arith.constant 0 : index
        %swap3A_108 = tpu.vector_load %arg7[%swap3A, %swap3A_107] {strides = array<i32>} : memref<128x64xf32, #tpu.memory_space<vmem>>, vector<16xf32>,
        tpu.vector_store %arg7[%swap3A, %swap3A_107], %gather3A {strides = array<i32>} : memref<128x64xf32, #tpu.memory_space<vmem>>, vector<16xf32>,
        %swap3A_109 = arith.index_cast %scan3A_105 : i32 to index
        %swap3A_110 = arith.constant 16 : index
        %swap3A_111 = tpu.vector_load %arg7[%swap3A_109, %swap3A_110] {strides = array<i32>} : memref<128x64xf32, #tpu.memory_space<vmem>>, vector<16xf32>,
        tpu.vector_store %arg7[%swap3A_109, %swap3A_110], %gather3A {strides = array<i32>} : memref<128x64xf32, #tpu.memory_space<vmem>>, vector<16xf32>,
        %swap3A_112 = arith.index_cast %scan3A_105 : i32 to index
        %swap3A_113 = arith.constant 32 : index
        %swap3A_114 = tpu.vector_load %arg7[%swap3A_112, %swap3A_113] {strides = array<i32>} : memref<128x64xf32, #tpu.memory_space<vmem>>, vector<16xf32>,
        tpu.vector_store %arg7[%swap3A_112, %swap3A_113], %gather3A {strides = array<i32>} : memref<128x64xf32, #tpu.memory_space<vmem>>, vector<16xf32>,
        %swap3A_115 = arith.index_cast %scan3A_105 : i32 to index
        %swap3A_116 = arith.constant 48 : index
        %swap3A_117 = tpu.vector_load %arg7[%swap3A_115, %swap3A_116] {strides = array<i32>} : memref<128x64xf32, #tpu.memory_space<vmem>>, vector<16xf32>,
        tpu.vector_store %arg7[%swap3A_115, %swap3A_116], %gather3A {strides = array<i32>} : memref<128x64xf32, #tpu.memory_space<vmem>>, vector<16xf32>,
        %scan3A_118 = arith.constant 0 : i32
        scf.yield %scan3A_118 : i32
      }
      %scan3A_102 = arith.constant 32 : i32
      %add3A_103 = arith.constant 1536 : i32
      %add3A_104 = arith.addi %add3A_77, %add3A_103 : i32
      "tpu.region"() ({
        %run_scoped3A = tpu.sem_alloc : memref<!tpu.dma_semaphore, #tpu.memory_space<semaphore_mem>>
        %dma_start3A_105 = arith.constant 0 : i32
        %dma_start3A_106 = arith.constant 0 : i32
        %dma_start3A_107 = tpu.memref_slice %arg7[%dma_start3A_105, %dma_start3A_106] : memref<128x64xf32, #tpu.memory_space<vmem>> -> memref<32x64xf32, #tpu.memory_space<vmem>>
        %dma_start3A_108 = arith.constant 0 : i32
        %dma_start3A_109 = tpu.memref_slice %arg3[%add3A_104, %dma_start3A_108] : memref<50000x64xf32, #tpu.memory_space<hbm>> -> memref<32x64xf32, #tpu.memory_space<hbm>>
        %dma_start3A_110 = arith.constant 0 : i32
        %dma_start3A_111 = tpu.memref_slice %arg3[%add3A_104, %dma_start3A_110] : memref<50000x64xf32, #tpu.memory_space<hbm>> -> memref<32x64xf32, #tpu.memory_space<hbm>>
        %dma_start3A_112 = arith.constant 0 : i32
        %dma_start3A_113 = arith.constant 0 : i32
        %dma_start3A_114 = tpu.memref_slice %arg7[%dma_start3A_112, %dma_start3A_113] : memref<128x64xf32, #tpu.memory_space<vmem>> -> memref<32x64xf32, #tpu.memory_space<vmem>>
        tpu.enqueue_dma source(%dma_start3A_114 : memref<32x64xf32, #tpu.memory_space<vmem>>) target(%dma_start3A_111 : memref<32x64xf32, #tpu.memory_space<hbm>>) target_semaphore(%run_scoped3A : memref<!tpu.dma_semaphore, #tpu.memory_space<semaphore_mem>>)
        %dma_wait3A = arith.constant 0 : i32
        %dma_wait3A_115 = arith.constant 0 : i32
        %dma_wait3A_116 = tpu.memref_slice %arg7[%dma_wait3A, %dma_wait3A_115] : memref<128x64xf32, #tpu.memory_space<vmem>> -> memref<32x64xf32, #tpu.memory_space<vmem>>
        %dma_wait3A_117 = arith.constant 0 : i32
        %dma_wait3A_118 = tpu.memref_slice %arg3[%add3A_104, %dma_wait3A_117] : memref<50000x64xf32, #tpu.memory_space<hbm>> -> memref<32x64xf32, #tpu.memory_space<hbm>>
        %dma_wait3A_119 = arith.constant 0 : i32
        %dma_wait3A_120 = tpu.memref_slice %arg3[%add3A_104, %dma_wait3A_119] : memref<50000x64xf32, #tpu.memory_space<hbm>> -> memref<32x64xf32, #tpu.memory_space<hbm>>
        %dma_wait3A_121 = arith.constant 0 : i32
        %dma_wait3A_122 = arith.constant 0 : i32
        %dma_wait3A_123 = tpu.memref_slice %arg7[%dma_wait3A_121, %dma_wait3A_122] : memref<128x64xf32, #tpu.memory_space<vmem>> -> memref<32x64xf32, #tpu.memory_space<vmem>>
        tpu.wait_dma2 semaphore(%run_scoped3A : memref<!tpu.dma_semaphore, #tpu.memory_space<semaphore_mem>>) src(%dma_wait3A_123 : memref<32x64xf32, #tpu.memory_space<vmem>>) dst(%dma_wait3A_120 : memref<32x64xf32, #tpu.memory_space<hbm>>)
        tpu.yield
      }) : () -> ()
    } else {
    }
    %eq3A = arith.constant 15 : i32
    %eq3A_81 = arith.cmpi eq, %arg1, %eq3A : i32
    %convert_element_type3A_82 = arith.extui %eq3A_81 : i1 to i32
    %cond3A_83 = arith.constant 0 : i32
    %cond3A_84 = arith.cmpi ne, %convert_element_type3A_82, %cond3A_83 : i32
    scf.if %cond3A_84 {
      %scan3A_85 = arith.constant 0 : i32
      %scan3A_86 = arith.constant 0 : i32
      %scan3A_87 = arith.constant 11 : i32
      %scan3A_88 = arith.addi %scan3A_86, %scan3A_87 : i32
      %scan3A_89 = arith.constant 1 : i32
      %scan3A_90 = scf.for %scan3A_105 = %scan3A_86 to %scan3A_88 step %scan3A_89 iter_args(%scan3A_106 = %scan3A_85) -> (i32)  : i32 {
        %mul3A_107 = arith.constant 1568 : i32
        %mul3A_108 = arith.muli %arg1, %mul3A_107 : i32
        %mul3A_109 = arith.constant 128 : i32
        %mul3A_110 = arith.muli %scan3A_105, %mul3A_109 : i32
        %add3A_111 = arith.addi %mul3A_108, %mul3A_110 : i32
        "tpu.region"() ({
          %run_scoped3A = tpu.sem_alloc : memref<!tpu.dma_semaphore, #tpu.memory_space<semaphore_mem>>
          %dma_start3A_123 = arith.constant 0 : i32
          %dma_start3A_124 = tpu.memref_slice %arg6[%dma_start3A_123] : memref<128xf32, #tpu.memory_space<vmem>> -> memref<128xf32, #tpu.memory_space<vmem>>
          %dma_start3A_125 = tpu.memref_slice %arg8[%add3A_111] : memref<25088xf32, #tpu.memory_space<vmem_shared>> -> memref<128xf32, #tpu.memory_space<vmem_shared>>
          %dma_start3A_126 = arith.constant 0 : i32
          %dma_start3A_127 = tpu.memref_slice %arg6[%dma_start3A_126] : memref<128xf32, #tpu.memory_space<vmem>> -> memref<128xf32, #tpu.memory_space<vmem>>
          %dma_start3A_128 = tpu.memref_slice %arg8[%add3A_111] : memref<25088xf32, #tpu.memory_space<vmem_shared>> -> memref<128xf32, #tpu.memory_space<vmem_shared>>
          tpu.enqueue_dma source(%dma_start3A_128 : memref<128xf32, #tpu.memory_space<vmem_shared>>) target(%dma_start3A_127 : memref<128xf32, #tpu.memory_space<vmem>>) target_semaphore(%run_scoped3A : memref<!tpu.dma_semaphore, #tpu.memory_space<semaphore_mem>>)
          %dma_wait3A = arith.constant 0 : i32
          %dma_wait3A_129 = tpu.memref_slice %arg6[%dma_wait3A] : memref<128xf32, #tpu.memory_space<vmem>> -> memref<128xf32, #tpu.memory_space<vmem>>
          %dma_wait3A_130 = tpu.memref_slice %arg8[%add3A_111] : memref<25088xf32, #tpu.memory_space<vmem_shared>> -> memref<128xf32, #tpu.memory_space<vmem_shared>>
          %dma_wait3A_131 = arith.constant 0 : i32
          %dma_wait3A_132 = tpu.memref_slice %arg6[%dma_wait3A_131] : memref<128xf32, #tpu.memory_space<vmem>> -> memref<128xf32, #tpu.memory_space<vmem>>
          %dma_wait3A_133 = tpu.memref_slice %arg8[%add3A_111] : memref<25088xf32, #tpu.memory_space<vmem_shared>> -> memref<128xf32, #tpu.memory_space<vmem_shared>>
          tpu.wait_dma2 semaphore(%run_scoped3A : memref<!tpu.dma_semaphore, #tpu.memory_space<semaphore_mem>>) src(%dma_wait3A_133 : memref<128xf32, #tpu.memory_space<vmem_shared>>) dst(%dma_wait3A_132 : memref<128xf32, #tpu.memory_space<vmem>>)
          tpu.yield
        }) : () -> ()
        %scan3A_112 = arith.constant 0 : i32
        %scan3A_113 = arith.constant 0 : i32
        %scan3A_114 = arith.constant 128 : i32
        %scan3A_115 = arith.addi %scan3A_113, %scan3A_114 : i32
        %scan3A_116 = arith.constant 1 : i32
        %scan3A_117 = scf.for %scan3A_123 = %scan3A_113 to %scan3A_115 step %scan3A_116 iter_args(%scan3A_124 = %scan3A_112) -> (i32)  : i32 {
          %broadcast_in_dim3A = vector.broadcast %scan3A_123 : i32 to vector<16xi32>
          %gather3A = tpu.vector_load_idx %arg6[%broadcast_in_dim3A] : memref<128xf32, #tpu.memory_space<vmem>>[vector<16xi32>], vector<16xf32>,
          %swap3A = arith.index_cast %scan3A_123 : i32 to index
          %swap3A_125 = arith.constant 0 : index
          %swap3A_126 = tpu.vector_load %arg7[%swap3A, %swap3A_125] {strides = array<i32>} : memref<128x64xf32, #tpu.memory_space<vmem>>, vector<16xf32>,
          tpu.vector_store %arg7[%swap3A, %swap3A_125], %gather3A {strides = array<i32>} : memref<128x64xf32, #tpu.memory_space<vmem>>, vector<16xf32>,
          %swap3A_127 = arith.index_cast %scan3A_123 : i32 to index
          %swap3A_128 = arith.constant 16 : index
          %swap3A_129 = tpu.vector_load %arg7[%swap3A_127, %swap3A_128] {strides = array<i32>} : memref<128x64xf32, #tpu.memory_space<vmem>>, vector<16xf32>,
          tpu.vector_store %arg7[%swap3A_127, %swap3A_128], %gather3A {strides = array<i32>} : memref<128x64xf32, #tpu.memory_space<vmem>>, vector<16xf32>,
          %swap3A_130 = arith.index_cast %scan3A_123 : i32 to index
          %swap3A_131 = arith.constant 32 : index
          %swap3A_132 = tpu.vector_load %arg7[%swap3A_130, %swap3A_131] {strides = array<i32>} : memref<128x64xf32, #tpu.memory_space<vmem>>, vector<16xf32>,
          tpu.vector_store %arg7[%swap3A_130, %swap3A_131], %gather3A {strides = array<i32>} : memref<128x64xf32, #tpu.memory_space<vmem>>, vector<16xf32>,
          %swap3A_133 = arith.index_cast %scan3A_123 : i32 to index
          %swap3A_134 = arith.constant 48 : index
          %swap3A_135 = tpu.vector_load %arg7[%swap3A_133, %swap3A_134] {strides = array<i32>} : memref<128x64xf32, #tpu.memory_space<vmem>>, vector<16xf32>,
          tpu.vector_store %arg7[%swap3A_133, %swap3A_134], %gather3A {strides = array<i32>} : memref<128x64xf32, #tpu.memory_space<vmem>>, vector<16xf32>,
          %scan3A_136 = arith.constant 0 : i32
          scf.yield %scan3A_136 : i32
        }
        %scan3A_118 = arith.constant 128 : i32
        %mul3A_119 = arith.constant 128 : i32
        %mul3A_120 = arith.muli %scan3A_105, %mul3A_119 : i32
        %add3A_121 = arith.addi %add3A_77, %mul3A_120 : i32
        "tpu.region"() ({
          %run_scoped3A = tpu.sem_alloc : memref<!tpu.dma_semaphore, #tpu.memory_space<semaphore_mem>>
          %dma_start3A_123 = arith.constant 0 : i32
          %dma_start3A_124 = arith.constant 0 : i32
          %dma_start3A_125 = tpu.memref_slice %arg7[%dma_start3A_123, %dma_start3A_124] : memref<128x64xf32, #tpu.memory_space<vmem>> -> memref<128x64xf32, #tpu.memory_space<vmem>>
          %dma_start3A_126 = arith.constant 0 : i32
          %dma_start3A_127 = tpu.memref_slice %arg3[%add3A_121, %dma_start3A_126] : memref<50000x64xf32, #tpu.memory_space<hbm>> -> memref<128x64xf32, #tpu.memory_space<hbm>>
          %dma_start3A_128 = arith.constant 0 : i32
          %dma_start3A_129 = tpu.memref_slice %arg3[%add3A_121, %dma_start3A_128] : memref<50000x64xf32, #tpu.memory_space<hbm>> -> memref<128x64xf32, #tpu.memory_space<hbm>>
          %dma_start3A_130 = arith.constant 0 : i32
          %dma_start3A_131 = arith.constant 0 : i32
          %dma_start3A_132 = tpu.memref_slice %arg7[%dma_start3A_130, %dma_start3A_131] : memref<128x64xf32, #tpu.memory_space<vmem>> -> memref<128x64xf32, #tpu.memory_space<vmem>>
          tpu.enqueue_dma source(%dma_start3A_132 : memref<128x64xf32, #tpu.memory_space<vmem>>) target(%dma_start3A_129 : memref<128x64xf32, #tpu.memory_space<hbm>>) target_semaphore(%run_scoped3A : memref<!tpu.dma_semaphore, #tpu.memory_space<semaphore_mem>>)
          %dma_wait3A = arith.constant 0 : i32
          %dma_wait3A_133 = arith.constant 0 : i32
          %dma_wait3A_134 = tpu.memref_slice %arg7[%dma_wait3A, %dma_wait3A_133] : memref<128x64xf32, #tpu.memory_space<vmem>> -> memref<128x64xf32, #tpu.memory_space<vmem>>
          %dma_wait3A_135 = arith.constant 0 : i32
          %dma_wait3A_136 = tpu.memref_slice %arg3[%add3A_121, %dma_wait3A_135] : memref<50000x64xf32, #tpu.memory_space<hbm>> -> memref<128x64xf32, #tpu.memory_space<hbm>>
          %dma_wait3A_137 = arith.constant 0 : i32
          %dma_wait3A_138 = tpu.memref_slice %arg3[%add3A_121, %dma_wait3A_137] : memref<50000x64xf32, #tpu.memory_space<hbm>> -> memref<128x64xf32, #tpu.memory_space<hbm>>
          %dma_wait3A_139 = arith.constant 0 : i32
          %dma_wait3A_140 = arith.constant 0 : i32
          %dma_wait3A_141 = tpu.memref_slice %arg7[%dma_wait3A_139, %dma_wait3A_140] : memref<128x64xf32, #tpu.memory_space<vmem>> -> memref<128x64xf32, #tpu.memory_space<vmem>>
          tpu.wait_dma2 semaphore(%run_scoped3A : memref<!tpu.dma_semaphore, #tpu.memory_space<semaphore_mem>>) src(%dma_wait3A_141 : memref<128x64xf32, #tpu.memory_space<vmem>>) dst(%dma_wait3A_138 : memref<128x64xf32, #tpu.memory_space<hbm>>)
          tpu.yield
        }) : () -> ()
        %scan3A_122 = arith.constant 0 : i32
        scf.yield %scan3A_122 : i32
      }
      %scan3A_91 = arith.constant 11 : i32
      %mul3A_92 = arith.constant 1568 : i32
      %mul3A_93 = arith.muli %arg1, %mul3A_92 : i32
      %add3A_94 = arith.constant 1408 : i32
      %add3A_95 = arith.addi %mul3A_93, %add3A_94 : i32
      "tpu.region"() ({
        %run_scoped3A = tpu.sem_alloc : memref<!tpu.dma_semaphore, #tpu.memory_space<semaphore_mem>>
        %dma_start3A_105 = arith.constant 0 : i32
        %dma_start3A_106 = tpu.memref_slice %arg6[%dma_start3A_105] : memref<128xf32, #tpu.memory_space<vmem>> -> memref<72xf32, #tpu.memory_space<vmem>>
        %dma_start3A_107 = tpu.memref_slice %arg8[%add3A_95] : memref<25088xf32, #tpu.memory_space<vmem_shared>> -> memref<72xf32, #tpu.memory_space<vmem_shared>>
        %dma_start3A_108 = arith.constant 0 : i32
        %dma_start3A_109 = tpu.memref_slice %arg6[%dma_start3A_108] : memref<128xf32, #tpu.memory_space<vmem>> -> memref<72xf32, #tpu.memory_space<vmem>>
        %dma_start3A_110 = tpu.memref_slice %arg8[%add3A_95] : memref<25088xf32, #tpu.memory_space<vmem_shared>> -> memref<72xf32, #tpu.memory_space<vmem_shared>>
        tpu.enqueue_dma source(%dma_start3A_110 : memref<72xf32, #tpu.memory_space<vmem_shared>>) target(%dma_start3A_109 : memref<72xf32, #tpu.memory_space<vmem>>) target_semaphore(%run_scoped3A : memref<!tpu.dma_semaphore, #tpu.memory_space<semaphore_mem>>)
        %dma_wait3A = arith.constant 0 : i32
        %dma_wait3A_111 = tpu.memref_slice %arg6[%dma_wait3A] : memref<128xf32, #tpu.memory_space<vmem>> -> memref<72xf32, #tpu.memory_space<vmem>>
        %dma_wait3A_112 = tpu.memref_slice %arg8[%add3A_95] : memref<25088xf32, #tpu.memory_space<vmem_shared>> -> memref<72xf32, #tpu.memory_space<vmem_shared>>
        %dma_wait3A_113 = arith.constant 0 : i32
        %dma_wait3A_114 = tpu.memref_slice %arg6[%dma_wait3A_113] : memref<128xf32, #tpu.memory_space<vmem>> -> memref<72xf32, #tpu.memory_space<vmem>>
        %dma_wait3A_115 = tpu.memref_slice %arg8[%add3A_95] : memref<25088xf32, #tpu.memory_space<vmem_shared>> -> memref<72xf32, #tpu.memory_space<vmem_shared>>
        tpu.wait_dma2 semaphore(%run_scoped3A : memref<!tpu.dma_semaphore, #tpu.memory_space<semaphore_mem>>) src(%dma_wait3A_115 : memref<72xf32, #tpu.memory_space<vmem_shared>>) dst(%dma_wait3A_114 : memref<72xf32, #tpu.memory_space<vmem>>)
        tpu.yield
      }) : () -> ()
      %scan3A_96 = arith.constant 0 : i32
      %scan3A_97 = arith.constant 0 : i32
      %scan3A_98 = arith.constant 72 : i32
      %scan3A_99 = arith.addi %scan3A_97, %scan3A_98 : i32
      %scan3A_100 = arith.constant 1 : i32
      %scan3A_101 = scf.for %scan3A_105 = %scan3A_97 to %scan3A_99 step %scan3A_100 iter_args(%scan3A_106 = %scan3A_96) -> (i32)  : i32 {
        %broadcast_in_dim3A = vector.broadcast %scan3A_105 : i32 to vector<16xi32>
        %gather3A = tpu.vector_load_idx %arg6[%broadcast_in_dim3A] : memref<128xf32, #tpu.memory_space<vmem>>[vector<16xi32>], vector<16xf32>,
        %swap3A = arith.index_cast %scan3A_105 : i32 to index
        %swap3A_107 = arith.constant 0 : index
        %swap3A_108 = tpu.vector_load %arg7[%swap3A, %swap3A_107] {strides = array<i32>} : memref<128x64xf32, #tpu.memory_space<vmem>>, vector<16xf32>,
        tpu.vector_store %arg7[%swap3A, %swap3A_107], %gather3A {strides = array<i32>} : memref<128x64xf32, #tpu.memory_space<vmem>>, vector<16xf32>,
        %swap3A_109 = arith.index_cast %scan3A_105 : i32 to index
        %swap3A_110 = arith.constant 16 : index
        %swap3A_111 = tpu.vector_load %arg7[%swap3A_109, %swap3A_110] {strides = array<i32>} : memref<128x64xf32, #tpu.memory_space<vmem>>, vector<16xf32>,
        tpu.vector_store %arg7[%swap3A_109, %swap3A_110], %gather3A {strides = array<i32>} : memref<128x64xf32, #tpu.memory_space<vmem>>, vector<16xf32>,
        %swap3A_112 = arith.index_cast %scan3A_105 : i32 to index
        %swap3A_113 = arith.constant 32 : index
        %swap3A_114 = tpu.vector_load %arg7[%swap3A_112, %swap3A_113] {strides = array<i32>} : memref<128x64xf32, #tpu.memory_space<vmem>>, vector<16xf32>,
        tpu.vector_store %arg7[%swap3A_112, %swap3A_113], %gather3A {strides = array<i32>} : memref<128x64xf32, #tpu.memory_space<vmem>>, vector<16xf32>,
        %swap3A_115 = arith.index_cast %scan3A_105 : i32 to index
        %swap3A_116 = arith.constant 48 : index
        %swap3A_117 = tpu.vector_load %arg7[%swap3A_115, %swap3A_116] {strides = array<i32>} : memref<128x64xf32, #tpu.memory_space<vmem>>, vector<16xf32>,
        tpu.vector_store %arg7[%swap3A_115, %swap3A_116], %gather3A {strides = array<i32>} : memref<128x64xf32, #tpu.memory_space<vmem>>, vector<16xf32>,
        %scan3A_118 = arith.constant 0 : i32
        scf.yield %scan3A_118 : i32
      }
      %scan3A_102 = arith.constant 72 : i32
      %add3A_103 = arith.constant 1408 : i32
      %add3A_104 = arith.addi %add3A_77, %add3A_103 : i32
      "tpu.region"() ({
        %run_scoped3A = tpu.sem_alloc : memref<!tpu.dma_semaphore, #tpu.memory_space<semaphore_mem>>
        %dma_start3A_105 = arith.constant 0 : i32
        %dma_start3A_106 = arith.constant 0 : i32
        %dma_start3A_107 = tpu.memref_slice %arg7[%dma_start3A_105, %dma_start3A_106] : memref<128x64xf32, #tpu.memory_space<vmem>> -> memref<72x64xf32, #tpu.memory_space<vmem>>
        %dma_start3A_108 = arith.constant 0 : i32
        %dma_start3A_109 = tpu.memref_slice %arg3[%add3A_104, %dma_start3A_108] : memref<50000x64xf32, #tpu.memory_space<hbm>> -> memref<72x64xf32, #tpu.memory_space<hbm>>
        %dma_start3A_110 = arith.constant 0 : i32
        %dma_start3A_111 = tpu.memref_slice %arg3[%add3A_104, %dma_start3A_110] : memref<50000x64xf32, #tpu.memory_space<hbm>> -> memref<72x64xf32, #tpu.memory_space<hbm>>
        %dma_start3A_112 = arith.constant 0 : i32
        %dma_start3A_113 = arith.constant 0 : i32
        %dma_start3A_114 = tpu.memref_slice %arg7[%dma_start3A_112, %dma_start3A_113] : memref<128x64xf32, #tpu.memory_space<vmem>> -> memref<72x64xf32, #tpu.memory_space<vmem>>
        tpu.enqueue_dma source(%dma_start3A_114 : memref<72x64xf32, #tpu.memory_space<vmem>>) target(%dma_start3A_111 : memref<72x64xf32, #tpu.memory_space<hbm>>) target_semaphore(%run_scoped3A : memref<!tpu.dma_semaphore, #tpu.memory_space<semaphore_mem>>)
        %dma_wait3A = arith.constant 0 : i32
        %dma_wait3A_115 = arith.constant 0 : i32
        %dma_wait3A_116 = tpu.memref_slice %arg7[%dma_wait3A, %dma_wait3A_115] : memref<128x64xf32, #tpu.memory_space<vmem>> -> memref<72x64xf32, #tpu.memory_space<vmem>>
        %dma_wait3A_117 = arith.constant 0 : i32
        %dma_wait3A_118 = tpu.memref_slice %arg3[%add3A_104, %dma_wait3A_117] : memref<50000x64xf32, #tpu.memory_space<hbm>> -> memref<72x64xf32, #tpu.memory_space<hbm>>
        %dma_wait3A_119 = arith.constant 0 : i32
        %dma_wait3A_120 = tpu.memref_slice %arg3[%add3A_104, %dma_wait3A_119] : memref<50000x64xf32, #tpu.memory_space<hbm>> -> memref<72x64xf32, #tpu.memory_space<hbm>>
        %dma_wait3A_121 = arith.constant 0 : i32
        %dma_wait3A_122 = arith.constant 0 : i32
        %dma_wait3A_123 = tpu.memref_slice %arg7[%dma_wait3A_121, %dma_wait3A_122] : memref<128x64xf32, #tpu.memory_space<vmem>> -> memref<72x64xf32, #tpu.memory_space<vmem>>
        tpu.wait_dma2 semaphore(%run_scoped3A : memref<!tpu.dma_semaphore, #tpu.memory_space<semaphore_mem>>) src(%dma_wait3A_123 : memref<72x64xf32, #tpu.memory_space<vmem>>) dst(%dma_wait3A_120 : memref<72x64xf32, #tpu.memory_space<hbm>>)
        tpu.yield
      }) : () -> ()
    } else {
    }
    return
  }
}

#map = affine_map<(d0, d1) -> (0, 0)>
#map1 = affine_map<(d0, d1) -> (0, 0, 0)>
#map2 = affine_map<(d0, d1) -> (0)>
module attributes {stable_mosaic.version = 14 : i64} {
  func.func @_score_body(%arg0: i32, %arg1: i32, %arg2: memref<50000x64xf32, #tpu.memory_space<hbm>>, %arg3: memref<32x3x128xi32, #tpu.memory_space<hbm>>, %arg4: memref<4096xf32, #tpu.memory_space<hbm>>, %arg5: memref<4096xf32, #tpu.memory_space<hbm>>, %arg6: memref<3x128xi32, #tpu.memory_space<vmem>>, %arg7: memref<128x64xf32, #tpu.memory_space<vmem>>, %arg8: memref<128x64xf32, #tpu.memory_space<vmem>>, %arg9: memref<128x64xf32, #tpu.memory_space<vmem>>, %arg10: memref<128xf32, #tpu.memory_space<vmem>>, %arg11: memref<128xf32, #tpu.memory_space<vmem>>, %arg12: memref<!tpu.dma_semaphore, #tpu.memory_space<semaphore_mem>>) attributes {dimension_semantics = [#tpu.dimension_semantics<core_parallel>, #tpu.dimension_semantics<subcore_parallel>], iteration_bounds = array<i64: 2, 16>, scalar_prefetch = 0 : i64, scratch_operands = 7 : i64, tpu.core_type = #tpu.core_type<sc_vector_subcore>, window_params = [{transform_indices = #map}, {transform_indices = #map1}, {transform_indices = #map2}, {transform_indices = #map2}]} {
    %mul3A = arith.constant 16 : i32
    %mul3A_0 = arith.muli %arg0, %mul3A : i32
    %add3A = arith.addi %mul3A_0, %arg1 : i32
    "tpu.region"() ({
      %run_scoped3A = tpu.sem_alloc : memref<!tpu.dma_semaphore, #tpu.memory_space<semaphore_mem>>
      %dma_start3A_51 = arith.constant 0 : i32
      %dma_start3A_52 = arith.constant 0 : i32
      %dma_start3A_53 = tpu.memref_slice %arg3[%add3A, %dma_start3A_51, %dma_start3A_52] : memref<32x3x128xi32, #tpu.memory_space<hbm>> -> memref<1x3x128xi32, #tpu.memory_space<hbm>>
      %dma_start3A_54 = tpu.memref_squeeze %dma_start3A_53 : memref<1x3x128xi32, #tpu.memory_space<hbm>> -> memref<3x128xi32, #tpu.memory_space<hbm>>
      %dma_start3A_55 = arith.constant 0 : i32
      %dma_start3A_56 = arith.constant 0 : i32
      %dma_start3A_57 = tpu.memref_slice %arg3[%add3A, %dma_start3A_55, %dma_start3A_56] : memref<32x3x128xi32, #tpu.memory_space<hbm>> -> memref<1x3x128xi32, #tpu.memory_space<hbm>>
      %dma_start3A_58 = tpu.memref_squeeze %dma_start3A_57 : memref<1x3x128xi32, #tpu.memory_space<hbm>> -> memref<3x128xi32, #tpu.memory_space<hbm>>
      tpu.enqueue_dma source(%dma_start3A_58 : memref<3x128xi32, #tpu.memory_space<hbm>>) target(%arg6 : memref<3x128xi32, #tpu.memory_space<vmem>>) target_semaphore(%run_scoped3A : memref<!tpu.dma_semaphore, #tpu.memory_space<semaphore_mem>>)
      %dma_wait3A_59 = arith.constant 0 : i32
      %dma_wait3A_60 = arith.constant 0 : i32
      %dma_wait3A_61 = tpu.memref_slice %arg3[%add3A, %dma_wait3A_59, %dma_wait3A_60] : memref<32x3x128xi32, #tpu.memory_space<hbm>> -> memref<1x3x128xi32, #tpu.memory_space<hbm>>
      %dma_wait3A_62 = tpu.memref_squeeze %dma_wait3A_61 : memref<1x3x128xi32, #tpu.memory_space<hbm>> -> memref<3x128xi32, #tpu.memory_space<hbm>>
      %dma_wait3A_63 = arith.constant 0 : i32
      %dma_wait3A_64 = arith.constant 0 : i32
      %dma_wait3A_65 = tpu.memref_slice %arg3[%add3A, %dma_wait3A_63, %dma_wait3A_64] : memref<32x3x128xi32, #tpu.memory_space<hbm>> -> memref<1x3x128xi32, #tpu.memory_space<hbm>>
      %dma_wait3A_66 = tpu.memref_squeeze %dma_wait3A_65 : memref<1x3x128xi32, #tpu.memory_space<hbm>> -> memref<3x128xi32, #tpu.memory_space<hbm>>
      tpu.wait_dma2 semaphore(%run_scoped3A : memref<!tpu.dma_semaphore, #tpu.memory_space<semaphore_mem>>) src(%dma_wait3A_66 : memref<3x128xi32, #tpu.memory_space<hbm>>) dst(%arg6 : memref<3x128xi32, #tpu.memory_space<vmem>>)
      tpu.yield
    }) : () -> ()
    %dma_start3A = arith.constant 0 : i32
    %dma_start3A_1 = arith.constant 0 : i32
    %dma_start3A_2 = tpu.memref_slice %arg6[%dma_start3A, %dma_start3A_1] : memref<3x128xi32, #tpu.memory_space<vmem>> -> memref<1x128xi32, #tpu.memory_space<vmem>>
    %dma_start3A_3 = tpu.memref_squeeze %dma_start3A_2 : memref<1x128xi32, #tpu.memory_space<vmem>> -> memref<128xi32, #tpu.memory_space<vmem>>
    %dma_start3A_4 = arith.constant 0 : i32
    %dma_start3A_5 = arith.constant 0 : i32
    %dma_start3A_6 = tpu.memref_slice %arg2[%dma_start3A_4, %dma_start3A_5] : memref<50000x64xf32, #tpu.memory_space<hbm>> -> memref<50000x64xf32, #tpu.memory_space<hbm>>
    tpu.enqueue_indirect_dma source(%dma_start3A_6 : memref<50000x64xf32, #tpu.memory_space<hbm>>) target(%arg7 : memref<128x64xf32, #tpu.memory_space<vmem>>) offsets(%dma_start3A_3 : memref<128xi32, #tpu.memory_space<vmem>>) semaphore(%arg12 : memref<!tpu.dma_semaphore, #tpu.memory_space<semaphore_mem>>)
    %dma_start3A_7 = arith.constant 1 : i32
    %dma_start3A_8 = arith.constant 0 : i32
    %dma_start3A_9 = tpu.memref_slice %arg6[%dma_start3A_7, %dma_start3A_8] : memref<3x128xi32, #tpu.memory_space<vmem>> -> memref<1x128xi32, #tpu.memory_space<vmem>>
    %dma_start3A_10 = tpu.memref_squeeze %dma_start3A_9 : memref<1x128xi32, #tpu.memory_space<vmem>> -> memref<128xi32, #tpu.memory_space<vmem>>
    %dma_start3A_11 = arith.constant 0 : i32
    %dma_start3A_12 = arith.constant 0 : i32
    %dma_start3A_13 = tpu.memref_slice %arg2[%dma_start3A_11, %dma_start3A_12] : memref<50000x64xf32, #tpu.memory_space<hbm>> -> memref<50000x64xf32, #tpu.memory_space<hbm>>
    tpu.enqueue_indirect_dma source(%dma_start3A_13 : memref<50000x64xf32, #tpu.memory_space<hbm>>) target(%arg8 : memref<128x64xf32, #tpu.memory_space<vmem>>) offsets(%dma_start3A_10 : memref<128xi32, #tpu.memory_space<vmem>>) semaphore(%arg12 : memref<!tpu.dma_semaphore, #tpu.memory_space<semaphore_mem>>)
    %dma_start3A_14 = arith.constant 2 : i32
    %dma_start3A_15 = arith.constant 0 : i32
    %dma_start3A_16 = tpu.memref_slice %arg6[%dma_start3A_14, %dma_start3A_15] : memref<3x128xi32, #tpu.memory_space<vmem>> -> memref<1x128xi32, #tpu.memory_space<vmem>>
    %dma_start3A_17 = tpu.memref_squeeze %dma_start3A_16 : memref<1x128xi32, #tpu.memory_space<vmem>> -> memref<128xi32, #tpu.memory_space<vmem>>
    %dma_start3A_18 = arith.constant 0 : i32
    %dma_start3A_19 = arith.constant 0 : i32
    %dma_start3A_20 = tpu.memref_slice %arg2[%dma_start3A_18, %dma_start3A_19] : memref<50000x64xf32, #tpu.memory_space<hbm>> -> memref<50000x64xf32, #tpu.memory_space<hbm>>
    tpu.enqueue_indirect_dma source(%dma_start3A_20 : memref<50000x64xf32, #tpu.memory_space<hbm>>) target(%arg9 : memref<128x64xf32, #tpu.memory_space<vmem>>) offsets(%dma_start3A_17 : memref<128xi32, #tpu.memory_space<vmem>>) semaphore(%arg12 : memref<!tpu.dma_semaphore, #tpu.memory_space<semaphore_mem>>)
    %dma_wait3A = arith.constant 0 : i32
    %dma_wait3A_21 = arith.constant 0 : i32
    %dma_wait3A_22 = tpu.memref_slice %arg6[%dma_wait3A, %dma_wait3A_21] : memref<3x128xi32, #tpu.memory_space<vmem>> -> memref<1x128xi32, #tpu.memory_space<vmem>>
    %dma_wait3A_23 = tpu.memref_squeeze %dma_wait3A_22 : memref<1x128xi32, #tpu.memory_space<vmem>> -> memref<128xi32, #tpu.memory_space<vmem>>
    %dma_wait3A_24 = arith.constant 0 : i32
    %dma_wait3A_25 = arith.constant 0 : i32
    %dma_wait3A_26 = tpu.memref_slice %arg2[%dma_wait3A_24, %dma_wait3A_25] : memref<50000x64xf32, #tpu.memory_space<hbm>> -> memref<50000x64xf32, #tpu.memory_space<hbm>>
    tpu.wait_indirect_dma semaphore(%arg12 : memref<!tpu.dma_semaphore, #tpu.memory_space<semaphore_mem>>) src(%dma_wait3A_26 : memref<50000x64xf32, #tpu.memory_space<hbm>>) dst(%arg7 : memref<128x64xf32, #tpu.memory_space<vmem>>)
    %dma_wait3A_27 = arith.constant 1 : i32
    %dma_wait3A_28 = arith.constant 0 : i32
    %dma_wait3A_29 = tpu.memref_slice %arg6[%dma_wait3A_27, %dma_wait3A_28] : memref<3x128xi32, #tpu.memory_space<vmem>> -> memref<1x128xi32, #tpu.memory_space<vmem>>
    %dma_wait3A_30 = tpu.memref_squeeze %dma_wait3A_29 : memref<1x128xi32, #tpu.memory_space<vmem>> -> memref<128xi32, #tpu.memory_space<vmem>>
    %dma_wait3A_31 = arith.constant 0 : i32
    %dma_wait3A_32 = arith.constant 0 : i32
    %dma_wait3A_33 = tpu.memref_slice %arg2[%dma_wait3A_31, %dma_wait3A_32] : memref<50000x64xf32, #tpu.memory_space<hbm>> -> memref<50000x64xf32, #tpu.memory_space<hbm>>
    tpu.wait_indirect_dma semaphore(%arg12 : memref<!tpu.dma_semaphore, #tpu.memory_space<semaphore_mem>>) src(%dma_wait3A_33 : memref<50000x64xf32, #tpu.memory_space<hbm>>) dst(%arg8 : memref<128x64xf32, #tpu.memory_space<vmem>>)
    %dma_wait3A_34 = arith.constant 2 : i32
    %dma_wait3A_35 = arith.constant 0 : i32
    %dma_wait3A_36 = tpu.memref_slice %arg6[%dma_wait3A_34, %dma_wait3A_35] : memref<3x128xi32, #tpu.memory_space<vmem>> -> memref<1x128xi32, #tpu.memory_space<vmem>>
    %dma_wait3A_37 = tpu.memref_squeeze %dma_wait3A_36 : memref<1x128xi32, #tpu.memory_space<vmem>> -> memref<128xi32, #tpu.memory_space<vmem>>
    %dma_wait3A_38 = arith.constant 0 : i32
    %dma_wait3A_39 = arith.constant 0 : i32
    %dma_wait3A_40 = tpu.memref_slice %arg2[%dma_wait3A_38, %dma_wait3A_39] : memref<50000x64xf32, #tpu.memory_space<hbm>> -> memref<50000x64xf32, #tpu.memory_space<hbm>>
    tpu.wait_indirect_dma semaphore(%arg12 : memref<!tpu.dma_semaphore, #tpu.memory_space<semaphore_mem>>) src(%dma_wait3A_40 : memref<50000x64xf32, #tpu.memory_space<hbm>>) dst(%arg9 : memref<128x64xf32, #tpu.memory_space<vmem>>)
    %iota3A = tpu.iota {dimensions = array<i32: 0>} : vector<16xi32>
    %scan3A = arith.constant 0 : i32
    %scan3A_41 = arith.constant 0 : i32
    %scan3A_42 = arith.constant 8 : i32
    %scan3A_43 = arith.addi %scan3A_41, %scan3A_42 : i32
    %scan3A_44 = arith.constant 1 : i32
    %scan3A_45 = scf.for %scan3A_51 = %scan3A_41 to %scan3A_43 step %scan3A_44 iter_args(%scan3A_52 = %scan3A) -> (i32)  : i32 {
      %mul3A_53 = arith.constant 16 : i32
      %mul3A_54 = arith.muli %scan3A_51, %mul3A_53 : i32
      %add3A_55 = vector.broadcast %mul3A_54 : i32 to vector<16xi32>
      %add3A_56 = arith.addi %add3A_55, %iota3A : vector<16xi32>
      %broadcast_in_dim3A = arith.constant 0.000000e+00 : f32
      %broadcast_in_dim3A_57 = vector.broadcast %broadcast_in_dim3A : f32 to vector<16xf32>
      %scan3A_58 = arith.constant 0 : i32
      %scan3A_59 = arith.constant 64 : i32
      %scan3A_60 = arith.addi %scan3A_58, %scan3A_59 : i32
      %scan3A_61 = arith.constant 1 : i32
      %scan3A_62:2 = scf.for %scan3A_72 = %scan3A_58 to %scan3A_60 step %scan3A_61 iter_args(%scan3A_73 = %broadcast_in_dim3A_57, %scan3A_74 = %broadcast_in_dim3A_57) -> (vector<16xf32>, vector<16xf32>)  : i32 {
        %broadcast_in_dim3A_75 = vector.broadcast %scan3A_72 : i32 to vector<16xi32>
        %gather3A = tpu.vector_load_idx %arg7[%add3A_56, %broadcast_in_dim3A_75] : memref<128x64xf32, #tpu.memory_space<vmem>>[vector<16xi32>, vector<16xi32>], vector<16xf32>,
        %gather3A_76 = tpu.vector_load_idx %arg8[%add3A_56, %broadcast_in_dim3A_75] : memref<128x64xf32, #tpu.memory_space<vmem>>[vector<16xi32>, vector<16xi32>], vector<16xf32>,
        %gather3A_77 = tpu.vector_load_idx %arg9[%add3A_56, %broadcast_in_dim3A_75] : memref<128x64xf32, #tpu.memory_space<vmem>>[vector<16xi32>, vector<16xi32>], vector<16xf32>,
        %mul3A_78 = arith.mulf %gather3A, %gather3A_76 : vector<16xf32>
        %add3A_79 = arith.addf %scan3A_73, %mul3A_78 : vector<16xf32>
        %mul3A_80 = arith.mulf %gather3A, %gather3A_77 : vector<16xf32>
        %add3A_81 = arith.addf %scan3A_74, %mul3A_80 : vector<16xf32>
        scf.yield %add3A_79, %add3A_81 : vector<16xf32>, vector<16xf32>
      }
      %scan3A_63 = arith.constant 64 : i32
      %mul3A_64 = arith.constant 16 : i32
      %mul3A_65 = arith.muli %scan3A_51, %mul3A_64 : i32
      %swap3A = arith.index_cast %mul3A_65 : i32 to index
      %swap3A_66 = tpu.vector_load %arg10[%swap3A] {strides = array<i32>} : memref<128xf32, #tpu.memory_space<vmem>>, vector<16xf32>,
      tpu.vector_store %arg10[%swap3A], %scan3A_62#0 {strides = array<i32>} : memref<128xf32, #tpu.memory_space<vmem>>, vector<16xf32>,
      %mul3A_67 = arith.constant 16 : i32
      %mul3A_68 = arith.muli %scan3A_51, %mul3A_67 : i32
      %swap3A_69 = arith.index_cast %mul3A_68 : i32 to index
      %swap3A_70 = tpu.vector_load %arg11[%swap3A_69] {strides = array<i32>} : memref<128xf32, #tpu.memory_space<vmem>>, vector<16xf32>,
      tpu.vector_store %arg11[%swap3A_69], %scan3A_62#1 {strides = array<i32>} : memref<128xf32, #tpu.memory_space<vmem>>, vector<16xf32>,
      %scan3A_71 = arith.constant 0 : i32
      scf.yield %scan3A_71 : i32
    }
    %scan3A_46 = arith.constant 8 : i32
    %mul3A_47 = arith.constant 128 : i32
    %mul3A_48 = arith.muli %add3A, %mul3A_47 : i32
    "tpu.region"() ({
      %run_scoped3A = tpu.sem_alloc : memref<!tpu.dma_semaphore, #tpu.memory_space<semaphore_mem>>
      %dma_start3A_51 = tpu.memref_slice %arg4[%mul3A_48] : memref<4096xf32, #tpu.memory_space<hbm>> -> memref<128xf32, #tpu.memory_space<hbm>>
      %dma_start3A_52 = tpu.memref_slice %arg4[%mul3A_48] : memref<4096xf32, #tpu.memory_space<hbm>> -> memref<128xf32, #tpu.memory_space<hbm>>
      tpu.enqueue_dma source(%arg10 : memref<128xf32, #tpu.memory_space<vmem>>) target(%dma_start3A_52 : memref<128xf32, #tpu.memory_space<hbm>>) target_semaphore(%run_scoped3A : memref<!tpu.dma_semaphore, #tpu.memory_space<semaphore_mem>>)
      %dma_wait3A_53 = tpu.memref_slice %arg4[%mul3A_48] : memref<4096xf32, #tpu.memory_space<hbm>> -> memref<128xf32, #tpu.memory_space<hbm>>
      %dma_wait3A_54 = tpu.memref_slice %arg4[%mul3A_48] : memref<4096xf32, #tpu.memory_space<hbm>> -> memref<128xf32, #tpu.memory_space<hbm>>
      tpu.wait_dma2 semaphore(%run_scoped3A : memref<!tpu.dma_semaphore, #tpu.memory_space<semaphore_mem>>) src(%arg10 : memref<128xf32, #tpu.memory_space<vmem>>) dst(%dma_wait3A_54 : memref<128xf32, #tpu.memory_space<hbm>>)
      tpu.yield
    }) : () -> ()
    %mul3A_49 = arith.constant 128 : i32
    %mul3A_50 = arith.muli %add3A, %mul3A_49 : i32
    "tpu.region"() ({
      %run_scoped3A = tpu.sem_alloc : memref<!tpu.dma_semaphore, #tpu.memory_space<semaphore_mem>>
      %dma_start3A_51 = tpu.memref_slice %arg5[%mul3A_50] : memref<4096xf32, #tpu.memory_space<hbm>> -> memref<128xf32, #tpu.memory_space<hbm>>
      %dma_start3A_52 = tpu.memref_slice %arg5[%mul3A_50] : memref<4096xf32, #tpu.memory_space<hbm>> -> memref<128xf32, #tpu.memory_space<hbm>>
      tpu.enqueue_dma source(%arg11 : memref<128xf32, #tpu.memory_space<vmem>>) target(%dma_start3A_52 : memref<128xf32, #tpu.memory_space<hbm>>) target_semaphore(%run_scoped3A : memref<!tpu.dma_semaphore, #tpu.memory_space<semaphore_mem>>)
      %dma_wait3A_53 = tpu.memref_slice %arg5[%mul3A_50] : memref<4096xf32, #tpu.memory_space<hbm>> -> memref<128xf32, #tpu.memory_space<hbm>>
      %dma_wait3A_54 = tpu.memref_slice %arg5[%mul3A_50] : memref<4096xf32, #tpu.memory_space<hbm>> -> memref<128xf32, #tpu.memory_space<hbm>>
      tpu.wait_dma2 semaphore(%run_scoped3A : memref<!tpu.dma_semaphore, #tpu.memory_space<semaphore_mem>>) src(%arg11 : memref<128xf32, #tpu.memory_space<vmem>>) dst(%dma_wait3A_54 : memref<128xf32, #tpu.memory_space<hbm>>)
      tpu.yield
    }) : () -> ()
    return
  }
}

#map = affine_map<(d0, d1) -> (0, 0)>
module attributes {stable_mosaic.version = 14 : i64} {
  func.func @_side_body(%arg0: i32, %arg1: i32, %arg2: memref<50000x64xf32, #tpu.memory_space<hbm>>, %arg3: memref<6250x128xi32, #tpu.memory_space<hbm>>, %arg4: memref<6250x128xi32, #tpu.memory_space<hbm>>, %arg5: memref<50000x64xf32, #tpu.memory_space<hbm>>, %arg6: memref<4x128xi32, #tpu.memory_space<vmem>>, %arg7: memref<4x128xi32, #tpu.memory_space<vmem>>, %arg8: memref<3x128x64xf32, #tpu.memory_space<vmem>>, %arg9: memref<25088x64xf32, #tpu.memory_space<vmem_shared>>, %arg10: memref<!tpu.dma_semaphore, #tpu.memory_space<semaphore_mem>>, %arg11: memref<!tpu.dma_semaphore, #tpu.memory_space<semaphore_mem>>, %arg12: memref<!tpu.dma_semaphore, #tpu.memory_space<semaphore_mem>>) attributes {dimension_semantics = [#tpu.dimension_semantics<core_parallel>, #tpu.dimension_semantics<subcore_parallel>], iteration_bounds = array<i64: 2, 16>, scalar_prefetch = 0 : i64, scratch_operands = 7 : i64, tpu.core_type = #tpu.core_type<sc_vector_subcore>, window_params = [{transform_indices = #map}, {transform_indices = #map}, {transform_indices = #map}, {transform_indices = #map}]} {
    %scan3A = arith.constant 0 : i32
    %scan3A_0 = arith.constant 0 : i32
    %scan3A_1 = arith.constant 128 : i32
    %scan3A_2 = arith.addi %scan3A_0, %scan3A_1 : i32
    %scan3A_3 = arith.constant 1 : i32
    %scan3A_4 = scf.for %scan3A_154 = %scan3A_0 to %scan3A_2 step %scan3A_3 iter_args(%scan3A_155 = %scan3A) -> (i32)  : i32 {
      %broadcast_in_dim3A = arith.constant 0.000000e+00 : f32
      %broadcast_in_dim3A_156 = vector.broadcast %broadcast_in_dim3A : f32 to vector<16xf32>
      %swap3A = arith.constant 0 : i32
      %swap3A_157 = arith.index_cast %swap3A : i32 to index
      %swap3A_158 = arith.index_cast %scan3A_154 : i32 to index
      %swap3A_159 = arith.constant 0 : index
      %swap3A_160 = tpu.vector_load %arg8[%swap3A_157, %swap3A_158, %swap3A_159] {strides = array<i32>} : memref<3x128x64xf32, #tpu.memory_space<vmem>>, vector<1x1x16xf32>,
      %swap3A_161 = vector.shape_cast %swap3A_160 : vector<1x1x16xf32> to vector<16xf32>
      %swap3A_162 = vector.shape_cast %broadcast_in_dim3A_156 : vector<16xf32> to vector<1x1x16xf32>
      tpu.vector_store %arg8[%swap3A_157, %swap3A_158, %swap3A_159], %swap3A_162 {strides = array<i32>} : memref<3x128x64xf32, #tpu.memory_space<vmem>>, vector<1x1x16xf32>,
      %broadcast_in_dim3A_163 = arith.constant 0.000000e+00 : f32
      %broadcast_in_dim3A_164 = vector.broadcast %broadcast_in_dim3A_163 : f32 to vector<16xf32>
      %swap3A_165 = arith.constant 0 : i32
      %swap3A_166 = arith.index_cast %swap3A_165 : i32 to index
      %swap3A_167 = arith.index_cast %scan3A_154 : i32 to index
      %swap3A_168 = arith.constant 16 : index
      %swap3A_169 = tpu.vector_load %arg8[%swap3A_166, %swap3A_167, %swap3A_168] {strides = array<i32>} : memref<3x128x64xf32, #tpu.memory_space<vmem>>, vector<1x1x16xf32>,
      %swap3A_170 = vector.shape_cast %swap3A_169 : vector<1x1x16xf32> to vector<16xf32>
      %swap3A_171 = vector.shape_cast %broadcast_in_dim3A_164 : vector<16xf32> to vector<1x1x16xf32>
      tpu.vector_store %arg8[%swap3A_166, %swap3A_167, %swap3A_168], %swap3A_171 {strides = array<i32>} : memref<3x128x64xf32, #tpu.memory_space<vmem>>, vector<1x1x16xf32>,
      %broadcast_in_dim3A_172 = arith.constant 0.000000e+00 : f32
      %broadcast_in_dim3A_173 = vector.broadcast %broadcast_in_dim3A_172 : f32 to vector<16xf32>
      %swap3A_174 = arith.constant 0 : i32
      %swap3A_175 = arith.index_cast %swap3A_174 : i32 to index
      %swap3A_176 = arith.index_cast %scan3A_154 : i32 to index
      %swap3A_177 = arith.constant 32 : index
      %swap3A_178 = tpu.vector_load %arg8[%swap3A_175, %swap3A_176, %swap3A_177] {strides = array<i32>} : memref<3x128x64xf32, #tpu.memory_space<vmem>>, vector<1x1x16xf32>,
      %swap3A_179 = vector.shape_cast %swap3A_178 : vector<1x1x16xf32> to vector<16xf32>
      %swap3A_180 = vector.shape_cast %broadcast_in_dim3A_173 : vector<16xf32> to vector<1x1x16xf32>
      tpu.vector_store %arg8[%swap3A_175, %swap3A_176, %swap3A_177], %swap3A_180 {strides = array<i32>} : memref<3x128x64xf32, #tpu.memory_space<vmem>>, vector<1x1x16xf32>,
      %broadcast_in_dim3A_181 = arith.constant 0.000000e+00 : f32
      %broadcast_in_dim3A_182 = vector.broadcast %broadcast_in_dim3A_181 : f32 to vector<16xf32>
      %swap3A_183 = arith.constant 0 : i32
      %swap3A_184 = arith.index_cast %swap3A_183 : i32 to index
      %swap3A_185 = arith.index_cast %scan3A_154 : i32 to index
      %swap3A_186 = arith.constant 48 : index
      %swap3A_187 = tpu.vector_load %arg8[%swap3A_184, %swap3A_185, %swap3A_186] {strides = array<i32>} : memref<3x128x64xf32, #tpu.memory_space<vmem>>, vector<1x1x16xf32>,
      %swap3A_188 = vector.shape_cast %swap3A_187 : vector<1x1x16xf32> to vector<16xf32>
      %swap3A_189 = vector.shape_cast %broadcast_in_dim3A_182 : vector<16xf32> to vector<1x1x16xf32>
      tpu.vector_store %arg8[%swap3A_184, %swap3A_185, %swap3A_186], %swap3A_189 {strides = array<i32>} : memref<3x128x64xf32, #tpu.memory_space<vmem>>, vector<1x1x16xf32>,
      %scan3A_190 = arith.constant 0 : i32
      scf.yield %scan3A_190 : i32
    }
    %scan3A_5 = arith.constant 128 : i32
    %scan3A_6 = arith.constant 0 : i32
    %scan3A_7 = arith.constant 0 : i32
    %scan3A_8 = arith.constant 12 : i32
    %scan3A_9 = arith.addi %scan3A_7, %scan3A_8 : i32
    %scan3A_10 = arith.constant 1 : i32
    %scan3A_11 = scf.for %scan3A_154 = %scan3A_7 to %scan3A_9 step %scan3A_10 iter_args(%scan3A_155 = %scan3A_6) -> (i32)  : i32 {
      %mul3A_156 = arith.constant 1568 : i32
      %mul3A_157 = arith.muli %arg1, %mul3A_156 : i32
      %mul3A_158 = arith.constant 128 : i32
      %mul3A_159 = arith.muli %scan3A_154, %mul3A_158 : i32
      %add3A_160 = arith.addi %mul3A_157, %mul3A_159 : i32
      %run_scoped3A_161 = arith.constant 0 : i32
      "tpu.region"() ({
        %run_scoped3A_163 = tpu.sem_alloc : memref<!tpu.dma_semaphore, #tpu.memory_space<semaphore_mem>>
        %dma_start3A_164 = arith.constant 0 : i32
        %dma_start3A_165 = arith.constant 0 : i32
        %dma_start3A_166 = tpu.memref_slice %arg8[%run_scoped3A_161, %dma_start3A_164, %dma_start3A_165] : memref<3x128x64xf32, #tpu.memory_space<vmem>> -> memref<1x128x64xf32, #tpu.memory_space<vmem>>
        %dma_start3A_167 = tpu.memref_squeeze %dma_start3A_166 : memref<1x128x64xf32, #tpu.memory_space<vmem>> -> memref<128x64xf32, #tpu.memory_space<vmem>>
        %dma_start3A_168 = arith.constant 0 : i32
        %dma_start3A_169 = tpu.memref_slice %arg9[%add3A_160, %dma_start3A_168] : memref<25088x64xf32, #tpu.memory_space<vmem_shared>> -> memref<128x64xf32, #tpu.memory_space<vmem_shared>>
        %dma_start3A_170 = arith.constant 0 : i32
        %dma_start3A_171 = tpu.memref_slice %arg9[%add3A_160, %dma_start3A_170] : memref<25088x64xf32, #tpu.memory_space<vmem_shared>> -> memref<128x64xf32, #tpu.memory_space<vmem_shared>>
        %dma_start3A_172 = arith.constant 0 : i32
        %dma_start3A_173 = arith.constant 0 : i32
        %dma_start3A_174 = tpu.memref_slice %arg8[%run_scoped3A_161, %dma_start3A_172, %dma_start3A_173] : memref<3x128x64xf32, #tpu.memory_space<vmem>> -> memref<1x128x64xf32, #tpu.memory_space<vmem>>
        %dma_start3A_175 = tpu.memref_squeeze %dma_start3A_174 : memref<1x128x64xf32, #tpu.memory_space<vmem>> -> memref<128x64xf32, #tpu.memory_space<vmem>>
        tpu.enqueue_dma source(%dma_start3A_175 : memref<128x64xf32, #tpu.memory_space<vmem>>) target(%dma_start3A_171 : memref<128x64xf32, #tpu.memory_space<vmem_shared>>) target_semaphore(%run_scoped3A_163 : memref<!tpu.dma_semaphore, #tpu.memory_space<semaphore_mem>>)
        %dma_wait3A_176 = arith.constant 0 : i32
        %dma_wait3A_177 = arith.constant 0 : i32
        %dma_wait3A_178 = tpu.memref_slice %arg8[%run_scoped3A_161, %dma_wait3A_176, %dma_wait3A_177] : memref<3x128x64xf32, #tpu.memory_space<vmem>> -> memref<1x128x64xf32, #tpu.memory_space<vmem>>
        %dma_wait3A_179 = tpu.memref_squeeze %dma_wait3A_178 : memref<1x128x64xf32, #tpu.memory_space<vmem>> -> memref<128x64xf32, #tpu.memory_space<vmem>>
        %dma_wait3A_180 = arith.constant 0 : i32
        %dma_wait3A_181 = tpu.memref_slice %arg9[%add3A_160, %dma_wait3A_180] : memref<25088x64xf32, #tpu.memory_space<vmem_shared>> -> memref<128x64xf32, #tpu.memory_space<vmem_shared>>
        %dma_wait3A_182 = arith.constant 0 : i32
        %dma_wait3A_183 = tpu.memref_slice %arg9[%add3A_160, %dma_wait3A_182] : memref<25088x64xf32, #tpu.memory_space<vmem_shared>> -> memref<128x64xf32, #tpu.memory_space<vmem_shared>>
        %dma_wait3A_184 = arith.constant 0 : i32
        %dma_wait3A_185 = arith.constant 0 : i32
        %dma_wait3A_186 = tpu.memref_slice %arg8[%run_scoped3A_161, %dma_wait3A_184, %dma_wait3A_185] : memref<3x128x64xf32, #tpu.memory_space<vmem>> -> memref<1x128x64xf32, #tpu.memory_space<vmem>>
        %dma_wait3A_187 = tpu.memref_squeeze %dma_wait3A_186 : memref<1x128x64xf32, #tpu.memory_space<vmem>> -> memref<128x64xf32, #tpu.memory_space<vmem>>
        tpu.wait_dma2 semaphore(%run_scoped3A_163 : memref<!tpu.dma_semaphore, #tpu.memory_space<semaphore_mem>>) src(%dma_wait3A_187 : memref<128x64xf32, #tpu.memory_space<vmem>>) dst(%dma_wait3A_183 : memref<128x64xf32, #tpu.memory_space<vmem_shared>>)
        tpu.yield
      }) : () -> ()
      %scan3A_162 = arith.constant 0 : i32
      scf.yield %scan3A_162 : i32
    }
    %scan3A_12 = arith.constant 12 : i32
    %mul3A = arith.constant 1568 : i32
    %mul3A_13 = arith.muli %arg1, %mul3A : i32
    %add3A = arith.constant 1536 : i32
    %add3A_14 = arith.addi %mul3A_13, %add3A : i32
    %run_scoped3A = arith.constant 0 : i32
    "tpu.region"() ({
      %run_scoped3A_154 = tpu.sem_alloc : memref<!tpu.dma_semaphore, #tpu.memory_space<semaphore_mem>>
      %dma_start3A_155 = arith.constant 0 : i32
      %dma_start3A_156 = arith.constant 0 : i32
      %dma_start3A_157 = tpu.memref_slice %arg8[%run_scoped3A, %dma_start3A_155, %dma_start3A_156] : memref<3x128x64xf32, #tpu.memory_space<vmem>> -> memref<1x32x64xf32, #tpu.memory_space<vmem>>
      %dma_start3A_158 = tpu.memref_squeeze %dma_start3A_157 : memref<1x32x64xf32, #tpu.memory_space<vmem>> -> memref<32x64xf32, #tpu.memory_space<vmem>>
      %dma_start3A_159 = arith.constant 0 : i32
      %dma_start3A_160 = tpu.memref_slice %arg9[%add3A_14, %dma_start3A_159] : memref<25088x64xf32, #tpu.memory_space<vmem_shared>> -> memref<32x64xf32, #tpu.memory_space<vmem_shared>>
      %dma_start3A_161 = arith.constant 0 : i32
      %dma_start3A_162 = tpu.memref_slice %arg9[%add3A_14, %dma_start3A_161] : memref<25088x64xf32, #tpu.memory_space<vmem_shared>> -> memref<32x64xf32, #tpu.memory_space<vmem_shared>>
      %dma_start3A_163 = arith.constant 0 : i32
      %dma_start3A_164 = arith.constant 0 : i32
      %dma_start3A_165 = tpu.memref_slice %arg8[%run_scoped3A, %dma_start3A_163, %dma_start3A_164] : memref<3x128x64xf32, #tpu.memory_space<vmem>> -> memref<1x32x64xf32, #tpu.memory_space<vmem>>
      %dma_start3A_166 = tpu.memref_squeeze %dma_start3A_165 : memref<1x32x64xf32, #tpu.memory_space<vmem>> -> memref<32x64xf32, #tpu.memory_space<vmem>>
      tpu.enqueue_dma source(%dma_start3A_166 : memref<32x64xf32, #tpu.memory_space<vmem>>) target(%dma_start3A_162 : memref<32x64xf32, #tpu.memory_space<vmem_shared>>) target_semaphore(%run_scoped3A_154 : memref<!tpu.dma_semaphore, #tpu.memory_space<semaphore_mem>>)
      %dma_wait3A_167 = arith.constant 0 : i32
      %dma_wait3A_168 = arith.constant 0 : i32
      %dma_wait3A_169 = tpu.memref_slice %arg8[%run_scoped3A, %dma_wait3A_167, %dma_wait3A_168] : memref<3x128x64xf32, #tpu.memory_space<vmem>> -> memref<1x32x64xf32, #tpu.memory_space<vmem>>
      %dma_wait3A_170 = tpu.memref_squeeze %dma_wait3A_169 : memref<1x32x64xf32, #tpu.memory_space<vmem>> -> memref<32x64xf32, #tpu.memory_space<vmem>>
      %dma_wait3A_171 = arith.constant 0 : i32
      %dma_wait3A_172 = tpu.memref_slice %arg9[%add3A_14, %dma_wait3A_171] : memref<25088x64xf32, #tpu.memory_space<vmem_shared>> -> memref<32x64xf32, #tpu.memory_space<vmem_shared>>
      %dma_wait3A_173 = arith.constant 0 : i32
      %dma_wait3A_174 = tpu.memref_slice %arg9[%add3A_14, %dma_wait3A_173] : memref<25088x64xf32, #tpu.memory_space<vmem_shared>> -> memref<32x64xf32, #tpu.memory_space<vmem_shared>>
      %dma_wait3A_175 = arith.constant 0 : i32
      %dma_wait3A_176 = arith.constant 0 : i32
      %dma_wait3A_177 = tpu.memref_slice %arg8[%run_scoped3A, %dma_wait3A_175, %dma_wait3A_176] : memref<3x128x64xf32, #tpu.memory_space<vmem>> -> memref<1x32x64xf32, #tpu.memory_space<vmem>>
      %dma_wait3A_178 = tpu.memref_squeeze %dma_wait3A_177 : memref<1x32x64xf32, #tpu.memory_space<vmem>> -> memref<32x64xf32, #tpu.memory_space<vmem>>
      tpu.wait_dma2 semaphore(%run_scoped3A_154 : memref<!tpu.dma_semaphore, #tpu.memory_space<semaphore_mem>>) src(%dma_wait3A_178 : memref<32x64xf32, #tpu.memory_space<vmem>>) dst(%dma_wait3A_174 : memref<32x64xf32, #tpu.memory_space<vmem_shared>>)
      tpu.yield
    }) : () -> ()
    %barrier3A = arith.constant 0 : index
    tpu.barrier barrier_id(%barrier3A)
    %sub3A = arith.constant 1 : i32
    %sub3A_15 = arith.subi %sub3A, %arg0 : i32
    %mul3A_16 = arith.constant 3125 : i32
    %mul3A_17 = arith.muli %sub3A_15, %mul3A_16 : i32
    %mul3A_18 = arith.constant 195 : i32
    %mul3A_19 = arith.muli %arg1, %mul3A_18 : i32
    %add3A_20 = arith.addi %mul3A_17, %mul3A_19 : i32
    %min3A = arith.constant 5 : i32
    %min3A_21 = arith.minsi %arg1, %min3A : i32
    %add3A_22 = arith.addi %add3A_20, %min3A_21 : i32
    %lt3A = arith.constant 5 : i32
    %lt3A_23 = arith.cmpi slt, %arg1, %lt3A : i32
    %jit3A = arith.constant 1 : i32
    %jit3A_24 = arith.constant 0 : i32
    %select_n3A = arith.select %lt3A_23, %jit3A, %jit3A_24 : i32
    %add3A_25 = arith.constant 195 : i32
    %add3A_26 = arith.addi %add3A_25, %select_n3A : i32
    %add3A_27 = arith.constant 0 : i32
    %add3A_28 = arith.addi %add3A_22, %add3A_27 : i32
    %dma_start3A = arith.constant 0 : i32
    %dma_start3A_29 = arith.constant 0 : i32
    %dma_start3A_30 = tpu.memref_slice %arg6[%dma_start3A, %dma_start3A_29] : memref<4x128xi32, #tpu.memory_space<vmem>> -> memref<1x128xi32, #tpu.memory_space<vmem>>
    %dma_start3A_31 = tpu.memref_squeeze %dma_start3A_30 : memref<1x128xi32, #tpu.memory_space<vmem>> -> memref<128xi32, #tpu.memory_space<vmem>>
    %dma_start3A_32 = arith.constant 0 : i32
    %dma_start3A_33 = tpu.memref_slice %arg3[%add3A_28, %dma_start3A_32] : memref<6250x128xi32, #tpu.memory_space<hbm>> -> memref<1x128xi32, #tpu.memory_space<hbm>>
    %dma_start3A_34 = tpu.memref_squeeze %dma_start3A_33 : memref<1x128xi32, #tpu.memory_space<hbm>> -> memref<128xi32, #tpu.memory_space<hbm>>
    %dma_start3A_35 = arith.constant 0 : i32
    %dma_start3A_36 = tpu.memref_slice %arg6[%dma_start3A, %dma_start3A_35] : memref<4x128xi32, #tpu.memory_space<vmem>> -> memref<1x128xi32, #tpu.memory_space<vmem>>
    %dma_start3A_37 = tpu.memref_squeeze %dma_start3A_36 : memref<1x128xi32, #tpu.memory_space<vmem>> -> memref<128xi32, #tpu.memory_space<vmem>>
    %dma_start3A_38 = arith.constant 0 : i32
    %dma_start3A_39 = tpu.memref_slice %arg3[%add3A_28, %dma_start3A_38] : memref<6250x128xi32, #tpu.memory_space<hbm>> -> memref<1x128xi32, #tpu.memory_space<hbm>>
    %dma_start3A_40 = tpu.memref_squeeze %dma_start3A_39 : memref<1x128xi32, #tpu.memory_space<hbm>> -> memref<128xi32, #tpu.memory_space<hbm>>
    tpu.enqueue_dma source(%dma_start3A_40 : memref<128xi32, #tpu.memory_space<hbm>>) target(%dma_start3A_37 : memref<128xi32, #tpu.memory_space<vmem>>) target_semaphore(%arg10 : memref<!tpu.dma_semaphore, #tpu.memory_space<semaphore_mem>>)
    %add3A_41 = arith.constant 0 : i32
    %add3A_42 = arith.addi %add3A_22, %add3A_41 : i32
    %dma_start3A_43 = arith.constant 0 : i32
    %dma_start3A_44 = arith.constant 0 : i32
    %dma_start3A_45 = tpu.memref_slice %arg7[%dma_start3A_43, %dma_start3A_44] : memref<4x128xi32, #tpu.memory_space<vmem>> -> memref<1x128xi32, #tpu.memory_space<vmem>>
    %dma_start3A_46 = tpu.memref_squeeze %dma_start3A_45 : memref<1x128xi32, #tpu.memory_space<vmem>> -> memref<128xi32, #tpu.memory_space<vmem>>
    %dma_start3A_47 = arith.constant 0 : i32
    %dma_start3A_48 = tpu.memref_slice %arg4[%add3A_42, %dma_start3A_47] : memref<6250x128xi32, #tpu.memory_space<hbm>> -> memref<1x128xi32, #tpu.memory_space<hbm>>
    %dma_start3A_49 = tpu.memref_squeeze %dma_start3A_48 : memref<1x128xi32, #tpu.memory_space<hbm>> -> memref<128xi32, #tpu.memory_space<hbm>>
    %dma_start3A_50 = arith.constant 0 : i32
    %dma_start3A_51 = tpu.memref_slice %arg7[%dma_start3A_43, %dma_start3A_50] : memref<4x128xi32, #tpu.memory_space<vmem>> -> memref<1x128xi32, #tpu.memory_space<vmem>>
    %dma_start3A_52 = tpu.memref_squeeze %dma_start3A_51 : memref<1x128xi32, #tpu.memory_space<vmem>> -> memref<128xi32, #tpu.memory_space<vmem>>
    %dma_start3A_53 = arith.constant 0 : i32
    %dma_start3A_54 = tpu.memref_slice %arg4[%add3A_42, %dma_start3A_53] : memref<6250x128xi32, #tpu.memory_space<hbm>> -> memref<1x128xi32, #tpu.memory_space<hbm>>
    %dma_start3A_55 = tpu.memref_squeeze %dma_start3A_54 : memref<1x128xi32, #tpu.memory_space<hbm>> -> memref<128xi32, #tpu.memory_space<hbm>>
    tpu.enqueue_dma source(%dma_start3A_55 : memref<128xi32, #tpu.memory_space<hbm>>) target(%dma_start3A_52 : memref<128xi32, #tpu.memory_space<vmem>>) target_semaphore(%arg10 : memref<!tpu.dma_semaphore, #tpu.memory_space<semaphore_mem>>)
    %add3A_56 = arith.constant 1 : i32
    %add3A_57 = arith.addi %add3A_22, %add3A_56 : i32
    %dma_start3A_58 = arith.constant 1 : i32
    %dma_start3A_59 = arith.constant 0 : i32
    %dma_start3A_60 = tpu.memref_slice %arg6[%dma_start3A_58, %dma_start3A_59] : memref<4x128xi32, #tpu.memory_space<vmem>> -> memref<1x128xi32, #tpu.memory_space<vmem>>
    %dma_start3A_61 = tpu.memref_squeeze %dma_start3A_60 : memref<1x128xi32, #tpu.memory_space<vmem>> -> memref<128xi32, #tpu.memory_space<vmem>>
    %dma_start3A_62 = arith.constant 0 : i32
    %dma_start3A_63 = tpu.memref_slice %arg3[%add3A_57, %dma_start3A_62] : memref<6250x128xi32, #tpu.memory_space<hbm>> -> memref<1x128xi32, #tpu.memory_space<hbm>>
    %dma_start3A_64 = tpu.memref_squeeze %dma_start3A_63 : memref<1x128xi32, #tpu.memory_space<hbm>> -> memref<128xi32, #tpu.memory_space<hbm>>
    %dma_start3A_65 = arith.constant 0 : i32
    %dma_start3A_66 = tpu.memref_slice %arg6[%dma_start3A_58, %dma_start3A_65] : memref<4x128xi32, #tpu.memory_space<vmem>> -> memref<1x128xi32, #tpu.memory_space<vmem>>
    %dma_start3A_67 = tpu.memref_squeeze %dma_start3A_66 : memref<1x128xi32, #tpu.memory_space<vmem>> -> memref<128xi32, #tpu.memory_space<vmem>>
    %dma_start3A_68 = arith.constant 0 : i32
    %dma_start3A_69 = tpu.memref_slice %arg3[%add3A_57, %dma_start3A_68] : memref<6250x128xi32, #tpu.memory_space<hbm>> -> memref<1x128xi32, #tpu.memory_space<hbm>>
    %dma_start3A_70 = tpu.memref_squeeze %dma_start3A_69 : memref<1x128xi32, #tpu.memory_space<hbm>> -> memref<128xi32, #tpu.memory_space<hbm>>
    tpu.enqueue_dma source(%dma_start3A_70 : memref<128xi32, #tpu.memory_space<hbm>>) target(%dma_start3A_67 : memref<128xi32, #tpu.memory_space<vmem>>) target_semaphore(%arg10 : memref<!tpu.dma_semaphore, #tpu.memory_space<semaphore_mem>>)
    %add3A_71 = arith.constant 1 : i32
    %add3A_72 = arith.addi %add3A_22, %add3A_71 : i32
    %dma_start3A_73 = arith.constant 1 : i32
    %dma_start3A_74 = arith.constant 0 : i32
    %dma_start3A_75 = tpu.memref_slice %arg7[%dma_start3A_73, %dma_start3A_74] : memref<4x128xi32, #tpu.memory_space<vmem>> -> memref<1x128xi32, #tpu.memory_space<vmem>>
    %dma_start3A_76 = tpu.memref_squeeze %dma_start3A_75 : memref<1x128xi32, #tpu.memory_space<vmem>> -> memref<128xi32, #tpu.memory_space<vmem>>
    %dma_start3A_77 = arith.constant 0 : i32
    %dma_start3A_78 = tpu.memref_slice %arg4[%add3A_72, %dma_start3A_77] : memref<6250x128xi32, #tpu.memory_space<hbm>> -> memref<1x128xi32, #tpu.memory_space<hbm>>
    %dma_start3A_79 = tpu.memref_squeeze %dma_start3A_78 : memref<1x128xi32, #tpu.memory_space<hbm>> -> memref<128xi32, #tpu.memory_space<hbm>>
    %dma_start3A_80 = arith.constant 0 : i32
    %dma_start3A_81 = tpu.memref_slice %arg7[%dma_start3A_73, %dma_start3A_80] : memref<4x128xi32, #tpu.memory_space<vmem>> -> memref<1x128xi32, #tpu.memory_space<vmem>>
    %dma_start3A_82 = tpu.memref_squeeze %dma_start3A_81 : memref<1x128xi32, #tpu.memory_space<vmem>> -> memref<128xi32, #tpu.memory_space<vmem>>
    %dma_start3A_83 = arith.constant 0 : i32
    %dma_start3A_84 = tpu.memref_slice %arg4[%add3A_72, %dma_start3A_83] : memref<6250x128xi32, #tpu.memory_space<hbm>> -> memref<1x128xi32, #tpu.memory_space<hbm>>
    %dma_start3A_85 = tpu.memref_squeeze %dma_start3A_84 : memref<1x128xi32, #tpu.memory_space<hbm>> -> memref<128xi32, #tpu.memory_space<hbm>>
    tpu.enqueue_dma source(%dma_start3A_85 : memref<128xi32, #tpu.memory_space<hbm>>) target(%dma_start3A_82 : memref<128xi32, #tpu.memory_space<vmem>>) target_semaphore(%arg10 : memref<!tpu.dma_semaphore, #tpu.memory_space<semaphore_mem>>)
    %dma_wait3A = arith.constant 0 : i32
    %dma_wait3A_86 = arith.constant 0 : i32
    %dma_wait3A_87 = tpu.memref_slice %arg6[%dma_wait3A, %dma_wait3A_86] : memref<4x128xi32, #tpu.memory_space<vmem>> -> memref<1x128xi32, #tpu.memory_space<vmem>>
    %dma_wait3A_88 = tpu.memref_squeeze %dma_wait3A_87 : memref<1x128xi32, #tpu.memory_space<vmem>> -> memref<128xi32, #tpu.memory_space<vmem>>
    %dma_wait3A_89 = arith.constant 0 : i32
    %dma_wait3A_90 = tpu.memref_slice %arg3[%add3A_22, %dma_wait3A_89] : memref<6250x128xi32, #tpu.memory_space<hbm>> -> memref<1x128xi32, #tpu.memory_space<hbm>>
    %dma_wait3A_91 = tpu.memref_squeeze %dma_wait3A_90 : memref<1x128xi32, #tpu.memory_space<hbm>> -> memref<128xi32, #tpu.memory_space<hbm>>
    %dma_wait3A_92 = arith.constant 0 : i32
    %dma_wait3A_93 = tpu.memref_slice %arg6[%dma_wait3A, %dma_wait3A_92] : memref<4x128xi32, #tpu.memory_space<vmem>> -> memref<1x128xi32, #tpu.memory_space<vmem>>
    %dma_wait3A_94 = tpu.memref_squeeze %dma_wait3A_93 : memref<1x128xi32, #tpu.memory_space<vmem>> -> memref<128xi32, #tpu.memory_space<vmem>>
    %dma_wait3A_95 = arith.constant 0 : i32
    %dma_wait3A_96 = tpu.memref_slice %arg3[%add3A_22, %dma_wait3A_95] : memref<6250x128xi32, #tpu.memory_space<hbm>> -> memref<1x128xi32, #tpu.memory_space<hbm>>
    %dma_wait3A_97 = tpu.memref_squeeze %dma_wait3A_96 : memref<1x128xi32, #tpu.memory_space<hbm>> -> memref<128xi32, #tpu.memory_space<hbm>>
    tpu.wait_dma2 semaphore(%arg10 : memref<!tpu.dma_semaphore, #tpu.memory_space<semaphore_mem>>) src(%dma_wait3A_97 : memref<128xi32, #tpu.memory_space<hbm>>) dst(%dma_wait3A_94 : memref<128xi32, #tpu.memory_space<vmem>>)
    %dma_wait3A_98 = arith.constant 0 : i32
    %dma_wait3A_99 = arith.constant 0 : i32
    %dma_wait3A_100 = tpu.memref_slice %arg7[%dma_wait3A_98, %dma_wait3A_99] : memref<4x128xi32, #tpu.memory_space<vmem>> -> memref<1x128xi32, #tpu.memory_space<vmem>>
    %dma_wait3A_101 = tpu.memref_squeeze %dma_wait3A_100 : memref<1x128xi32, #tpu.memory_space<vmem>> -> memref<128xi32, #tpu.memory_space<vmem>>
    %dma_wait3A_102 = arith.constant 0 : i32
    %dma_wait3A_103 = tpu.memref_slice %arg4[%add3A_22, %dma_wait3A_102] : memref<6250x128xi32, #tpu.memory_space<hbm>> -> memref<1x128xi32, #tpu.memory_space<hbm>>
    %dma_wait3A_104 = tpu.memref_squeeze %dma_wait3A_103 : memref<1x128xi32, #tpu.memory_space<hbm>> -> memref<128xi32, #tpu.memory_space<hbm>>
    %dma_wait3A_105 = arith.constant 0 : i32
    %dma_wait3A_106 = tpu.memref_slice %arg7[%dma_wait3A_98, %dma_wait3A_105] : memref<4x128xi32, #tpu.memory_space<vmem>> -> memref<1x128xi32, #tpu.memory_space<vmem>>
    %dma_wait3A_107 = tpu.memref_squeeze %dma_wait3A_106 : memref<1x128xi32, #tpu.memory_space<vmem>> -> memref<128xi32, #tpu.memory_space<vmem>>
    %dma_wait3A_108 = arith.constant 0 : i32
    %dma_wait3A_109 = tpu.memref_slice %arg4[%add3A_22, %dma_wait3A_108] : memref<6250x128xi32, #tpu.memory_space<hbm>> -> memref<1x128xi32, #tpu.memory_space<hbm>>
    %dma_wait3A_110 = tpu.memref_squeeze %dma_wait3A_109 : memref<1x128xi32, #tpu.memory_space<hbm>> -> memref<128xi32, #tpu.memory_space<hbm>>
    tpu.wait_dma2 semaphore(%arg10 : memref<!tpu.dma_semaphore, #tpu.memory_space<semaphore_mem>>) src(%dma_wait3A_110 : memref<128xi32, #tpu.memory_space<hbm>>) dst(%dma_wait3A_107 : memref<128xi32, #tpu.memory_space<vmem>>)
    %dma_start3A_111 = arith.constant 0 : i32
    %dma_start3A_112 = arith.constant 0 : i32
    %dma_start3A_113 = arith.constant 0 : i32
    %dma_start3A_114 = arith.constant 0 : i32
    %dma_start3A_115 = tpu.memref_slice %arg8[%dma_start3A_112, %dma_start3A_113, %dma_start3A_114] : memref<3x128x64xf32, #tpu.memory_space<vmem>> -> memref<1x128x64xf32, #tpu.memory_space<vmem>>
    %dma_start3A_116 = tpu.memref_squeeze %dma_start3A_115 : memref<1x128x64xf32, #tpu.memory_space<vmem>> -> memref<128x64xf32, #tpu.memory_space<vmem>>
    %dma_start3A_117 = arith.constant 0 : i32
    %dma_start3A_118 = tpu.memref_slice %arg6[%dma_start3A_111, %dma_start3A_117] : memref<4x128xi32, #tpu.memory_space<vmem>> -> memref<1x128xi32, #tpu.memory_space<vmem>>
    %dma_start3A_119 = tpu.memref_squeeze %dma_start3A_118 : memref<1x128xi32, #tpu.memory_space<vmem>> -> memref<128xi32, #tpu.memory_space<vmem>>
    %dma_start3A_120 = arith.constant 0 : i32
    %dma_start3A_121 = arith.constant 0 : i32
    %dma_start3A_122 = tpu.memref_slice %arg2[%dma_start3A_120, %dma_start3A_121] : memref<50000x64xf32, #tpu.memory_space<hbm>> -> memref<50000x64xf32, #tpu.memory_space<hbm>>
    tpu.enqueue_indirect_dma source(%dma_start3A_122 : memref<50000x64xf32, #tpu.memory_space<hbm>>) target(%dma_start3A_116 : memref<128x64xf32, #tpu.memory_space<vmem>>) offsets(%dma_start3A_119 : memref<128xi32, #tpu.memory_space<vmem>>) semaphore(%arg11 : memref<!tpu.dma_semaphore, #tpu.memory_space<semaphore_mem>>)
    %while3A = arith.constant 0 : i32
    %while3A_123 = arith.constant 0 : i32
    %while3A_124 = arith.subi %add3A_26, %while3A : i32
    %while3A_125 = arith.addi %while3A, %while3A_124 : i32
    %while3A_126 = arith.constant 1 : i32
    %while3A_127 = arith.divsi %while3A_124, %while3A_126 : i32
    %while3A_128 = arith.muli %while3A_127, %while3A_126 : i32
    %while3A_129 = arith.addi %while3A, %while3A_128 : i32
    %while3A_130 = arith.constant 1 : i32
    %while3A_131 = scf.for %while3A_154 = %while3A to %while3A_129 step %while3A_130 iter_args(%while3A_155 = %while3A_123) -> (i32)  : i32 {
      %ge3A = arith.constant 2 : i32
      %ge3A_156 = arith.cmpi sge, %while3A_154, %ge3A : i32
      %convert_element_type3A_157 = arith.extui %ge3A_156 : i1 to i32
      %cond3A_158 = arith.constant 0 : i32
      %cond3A_159 = arith.cmpi ne, %convert_element_type3A_157, %cond3A_158 : i32
      scf.if %cond3A_159 {
        %dma_wait3A_224 = arith.constant 0 : i32
        %dma_wait3A_225 = arith.constant 0 : i32
        %dma_wait3A_226 = arith.constant 0 : i32
        %dma_wait3A_227 = tpu.memref_slice %arg8[%dma_wait3A_224, %dma_wait3A_225, %dma_wait3A_226] : memref<3x128x64xf32, #tpu.memory_space<vmem>> -> memref<1x128x64xf32, #tpu.memory_space<vmem>>
        %dma_wait3A_228 = tpu.memref_squeeze %dma_wait3A_227 : memref<1x128x64xf32, #tpu.memory_space<vmem>> -> memref<128x64xf32, #tpu.memory_space<vmem>>
        %dma_wait3A_229 = arith.constant 0 : i32
        %dma_wait3A_230 = arith.constant 0 : i32
        %dma_wait3A_231 = tpu.memref_slice %arg2[%dma_wait3A_229, %dma_wait3A_230] : memref<50000x64xf32, #tpu.memory_space<hbm>> -> memref<128x64xf32, #tpu.memory_space<hbm>>
        %dma_wait3A_232 = arith.constant 0 : i32
        %dma_wait3A_233 = arith.constant 0 : i32
        %dma_wait3A_234 = tpu.memref_slice %arg8[%dma_wait3A_224, %dma_wait3A_232, %dma_wait3A_233] : memref<3x128x64xf32, #tpu.memory_space<vmem>> -> memref<1x128x64xf32, #tpu.memory_space<vmem>>
        %dma_wait3A_235 = tpu.memref_squeeze %dma_wait3A_234 : memref<1x128x64xf32, #tpu.memory_space<vmem>> -> memref<128x64xf32, #tpu.memory_space<vmem>>
        %dma_wait3A_236 = arith.constant 0 : i32
        %dma_wait3A_237 = arith.constant 0 : i32
        %dma_wait3A_238 = tpu.memref_slice %arg2[%dma_wait3A_236, %dma_wait3A_237] : memref<50000x64xf32, #tpu.memory_space<hbm>> -> memref<128x64xf32, #tpu.memory_space<hbm>>
        tpu.wait_dma2 semaphore(%arg12 : memref<!tpu.dma_semaphore, #tpu.memory_space<semaphore_mem>>) src(%dma_wait3A_238 : memref<128x64xf32, #tpu.memory_space<hbm>>) dst(%dma_wait3A_235 : memref<128x64xf32, #tpu.memory_space<vmem>>)
      } else {
      }
      %add3A_160 = arith.constant 2 : i32
      %add3A_161 = arith.addi %while3A_154, %add3A_160 : i32
      %lt3A_162 = arith.cmpi slt, %add3A_161, %add3A_26 : i32
      %convert_element_type3A_163 = arith.extui %lt3A_162 : i1 to i32
      %cond3A_164 = arith.constant 0 : i32
      %cond3A_165 = arith.cmpi ne, %convert_element_type3A_163, %cond3A_164 : i32
      scf.if %cond3A_165 {
        %add3A_224 = arith.constant 2 : i32
        %add3A_225 = arith.addi %while3A_154, %add3A_224 : i32
        %add3A_226 = arith.addi %add3A_22, %add3A_225 : i32
        %jit3A_227 = arith.constant 4 : i32
        %eq3A_228 = arith.constant 0 : i32
        %eq3A_229 = arith.cmpi eq, %jit3A_227, %eq3A_228 : i32
        %jit3A_230 = arith.constant 1 : i32
        %select_n3A_231 = arith.select %eq3A_229, %jit3A_230, %jit3A_227 : i32
        %rem3A_232 = arith.remsi %add3A_225, %select_n3A_231 : i32
        %ne3A_233 = arith.constant 0 : i32
        %ne3A_234 = arith.cmpi ne, %rem3A_232, %ne3A_233 : i32
        %lt3A_235 = arith.constant 0 : i32
        %lt3A_236 = arith.cmpi slt, %rem3A_232, %lt3A_235 : i32
        %lt3A_237 = arith.constant 0 : i32
        %lt3A_238 = arith.cmpi slt, %select_n3A_231, %lt3A_237 : i32
        %ne3A_239 = arith.xori %lt3A_236, %lt3A_238 : i1
        %and3A_240 = arith.andi %ne3A_239, %ne3A_234 : i1
        %add3A_241 = arith.addi %rem3A_232, %select_n3A_231 : i32
        %select_n3A_242 = arith.select %and3A_240, %add3A_241, %rem3A_232 : i32
        %dma_start3A_243 = arith.constant 0 : i32
        %dma_start3A_244 = tpu.memref_slice %arg6[%select_n3A_242, %dma_start3A_243] : memref<4x128xi32, #tpu.memory_space<vmem>> -> memref<1x128xi32, #tpu.memory_space<vmem>>
        %dma_start3A_245 = tpu.memref_squeeze %dma_start3A_244 : memref<1x128xi32, #tpu.memory_space<vmem>> -> memref<128xi32, #tpu.memory_space<vmem>>
        %dma_start3A_246 = arith.constant 0 : i32
        %dma_start3A_247 = tpu.memref_slice %arg3[%add3A_226, %dma_start3A_246] : memref<6250x128xi32, #tpu.memory_space<hbm>> -> memref<1x128xi32, #tpu.memory_space<hbm>>
        %dma_start3A_248 = tpu.memref_squeeze %dma_start3A_247 : memref<1x128xi32, #tpu.memory_space<hbm>> -> memref<128xi32, #tpu.memory_space<hbm>>
        %dma_start3A_249 = arith.constant 0 : i32
        %dma_start3A_250 = tpu.memref_slice %arg6[%select_n3A_242, %dma_start3A_249] : memref<4x128xi32, #tpu.memory_space<vmem>> -> memref<1x128xi32, #tpu.memory_space<vmem>>
        %dma_start3A_251 = tpu.memref_squeeze %dma_start3A_250 : memref<1x128xi32, #tpu.memory_space<vmem>> -> memref<128xi32, #tpu.memory_space<vmem>>
        %dma_start3A_252 = arith.constant 0 : i32
        %dma_start3A_253 = tpu.memref_slice %arg3[%add3A_226, %dma_start3A_252] : memref<6250x128xi32, #tpu.memory_space<hbm>> -> memref<1x128xi32, #tpu.memory_space<hbm>>
        %dma_start3A_254 = tpu.memref_squeeze %dma_start3A_253 : memref<1x128xi32, #tpu.memory_space<hbm>> -> memref<128xi32, #tpu.memory_space<hbm>>
        tpu.enqueue_dma source(%dma_start3A_254 : memref<128xi32, #tpu.memory_space<hbm>>) target(%dma_start3A_251 : memref<128xi32, #tpu.memory_space<vmem>>) target_semaphore(%arg10 : memref<!tpu.dma_semaphore, #tpu.memory_space<semaphore_mem>>)
        %add3A_255 = arith.addi %add3A_22, %add3A_225 : i32
        %jit3A_256 = arith.constant 4 : i32
        %eq3A_257 = arith.constant 0 : i32
        %eq3A_258 = arith.cmpi eq, %jit3A_256, %eq3A_257 : i32
        %jit3A_259 = arith.constant 1 : i32
        %select_n3A_260 = arith.select %eq3A_258, %jit3A_259, %jit3A_256 : i32
        %rem3A_261 = arith.remsi %add3A_225, %select_n3A_260 : i32
        %ne3A_262 = arith.constant 0 : i32
        %ne3A_263 = arith.cmpi ne, %rem3A_261, %ne3A_262 : i32
        %lt3A_264 = arith.constant 0 : i32
        %lt3A_265 = arith.cmpi slt, %rem3A_261, %lt3A_264 : i32
        %lt3A_266 = arith.constant 0 : i32
        %lt3A_267 = arith.cmpi slt, %select_n3A_260, %lt3A_266 : i32
        %ne3A_268 = arith.xori %lt3A_265, %lt3A_267 : i1
        %and3A_269 = arith.andi %ne3A_268, %ne3A_263 : i1
        %add3A_270 = arith.addi %rem3A_261, %select_n3A_260 : i32
        %select_n3A_271 = arith.select %and3A_269, %add3A_270, %rem3A_261 : i32
        %dma_start3A_272 = arith.constant 0 : i32
        %dma_start3A_273 = tpu.memref_slice %arg7[%select_n3A_271, %dma_start3A_272] : memref<4x128xi32, #tpu.memory_space<vmem>> -> memref<1x128xi32, #tpu.memory_space<vmem>>
        %dma_start3A_274 = tpu.memref_squeeze %dma_start3A_273 : memref<1x128xi32, #tpu.memory_space<vmem>> -> memref<128xi32, #tpu.memory_space<vmem>>
        %dma_start3A_275 = arith.constant 0 : i32
        %dma_start3A_276 = tpu.memref_slice %arg4[%add3A_255, %dma_start3A_275] : memref<6250x128xi32, #tpu.memory_space<hbm>> -> memref<1x128xi32, #tpu.memory_space<hbm>>
        %dma_start3A_277 = tpu.memref_squeeze %dma_start3A_276 : memref<1x128xi32, #tpu.memory_space<hbm>> -> memref<128xi32, #tpu.memory_space<hbm>>
        %dma_start3A_278 = arith.constant 0 : i32
        %dma_start3A_279 = tpu.memref_slice %arg7[%select_n3A_271, %dma_start3A_278] : memref<4x128xi32, #tpu.memory_space<vmem>> -> memref<1x128xi32, #tpu.memory_space<vmem>>
        %dma_start3A_280 = tpu.memref_squeeze %dma_start3A_279 : memref<1x128xi32, #tpu.memory_space<vmem>> -> memref<128xi32, #tpu.memory_space<vmem>>
        %dma_start3A_281 = arith.constant 0 : i32
        %dma_start3A_282 = tpu.memref_slice %arg4[%add3A_255, %dma_start3A_281] : memref<6250x128xi32, #tpu.memory_space<hbm>> -> memref<1x128xi32, #tpu.memory_space<hbm>>
        %dma_start3A_283 = tpu.memref_squeeze %dma_start3A_282 : memref<1x128xi32, #tpu.memory_space<hbm>> -> memref<128xi32, #tpu.memory_space<hbm>>
        tpu.enqueue_dma source(%dma_start3A_283 : memref<128xi32, #tpu.memory_space<hbm>>) target(%dma_start3A_280 : memref<128xi32, #tpu.memory_space<vmem>>) target_semaphore(%arg10 : memref<!tpu.dma_semaphore, #tpu.memory_space<semaphore_mem>>)
      } else {
      }
      %add3A_166 = arith.constant 1 : i32
      %add3A_167 = arith.addi %while3A_154, %add3A_166 : i32
      %lt3A_168 = arith.cmpi slt, %add3A_167, %add3A_26 : i32
      %convert_element_type3A_169 = arith.extui %lt3A_168 : i1 to i32
      %cond3A_170 = arith.constant 0 : i32
      %cond3A_171 = arith.cmpi ne, %convert_element_type3A_169, %cond3A_170 : i32
      scf.if %cond3A_171 {
        %dma_wait3A_224 = arith.constant 0 : i32
        %dma_wait3A_225 = arith.constant 0 : i32
        %dma_wait3A_226 = tpu.memref_slice %arg6[%dma_wait3A_224, %dma_wait3A_225] : memref<4x128xi32, #tpu.memory_space<vmem>> -> memref<1x128xi32, #tpu.memory_space<vmem>>
        %dma_wait3A_227 = tpu.memref_squeeze %dma_wait3A_226 : memref<1x128xi32, #tpu.memory_space<vmem>> -> memref<128xi32, #tpu.memory_space<vmem>>
        %dma_wait3A_228 = arith.constant 0 : i32
        %dma_wait3A_229 = tpu.memref_slice %arg3[%add3A_22, %dma_wait3A_228] : memref<6250x128xi32, #tpu.memory_space<hbm>> -> memref<1x128xi32, #tpu.memory_space<hbm>>
        %dma_wait3A_230 = tpu.memref_squeeze %dma_wait3A_229 : memref<1x128xi32, #tpu.memory_space<hbm>> -> memref<128xi32, #tpu.memory_space<hbm>>
        %dma_wait3A_231 = arith.constant 0 : i32
        %dma_wait3A_232 = tpu.memref_slice %arg6[%dma_wait3A_224, %dma_wait3A_231] : memref<4x128xi32, #tpu.memory_space<vmem>> -> memref<1x128xi32, #tpu.memory_space<vmem>>
        %dma_wait3A_233 = tpu.memref_squeeze %dma_wait3A_232 : memref<1x128xi32, #tpu.memory_space<vmem>> -> memref<128xi32, #tpu.memory_space<vmem>>
        %dma_wait3A_234 = arith.constant 0 : i32
        %dma_wait3A_235 = tpu.memref_slice %arg3[%add3A_22, %dma_wait3A_234] : memref<6250x128xi32, #tpu.memory_space<hbm>> -> memref<1x128xi32, #tpu.memory_space<hbm>>
        %dma_wait3A_236 = tpu.memref_squeeze %dma_wait3A_235 : memref<1x128xi32, #tpu.memory_space<hbm>> -> memref<128xi32, #tpu.memory_space<hbm>>
        tpu.wait_dma2 semaphore(%arg10 : memref<!tpu.dma_semaphore, #tpu.memory_space<semaphore_mem>>) src(%dma_wait3A_236 : memref<128xi32, #tpu.memory_space<hbm>>) dst(%dma_wait3A_233 : memref<128xi32, #tpu.memory_space<vmem>>)
        %dma_wait3A_237 = arith.constant 0 : i32
        %dma_wait3A_238 = arith.constant 0 : i32
        %dma_wait3A_239 = tpu.memref_slice %arg7[%dma_wait3A_237, %dma_wait3A_238] : memref<4x128xi32, #tpu.memory_space<vmem>> -> memref<1x128xi32, #tpu.memory_space<vmem>>
        %dma_wait3A_240 = tpu.memref_squeeze %dma_wait3A_239 : memref<1x128xi32, #tpu.memory_space<vmem>> -> memref<128xi32, #tpu.memory_space<vmem>>
        %dma_wait3A_241 = arith.constant 0 : i32
        %dma_wait3A_242 = tpu.memref_slice %arg4[%add3A_22, %dma_wait3A_241] : memref<6250x128xi32, #tpu.memory_space<hbm>> -> memref<1x128xi32, #tpu.memory_space<hbm>>
        %dma_wait3A_243 = tpu.memref_squeeze %dma_wait3A_242 : memref<1x128xi32, #tpu.memory_space<hbm>> -> memref<128xi32, #tpu.memory_space<hbm>>
        %dma_wait3A_244 = arith.constant 0 : i32
        %dma_wait3A_245 = tpu.memref_slice %arg7[%dma_wait3A_237, %dma_wait3A_244] : memref<4x128xi32, #tpu.memory_space<vmem>> -> memref<1x128xi32, #tpu.memory_space<vmem>>
        %dma_wait3A_246 = tpu.memref_squeeze %dma_wait3A_245 : memref<1x128xi32, #tpu.memory_space<vmem>> -> memref<128xi32, #tpu.memory_space<vmem>>
        %dma_wait3A_247 = arith.constant 0 : i32
        %dma_wait3A_248 = tpu.memref_slice %arg4[%add3A_22, %dma_wait3A_247] : memref<6250x128xi32, #tpu.memory_space<hbm>> -> memref<1x128xi32, #tpu.memory_space<hbm>>
        %dma_wait3A_249 = tpu.memref_squeeze %dma_wait3A_248 : memref<1x128xi32, #tpu.memory_space<hbm>> -> memref<128xi32, #tpu.memory_space<hbm>>
        tpu.wait_dma2 semaphore(%arg10 : memref<!tpu.dma_semaphore, #tpu.memory_space<semaphore_mem>>) src(%dma_wait3A_249 : memref<128xi32, #tpu.memory_space<hbm>>) dst(%dma_wait3A_246 : memref<128xi32, #tpu.memory_space<vmem>>)
        %add3A_250 = arith.constant 1 : i32
        %add3A_251 = arith.addi %while3A_154, %add3A_250 : i32
        %jit3A_252 = arith.constant 4 : i32
        %eq3A_253 = arith.constant 0 : i32
        %eq3A_254 = arith.cmpi eq, %jit3A_252, %eq3A_253 : i32
        %jit3A_255 = arith.constant 1 : i32
        %select_n3A_256 = arith.select %eq3A_254, %jit3A_255, %jit3A_252 : i32
        %rem3A_257 = arith.remsi %add3A_251, %select_n3A_256 : i32
        %ne3A_258 = arith.constant 0 : i32
        %ne3A_259 = arith.cmpi ne, %rem3A_257, %ne3A_258 : i32
        %lt3A_260 = arith.constant 0 : i32
        %lt3A_261 = arith.cmpi slt, %rem3A_257, %lt3A_260 : i32
        %lt3A_262 = arith.constant 0 : i32
        %lt3A_263 = arith.cmpi slt, %select_n3A_256, %lt3A_262 : i32
        %ne3A_264 = arith.xori %lt3A_261, %lt3A_263 : i1
        %and3A_265 = arith.andi %ne3A_264, %ne3A_259 : i1
        %add3A_266 = arith.addi %rem3A_257, %select_n3A_256 : i32
        %select_n3A_267 = arith.select %and3A_265, %add3A_266, %rem3A_257 : i32
        %add3A_268 = arith.constant 1 : i32
        %add3A_269 = arith.addi %while3A_154, %add3A_268 : i32
        %jit3A_270 = arith.constant 3 : i32
        %eq3A_271 = arith.constant 0 : i32
        %eq3A_272 = arith.cmpi eq, %jit3A_270, %eq3A_271 : i32
        %jit3A_273 = arith.constant 1 : i32
        %select_n3A_274 = arith.select %eq3A_272, %jit3A_273, %jit3A_270 : i32
        %rem3A_275 = arith.remsi %add3A_269, %select_n3A_274 : i32
        %ne3A_276 = arith.constant 0 : i32
        %ne3A_277 = arith.cmpi ne, %rem3A_275, %ne3A_276 : i32
        %lt3A_278 = arith.constant 0 : i32
        %lt3A_279 = arith.cmpi slt, %rem3A_275, %lt3A_278 : i32
        %lt3A_280 = arith.constant 0 : i32
        %lt3A_281 = arith.cmpi slt, %select_n3A_274, %lt3A_280 : i32
        %ne3A_282 = arith.xori %lt3A_279, %lt3A_281 : i1
        %and3A_283 = arith.andi %ne3A_282, %ne3A_277 : i1
        %add3A_284 = arith.addi %rem3A_275, %select_n3A_274 : i32
        %select_n3A_285 = arith.select %and3A_283, %add3A_284, %rem3A_275 : i32
        %dma_start3A_286 = arith.constant 0 : i32
        %dma_start3A_287 = arith.constant 0 : i32
        %dma_start3A_288 = tpu.memref_slice %arg8[%select_n3A_285, %dma_start3A_286, %dma_start3A_287] : memref<3x128x64xf32, #tpu.memory_space<vmem>> -> memref<1x128x64xf32, #tpu.memory_space<vmem>>
        %dma_start3A_289 = tpu.memref_squeeze %dma_start3A_288 : memref<1x128x64xf32, #tpu.memory_space<vmem>> -> memref<128x64xf32, #tpu.memory_space<vmem>>
        %dma_start3A_290 = arith.constant 0 : i32
        %dma_start3A_291 = tpu.memref_slice %arg6[%select_n3A_267, %dma_start3A_290] : memref<4x128xi32, #tpu.memory_space<vmem>> -> memref<1x128xi32, #tpu.memory_space<vmem>>
        %dma_start3A_292 = tpu.memref_squeeze %dma_start3A_291 : memref<1x128xi32, #tpu.memory_space<vmem>> -> memref<128xi32, #tpu.memory_space<vmem>>
        %dma_start3A_293 = arith.constant 0 : i32
        %dma_start3A_294 = arith.constant 0 : i32
        %dma_start3A_295 = tpu.memref_slice %arg2[%dma_start3A_293, %dma_start3A_294] : memref<50000x64xf32, #tpu.memory_space<hbm>> -> memref<50000x64xf32, #tpu.memory_space<hbm>>
        tpu.enqueue_indirect_dma source(%dma_start3A_295 : memref<50000x64xf32, #tpu.memory_space<hbm>>) target(%dma_start3A_289 : memref<128x64xf32, #tpu.memory_space<vmem>>) offsets(%dma_start3A_292 : memref<128xi32, #tpu.memory_space<vmem>>) semaphore(%arg11 : memref<!tpu.dma_semaphore, #tpu.memory_space<semaphore_mem>>)
      } else {
      }
      %dma_wait3A_172 = arith.constant 0 : i32
      %dma_wait3A_173 = arith.constant 0 : i32
      %dma_wait3A_174 = arith.constant 0 : i32
      %dma_wait3A_175 = arith.constant 0 : i32
      %dma_wait3A_176 = tpu.memref_slice %arg8[%dma_wait3A_173, %dma_wait3A_174, %dma_wait3A_175] : memref<3x128x64xf32, #tpu.memory_space<vmem>> -> memref<1x128x64xf32, #tpu.memory_space<vmem>>
      %dma_wait3A_177 = tpu.memref_squeeze %dma_wait3A_176 : memref<1x128x64xf32, #tpu.memory_space<vmem>> -> memref<128x64xf32, #tpu.memory_space<vmem>>
      %dma_wait3A_178 = arith.constant 0 : i32
      %dma_wait3A_179 = tpu.memref_slice %arg6[%dma_wait3A_172, %dma_wait3A_178] : memref<4x128xi32, #tpu.memory_space<vmem>> -> memref<1x128xi32, #tpu.memory_space<vmem>>
      %dma_wait3A_180 = tpu.memref_squeeze %dma_wait3A_179 : memref<1x128xi32, #tpu.memory_space<vmem>> -> memref<128xi32, #tpu.memory_space<vmem>>
      %dma_wait3A_181 = arith.constant 0 : i32
      %dma_wait3A_182 = arith.constant 0 : i32
      %dma_wait3A_183 = tpu.memref_slice %arg2[%dma_wait3A_181, %dma_wait3A_182] : memref<50000x64xf32, #tpu.memory_space<hbm>> -> memref<50000x64xf32, #tpu.memory_space<hbm>>
      tpu.wait_indirect_dma semaphore(%arg11 : memref<!tpu.dma_semaphore, #tpu.memory_space<semaphore_mem>>) src(%dma_wait3A_183 : memref<50000x64xf32, #tpu.memory_space<hbm>>) dst(%dma_wait3A_177 : memref<128x64xf32, #tpu.memory_space<vmem>>)
      %jit3A_184 = arith.constant 3 : i32
      %eq3A_185 = arith.constant 0 : i32
      %eq3A_186 = arith.cmpi eq, %jit3A_184, %eq3A_185 : i32
      %jit3A_187 = arith.constant 1 : i32
      %select_n3A_188 = arith.select %eq3A_186, %jit3A_187, %jit3A_184 : i32
      %rem3A = arith.remsi %while3A_154, %select_n3A_188 : i32
      %ne3A = arith.constant 0 : i32
      %ne3A_189 = arith.cmpi ne, %rem3A, %ne3A : i32
      %lt3A_190 = arith.constant 0 : i32
      %lt3A_191 = arith.cmpi slt, %rem3A, %lt3A_190 : i32
      %lt3A_192 = arith.constant 0 : i32
      %lt3A_193 = arith.cmpi slt, %select_n3A_188, %lt3A_192 : i32
      %ne3A_194 = arith.xori %lt3A_191, %lt3A_193 : i1
      %and3A = arith.andi %ne3A_194, %ne3A_189 : i1
      %add3A_195 = arith.addi %rem3A, %select_n3A_188 : i32
      %select_n3A_196 = arith.select %and3A, %add3A_195, %rem3A : i32
      %jit3A_197 = arith.constant 4 : i32
      %eq3A_198 = arith.constant 0 : i32
      %eq3A_199 = arith.cmpi eq, %jit3A_197, %eq3A_198 : i32
      %jit3A_200 = arith.constant 1 : i32
      %select_n3A_201 = arith.select %eq3A_199, %jit3A_200, %jit3A_197 : i32
      %rem3A_202 = arith.remsi %while3A_154, %select_n3A_201 : i32
      %ne3A_203 = arith.constant 0 : i32
      %ne3A_204 = arith.cmpi ne, %rem3A_202, %ne3A_203 : i32
      %lt3A_205 = arith.constant 0 : i32
      %lt3A_206 = arith.cmpi slt, %rem3A_202, %lt3A_205 : i32
      %lt3A_207 = arith.constant 0 : i32
      %lt3A_208 = arith.cmpi slt, %select_n3A_201, %lt3A_207 : i32
      %ne3A_209 = arith.xori %lt3A_206, %lt3A_208 : i1
      %and3A_210 = arith.andi %ne3A_209, %ne3A_204 : i1
      %add3A_211 = arith.addi %rem3A_202, %select_n3A_201 : i32
      %select_n3A_212 = arith.select %and3A_210, %add3A_211, %rem3A_202 : i32
      %dma_start3A_213 = arith.constant 0 : i32
      %dma_start3A_214 = arith.constant 0 : i32
      %dma_start3A_215 = tpu.memref_slice %arg8[%select_n3A_196, %dma_start3A_213, %dma_start3A_214] : memref<3x128x64xf32, #tpu.memory_space<vmem>> -> memref<1x128x64xf32, #tpu.memory_space<vmem>>
      %dma_start3A_216 = tpu.memref_squeeze %dma_start3A_215 : memref<1x128x64xf32, #tpu.memory_space<vmem>> -> memref<128x64xf32, #tpu.memory_space<vmem>>
      %dma_start3A_217 = arith.constant 0 : i32
      %dma_start3A_218 = tpu.memref_slice %arg7[%select_n3A_212, %dma_start3A_217] : memref<4x128xi32, #tpu.memory_space<vmem>> -> memref<1x128xi32, #tpu.memory_space<vmem>>
      %dma_start3A_219 = tpu.memref_squeeze %dma_start3A_218 : memref<1x128xi32, #tpu.memory_space<vmem>> -> memref<128xi32, #tpu.memory_space<vmem>>
      %dma_start3A_220 = arith.constant 0 : i32
      %dma_start3A_221 = arith.constant 0 : i32
      %dma_start3A_222 = tpu.memref_slice %arg9[%dma_start3A_220, %dma_start3A_221] : memref<25088x64xf32, #tpu.memory_space<vmem_shared>> -> memref<25088x64xf32, #tpu.memory_space<vmem_shared>>
      tpu.enqueue_indirect_dma source(%dma_start3A_216 : memref<128x64xf32, #tpu.memory_space<vmem>>) target(%dma_start3A_222 : memref<25088x64xf32, #tpu.memory_space<vmem_shared>>) offsets(%dma_start3A_219 : memref<128xi32, #tpu.memory_space<vmem>>) semaphore(%arg12 : memref<!tpu.dma_semaphore, #tpu.memory_space<semaphore_mem>>) {add = true}
      %while3A_223 = arith.constant 0 : i32
      scf.yield %while3A_223 : i32
    }
    %while3A_132 = arith.constant 1 : i32
    %while3A_133 = scf.for %while3A_154 = %while3A_129 to %while3A_125 step %while3A_132 iter_args(%while3A_155 = %while3A_131) -> (i32)  : i32 {
      %ge3A = arith.constant 2 : i32
      %ge3A_156 = arith.cmpi sge, %while3A_154, %ge3A : i32
      %convert_element_type3A_157 = arith.extui %ge3A_156 : i1 to i32
      %cond3A_158 = arith.constant 0 : i32
      %cond3A_159 = arith.cmpi ne, %convert_element_type3A_157, %cond3A_158 : i32
      scf.if %cond3A_159 {
        %dma_wait3A_224 = arith.constant 0 : i32
        %dma_wait3A_225 = arith.constant 0 : i32
        %dma_wait3A_226 = arith.constant 0 : i32
        %dma_wait3A_227 = tpu.memref_slice %arg8[%dma_wait3A_224, %dma_wait3A_225, %dma_wait3A_226] : memref<3x128x64xf32, #tpu.memory_space<vmem>> -> memref<1x128x64xf32, #tpu.memory_space<vmem>>
        %dma_wait3A_228 = tpu.memref_squeeze %dma_wait3A_227 : memref<1x128x64xf32, #tpu.memory_space<vmem>> -> memref<128x64xf32, #tpu.memory_space<vmem>>
        %dma_wait3A_229 = arith.constant 0 : i32
        %dma_wait3A_230 = arith.constant 0 : i32
        %dma_wait3A_231 = tpu.memref_slice %arg2[%dma_wait3A_229, %dma_wait3A_230] : memref<50000x64xf32, #tpu.memory_space<hbm>> -> memref<128x64xf32, #tpu.memory_space<hbm>>
        %dma_wait3A_232 = arith.constant 0 : i32
        %dma_wait3A_233 = arith.constant 0 : i32
        %dma_wait3A_234 = tpu.memref_slice %arg8[%dma_wait3A_224, %dma_wait3A_232, %dma_wait3A_233] : memref<3x128x64xf32, #tpu.memory_space<vmem>> -> memref<1x128x64xf32, #tpu.memory_space<vmem>>
        %dma_wait3A_235 = tpu.memref_squeeze %dma_wait3A_234 : memref<1x128x64xf32, #tpu.memory_space<vmem>> -> memref<128x64xf32, #tpu.memory_space<vmem>>
        %dma_wait3A_236 = arith.constant 0 : i32
        %dma_wait3A_237 = arith.constant 0 : i32
        %dma_wait3A_238 = tpu.memref_slice %arg2[%dma_wait3A_236, %dma_wait3A_237] : memref<50000x64xf32, #tpu.memory_space<hbm>> -> memref<128x64xf32, #tpu.memory_space<hbm>>
        tpu.wait_dma2 semaphore(%arg12 : memref<!tpu.dma_semaphore, #tpu.memory_space<semaphore_mem>>) src(%dma_wait3A_238 : memref<128x64xf32, #tpu.memory_space<hbm>>) dst(%dma_wait3A_235 : memref<128x64xf32, #tpu.memory_space<vmem>>)
      } else {
      }
      %add3A_160 = arith.constant 2 : i32
      %add3A_161 = arith.addi %while3A_154, %add3A_160 : i32
      %lt3A_162 = arith.cmpi slt, %add3A_161, %add3A_26 : i32
      %convert_element_type3A_163 = arith.extui %lt3A_162 : i1 to i32
      %cond3A_164 = arith.constant 0 : i32
      %cond3A_165 = arith.cmpi ne, %convert_element_type3A_163, %cond3A_164 : i32
      scf.if %cond3A_165 {
        %add3A_224 = arith.constant 2 : i32
        %add3A_225 = arith.addi %while3A_154, %add3A_224 : i32
        %add3A_226 = arith.addi %add3A_22, %add3A_225 : i32
        %jit3A_227 = arith.constant 4 : i32
        %eq3A_228 = arith.constant 0 : i32
        %eq3A_229 = arith.cmpi eq, %jit3A_227, %eq3A_228 : i32
        %jit3A_230 = arith.constant 1 : i32
        %select_n3A_231 = arith.select %eq3A_229, %jit3A_230, %jit3A_227 : i32
        %rem3A_232 = arith.remsi %add3A_225, %select_n3A_231 : i32
        %ne3A_233 = arith.constant 0 : i32
        %ne3A_234 = arith.cmpi ne, %rem3A_232, %ne3A_233 : i32
        %lt3A_235 = arith.constant 0 : i32
        %lt3A_236 = arith.cmpi slt, %rem3A_232, %lt3A_235 : i32
        %lt3A_237 = arith.constant 0 : i32
        %lt3A_238 = arith.cmpi slt, %select_n3A_231, %lt3A_237 : i32
        %ne3A_239 = arith.xori %lt3A_236, %lt3A_238 : i1
        %and3A_240 = arith.andi %ne3A_239, %ne3A_234 : i1
        %add3A_241 = arith.addi %rem3A_232, %select_n3A_231 : i32
        %select_n3A_242 = arith.select %and3A_240, %add3A_241, %rem3A_232 : i32
        %dma_start3A_243 = arith.constant 0 : i32
        %dma_start3A_244 = tpu.memref_slice %arg6[%select_n3A_242, %dma_start3A_243] : memref<4x128xi32, #tpu.memory_space<vmem>> -> memref<1x128xi32, #tpu.memory_space<vmem>>
        %dma_start3A_245 = tpu.memref_squeeze %dma_start3A_244 : memref<1x128xi32, #tpu.memory_space<vmem>> -> memref<128xi32, #tpu.memory_space<vmem>>
        %dma_start3A_246 = arith.constant 0 : i32
        %dma_start3A_247 = tpu.memref_slice %arg3[%add3A_226, %dma_start3A_246] : memref<6250x128xi32, #tpu.memory_space<hbm>> -> memref<1x128xi32, #tpu.memory_space<hbm>>
        %dma_start3A_248 = tpu.memref_squeeze %dma_start3A_247 : memref<1x128xi32, #tpu.memory_space<hbm>> -> memref<128xi32, #tpu.memory_space<hbm>>
        %dma_start3A_249 = arith.constant 0 : i32
        %dma_start3A_250 = tpu.memref_slice %arg6[%select_n3A_242, %dma_start3A_249] : memref<4x128xi32, #tpu.memory_space<vmem>> -> memref<1x128xi32, #tpu.memory_space<vmem>>
        %dma_start3A_251 = tpu.memref_squeeze %dma_start3A_250 : memref<1x128xi32, #tpu.memory_space<vmem>> -> memref<128xi32, #tpu.memory_space<vmem>>
        %dma_start3A_252 = arith.constant 0 : i32
        %dma_start3A_253 = tpu.memref_slice %arg3[%add3A_226, %dma_start3A_252] : memref<6250x128xi32, #tpu.memory_space<hbm>> -> memref<1x128xi32, #tpu.memory_space<hbm>>
        %dma_start3A_254 = tpu.memref_squeeze %dma_start3A_253 : memref<1x128xi32, #tpu.memory_space<hbm>> -> memref<128xi32, #tpu.memory_space<hbm>>
        tpu.enqueue_dma source(%dma_start3A_254 : memref<128xi32, #tpu.memory_space<hbm>>) target(%dma_start3A_251 : memref<128xi32, #tpu.memory_space<vmem>>) target_semaphore(%arg10 : memref<!tpu.dma_semaphore, #tpu.memory_space<semaphore_mem>>)
        %add3A_255 = arith.addi %add3A_22, %add3A_225 : i32
        %jit3A_256 = arith.constant 4 : i32
        %eq3A_257 = arith.constant 0 : i32
        %eq3A_258 = arith.cmpi eq, %jit3A_256, %eq3A_257 : i32
        %jit3A_259 = arith.constant 1 : i32
        %select_n3A_260 = arith.select %eq3A_258, %jit3A_259, %jit3A_256 : i32
        %rem3A_261 = arith.remsi %add3A_225, %select_n3A_260 : i32
        %ne3A_262 = arith.constant 0 : i32
        %ne3A_263 = arith.cmpi ne, %rem3A_261, %ne3A_262 : i32
        %lt3A_264 = arith.constant 0 : i32
        %lt3A_265 = arith.cmpi slt, %rem3A_261, %lt3A_264 : i32
        %lt3A_266 = arith.constant 0 : i32
        %lt3A_267 = arith.cmpi slt, %select_n3A_260, %lt3A_266 : i32
        %ne3A_268 = arith.xori %lt3A_265, %lt3A_267 : i1
        %and3A_269 = arith.andi %ne3A_268, %ne3A_263 : i1
        %add3A_270 = arith.addi %rem3A_261, %select_n3A_260 : i32
        %select_n3A_271 = arith.select %and3A_269, %add3A_270, %rem3A_261 : i32
        %dma_start3A_272 = arith.constant 0 : i32
        %dma_start3A_273 = tpu.memref_slice %arg7[%select_n3A_271, %dma_start3A_272] : memref<4x128xi32, #tpu.memory_space<vmem>> -> memref<1x128xi32, #tpu.memory_space<vmem>>
        %dma_start3A_274 = tpu.memref_squeeze %dma_start3A_273 : memref<1x128xi32, #tpu.memory_space<vmem>> -> memref<128xi32, #tpu.memory_space<vmem>>
        %dma_start3A_275 = arith.constant 0 : i32
        %dma_start3A_276 = tpu.memref_slice %arg4[%add3A_255, %dma_start3A_275] : memref<6250x128xi32, #tpu.memory_space<hbm>> -> memref<1x128xi32, #tpu.memory_space<hbm>>
        %dma_start3A_277 = tpu.memref_squeeze %dma_start3A_276 : memref<1x128xi32, #tpu.memory_space<hbm>> -> memref<128xi32, #tpu.memory_space<hbm>>
        %dma_start3A_278 = arith.constant 0 : i32
        %dma_start3A_279 = tpu.memref_slice %arg7[%select_n3A_271, %dma_start3A_278] : memref<4x128xi32, #tpu.memory_space<vmem>> -> memref<1x128xi32, #tpu.memory_space<vmem>>
        %dma_start3A_280 = tpu.memref_squeeze %dma_start3A_279 : memref<1x128xi32, #tpu.memory_space<vmem>> -> memref<128xi32, #tpu.memory_space<vmem>>
        %dma_start3A_281 = arith.constant 0 : i32
        %dma_start3A_282 = tpu.memref_slice %arg4[%add3A_255, %dma_start3A_281] : memref<6250x128xi32, #tpu.memory_space<hbm>> -> memref<1x128xi32, #tpu.memory_space<hbm>>
        %dma_start3A_283 = tpu.memref_squeeze %dma_start3A_282 : memref<1x128xi32, #tpu.memory_space<hbm>> -> memref<128xi32, #tpu.memory_space<hbm>>
        tpu.enqueue_dma source(%dma_start3A_283 : memref<128xi32, #tpu.memory_space<hbm>>) target(%dma_start3A_280 : memref<128xi32, #tpu.memory_space<vmem>>) target_semaphore(%arg10 : memref<!tpu.dma_semaphore, #tpu.memory_space<semaphore_mem>>)
      } else {
      }
      %add3A_166 = arith.constant 1 : i32
      %add3A_167 = arith.addi %while3A_154, %add3A_166 : i32
      %lt3A_168 = arith.cmpi slt, %add3A_167, %add3A_26 : i32
      %convert_element_type3A_169 = arith.extui %lt3A_168 : i1 to i32
      %cond3A_170 = arith.constant 0 : i32
      %cond3A_171 = arith.cmpi ne, %convert_element_type3A_169, %cond3A_170 : i32
      scf.if %cond3A_171 {
        %dma_wait3A_224 = arith.constant 0 : i32
        %dma_wait3A_225 = arith.constant 0 : i32
        %dma_wait3A_226 = tpu.memref_slice %arg6[%dma_wait3A_224, %dma_wait3A_225] : memref<4x128xi32, #tpu.memory_space<vmem>> -> memref<1x128xi32, #tpu.memory_space<vmem>>
        %dma_wait3A_227 = tpu.memref_squeeze %dma_wait3A_226 : memref<1x128xi32, #tpu.memory_space<vmem>> -> memref<128xi32, #tpu.memory_space<vmem>>
        %dma_wait3A_228 = arith.constant 0 : i32
        %dma_wait3A_229 = tpu.memref_slice %arg3[%add3A_22, %dma_wait3A_228] : memref<6250x128xi32, #tpu.memory_space<hbm>> -> memref<1x128xi32, #tpu.memory_space<hbm>>
        %dma_wait3A_230 = tpu.memref_squeeze %dma_wait3A_229 : memref<1x128xi32, #tpu.memory_space<hbm>> -> memref<128xi32, #tpu.memory_space<hbm>>
        %dma_wait3A_231 = arith.constant 0 : i32
        %dma_wait3A_232 = tpu.memref_slice %arg6[%dma_wait3A_224, %dma_wait3A_231] : memref<4x128xi32, #tpu.memory_space<vmem>> -> memref<1x128xi32, #tpu.memory_space<vmem>>
        %dma_wait3A_233 = tpu.memref_squeeze %dma_wait3A_232 : memref<1x128xi32, #tpu.memory_space<vmem>> -> memref<128xi32, #tpu.memory_space<vmem>>
        %dma_wait3A_234 = arith.constant 0 : i32
        %dma_wait3A_235 = tpu.memref_slice %arg3[%add3A_22, %dma_wait3A_234] : memref<6250x128xi32, #tpu.memory_space<hbm>> -> memref<1x128xi32, #tpu.memory_space<hbm>>
        %dma_wait3A_236 = tpu.memref_squeeze %dma_wait3A_235 : memref<1x128xi32, #tpu.memory_space<hbm>> -> memref<128xi32, #tpu.memory_space<hbm>>
        tpu.wait_dma2 semaphore(%arg10 : memref<!tpu.dma_semaphore, #tpu.memory_space<semaphore_mem>>) src(%dma_wait3A_236 : memref<128xi32, #tpu.memory_space<hbm>>) dst(%dma_wait3A_233 : memref<128xi32, #tpu.memory_space<vmem>>)
        %dma_wait3A_237 = arith.constant 0 : i32
        %dma_wait3A_238 = arith.constant 0 : i32
        %dma_wait3A_239 = tpu.memref_slice %arg7[%dma_wait3A_237, %dma_wait3A_238] : memref<4x128xi32, #tpu.memory_space<vmem>> -> memref<1x128xi32, #tpu.memory_space<vmem>>
        %dma_wait3A_240 = tpu.memref_squeeze %dma_wait3A_239 : memref<1x128xi32, #tpu.memory_space<vmem>> -> memref<128xi32, #tpu.memory_space<vmem>>
        %dma_wait3A_241 = arith.constant 0 : i32
        %dma_wait3A_242 = tpu.memref_slice %arg4[%add3A_22, %dma_wait3A_241] : memref<6250x128xi32, #tpu.memory_space<hbm>> -> memref<1x128xi32, #tpu.memory_space<hbm>>
        %dma_wait3A_243 = tpu.memref_squeeze %dma_wait3A_242 : memref<1x128xi32, #tpu.memory_space<hbm>> -> memref<128xi32, #tpu.memory_space<hbm>>
        %dma_wait3A_244 = arith.constant 0 : i32
        %dma_wait3A_245 = tpu.memref_slice %arg7[%dma_wait3A_237, %dma_wait3A_244] : memref<4x128xi32, #tpu.memory_space<vmem>> -> memref<1x128xi32, #tpu.memory_space<vmem>>
        %dma_wait3A_246 = tpu.memref_squeeze %dma_wait3A_245 : memref<1x128xi32, #tpu.memory_space<vmem>> -> memref<128xi32, #tpu.memory_space<vmem>>
        %dma_wait3A_247 = arith.constant 0 : i32
        %dma_wait3A_248 = tpu.memref_slice %arg4[%add3A_22, %dma_wait3A_247] : memref<6250x128xi32, #tpu.memory_space<hbm>> -> memref<1x128xi32, #tpu.memory_space<hbm>>
        %dma_wait3A_249 = tpu.memref_squeeze %dma_wait3A_248 : memref<1x128xi32, #tpu.memory_space<hbm>> -> memref<128xi32, #tpu.memory_space<hbm>>
        tpu.wait_dma2 semaphore(%arg10 : memref<!tpu.dma_semaphore, #tpu.memory_space<semaphore_mem>>) src(%dma_wait3A_249 : memref<128xi32, #tpu.memory_space<hbm>>) dst(%dma_wait3A_246 : memref<128xi32, #tpu.memory_space<vmem>>)
        %add3A_250 = arith.constant 1 : i32
        %add3A_251 = arith.addi %while3A_154, %add3A_250 : i32
        %jit3A_252 = arith.constant 4 : i32
        %eq3A_253 = arith.constant 0 : i32
        %eq3A_254 = arith.cmpi eq, %jit3A_252, %eq3A_253 : i32
        %jit3A_255 = arith.constant 1 : i32
        %select_n3A_256 = arith.select %eq3A_254, %jit3A_255, %jit3A_252 : i32
        %rem3A_257 = arith.remsi %add3A_251, %select_n3A_256 : i32
        %ne3A_258 = arith.constant 0 : i32
        %ne3A_259 = arith.cmpi ne, %rem3A_257, %ne3A_258 : i32
        %lt3A_260 = arith.constant 0 : i32
        %lt3A_261 = arith.cmpi slt, %rem3A_257, %lt3A_260 : i32
        %lt3A_262 = arith.constant 0 : i32
        %lt3A_263 = arith.cmpi slt, %select_n3A_256, %lt3A_262 : i32
        %ne3A_264 = arith.xori %lt3A_261, %lt3A_263 : i1
        %and3A_265 = arith.andi %ne3A_264, %ne3A_259 : i1
        %add3A_266 = arith.addi %rem3A_257, %select_n3A_256 : i32
        %select_n3A_267 = arith.select %and3A_265, %add3A_266, %rem3A_257 : i32
        %add3A_268 = arith.constant 1 : i32
        %add3A_269 = arith.addi %while3A_154, %add3A_268 : i32
        %jit3A_270 = arith.constant 3 : i32
        %eq3A_271 = arith.constant 0 : i32
        %eq3A_272 = arith.cmpi eq, %jit3A_270, %eq3A_271 : i32
        %jit3A_273 = arith.constant 1 : i32
        %select_n3A_274 = arith.select %eq3A_272, %jit3A_273, %jit3A_270 : i32
        %rem3A_275 = arith.remsi %add3A_269, %select_n3A_274 : i32
        %ne3A_276 = arith.constant 0 : i32
        %ne3A_277 = arith.cmpi ne, %rem3A_275, %ne3A_276 : i32
        %lt3A_278 = arith.constant 0 : i32
        %lt3A_279 = arith.cmpi slt, %rem3A_275, %lt3A_278 : i32
        %lt3A_280 = arith.constant 0 : i32
        %lt3A_281 = arith.cmpi slt, %select_n3A_274, %lt3A_280 : i32
        %ne3A_282 = arith.xori %lt3A_279, %lt3A_281 : i1
        %and3A_283 = arith.andi %ne3A_282, %ne3A_277 : i1
        %add3A_284 = arith.addi %rem3A_275, %select_n3A_274 : i32
        %select_n3A_285 = arith.select %and3A_283, %add3A_284, %rem3A_275 : i32
        %dma_start3A_286 = arith.constant 0 : i32
        %dma_start3A_287 = arith.constant 0 : i32
        %dma_start3A_288 = tpu.memref_slice %arg8[%select_n3A_285, %dma_start3A_286, %dma_start3A_287] : memref<3x128x64xf32, #tpu.memory_space<vmem>> -> memref<1x128x64xf32, #tpu.memory_space<vmem>>
        %dma_start3A_289 = tpu.memref_squeeze %dma_start3A_288 : memref<1x128x64xf32, #tpu.memory_space<vmem>> -> memref<128x64xf32, #tpu.memory_space<vmem>>
        %dma_start3A_290 = arith.constant 0 : i32
        %dma_start3A_291 = tpu.memref_slice %arg6[%select_n3A_267, %dma_start3A_290] : memref<4x128xi32, #tpu.memory_space<vmem>> -> memref<1x128xi32, #tpu.memory_space<vmem>>
        %dma_start3A_292 = tpu.memref_squeeze %dma_start3A_291 : memref<1x128xi32, #tpu.memory_space<vmem>> -> memref<128xi32, #tpu.memory_space<vmem>>
        %dma_start3A_293 = arith.constant 0 : i32
        %dma_start3A_294 = arith.constant 0 : i32
        %dma_start3A_295 = tpu.memref_slice %arg2[%dma_start3A_293, %dma_start3A_294] : memref<50000x64xf32, #tpu.memory_space<hbm>> -> memref<50000x64xf32, #tpu.memory_space<hbm>>
        tpu.enqueue_indirect_dma source(%dma_start3A_295 : memref<50000x64xf32, #tpu.memory_space<hbm>>) target(%dma_start3A_289 : memref<128x64xf32, #tpu.memory_space<vmem>>) offsets(%dma_start3A_292 : memref<128xi32, #tpu.memory_space<vmem>>) semaphore(%arg11 : memref<!tpu.dma_semaphore, #tpu.memory_space<semaphore_mem>>)
      } else {
      }
      %dma_wait3A_172 = arith.constant 0 : i32
      %dma_wait3A_173 = arith.constant 0 : i32
      %dma_wait3A_174 = arith.constant 0 : i32
      %dma_wait3A_175 = arith.constant 0 : i32
      %dma_wait3A_176 = tpu.memref_slice %arg8[%dma_wait3A_173, %dma_wait3A_174, %dma_wait3A_175] : memref<3x128x64xf32, #tpu.memory_space<vmem>> -> memref<1x128x64xf32, #tpu.memory_space<vmem>>
      %dma_wait3A_177 = tpu.memref_squeeze %dma_wait3A_176 : memref<1x128x64xf32, #tpu.memory_space<vmem>> -> memref<128x64xf32, #tpu.memory_space<vmem>>
      %dma_wait3A_178 = arith.constant 0 : i32
      %dma_wait3A_179 = tpu.memref_slice %arg6[%dma_wait3A_172, %dma_wait3A_178] : memref<4x128xi32, #tpu.memory_space<vmem>> -> memref<1x128xi32, #tpu.memory_space<vmem>>
      %dma_wait3A_180 = tpu.memref_squeeze %dma_wait3A_179 : memref<1x128xi32, #tpu.memory_space<vmem>> -> memref<128xi32, #tpu.memory_space<vmem>>
      %dma_wait3A_181 = arith.constant 0 : i32
      %dma_wait3A_182 = arith.constant 0 : i32
      %dma_wait3A_183 = tpu.memref_slice %arg2[%dma_wait3A_181, %dma_wait3A_182] : memref<50000x64xf32, #tpu.memory_space<hbm>> -> memref<50000x64xf32, #tpu.memory_space<hbm>>
      tpu.wait_indirect_dma semaphore(%arg11 : memref<!tpu.dma_semaphore, #tpu.memory_space<semaphore_mem>>) src(%dma_wait3A_183 : memref<50000x64xf32, #tpu.memory_space<hbm>>) dst(%dma_wait3A_177 : memref<128x64xf32, #tpu.memory_space<vmem>>)
      %jit3A_184 = arith.constant 3 : i32
      %eq3A_185 = arith.constant 0 : i32
      %eq3A_186 = arith.cmpi eq, %jit3A_184, %eq3A_185 : i32
      %jit3A_187 = arith.constant 1 : i32
      %select_n3A_188 = arith.select %eq3A_186, %jit3A_187, %jit3A_184 : i32
      %rem3A = arith.remsi %while3A_154, %select_n3A_188 : i32
      %ne3A = arith.constant 0 : i32
      %ne3A_189 = arith.cmpi ne, %rem3A, %ne3A : i32
      %lt3A_190 = arith.constant 0 : i32
      %lt3A_191 = arith.cmpi slt, %rem3A, %lt3A_190 : i32
      %lt3A_192 = arith.constant 0 : i32
      %lt3A_193 = arith.cmpi slt, %select_n3A_188, %lt3A_192 : i32
      %ne3A_194 = arith.xori %lt3A_191, %lt3A_193 : i1
      %and3A = arith.andi %ne3A_194, %ne3A_189 : i1
      %add3A_195 = arith.addi %rem3A, %select_n3A_188 : i32
      %select_n3A_196 = arith.select %and3A, %add3A_195, %rem3A : i32
      %jit3A_197 = arith.constant 4 : i32
      %eq3A_198 = arith.constant 0 : i32
      %eq3A_199 = arith.cmpi eq, %jit3A_197, %eq3A_198 : i32
      %jit3A_200 = arith.constant 1 : i32
      %select_n3A_201 = arith.select %eq3A_199, %jit3A_200, %jit3A_197 : i32
      %rem3A_202 = arith.remsi %while3A_154, %select_n3A_201 : i32
      %ne3A_203 = arith.constant 0 : i32
      %ne3A_204 = arith.cmpi ne, %rem3A_202, %ne3A_203 : i32
      %lt3A_205 = arith.constant 0 : i32
      %lt3A_206 = arith.cmpi slt, %rem3A_202, %lt3A_205 : i32
      %lt3A_207 = arith.constant 0 : i32
      %lt3A_208 = arith.cmpi slt, %select_n3A_201, %lt3A_207 : i32
      %ne3A_209 = arith.xori %lt3A_206, %lt3A_208 : i1
      %and3A_210 = arith.andi %ne3A_209, %ne3A_204 : i1
      %add3A_211 = arith.addi %rem3A_202, %select_n3A_201 : i32
      %select_n3A_212 = arith.select %and3A_210, %add3A_211, %rem3A_202 : i32
      %dma_start3A_213 = arith.constant 0 : i32
      %dma_start3A_214 = arith.constant 0 : i32
      %dma_start3A_215 = tpu.memref_slice %arg8[%select_n3A_196, %dma_start3A_213, %dma_start3A_214] : memref<3x128x64xf32, #tpu.memory_space<vmem>> -> memref<1x128x64xf32, #tpu.memory_space<vmem>>
      %dma_start3A_216 = tpu.memref_squeeze %dma_start3A_215 : memref<1x128x64xf32, #tpu.memory_space<vmem>> -> memref<128x64xf32, #tpu.memory_space<vmem>>
      %dma_start3A_217 = arith.constant 0 : i32
      %dma_start3A_218 = tpu.memref_slice %arg7[%select_n3A_212, %dma_start3A_217] : memref<4x128xi32, #tpu.memory_space<vmem>> -> memref<1x128xi32, #tpu.memory_space<vmem>>
      %dma_start3A_219 = tpu.memref_squeeze %dma_start3A_218 : memref<1x128xi32, #tpu.memory_space<vmem>> -> memref<128xi32, #tpu.memory_space<vmem>>
      %dma_start3A_220 = arith.constant 0 : i32
      %dma_start3A_221 = arith.constant 0 : i32
      %dma_start3A_222 = tpu.memref_slice %arg9[%dma_start3A_220, %dma_start3A_221] : memref<25088x64xf32, #tpu.memory_space<vmem_shared>> -> memref<25088x64xf32, #tpu.memory_space<vmem_shared>>
      tpu.enqueue_indirect_dma source(%dma_start3A_216 : memref<128x64xf32, #tpu.memory_space<vmem>>) target(%dma_start3A_222 : memref<25088x64xf32, #tpu.memory_space<vmem_shared>>) offsets(%dma_start3A_219 : memref<128xi32, #tpu.memory_space<vmem>>) semaphore(%arg12 : memref<!tpu.dma_semaphore, #tpu.memory_space<semaphore_mem>>) {add = true}
      %while3A_223 = arith.constant 0 : i32
      scf.yield %while3A_223 : i32
    }
    %scan3A_134 = arith.constant 0 : i32
    %scan3A_135 = arith.constant 0 : i32
    %scan3A_136 = arith.constant 2 : i32
    %scan3A_137 = arith.addi %scan3A_135, %scan3A_136 : i32
    %scan3A_138 = arith.constant 1 : i32
    %scan3A_139 = scf.for %scan3A_154 = %scan3A_135 to %scan3A_137 step %scan3A_138 iter_args(%scan3A_155 = %scan3A_134) -> (i32)  : i32 {
      %dma_wait3A_156 = arith.constant 0 : i32
      %dma_wait3A_157 = arith.constant 0 : i32
      %dma_wait3A_158 = arith.constant 0 : i32
      %dma_wait3A_159 = tpu.memref_slice %arg8[%dma_wait3A_156, %dma_wait3A_157, %dma_wait3A_158] : memref<3x128x64xf32, #tpu.memory_space<vmem>> -> memref<1x128x64xf32, #tpu.memory_space<vmem>>
      %dma_wait3A_160 = tpu.memref_squeeze %dma_wait3A_159 : memref<1x128x64xf32, #tpu.memory_space<vmem>> -> memref<128x64xf32, #tpu.memory_space<vmem>>
      %dma_wait3A_161 = arith.constant 0 : i32
      %dma_wait3A_162 = arith.constant 0 : i32
      %dma_wait3A_163 = tpu.memref_slice %arg2[%dma_wait3A_161, %dma_wait3A_162] : memref<50000x64xf32, #tpu.memory_space<hbm>> -> memref<128x64xf32, #tpu.memory_space<hbm>>
      %dma_wait3A_164 = arith.constant 0 : i32
      %dma_wait3A_165 = arith.constant 0 : i32
      %dma_wait3A_166 = tpu.memref_slice %arg8[%dma_wait3A_156, %dma_wait3A_164, %dma_wait3A_165] : memref<3x128x64xf32, #tpu.memory_space<vmem>> -> memref<1x128x64xf32, #tpu.memory_space<vmem>>
      %dma_wait3A_167 = tpu.memref_squeeze %dma_wait3A_166 : memref<1x128x64xf32, #tpu.memory_space<vmem>> -> memref<128x64xf32, #tpu.memory_space<vmem>>
      %dma_wait3A_168 = arith.constant 0 : i32
      %dma_wait3A_169 = arith.constant 0 : i32
      %dma_wait3A_170 = tpu.memref_slice %arg2[%dma_wait3A_168, %dma_wait3A_169] : memref<50000x64xf32, #tpu.memory_space<hbm>> -> memref<128x64xf32, #tpu.memory_space<hbm>>
      tpu.wait_dma2 semaphore(%arg12 : memref<!tpu.dma_semaphore, #tpu.memory_space<semaphore_mem>>) src(%dma_wait3A_170 : memref<128x64xf32, #tpu.memory_space<hbm>>) dst(%dma_wait3A_167 : memref<128x64xf32, #tpu.memory_space<vmem>>)
      %scan3A_171 = arith.constant 0 : i32
      scf.yield %scan3A_171 : i32
    }
    %scan3A_140 = arith.constant 2 : i32
    %barrier3A_141 = arith.constant 0 : index
    tpu.barrier barrier_id(%barrier3A_141)
    %mul3A_142 = arith.constant 25000 : i32
    %mul3A_143 = arith.muli %arg0, %mul3A_142 : i32
    %mul3A_144 = arith.constant 1568 : i32
    %mul3A_145 = arith.muli %arg1, %mul3A_144 : i32
    %add3A_146 = arith.addi %mul3A_143, %mul3A_145 : i32
    %lt3A_147 = arith.constant 15 : i32
    %lt3A_148 = arith.cmpi slt, %arg1, %lt3A_147 : i32
    %convert_element_type3A = arith.extui %lt3A_148 : i1 to i32
    %cond3A = arith.constant 0 : i32
    %cond3A_149 = arith.cmpi ne, %convert_element_type3A, %cond3A : i32
    scf.if %cond3A_149 {
      %scan3A_154 = arith.constant 0 : i32
      %scan3A_155 = arith.constant 0 : i32
      %scan3A_156 = arith.constant 12 : i32
      %scan3A_157 = arith.addi %scan3A_155, %scan3A_156 : i32
      %scan3A_158 = arith.constant 1 : i32
      %scan3A_159 = scf.for %scan3A_169 = %scan3A_155 to %scan3A_157 step %scan3A_158 iter_args(%scan3A_170 = %scan3A_154) -> (i32)  : i32 {
        %mul3A_171 = arith.constant 1568 : i32
        %mul3A_172 = arith.muli %arg1, %mul3A_171 : i32
        %mul3A_173 = arith.constant 128 : i32
        %mul3A_174 = arith.muli %scan3A_169, %mul3A_173 : i32
        %add3A_175 = arith.addi %mul3A_172, %mul3A_174 : i32
        %run_scoped3A_176 = arith.constant 0 : i32
        "tpu.region"() ({
          %run_scoped3A_182 = tpu.sem_alloc : memref<!tpu.dma_semaphore, #tpu.memory_space<semaphore_mem>>
          %dma_start3A_183 = arith.constant 0 : i32
          %dma_start3A_184 = arith.constant 0 : i32
          %dma_start3A_185 = tpu.memref_slice %arg8[%run_scoped3A_176, %dma_start3A_183, %dma_start3A_184] : memref<3x128x64xf32, #tpu.memory_space<vmem>> -> memref<1x128x64xf32, #tpu.memory_space<vmem>>
          %dma_start3A_186 = tpu.memref_squeeze %dma_start3A_185 : memref<1x128x64xf32, #tpu.memory_space<vmem>> -> memref<128x64xf32, #tpu.memory_space<vmem>>
          %dma_start3A_187 = arith.constant 0 : i32
          %dma_start3A_188 = tpu.memref_slice %arg9[%add3A_175, %dma_start3A_187] : memref<25088x64xf32, #tpu.memory_space<vmem_shared>> -> memref<128x64xf32, #tpu.memory_space<vmem_shared>>
          %dma_start3A_189 = arith.constant 0 : i32
          %dma_start3A_190 = arith.constant 0 : i32
          %dma_start3A_191 = tpu.memref_slice %arg8[%run_scoped3A_176, %dma_start3A_189, %dma_start3A_190] : memref<3x128x64xf32, #tpu.memory_space<vmem>> -> memref<1x128x64xf32, #tpu.memory_space<vmem>>
          %dma_start3A_192 = tpu.memref_squeeze %dma_start3A_191 : memref<1x128x64xf32, #tpu.memory_space<vmem>> -> memref<128x64xf32, #tpu.memory_space<vmem>>
          %dma_start3A_193 = arith.constant 0 : i32
          %dma_start3A_194 = tpu.memref_slice %arg9[%add3A_175, %dma_start3A_193] : memref<25088x64xf32, #tpu.memory_space<vmem_shared>> -> memref<128x64xf32, #tpu.memory_space<vmem_shared>>
          tpu.enqueue_dma source(%dma_start3A_194 : memref<128x64xf32, #tpu.memory_space<vmem_shared>>) target(%dma_start3A_192 : memref<128x64xf32, #tpu.memory_space<vmem>>) target_semaphore(%run_scoped3A_182 : memref<!tpu.dma_semaphore, #tpu.memory_space<semaphore_mem>>)
          %dma_wait3A_195 = arith.constant 0 : i32
          %dma_wait3A_196 = arith.constant 0 : i32
          %dma_wait3A_197 = tpu.memref_slice %arg8[%run_scoped3A_176, %dma_wait3A_195, %dma_wait3A_196] : memref<3x128x64xf32, #tpu.memory_space<vmem>> -> memref<1x128x64xf32, #tpu.memory_space<vmem>>
          %dma_wait3A_198 = tpu.memref_squeeze %dma_wait3A_197 : memref<1x128x64xf32, #tpu.memory_space<vmem>> -> memref<128x64xf32, #tpu.memory_space<vmem>>
          %dma_wait3A_199 = arith.constant 0 : i32
          %dma_wait3A_200 = tpu.memref_slice %arg9[%add3A_175, %dma_wait3A_199] : memref<25088x64xf32, #tpu.memory_space<vmem_shared>> -> memref<128x64xf32, #tpu.memory_space<vmem_shared>>
          %dma_wait3A_201 = arith.constant 0 : i32
          %dma_wait3A_202 = arith.constant 0 : i32
          %dma_wait3A_203 = tpu.memref_slice %arg8[%run_scoped3A_176, %dma_wait3A_201, %dma_wait3A_202] : memref<3x128x64xf32, #tpu.memory_space<vmem>> -> memref<1x128x64xf32, #tpu.memory_space<vmem>>
          %dma_wait3A_204 = tpu.memref_squeeze %dma_wait3A_203 : memref<1x128x64xf32, #tpu.memory_space<vmem>> -> memref<128x64xf32, #tpu.memory_space<vmem>>
          %dma_wait3A_205 = arith.constant 0 : i32
          %dma_wait3A_206 = tpu.memref_slice %arg9[%add3A_175, %dma_wait3A_205] : memref<25088x64xf32, #tpu.memory_space<vmem_shared>> -> memref<128x64xf32, #tpu.memory_space<vmem_shared>>
          tpu.wait_dma2 semaphore(%run_scoped3A_182 : memref<!tpu.dma_semaphore, #tpu.memory_space<semaphore_mem>>) src(%dma_wait3A_206 : memref<128x64xf32, #tpu.memory_space<vmem_shared>>) dst(%dma_wait3A_204 : memref<128x64xf32, #tpu.memory_space<vmem>>)
          tpu.yield
        }) : () -> ()
        %mul3A_177 = arith.constant 128 : i32
        %mul3A_178 = arith.muli %scan3A_169, %mul3A_177 : i32
        %add3A_179 = arith.addi %add3A_146, %mul3A_178 : i32
        %run_scoped3A_180 = arith.constant 0 : i32
        "tpu.region"() ({
          %run_scoped3A_182 = tpu.sem_alloc : memref<!tpu.dma_semaphore, #tpu.memory_space<semaphore_mem>>
          %dma_start3A_183 = arith.constant 0 : i32
          %dma_start3A_184 = arith.constant 0 : i32
          %dma_start3A_185 = tpu.memref_slice %arg8[%run_scoped3A_180, %dma_start3A_183, %dma_start3A_184] : memref<3x128x64xf32, #tpu.memory_space<vmem>> -> memref<1x128x64xf32, #tpu.memory_space<vmem>>
          %dma_start3A_186 = tpu.memref_squeeze %dma_start3A_185 : memref<1x128x64xf32, #tpu.memory_space<vmem>> -> memref<128x64xf32, #tpu.memory_space<vmem>>
          %dma_start3A_187 = arith.constant 0 : i32
          %dma_start3A_188 = tpu.memref_slice %arg5[%add3A_179, %dma_start3A_187] : memref<50000x64xf32, #tpu.memory_space<hbm>> -> memref<128x64xf32, #tpu.memory_space<hbm>>
          %dma_start3A_189 = arith.constant 0 : i32
          %dma_start3A_190 = tpu.memref_slice %arg5[%add3A_179, %dma_start3A_189] : memref<50000x64xf32, #tpu.memory_space<hbm>> -> memref<128x64xf32, #tpu.memory_space<hbm>>
          %dma_start3A_191 = arith.constant 0 : i32
          %dma_start3A_192 = arith.constant 0 : i32
          %dma_start3A_193 = tpu.memref_slice %arg8[%run_scoped3A_180, %dma_start3A_191, %dma_start3A_192] : memref<3x128x64xf32, #tpu.memory_space<vmem>> -> memref<1x128x64xf32, #tpu.memory_space<vmem>>
          %dma_start3A_194 = tpu.memref_squeeze %dma_start3A_193 : memref<1x128x64xf32, #tpu.memory_space<vmem>> -> memref<128x64xf32, #tpu.memory_space<vmem>>
          tpu.enqueue_dma source(%dma_start3A_194 : memref<128x64xf32, #tpu.memory_space<vmem>>) target(%dma_start3A_190 : memref<128x64xf32, #tpu.memory_space<hbm>>) target_semaphore(%run_scoped3A_182 : memref<!tpu.dma_semaphore, #tpu.memory_space<semaphore_mem>>)
          %dma_wait3A_195 = arith.constant 0 : i32
          %dma_wait3A_196 = arith.constant 0 : i32
          %dma_wait3A_197 = tpu.memref_slice %arg8[%run_scoped3A_180, %dma_wait3A_195, %dma_wait3A_196] : memref<3x128x64xf32, #tpu.memory_space<vmem>> -> memref<1x128x64xf32, #tpu.memory_space<vmem>>
          %dma_wait3A_198 = tpu.memref_squeeze %dma_wait3A_197 : memref<1x128x64xf32, #tpu.memory_space<vmem>> -> memref<128x64xf32, #tpu.memory_space<vmem>>
          %dma_wait3A_199 = arith.constant 0 : i32
          %dma_wait3A_200 = tpu.memref_slice %arg5[%add3A_179, %dma_wait3A_199] : memref<50000x64xf32, #tpu.memory_space<hbm>> -> memref<128x64xf32, #tpu.memory_space<hbm>>
          %dma_wait3A_201 = arith.constant 0 : i32
          %dma_wait3A_202 = tpu.memref_slice %arg5[%add3A_179, %dma_wait3A_201] : memref<50000x64xf32, #tpu.memory_space<hbm>> -> memref<128x64xf32, #tpu.memory_space<hbm>>
          %dma_wait3A_203 = arith.constant 0 : i32
          %dma_wait3A_204 = arith.constant 0 : i32
          %dma_wait3A_205 = tpu.memref_slice %arg8[%run_scoped3A_180, %dma_wait3A_203, %dma_wait3A_204] : memref<3x128x64xf32, #tpu.memory_space<vmem>> -> memref<1x128x64xf32, #tpu.memory_space<vmem>>
          %dma_wait3A_206 = tpu.memref_squeeze %dma_wait3A_205 : memref<1x128x64xf32, #tpu.memory_space<vmem>> -> memref<128x64xf32, #tpu.memory_space<vmem>>
          tpu.wait_dma2 semaphore(%run_scoped3A_182 : memref<!tpu.dma_semaphore, #tpu.memory_space<semaphore_mem>>) src(%dma_wait3A_206 : memref<128x64xf32, #tpu.memory_space<vmem>>) dst(%dma_wait3A_202 : memref<128x64xf32, #tpu.memory_space<hbm>>)
          tpu.yield
        }) : () -> ()
        %scan3A_181 = arith.constant 0 : i32
        scf.yield %scan3A_181 : i32
      }
      %scan3A_160 = arith.constant 12 : i32
      %mul3A_161 = arith.constant 1568 : i32
      %mul3A_162 = arith.muli %arg1, %mul3A_161 : i32
      %add3A_163 = arith.constant 1536 : i32
      %add3A_164 = arith.addi %mul3A_162, %add3A_163 : i32
      %run_scoped3A_165 = arith.constant 0 : i32
      "tpu.region"() ({
        %run_scoped3A_169 = tpu.sem_alloc : memref<!tpu.dma_semaphore, #tpu.memory_space<semaphore_mem>>
        %dma_start3A_170 = arith.constant 0 : i32
        %dma_start3A_171 = arith.constant 0 : i32
        %dma_start3A_172 = tpu.memref_slice %arg8[%run_scoped3A_165, %dma_start3A_170, %dma_start3A_171] : memref<3x128x64xf32, #tpu.memory_space<vmem>> -> memref<1x32x64xf32, #tpu.memory_space<vmem>>
        %dma_start3A_173 = tpu.memref_squeeze %dma_start3A_172 : memref<1x32x64xf32, #tpu.memory_space<vmem>> -> memref<32x64xf32, #tpu.memory_space<vmem>>
        %dma_start3A_174 = arith.constant 0 : i32
        %dma_start3A_175 = tpu.memref_slice %arg9[%add3A_164, %dma_start3A_174] : memref<25088x64xf32, #tpu.memory_space<vmem_shared>> -> memref<32x64xf32, #tpu.memory_space<vmem_shared>>
        %dma_start3A_176 = arith.constant 0 : i32
        %dma_start3A_177 = arith.constant 0 : i32
        %dma_start3A_178 = tpu.memref_slice %arg8[%run_scoped3A_165, %dma_start3A_176, %dma_start3A_177] : memref<3x128x64xf32, #tpu.memory_space<vmem>> -> memref<1x32x64xf32, #tpu.memory_space<vmem>>
        %dma_start3A_179 = tpu.memref_squeeze %dma_start3A_178 : memref<1x32x64xf32, #tpu.memory_space<vmem>> -> memref<32x64xf32, #tpu.memory_space<vmem>>
        %dma_start3A_180 = arith.constant 0 : i32
        %dma_start3A_181 = tpu.memref_slice %arg9[%add3A_164, %dma_start3A_180] : memref<25088x64xf32, #tpu.memory_space<vmem_shared>> -> memref<32x64xf32, #tpu.memory_space<vmem_shared>>
        tpu.enqueue_dma source(%dma_start3A_181 : memref<32x64xf32, #tpu.memory_space<vmem_shared>>) target(%dma_start3A_179 : memref<32x64xf32, #tpu.memory_space<vmem>>) target_semaphore(%run_scoped3A_169 : memref<!tpu.dma_semaphore, #tpu.memory_space<semaphore_mem>>)
        %dma_wait3A_182 = arith.constant 0 : i32
        %dma_wait3A_183 = arith.constant 0 : i32
        %dma_wait3A_184 = tpu.memref_slice %arg8[%run_scoped3A_165, %dma_wait3A_182, %dma_wait3A_183] : memref<3x128x64xf32, #tpu.memory_space<vmem>> -> memref<1x32x64xf32, #tpu.memory_space<vmem>>
        %dma_wait3A_185 = tpu.memref_squeeze %dma_wait3A_184 : memref<1x32x64xf32, #tpu.memory_space<vmem>> -> memref<32x64xf32, #tpu.memory_space<vmem>>
        %dma_wait3A_186 = arith.constant 0 : i32
        %dma_wait3A_187 = tpu.memref_slice %arg9[%add3A_164, %dma_wait3A_186] : memref<25088x64xf32, #tpu.memory_space<vmem_shared>> -> memref<32x64xf32, #tpu.memory_space<vmem_shared>>
        %dma_wait3A_188 = arith.constant 0 : i32
        %dma_wait3A_189 = arith.constant 0 : i32
        %dma_wait3A_190 = tpu.memref_slice %arg8[%run_scoped3A_165, %dma_wait3A_188, %dma_wait3A_189] : memref<3x128x64xf32, #tpu.memory_space<vmem>> -> memref<1x32x64xf32, #tpu.memory_space<vmem>>
        %dma_wait3A_191 = tpu.memref_squeeze %dma_wait3A_190 : memref<1x32x64xf32, #tpu.memory_space<vmem>> -> memref<32x64xf32, #tpu.memory_space<vmem>>
        %dma_wait3A_192 = arith.constant 0 : i32
        %dma_wait3A_193 = tpu.memref_slice %arg9[%add3A_164, %dma_wait3A_192] : memref<25088x64xf32, #tpu.memory_space<vmem_shared>> -> memref<32x64xf32, #tpu.memory_space<vmem_shared>>
        tpu.wait_dma2 semaphore(%run_scoped3A_169 : memref<!tpu.dma_semaphore, #tpu.memory_space<semaphore_mem>>) src(%dma_wait3A_193 : memref<32x64xf32, #tpu.memory_space<vmem_shared>>) dst(%dma_wait3A_191 : memref<32x64xf32, #tpu.memory_space<vmem>>)
        tpu.yield
      }) : () -> ()
      %add3A_166 = arith.constant 1536 : i32
      %add3A_167 = arith.addi %add3A_146, %add3A_166 : i32
      %run_scoped3A_168 = arith.constant 0 : i32
      "tpu.region"() ({
        %run_scoped3A_169 = tpu.sem_alloc : memref<!tpu.dma_semaphore, #tpu.memory_space<semaphore_mem>>
        %dma_start3A_170 = arith.constant 0 : i32
        %dma_start3A_171 = arith.constant 0 : i32
        %dma_start3A_172 = tpu.memref_slice %arg8[%run_scoped3A_168, %dma_start3A_170, %dma_start3A_171] : memref<3x128x64xf32, #tpu.memory_space<vmem>> -> memref<1x32x64xf32, #tpu.memory_space<vmem>>
        %dma_start3A_173 = tpu.memref_squeeze %dma_start3A_172 : memref<1x32x64xf32, #tpu.memory_space<vmem>> -> memref<32x64xf32, #tpu.memory_space<vmem>>
        %dma_start3A_174 = arith.constant 0 : i32
        %dma_start3A_175 = tpu.memref_slice %arg5[%add3A_167, %dma_start3A_174] : memref<50000x64xf32, #tpu.memory_space<hbm>> -> memref<32x64xf32, #tpu.memory_space<hbm>>
        %dma_start3A_176 = arith.constant 0 : i32
        %dma_start3A_177 = tpu.memref_slice %arg5[%add3A_167, %dma_start3A_176] : memref<50000x64xf32, #tpu.memory_space<hbm>> -> memref<32x64xf32, #tpu.memory_space<hbm>>
        %dma_start3A_178 = arith.constant 0 : i32
        %dma_start3A_179 = arith.constant 0 : i32
        %dma_start3A_180 = tpu.memref_slice %arg8[%run_scoped3A_168, %dma_start3A_178, %dma_start3A_179] : memref<3x128x64xf32, #tpu.memory_space<vmem>> -> memref<1x32x64xf32, #tpu.memory_space<vmem>>
        %dma_start3A_181 = tpu.memref_squeeze %dma_start3A_180 : memref<1x32x64xf32, #tpu.memory_space<vmem>> -> memref<32x64xf32, #tpu.memory_space<vmem>>
        tpu.enqueue_dma source(%dma_start3A_181 : memref<32x64xf32, #tpu.memory_space<vmem>>) target(%dma_start3A_177 : memref<32x64xf32, #tpu.memory_space<hbm>>) target_semaphore(%run_scoped3A_169 : memref<!tpu.dma_semaphore, #tpu.memory_space<semaphore_mem>>)
        %dma_wait3A_182 = arith.constant 0 : i32
        %dma_wait3A_183 = arith.constant 0 : i32
        %dma_wait3A_184 = tpu.memref_slice %arg8[%run_scoped3A_168, %dma_wait3A_182, %dma_wait3A_183] : memref<3x128x64xf32, #tpu.memory_space<vmem>> -> memref<1x32x64xf32, #tpu.memory_space<vmem>>
        %dma_wait3A_185 = tpu.memref_squeeze %dma_wait3A_184 : memref<1x32x64xf32, #tpu.memory_space<vmem>> -> memref<32x64xf32, #tpu.memory_space<vmem>>
        %dma_wait3A_186 = arith.constant 0 : i32
        %dma_wait3A_187 = tpu.memref_slice %arg5[%add3A_167, %dma_wait3A_186] : memref<50000x64xf32, #tpu.memory_space<hbm>> -> memref<32x64xf32, #tpu.memory_space<hbm>>
        %dma_wait3A_188 = arith.constant 0 : i32
        %dma_wait3A_189 = tpu.memref_slice %arg5[%add3A_167, %dma_wait3A_188] : memref<50000x64xf32, #tpu.memory_space<hbm>> -> memref<32x64xf32, #tpu.memory_space<hbm>>
        %dma_wait3A_190 = arith.constant 0 : i32
        %dma_wait3A_191 = arith.constant 0 : i32
        %dma_wait3A_192 = tpu.memref_slice %arg8[%run_scoped3A_168, %dma_wait3A_190, %dma_wait3A_191] : memref<3x128x64xf32, #tpu.memory_space<vmem>> -> memref<1x32x64xf32, #tpu.memory_space<vmem>>
        %dma_wait3A_193 = tpu.memref_squeeze %dma_wait3A_192 : memref<1x32x64xf32, #tpu.memory_space<vmem>> -> memref<32x64xf32, #tpu.memory_space<vmem>>
        tpu.wait_dma2 semaphore(%run_scoped3A_169 : memref<!tpu.dma_semaphore, #tpu.memory_space<semaphore_mem>>) src(%dma_wait3A_193 : memref<32x64xf32, #tpu.memory_space<vmem>>) dst(%dma_wait3A_189 : memref<32x64xf32, #tpu.memory_space<hbm>>)
        tpu.yield
      }) : () -> ()
    } else {
    }
    %eq3A = arith.constant 15 : i32
    %eq3A_150 = arith.cmpi eq, %arg1, %eq3A : i32
    %convert_element_type3A_151 = arith.extui %eq3A_150 : i1 to i32
    %cond3A_152 = arith.constant 0 : i32
    %cond3A_153 = arith.cmpi ne, %convert_element_type3A_151, %cond3A_152 : i32
    scf.if %cond3A_153 {
      %scan3A_154 = arith.constant 0 : i32
      %scan3A_155 = arith.constant 0 : i32
      %scan3A_156 = arith.constant 11 : i32
      %scan3A_157 = arith.addi %scan3A_155, %scan3A_156 : i32
      %scan3A_158 = arith.constant 1 : i32
      %scan3A_159 = scf.for %scan3A_169 = %scan3A_155 to %scan3A_157 step %scan3A_158 iter_args(%scan3A_170 = %scan3A_154) -> (i32)  : i32 {
        %mul3A_171 = arith.constant 1568 : i32
        %mul3A_172 = arith.muli %arg1, %mul3A_171 : i32
        %mul3A_173 = arith.constant 128 : i32
        %mul3A_174 = arith.muli %scan3A_169, %mul3A_173 : i32
        %add3A_175 = arith.addi %mul3A_172, %mul3A_174 : i32
        %run_scoped3A_176 = arith.constant 0 : i32
        "tpu.region"() ({
          %run_scoped3A_182 = tpu.sem_alloc : memref<!tpu.dma_semaphore, #tpu.memory_space<semaphore_mem>>
          %dma_start3A_183 = arith.constant 0 : i32
          %dma_start3A_184 = arith.constant 0 : i32
          %dma_start3A_185 = tpu.memref_slice %arg8[%run_scoped3A_176, %dma_start3A_183, %dma_start3A_184] : memref<3x128x64xf32, #tpu.memory_space<vmem>> -> memref<1x128x64xf32, #tpu.memory_space<vmem>>
          %dma_start3A_186 = tpu.memref_squeeze %dma_start3A_185 : memref<1x128x64xf32, #tpu.memory_space<vmem>> -> memref<128x64xf32, #tpu.memory_space<vmem>>
          %dma_start3A_187 = arith.constant 0 : i32
          %dma_start3A_188 = tpu.memref_slice %arg9[%add3A_175, %dma_start3A_187] : memref<25088x64xf32, #tpu.memory_space<vmem_shared>> -> memref<128x64xf32, #tpu.memory_space<vmem_shared>>
          %dma_start3A_189 = arith.constant 0 : i32
          %dma_start3A_190 = arith.constant 0 : i32
          %dma_start3A_191 = tpu.memref_slice %arg8[%run_scoped3A_176, %dma_start3A_189, %dma_start3A_190] : memref<3x128x64xf32, #tpu.memory_space<vmem>> -> memref<1x128x64xf32, #tpu.memory_space<vmem>>
          %dma_start3A_192 = tpu.memref_squeeze %dma_start3A_191 : memref<1x128x64xf32, #tpu.memory_space<vmem>> -> memref<128x64xf32, #tpu.memory_space<vmem>>
          %dma_start3A_193 = arith.constant 0 : i32
          %dma_start3A_194 = tpu.memref_slice %arg9[%add3A_175, %dma_start3A_193] : memref<25088x64xf32, #tpu.memory_space<vmem_shared>> -> memref<128x64xf32, #tpu.memory_space<vmem_shared>>
          tpu.enqueue_dma source(%dma_start3A_194 : memref<128x64xf32, #tpu.memory_space<vmem_shared>>) target(%dma_start3A_192 : memref<128x64xf32, #tpu.memory_space<vmem>>) target_semaphore(%run_scoped3A_182 : memref<!tpu.dma_semaphore, #tpu.memory_space<semaphore_mem>>)
          %dma_wait3A_195 = arith.constant 0 : i32
          %dma_wait3A_196 = arith.constant 0 : i32
          %dma_wait3A_197 = tpu.memref_slice %arg8[%run_scoped3A_176, %dma_wait3A_195, %dma_wait3A_196] : memref<3x128x64xf32, #tpu.memory_space<vmem>> -> memref<1x128x64xf32, #tpu.memory_space<vmem>>
          %dma_wait3A_198 = tpu.memref_squeeze %dma_wait3A_197 : memref<1x128x64xf32, #tpu.memory_space<vmem>> -> memref<128x64xf32, #tpu.memory_space<vmem>>
          %dma_wait3A_199 = arith.constant 0 : i32
          %dma_wait3A_200 = tpu.memref_slice %arg9[%add3A_175, %dma_wait3A_199] : memref<25088x64xf32, #tpu.memory_space<vmem_shared>> -> memref<128x64xf32, #tpu.memory_space<vmem_shared>>
          %dma_wait3A_201 = arith.constant 0 : i32
          %dma_wait3A_202 = arith.constant 0 : i32
          %dma_wait3A_203 = tpu.memref_slice %arg8[%run_scoped3A_176, %dma_wait3A_201, %dma_wait3A_202] : memref<3x128x64xf32, #tpu.memory_space<vmem>> -> memref<1x128x64xf32, #tpu.memory_space<vmem>>
          %dma_wait3A_204 = tpu.memref_squeeze %dma_wait3A_203 : memref<1x128x64xf32, #tpu.memory_space<vmem>> -> memref<128x64xf32, #tpu.memory_space<vmem>>
          %dma_wait3A_205 = arith.constant 0 : i32
          %dma_wait3A_206 = tpu.memref_slice %arg9[%add3A_175, %dma_wait3A_205] : memref<25088x64xf32, #tpu.memory_space<vmem_shared>> -> memref<128x64xf32, #tpu.memory_space<vmem_shared>>
          tpu.wait_dma2 semaphore(%run_scoped3A_182 : memref<!tpu.dma_semaphore, #tpu.memory_space<semaphore_mem>>) src(%dma_wait3A_206 : memref<128x64xf32, #tpu.memory_space<vmem_shared>>) dst(%dma_wait3A_204 : memref<128x64xf32, #tpu.memory_space<vmem>>)
          tpu.yield
        }) : () -> ()
        %mul3A_177 = arith.constant 128 : i32
        %mul3A_178 = arith.muli %scan3A_169, %mul3A_177 : i32
        %add3A_179 = arith.addi %add3A_146, %mul3A_178 : i32
        %run_scoped3A_180 = arith.constant 0 : i32
        "tpu.region"() ({
          %run_scoped3A_182 = tpu.sem_alloc : memref<!tpu.dma_semaphore, #tpu.memory_space<semaphore_mem>>
          %dma_start3A_183 = arith.constant 0 : i32
          %dma_start3A_184 = arith.constant 0 : i32
          %dma_start3A_185 = tpu.memref_slice %arg8[%run_scoped3A_180, %dma_start3A_183, %dma_start3A_184] : memref<3x128x64xf32, #tpu.memory_space<vmem>> -> memref<1x128x64xf32, #tpu.memory_space<vmem>>
          %dma_start3A_186 = tpu.memref_squeeze %dma_start3A_185 : memref<1x128x64xf32, #tpu.memory_space<vmem>> -> memref<128x64xf32, #tpu.memory_space<vmem>>
          %dma_start3A_187 = arith.constant 0 : i32
          %dma_start3A_188 = tpu.memref_slice %arg5[%add3A_179, %dma_start3A_187] : memref<50000x64xf32, #tpu.memory_space<hbm>> -> memref<128x64xf32, #tpu.memory_space<hbm>>
          %dma_start3A_189 = arith.constant 0 : i32
          %dma_start3A_190 = tpu.memref_slice %arg5[%add3A_179, %dma_start3A_189] : memref<50000x64xf32, #tpu.memory_space<hbm>> -> memref<128x64xf32, #tpu.memory_space<hbm>>
          %dma_start3A_191 = arith.constant 0 : i32
          %dma_start3A_192 = arith.constant 0 : i32
          %dma_start3A_193 = tpu.memref_slice %arg8[%run_scoped3A_180, %dma_start3A_191, %dma_start3A_192] : memref<3x128x64xf32, #tpu.memory_space<vmem>> -> memref<1x128x64xf32, #tpu.memory_space<vmem>>
          %dma_start3A_194 = tpu.memref_squeeze %dma_start3A_193 : memref<1x128x64xf32, #tpu.memory_space<vmem>> -> memref<128x64xf32, #tpu.memory_space<vmem>>
          tpu.enqueue_dma source(%dma_start3A_194 : memref<128x64xf32, #tpu.memory_space<vmem>>) target(%dma_start3A_190 : memref<128x64xf32, #tpu.memory_space<hbm>>) target_semaphore(%run_scoped3A_182 : memref<!tpu.dma_semaphore, #tpu.memory_space<semaphore_mem>>)
          %dma_wait3A_195 = arith.constant 0 : i32
          %dma_wait3A_196 = arith.constant 0 : i32
          %dma_wait3A_197 = tpu.memref_slice %arg8[%run_scoped3A_180, %dma_wait3A_195, %dma_wait3A_196] : memref<3x128x64xf32, #tpu.memory_space<vmem>> -> memref<1x128x64xf32, #tpu.memory_space<vmem>>
          %dma_wait3A_198 = tpu.memref_squeeze %dma_wait3A_197 : memref<1x128x64xf32, #tpu.memory_space<vmem>> -> memref<128x64xf32, #tpu.memory_space<vmem>>
          %dma_wait3A_199 = arith.constant 0 : i32
          %dma_wait3A_200 = tpu.memref_slice %arg5[%add3A_179, %dma_wait3A_199] : memref<50000x64xf32, #tpu.memory_space<hbm>> -> memref<128x64xf32, #tpu.memory_space<hbm>>
          %dma_wait3A_201 = arith.constant 0 : i32
          %dma_wait3A_202 = tpu.memref_slice %arg5[%add3A_179, %dma_wait3A_201] : memref<50000x64xf32, #tpu.memory_space<hbm>> -> memref<128x64xf32, #tpu.memory_space<hbm>>
          %dma_wait3A_203 = arith.constant 0 : i32
          %dma_wait3A_204 = arith.constant 0 : i32
          %dma_wait3A_205 = tpu.memref_slice %arg8[%run_scoped3A_180, %dma_wait3A_203, %dma_wait3A_204] : memref<3x128x64xf32, #tpu.memory_space<vmem>> -> memref<1x128x64xf32, #tpu.memory_space<vmem>>
          %dma_wait3A_206 = tpu.memref_squeeze %dma_wait3A_205 : memref<1x128x64xf32, #tpu.memory_space<vmem>> -> memref<128x64xf32, #tpu.memory_space<vmem>>
          tpu.wait_dma2 semaphore(%run_scoped3A_182 : memref<!tpu.dma_semaphore, #tpu.memory_space<semaphore_mem>>) src(%dma_wait3A_206 : memref<128x64xf32, #tpu.memory_space<vmem>>) dst(%dma_wait3A_202 : memref<128x64xf32, #tpu.memory_space<hbm>>)
          tpu.yield
        }) : () -> ()
        %scan3A_181 = arith.constant 0 : i32
        scf.yield %scan3A_181 : i32
      }
      %scan3A_160 = arith.constant 11 : i32
      %mul3A_161 = arith.constant 1568 : i32
      %mul3A_162 = arith.muli %arg1, %mul3A_161 : i32
      %add3A_163 = arith.constant 1408 : i32
      %add3A_164 = arith.addi %mul3A_162, %add3A_163 : i32
      %run_scoped3A_165 = arith.constant 0 : i32
      "tpu.region"() ({
        %run_scoped3A_169 = tpu.sem_alloc : memref<!tpu.dma_semaphore, #tpu.memory_space<semaphore_mem>>
        %dma_start3A_170 = arith.constant 0 : i32
        %dma_start3A_171 = arith.constant 0 : i32
        %dma_start3A_172 = tpu.memref_slice %arg8[%run_scoped3A_165, %dma_start3A_170, %dma_start3A_171] : memref<3x128x64xf32, #tpu.memory_space<vmem>> -> memref<1x72x64xf32, #tpu.memory_space<vmem>>
        %dma_start3A_173 = tpu.memref_squeeze %dma_start3A_172 : memref<1x72x64xf32, #tpu.memory_space<vmem>> -> memref<72x64xf32, #tpu.memory_space<vmem>>
        %dma_start3A_174 = arith.constant 0 : i32
        %dma_start3A_175 = tpu.memref_slice %arg9[%add3A_164, %dma_start3A_174] : memref<25088x64xf32, #tpu.memory_space<vmem_shared>> -> memref<72x64xf32, #tpu.memory_space<vmem_shared>>
        %dma_start3A_176 = arith.constant 0 : i32
        %dma_start3A_177 = arith.constant 0 : i32
        %dma_start3A_178 = tpu.memref_slice %arg8[%run_scoped3A_165, %dma_start3A_176, %dma_start3A_177] : memref<3x128x64xf32, #tpu.memory_space<vmem>> -> memref<1x72x64xf32, #tpu.memory_space<vmem>>
        %dma_start3A_179 = tpu.memref_squeeze %dma_start3A_178 : memref<1x72x64xf32, #tpu.memory_space<vmem>> -> memref<72x64xf32, #tpu.memory_space<vmem>>
        %dma_start3A_180 = arith.constant 0 : i32
        %dma_start3A_181 = tpu.memref_slice %arg9[%add3A_164, %dma_start3A_180] : memref<25088x64xf32, #tpu.memory_space<vmem_shared>> -> memref<72x64xf32, #tpu.memory_space<vmem_shared>>
        tpu.enqueue_dma source(%dma_start3A_181 : memref<72x64xf32, #tpu.memory_space<vmem_shared>>) target(%dma_start3A_179 : memref<72x64xf32, #tpu.memory_space<vmem>>) target_semaphore(%run_scoped3A_169 : memref<!tpu.dma_semaphore, #tpu.memory_space<semaphore_mem>>)
        %dma_wait3A_182 = arith.constant 0 : i32
        %dma_wait3A_183 = arith.constant 0 : i32
        %dma_wait3A_184 = tpu.memref_slice %arg8[%run_scoped3A_165, %dma_wait3A_182, %dma_wait3A_183] : memref<3x128x64xf32, #tpu.memory_space<vmem>> -> memref<1x72x64xf32, #tpu.memory_space<vmem>>
        %dma_wait3A_185 = tpu.memref_squeeze %dma_wait3A_184 : memref<1x72x64xf32, #tpu.memory_space<vmem>> -> memref<72x64xf32, #tpu.memory_space<vmem>>
        %dma_wait3A_186 = arith.constant 0 : i32
        %dma_wait3A_187 = tpu.memref_slice %arg9[%add3A_164, %dma_wait3A_186] : memref<25088x64xf32, #tpu.memory_space<vmem_shared>> -> memref<72x64xf32, #tpu.memory_space<vmem_shared>>
        %dma_wait3A_188 = arith.constant 0 : i32
        %dma_wait3A_189 = arith.constant 0 : i32
        %dma_wait3A_190 = tpu.memref_slice %arg8[%run_scoped3A_165, %dma_wait3A_188, %dma_wait3A_189] : memref<3x128x64xf32, #tpu.memory_space<vmem>> -> memref<1x72x64xf32, #tpu.memory_space<vmem>>
        %dma_wait3A_191 = tpu.memref_squeeze %dma_wait3A_190 : memref<1x72x64xf32, #tpu.memory_space<vmem>> -> memref<72x64xf32, #tpu.memory_space<vmem>>
        %dma_wait3A_192 = arith.constant 0 : i32
        %dma_wait3A_193 = tpu.memref_slice %arg9[%add3A_164, %dma_wait3A_192] : memref<25088x64xf32, #tpu.memory_space<vmem_shared>> -> memref<72x64xf32, #tpu.memory_space<vmem_shared>>
        tpu.wait_dma2 semaphore(%run_scoped3A_169 : memref<!tpu.dma_semaphore, #tpu.memory_space<semaphore_mem>>) src(%dma_wait3A_193 : memref<72x64xf32, #tpu.memory_space<vmem_shared>>) dst(%dma_wait3A_191 : memref<72x64xf32, #tpu.memory_space<vmem>>)
        tpu.yield
      }) : () -> ()
      %add3A_166 = arith.constant 1408 : i32
      %add3A_167 = arith.addi %add3A_146, %add3A_166 : i32
      %run_scoped3A_168 = arith.constant 0 : i32
      "tpu.region"() ({
        %run_scoped3A_169 = tpu.sem_alloc : memref<!tpu.dma_semaphore, #tpu.memory_space<semaphore_mem>>
        %dma_start3A_170 = arith.constant 0 : i32
        %dma_start3A_171 = arith.constant 0 : i32
        %dma_start3A_172 = tpu.memref_slice %arg8[%run_scoped3A_168, %dma_start3A_170, %dma_start3A_171] : memref<3x128x64xf32, #tpu.memory_space<vmem>> -> memref<1x72x64xf32, #tpu.memory_space<vmem>>
        %dma_start3A_173 = tpu.memref_squeeze %dma_start3A_172 : memref<1x72x64xf32, #tpu.memory_space<vmem>> -> memref<72x64xf32, #tpu.memory_space<vmem>>
        %dma_start3A_174 = arith.constant 0 : i32
        %dma_start3A_175 = tpu.memref_slice %arg5[%add3A_167, %dma_start3A_174] : memref<50000x64xf32, #tpu.memory_space<hbm>> -> memref<72x64xf32, #tpu.memory_space<hbm>>
        %dma_start3A_176 = arith.constant 0 : i32
        %dma_start3A_177 = tpu.memref_slice %arg5[%add3A_167, %dma_start3A_176] : memref<50000x64xf32, #tpu.memory_space<hbm>> -> memref<72x64xf32, #tpu.memory_space<hbm>>
        %dma_start3A_178 = arith.constant 0 : i32
        %dma_start3A_179 = arith.constant 0 : i32
        %dma_start3A_180 = tpu.memref_slice %arg8[%run_scoped3A_168, %dma_start3A_178, %dma_start3A_179] : memref<3x128x64xf32, #tpu.memory_space<vmem>> -> memref<1x72x64xf32, #tpu.memory_space<vmem>>
        %dma_start3A_181 = tpu.memref_squeeze %dma_start3A_180 : memref<1x72x64xf32, #tpu.memory_space<vmem>> -> memref<72x64xf32, #tpu.memory_space<vmem>>
        tpu.enqueue_dma source(%dma_start3A_181 : memref<72x64xf32, #tpu.memory_space<vmem>>) target(%dma_start3A_177 : memref<72x64xf32, #tpu.memory_space<hbm>>) target_semaphore(%run_scoped3A_169 : memref<!tpu.dma_semaphore, #tpu.memory_space<semaphore_mem>>)
        %dma_wait3A_182 = arith.constant 0 : i32
        %dma_wait3A_183 = arith.constant 0 : i32
        %dma_wait3A_184 = tpu.memref_slice %arg8[%run_scoped3A_168, %dma_wait3A_182, %dma_wait3A_183] : memref<3x128x64xf32, #tpu.memory_space<vmem>> -> memref<1x72x64xf32, #tpu.memory_space<vmem>>
        %dma_wait3A_185 = tpu.memref_squeeze %dma_wait3A_184 : memref<1x72x64xf32, #tpu.memory_space<vmem>> -> memref<72x64xf32, #tpu.memory_space<vmem>>
        %dma_wait3A_186 = arith.constant 0 : i32
        %dma_wait3A_187 = tpu.memref_slice %arg5[%add3A_167, %dma_wait3A_186] : memref<50000x64xf32, #tpu.memory_space<hbm>> -> memref<72x64xf32, #tpu.memory_space<hbm>>
        %dma_wait3A_188 = arith.constant 0 : i32
        %dma_wait3A_189 = tpu.memref_slice %arg5[%add3A_167, %dma_wait3A_188] : memref<50000x64xf32, #tpu.memory_space<hbm>> -> memref<72x64xf32, #tpu.memory_space<hbm>>
        %dma_wait3A_190 = arith.constant 0 : i32
        %dma_wait3A_191 = arith.constant 0 : i32
        %dma_wait3A_192 = tpu.memref_slice %arg8[%run_scoped3A_168, %dma_wait3A_190, %dma_wait3A_191] : memref<3x128x64xf32, #tpu.memory_space<vmem>> -> memref<1x72x64xf32, #tpu.memory_space<vmem>>
        %dma_wait3A_193 = tpu.memref_squeeze %dma_wait3A_192 : memref<1x72x64xf32, #tpu.memory_space<vmem>> -> memref<72x64xf32, #tpu.memory_space<vmem>>
        tpu.wait_dma2 semaphore(%run_scoped3A_169 : memref<!tpu.dma_semaphore, #tpu.memory_space<semaphore_mem>>) src(%dma_wait3A_193 : memref<72x64xf32, #tpu.memory_space<vmem>>) dst(%dma_wait3A_189 : memref<72x64xf32, #tpu.memory_space<hbm>>)
        tpu.yield
      }) : () -> ()
    } else {
    }
    return
  }
}

#map = affine_map<(d0, d1) -> (0, 0)>
module attributes {stable_mosaic.version = 14 : i64} {
  func.func @_side_body(%arg0: i32, %arg1: i32, %arg2: memref<50000x64xf32, #tpu.memory_space<hbm>>, %arg3: memref<6250x128xi32, #tpu.memory_space<hbm>>, %arg4: memref<6250x128xi32, #tpu.memory_space<hbm>>, %arg5: memref<50000x64xf32, #tpu.memory_space<hbm>>, %arg6: memref<4x128xi32, #tpu.memory_space<vmem>>, %arg7: memref<4x128xi32, #tpu.memory_space<vmem>>, %arg8: memref<3x128x64xf32, #tpu.memory_space<vmem>>, %arg9: memref<25088x64xf32, #tpu.memory_space<vmem_shared>>, %arg10: memref<!tpu.dma_semaphore, #tpu.memory_space<semaphore_mem>>, %arg11: memref<!tpu.dma_semaphore, #tpu.memory_space<semaphore_mem>>, %arg12: memref<!tpu.dma_semaphore, #tpu.memory_space<semaphore_mem>>) attributes {dimension_semantics = [#tpu.dimension_semantics<core_parallel>, #tpu.dimension_semantics<subcore_parallel>], iteration_bounds = array<i64: 2, 16>, scalar_prefetch = 0 : i64, scratch_operands = 7 : i64, tpu.core_type = #tpu.core_type<sc_vector_subcore>, window_params = [{transform_indices = #map}, {transform_indices = #map}, {transform_indices = #map}, {transform_indices = #map}]} {
    %scan3A = arith.constant 0 : i32
    %scan3A_0 = arith.constant 0 : i32
    %scan3A_1 = arith.constant 128 : i32
    %scan3A_2 = arith.addi %scan3A_0, %scan3A_1 : i32
    %scan3A_3 = arith.constant 1 : i32
    %scan3A_4 = scf.for %scan3A_154 = %scan3A_0 to %scan3A_2 step %scan3A_3 iter_args(%scan3A_155 = %scan3A) -> (i32)  : i32 {
      %broadcast_in_dim3A = arith.constant 0.000000e+00 : f32
      %broadcast_in_dim3A_156 = vector.broadcast %broadcast_in_dim3A : f32 to vector<16xf32>
      %swap3A = arith.constant 0 : i32
      %swap3A_157 = arith.index_cast %swap3A : i32 to index
      %swap3A_158 = arith.index_cast %scan3A_154 : i32 to index
      %swap3A_159 = arith.constant 0 : index
      %swap3A_160 = tpu.vector_load %arg8[%swap3A_157, %swap3A_158, %swap3A_159] {strides = array<i32>} : memref<3x128x64xf32, #tpu.memory_space<vmem>>, vector<1x1x16xf32>,
      %swap3A_161 = vector.shape_cast %swap3A_160 : vector<1x1x16xf32> to vector<16xf32>
      %swap3A_162 = vector.shape_cast %broadcast_in_dim3A_156 : vector<16xf32> to vector<1x1x16xf32>
      tpu.vector_store %arg8[%swap3A_157, %swap3A_158, %swap3A_159], %swap3A_162 {strides = array<i32>} : memref<3x128x64xf32, #tpu.memory_space<vmem>>, vector<1x1x16xf32>,
      %broadcast_in_dim3A_163 = arith.constant 0.000000e+00 : f32
      %broadcast_in_dim3A_164 = vector.broadcast %broadcast_in_dim3A_163 : f32 to vector<16xf32>
      %swap3A_165 = arith.constant 0 : i32
      %swap3A_166 = arith.index_cast %swap3A_165 : i32 to index
      %swap3A_167 = arith.index_cast %scan3A_154 : i32 to index
      %swap3A_168 = arith.constant 16 : index
      %swap3A_169 = tpu.vector_load %arg8[%swap3A_166, %swap3A_167, %swap3A_168] {strides = array<i32>} : memref<3x128x64xf32, #tpu.memory_space<vmem>>, vector<1x1x16xf32>,
      %swap3A_170 = vector.shape_cast %swap3A_169 : vector<1x1x16xf32> to vector<16xf32>
      %swap3A_171 = vector.shape_cast %broadcast_in_dim3A_164 : vector<16xf32> to vector<1x1x16xf32>
      tpu.vector_store %arg8[%swap3A_166, %swap3A_167, %swap3A_168], %swap3A_171 {strides = array<i32>} : memref<3x128x64xf32, #tpu.memory_space<vmem>>, vector<1x1x16xf32>,
      %broadcast_in_dim3A_172 = arith.constant 0.000000e+00 : f32
      %broadcast_in_dim3A_173 = vector.broadcast %broadcast_in_dim3A_172 : f32 to vector<16xf32>
      %swap3A_174 = arith.constant 0 : i32
      %swap3A_175 = arith.index_cast %swap3A_174 : i32 to index
      %swap3A_176 = arith.index_cast %scan3A_154 : i32 to index
      %swap3A_177 = arith.constant 32 : index
      %swap3A_178 = tpu.vector_load %arg8[%swap3A_175, %swap3A_176, %swap3A_177] {strides = array<i32>} : memref<3x128x64xf32, #tpu.memory_space<vmem>>, vector<1x1x16xf32>,
      %swap3A_179 = vector.shape_cast %swap3A_178 : vector<1x1x16xf32> to vector<16xf32>
      %swap3A_180 = vector.shape_cast %broadcast_in_dim3A_173 : vector<16xf32> to vector<1x1x16xf32>
      tpu.vector_store %arg8[%swap3A_175, %swap3A_176, %swap3A_177], %swap3A_180 {strides = array<i32>} : memref<3x128x64xf32, #tpu.memory_space<vmem>>, vector<1x1x16xf32>,
      %broadcast_in_dim3A_181 = arith.constant 0.000000e+00 : f32
      %broadcast_in_dim3A_182 = vector.broadcast %broadcast_in_dim3A_181 : f32 to vector<16xf32>
      %swap3A_183 = arith.constant 0 : i32
      %swap3A_184 = arith.index_cast %swap3A_183 : i32 to index
      %swap3A_185 = arith.index_cast %scan3A_154 : i32 to index
      %swap3A_186 = arith.constant 48 : index
      %swap3A_187 = tpu.vector_load %arg8[%swap3A_184, %swap3A_185, %swap3A_186] {strides = array<i32>} : memref<3x128x64xf32, #tpu.memory_space<vmem>>, vector<1x1x16xf32>,
      %swap3A_188 = vector.shape_cast %swap3A_187 : vector<1x1x16xf32> to vector<16xf32>
      %swap3A_189 = vector.shape_cast %broadcast_in_dim3A_182 : vector<16xf32> to vector<1x1x16xf32>
      tpu.vector_store %arg8[%swap3A_184, %swap3A_185, %swap3A_186], %swap3A_189 {strides = array<i32>} : memref<3x128x64xf32, #tpu.memory_space<vmem>>, vector<1x1x16xf32>,
      %scan3A_190 = arith.constant 0 : i32
      scf.yield %scan3A_190 : i32
    }
    %scan3A_5 = arith.constant 128 : i32
    %scan3A_6 = arith.constant 0 : i32
    %scan3A_7 = arith.constant 0 : i32
    %scan3A_8 = arith.constant 12 : i32
    %scan3A_9 = arith.addi %scan3A_7, %scan3A_8 : i32
    %scan3A_10 = arith.constant 1 : i32
    %scan3A_11 = scf.for %scan3A_154 = %scan3A_7 to %scan3A_9 step %scan3A_10 iter_args(%scan3A_155 = %scan3A_6) -> (i32)  : i32 {
      %mul3A_156 = arith.constant 1568 : i32
      %mul3A_157 = arith.muli %arg1, %mul3A_156 : i32
      %mul3A_158 = arith.constant 128 : i32
      %mul3A_159 = arith.muli %scan3A_154, %mul3A_158 : i32
      %add3A_160 = arith.addi %mul3A_157, %mul3A_159 : i32
      %run_scoped3A_161 = arith.constant 0 : i32
      "tpu.region"() ({
        %run_scoped3A_163 = tpu.sem_alloc : memref<!tpu.dma_semaphore, #tpu.memory_space<semaphore_mem>>
        %dma_start3A_164 = arith.constant 0 : i32
        %dma_start3A_165 = arith.constant 0 : i32
        %dma_start3A_166 = tpu.memref_slice %arg8[%run_scoped3A_161, %dma_start3A_164, %dma_start3A_165] : memref<3x128x64xf32, #tpu.memory_space<vmem>> -> memref<1x128x64xf32, #tpu.memory_space<vmem>>
        %dma_start3A_167 = tpu.memref_squeeze %dma_start3A_166 : memref<1x128x64xf32, #tpu.memory_space<vmem>> -> memref<128x64xf32, #tpu.memory_space<vmem>>
        %dma_start3A_168 = arith.constant 0 : i32
        %dma_start3A_169 = tpu.memref_slice %arg9[%add3A_160, %dma_start3A_168] : memref<25088x64xf32, #tpu.memory_space<vmem_shared>> -> memref<128x64xf32, #tpu.memory_space<vmem_shared>>
        %dma_start3A_170 = arith.constant 0 : i32
        %dma_start3A_171 = tpu.memref_slice %arg9[%add3A_160, %dma_start3A_170] : memref<25088x64xf32, #tpu.memory_space<vmem_shared>> -> memref<128x64xf32, #tpu.memory_space<vmem_shared>>
        %dma_start3A_172 = arith.constant 0 : i32
        %dma_start3A_173 = arith.constant 0 : i32
        %dma_start3A_174 = tpu.memref_slice %arg8[%run_scoped3A_161, %dma_start3A_172, %dma_start3A_173] : memref<3x128x64xf32, #tpu.memory_space<vmem>> -> memref<1x128x64xf32, #tpu.memory_space<vmem>>
        %dma_start3A_175 = tpu.memref_squeeze %dma_start3A_174 : memref<1x128x64xf32, #tpu.memory_space<vmem>> -> memref<128x64xf32, #tpu.memory_space<vmem>>
        tpu.enqueue_dma source(%dma_start3A_175 : memref<128x64xf32, #tpu.memory_space<vmem>>) target(%dma_start3A_171 : memref<128x64xf32, #tpu.memory_space<vmem_shared>>) target_semaphore(%run_scoped3A_163 : memref<!tpu.dma_semaphore, #tpu.memory_space<semaphore_mem>>)
        %dma_wait3A_176 = arith.constant 0 : i32
        %dma_wait3A_177 = arith.constant 0 : i32
        %dma_wait3A_178 = tpu.memref_slice %arg8[%run_scoped3A_161, %dma_wait3A_176, %dma_wait3A_177] : memref<3x128x64xf32, #tpu.memory_space<vmem>> -> memref<1x128x64xf32, #tpu.memory_space<vmem>>
        %dma_wait3A_179 = tpu.memref_squeeze %dma_wait3A_178 : memref<1x128x64xf32, #tpu.memory_space<vmem>> -> memref<128x64xf32, #tpu.memory_space<vmem>>
        %dma_wait3A_180 = arith.constant 0 : i32
        %dma_wait3A_181 = tpu.memref_slice %arg9[%add3A_160, %dma_wait3A_180] : memref<25088x64xf32, #tpu.memory_space<vmem_shared>> -> memref<128x64xf32, #tpu.memory_space<vmem_shared>>
        %dma_wait3A_182 = arith.constant 0 : i32
        %dma_wait3A_183 = tpu.memref_slice %arg9[%add3A_160, %dma_wait3A_182] : memref<25088x64xf32, #tpu.memory_space<vmem_shared>> -> memref<128x64xf32, #tpu.memory_space<vmem_shared>>
        %dma_wait3A_184 = arith.constant 0 : i32
        %dma_wait3A_185 = arith.constant 0 : i32
        %dma_wait3A_186 = tpu.memref_slice %arg8[%run_scoped3A_161, %dma_wait3A_184, %dma_wait3A_185] : memref<3x128x64xf32, #tpu.memory_space<vmem>> -> memref<1x128x64xf32, #tpu.memory_space<vmem>>
        %dma_wait3A_187 = tpu.memref_squeeze %dma_wait3A_186 : memref<1x128x64xf32, #tpu.memory_space<vmem>> -> memref<128x64xf32, #tpu.memory_space<vmem>>
        tpu.wait_dma2 semaphore(%run_scoped3A_163 : memref<!tpu.dma_semaphore, #tpu.memory_space<semaphore_mem>>) src(%dma_wait3A_187 : memref<128x64xf32, #tpu.memory_space<vmem>>) dst(%dma_wait3A_183 : memref<128x64xf32, #tpu.memory_space<vmem_shared>>)
        tpu.yield
      }) : () -> ()
      %scan3A_162 = arith.constant 0 : i32
      scf.yield %scan3A_162 : i32
    }
    %scan3A_12 = arith.constant 12 : i32
    %mul3A = arith.constant 1568 : i32
    %mul3A_13 = arith.muli %arg1, %mul3A : i32
    %add3A = arith.constant 1536 : i32
    %add3A_14 = arith.addi %mul3A_13, %add3A : i32
    %run_scoped3A = arith.constant 0 : i32
    "tpu.region"() ({
      %run_scoped3A_154 = tpu.sem_alloc : memref<!tpu.dma_semaphore, #tpu.memory_space<semaphore_mem>>
      %dma_start3A_155 = arith.constant 0 : i32
      %dma_start3A_156 = arith.constant 0 : i32
      %dma_start3A_157 = tpu.memref_slice %arg8[%run_scoped3A, %dma_start3A_155, %dma_start3A_156] : memref<3x128x64xf32, #tpu.memory_space<vmem>> -> memref<1x32x64xf32, #tpu.memory_space<vmem>>
      %dma_start3A_158 = tpu.memref_squeeze %dma_start3A_157 : memref<1x32x64xf32, #tpu.memory_space<vmem>> -> memref<32x64xf32, #tpu.memory_space<vmem>>
      %dma_start3A_159 = arith.constant 0 : i32
      %dma_start3A_160 = tpu.memref_slice %arg9[%add3A_14, %dma_start3A_159] : memref<25088x64xf32, #tpu.memory_space<vmem_shared>> -> memref<32x64xf32, #tpu.memory_space<vmem_shared>>
      %dma_start3A_161 = arith.constant 0 : i32
      %dma_start3A_162 = tpu.memref_slice %arg9[%add3A_14, %dma_start3A_161] : memref<25088x64xf32, #tpu.memory_space<vmem_shared>> -> memref<32x64xf32, #tpu.memory_space<vmem_shared>>
      %dma_start3A_163 = arith.constant 0 : i32
      %dma_start3A_164 = arith.constant 0 : i32
      %dma_start3A_165 = tpu.memref_slice %arg8[%run_scoped3A, %dma_start3A_163, %dma_start3A_164] : memref<3x128x64xf32, #tpu.memory_space<vmem>> -> memref<1x32x64xf32, #tpu.memory_space<vmem>>
      %dma_start3A_166 = tpu.memref_squeeze %dma_start3A_165 : memref<1x32x64xf32, #tpu.memory_space<vmem>> -> memref<32x64xf32, #tpu.memory_space<vmem>>
      tpu.enqueue_dma source(%dma_start3A_166 : memref<32x64xf32, #tpu.memory_space<vmem>>) target(%dma_start3A_162 : memref<32x64xf32, #tpu.memory_space<vmem_shared>>) target_semaphore(%run_scoped3A_154 : memref<!tpu.dma_semaphore, #tpu.memory_space<semaphore_mem>>)
      %dma_wait3A_167 = arith.constant 0 : i32
      %dma_wait3A_168 = arith.constant 0 : i32
      %dma_wait3A_169 = tpu.memref_slice %arg8[%run_scoped3A, %dma_wait3A_167, %dma_wait3A_168] : memref<3x128x64xf32, #tpu.memory_space<vmem>> -> memref<1x32x64xf32, #tpu.memory_space<vmem>>
      %dma_wait3A_170 = tpu.memref_squeeze %dma_wait3A_169 : memref<1x32x64xf32, #tpu.memory_space<vmem>> -> memref<32x64xf32, #tpu.memory_space<vmem>>
      %dma_wait3A_171 = arith.constant 0 : i32
      %dma_wait3A_172 = tpu.memref_slice %arg9[%add3A_14, %dma_wait3A_171] : memref<25088x64xf32, #tpu.memory_space<vmem_shared>> -> memref<32x64xf32, #tpu.memory_space<vmem_shared>>
      %dma_wait3A_173 = arith.constant 0 : i32
      %dma_wait3A_174 = tpu.memref_slice %arg9[%add3A_14, %dma_wait3A_173] : memref<25088x64xf32, #tpu.memory_space<vmem_shared>> -> memref<32x64xf32, #tpu.memory_space<vmem_shared>>
      %dma_wait3A_175 = arith.constant 0 : i32
      %dma_wait3A_176 = arith.constant 0 : i32
      %dma_wait3A_177 = tpu.memref_slice %arg8[%run_scoped3A, %dma_wait3A_175, %dma_wait3A_176] : memref<3x128x64xf32, #tpu.memory_space<vmem>> -> memref<1x32x64xf32, #tpu.memory_space<vmem>>
      %dma_wait3A_178 = tpu.memref_squeeze %dma_wait3A_177 : memref<1x32x64xf32, #tpu.memory_space<vmem>> -> memref<32x64xf32, #tpu.memory_space<vmem>>
      tpu.wait_dma2 semaphore(%run_scoped3A_154 : memref<!tpu.dma_semaphore, #tpu.memory_space<semaphore_mem>>) src(%dma_wait3A_178 : memref<32x64xf32, #tpu.memory_space<vmem>>) dst(%dma_wait3A_174 : memref<32x64xf32, #tpu.memory_space<vmem_shared>>)
      tpu.yield
    }) : () -> ()
    %barrier3A = arith.constant 0 : index
    tpu.barrier barrier_id(%barrier3A)
    %sub3A = arith.constant 1 : i32
    %sub3A_15 = arith.subi %sub3A, %arg0 : i32
    %mul3A_16 = arith.constant 3125 : i32
    %mul3A_17 = arith.muli %sub3A_15, %mul3A_16 : i32
    %mul3A_18 = arith.constant 195 : i32
    %mul3A_19 = arith.muli %arg1, %mul3A_18 : i32
    %add3A_20 = arith.addi %mul3A_17, %mul3A_19 : i32
    %min3A = arith.constant 5 : i32
    %min3A_21 = arith.minsi %arg1, %min3A : i32
    %add3A_22 = arith.addi %add3A_20, %min3A_21 : i32
    %lt3A = arith.constant 5 : i32
    %lt3A_23 = arith.cmpi slt, %arg1, %lt3A : i32
    %jit3A = arith.constant 1 : i32
    %jit3A_24 = arith.constant 0 : i32
    %select_n3A = arith.select %lt3A_23, %jit3A, %jit3A_24 : i32
    %add3A_25 = arith.constant 195 : i32
    %add3A_26 = arith.addi %add3A_25, %select_n3A : i32
    %add3A_27 = arith.constant 0 : i32
    %add3A_28 = arith.addi %add3A_22, %add3A_27 : i32
    %dma_start3A = arith.constant 0 : i32
    %dma_start3A_29 = arith.constant 0 : i32
    %dma_start3A_30 = tpu.memref_slice %arg6[%dma_start3A, %dma_start3A_29] : memref<4x128xi32, #tpu.memory_space<vmem>> -> memref<1x128xi32, #tpu.memory_space<vmem>>
    %dma_start3A_31 = tpu.memref_squeeze %dma_start3A_30 : memref<1x128xi32, #tpu.memory_space<vmem>> -> memref<128xi32, #tpu.memory_space<vmem>>
    %dma_start3A_32 = arith.constant 0 : i32
    %dma_start3A_33 = tpu.memref_slice %arg3[%add3A_28, %dma_start3A_32] : memref<6250x128xi32, #tpu.memory_space<hbm>> -> memref<1x128xi32, #tpu.memory_space<hbm>>
    %dma_start3A_34 = tpu.memref_squeeze %dma_start3A_33 : memref<1x128xi32, #tpu.memory_space<hbm>> -> memref<128xi32, #tpu.memory_space<hbm>>
    %dma_start3A_35 = arith.constant 0 : i32
    %dma_start3A_36 = tpu.memref_slice %arg6[%dma_start3A, %dma_start3A_35] : memref<4x128xi32, #tpu.memory_space<vmem>> -> memref<1x128xi32, #tpu.memory_space<vmem>>
    %dma_start3A_37 = tpu.memref_squeeze %dma_start3A_36 : memref<1x128xi32, #tpu.memory_space<vmem>> -> memref<128xi32, #tpu.memory_space<vmem>>
    %dma_start3A_38 = arith.constant 0 : i32
    %dma_start3A_39 = tpu.memref_slice %arg3[%add3A_28, %dma_start3A_38] : memref<6250x128xi32, #tpu.memory_space<hbm>> -> memref<1x128xi32, #tpu.memory_space<hbm>>
    %dma_start3A_40 = tpu.memref_squeeze %dma_start3A_39 : memref<1x128xi32, #tpu.memory_space<hbm>> -> memref<128xi32, #tpu.memory_space<hbm>>
    tpu.enqueue_dma source(%dma_start3A_40 : memref<128xi32, #tpu.memory_space<hbm>>) target(%dma_start3A_37 : memref<128xi32, #tpu.memory_space<vmem>>) target_semaphore(%arg10 : memref<!tpu.dma_semaphore, #tpu.memory_space<semaphore_mem>>)
    %add3A_41 = arith.constant 0 : i32
    %add3A_42 = arith.addi %add3A_22, %add3A_41 : i32
    %dma_start3A_43 = arith.constant 0 : i32
    %dma_start3A_44 = arith.constant 0 : i32
    %dma_start3A_45 = tpu.memref_slice %arg7[%dma_start3A_43, %dma_start3A_44] : memref<4x128xi32, #tpu.memory_space<vmem>> -> memref<1x128xi32, #tpu.memory_space<vmem>>
    %dma_start3A_46 = tpu.memref_squeeze %dma_start3A_45 : memref<1x128xi32, #tpu.memory_space<vmem>> -> memref<128xi32, #tpu.memory_space<vmem>>
    %dma_start3A_47 = arith.constant 0 : i32
    %dma_start3A_48 = tpu.memref_slice %arg4[%add3A_42, %dma_start3A_47] : memref<6250x128xi32, #tpu.memory_space<hbm>> -> memref<1x128xi32, #tpu.memory_space<hbm>>
    %dma_start3A_49 = tpu.memref_squeeze %dma_start3A_48 : memref<1x128xi32, #tpu.memory_space<hbm>> -> memref<128xi32, #tpu.memory_space<hbm>>
    %dma_start3A_50 = arith.constant 0 : i32
    %dma_start3A_51 = tpu.memref_slice %arg7[%dma_start3A_43, %dma_start3A_50] : memref<4x128xi32, #tpu.memory_space<vmem>> -> memref<1x128xi32, #tpu.memory_space<vmem>>
    %dma_start3A_52 = tpu.memref_squeeze %dma_start3A_51 : memref<1x128xi32, #tpu.memory_space<vmem>> -> memref<128xi32, #tpu.memory_space<vmem>>
    %dma_start3A_53 = arith.constant 0 : i32
    %dma_start3A_54 = tpu.memref_slice %arg4[%add3A_42, %dma_start3A_53] : memref<6250x128xi32, #tpu.memory_space<hbm>> -> memref<1x128xi32, #tpu.memory_space<hbm>>
    %dma_start3A_55 = tpu.memref_squeeze %dma_start3A_54 : memref<1x128xi32, #tpu.memory_space<hbm>> -> memref<128xi32, #tpu.memory_space<hbm>>
    tpu.enqueue_dma source(%dma_start3A_55 : memref<128xi32, #tpu.memory_space<hbm>>) target(%dma_start3A_52 : memref<128xi32, #tpu.memory_space<vmem>>) target_semaphore(%arg10 : memref<!tpu.dma_semaphore, #tpu.memory_space<semaphore_mem>>)
    %add3A_56 = arith.constant 1 : i32
    %add3A_57 = arith.addi %add3A_22, %add3A_56 : i32
    %dma_start3A_58 = arith.constant 1 : i32
    %dma_start3A_59 = arith.constant 0 : i32
    %dma_start3A_60 = tpu.memref_slice %arg6[%dma_start3A_58, %dma_start3A_59] : memref<4x128xi32, #tpu.memory_space<vmem>> -> memref<1x128xi32, #tpu.memory_space<vmem>>
    %dma_start3A_61 = tpu.memref_squeeze %dma_start3A_60 : memref<1x128xi32, #tpu.memory_space<vmem>> -> memref<128xi32, #tpu.memory_space<vmem>>
    %dma_start3A_62 = arith.constant 0 : i32
    %dma_start3A_63 = tpu.memref_slice %arg3[%add3A_57, %dma_start3A_62] : memref<6250x128xi32, #tpu.memory_space<hbm>> -> memref<1x128xi32, #tpu.memory_space<hbm>>
    %dma_start3A_64 = tpu.memref_squeeze %dma_start3A_63 : memref<1x128xi32, #tpu.memory_space<hbm>> -> memref<128xi32, #tpu.memory_space<hbm>>
    %dma_start3A_65 = arith.constant 0 : i32
    %dma_start3A_66 = tpu.memref_slice %arg6[%dma_start3A_58, %dma_start3A_65] : memref<4x128xi32, #tpu.memory_space<vmem>> -> memref<1x128xi32, #tpu.memory_space<vmem>>
    %dma_start3A_67 = tpu.memref_squeeze %dma_start3A_66 : memref<1x128xi32, #tpu.memory_space<vmem>> -> memref<128xi32, #tpu.memory_space<vmem>>
    %dma_start3A_68 = arith.constant 0 : i32
    %dma_start3A_69 = tpu.memref_slice %arg3[%add3A_57, %dma_start3A_68] : memref<6250x128xi32, #tpu.memory_space<hbm>> -> memref<1x128xi32, #tpu.memory_space<hbm>>
    %dma_start3A_70 = tpu.memref_squeeze %dma_start3A_69 : memref<1x128xi32, #tpu.memory_space<hbm>> -> memref<128xi32, #tpu.memory_space<hbm>>
    tpu.enqueue_dma source(%dma_start3A_70 : memref<128xi32, #tpu.memory_space<hbm>>) target(%dma_start3A_67 : memref<128xi32, #tpu.memory_space<vmem>>) target_semaphore(%arg10 : memref<!tpu.dma_semaphore, #tpu.memory_space<semaphore_mem>>)
    %add3A_71 = arith.constant 1 : i32
    %add3A_72 = arith.addi %add3A_22, %add3A_71 : i32
    %dma_start3A_73 = arith.constant 1 : i32
    %dma_start3A_74 = arith.constant 0 : i32
    %dma_start3A_75 = tpu.memref_slice %arg7[%dma_start3A_73, %dma_start3A_74] : memref<4x128xi32, #tpu.memory_space<vmem>> -> memref<1x128xi32, #tpu.memory_space<vmem>>
    %dma_start3A_76 = tpu.memref_squeeze %dma_start3A_75 : memref<1x128xi32, #tpu.memory_space<vmem>> -> memref<128xi32, #tpu.memory_space<vmem>>
    %dma_start3A_77 = arith.constant 0 : i32
    %dma_start3A_78 = tpu.memref_slice %arg4[%add3A_72, %dma_start3A_77] : memref<6250x128xi32, #tpu.memory_space<hbm>> -> memref<1x128xi32, #tpu.memory_space<hbm>>
    %dma_start3A_79 = tpu.memref_squeeze %dma_start3A_78 : memref<1x128xi32, #tpu.memory_space<hbm>> -> memref<128xi32, #tpu.memory_space<hbm>>
    %dma_start3A_80 = arith.constant 0 : i32
    %dma_start3A_81 = tpu.memref_slice %arg7[%dma_start3A_73, %dma_start3A_80] : memref<4x128xi32, #tpu.memory_space<vmem>> -> memref<1x128xi32, #tpu.memory_space<vmem>>
    %dma_start3A_82 = tpu.memref_squeeze %dma_start3A_81 : memref<1x128xi32, #tpu.memory_space<vmem>> -> memref<128xi32, #tpu.memory_space<vmem>>
    %dma_start3A_83 = arith.constant 0 : i32
    %dma_start3A_84 = tpu.memref_slice %arg4[%add3A_72, %dma_start3A_83] : memref<6250x128xi32, #tpu.memory_space<hbm>> -> memref<1x128xi32, #tpu.memory_space<hbm>>
    %dma_start3A_85 = tpu.memref_squeeze %dma_start3A_84 : memref<1x128xi32, #tpu.memory_space<hbm>> -> memref<128xi32, #tpu.memory_space<hbm>>
    tpu.enqueue_dma source(%dma_start3A_85 : memref<128xi32, #tpu.memory_space<hbm>>) target(%dma_start3A_82 : memref<128xi32, #tpu.memory_space<vmem>>) target_semaphore(%arg10 : memref<!tpu.dma_semaphore, #tpu.memory_space<semaphore_mem>>)
    %dma_wait3A = arith.constant 0 : i32
    %dma_wait3A_86 = arith.constant 0 : i32
    %dma_wait3A_87 = tpu.memref_slice %arg6[%dma_wait3A, %dma_wait3A_86] : memref<4x128xi32, #tpu.memory_space<vmem>> -> memref<1x128xi32, #tpu.memory_space<vmem>>
    %dma_wait3A_88 = tpu.memref_squeeze %dma_wait3A_87 : memref<1x128xi32, #tpu.memory_space<vmem>> -> memref<128xi32, #tpu.memory_space<vmem>>
    %dma_wait3A_89 = arith.constant 0 : i32
    %dma_wait3A_90 = tpu.memref_slice %arg3[%add3A_22, %dma_wait3A_89] : memref<6250x128xi32, #tpu.memory_space<hbm>> -> memref<1x128xi32, #tpu.memory_space<hbm>>
    %dma_wait3A_91 = tpu.memref_squeeze %dma_wait3A_90 : memref<1x128xi32, #tpu.memory_space<hbm>> -> memref<128xi32, #tpu.memory_space<hbm>>
    %dma_wait3A_92 = arith.constant 0 : i32
    %dma_wait3A_93 = tpu.memref_slice %arg6[%dma_wait3A, %dma_wait3A_92] : memref<4x128xi32, #tpu.memory_space<vmem>> -> memref<1x128xi32, #tpu.memory_space<vmem>>
    %dma_wait3A_94 = tpu.memref_squeeze %dma_wait3A_93 : memref<1x128xi32, #tpu.memory_space<vmem>> -> memref<128xi32, #tpu.memory_space<vmem>>
    %dma_wait3A_95 = arith.constant 0 : i32
    %dma_wait3A_96 = tpu.memref_slice %arg3[%add3A_22, %dma_wait3A_95] : memref<6250x128xi32, #tpu.memory_space<hbm>> -> memref<1x128xi32, #tpu.memory_space<hbm>>
    %dma_wait3A_97 = tpu.memref_squeeze %dma_wait3A_96 : memref<1x128xi32, #tpu.memory_space<hbm>> -> memref<128xi32, #tpu.memory_space<hbm>>
    tpu.wait_dma2 semaphore(%arg10 : memref<!tpu.dma_semaphore, #tpu.memory_space<semaphore_mem>>) src(%dma_wait3A_97 : memref<128xi32, #tpu.memory_space<hbm>>) dst(%dma_wait3A_94 : memref<128xi32, #tpu.memory_space<vmem>>)
    %dma_wait3A_98 = arith.constant 0 : i32
    %dma_wait3A_99 = arith.constant 0 : i32
    %dma_wait3A_100 = tpu.memref_slice %arg7[%dma_wait3A_98, %dma_wait3A_99] : memref<4x128xi32, #tpu.memory_space<vmem>> -> memref<1x128xi32, #tpu.memory_space<vmem>>
    %dma_wait3A_101 = tpu.memref_squeeze %dma_wait3A_100 : memref<1x128xi32, #tpu.memory_space<vmem>> -> memref<128xi32, #tpu.memory_space<vmem>>
    %dma_wait3A_102 = arith.constant 0 : i32
    %dma_wait3A_103 = tpu.memref_slice %arg4[%add3A_22, %dma_wait3A_102] : memref<6250x128xi32, #tpu.memory_space<hbm>> -> memref<1x128xi32, #tpu.memory_space<hbm>>
    %dma_wait3A_104 = tpu.memref_squeeze %dma_wait3A_103 : memref<1x128xi32, #tpu.memory_space<hbm>> -> memref<128xi32, #tpu.memory_space<hbm>>
    %dma_wait3A_105 = arith.constant 0 : i32
    %dma_wait3A_106 = tpu.memref_slice %arg7[%dma_wait3A_98, %dma_wait3A_105] : memref<4x128xi32, #tpu.memory_space<vmem>> -> memref<1x128xi32, #tpu.memory_space<vmem>>
    %dma_wait3A_107 = tpu.memref_squeeze %dma_wait3A_106 : memref<1x128xi32, #tpu.memory_space<vmem>> -> memref<128xi32, #tpu.memory_space<vmem>>
    %dma_wait3A_108 = arith.constant 0 : i32
    %dma_wait3A_109 = tpu.memref_slice %arg4[%add3A_22, %dma_wait3A_108] : memref<6250x128xi32, #tpu.memory_space<hbm>> -> memref<1x128xi32, #tpu.memory_space<hbm>>
    %dma_wait3A_110 = tpu.memref_squeeze %dma_wait3A_109 : memref<1x128xi32, #tpu.memory_space<hbm>> -> memref<128xi32, #tpu.memory_space<hbm>>
    tpu.wait_dma2 semaphore(%arg10 : memref<!tpu.dma_semaphore, #tpu.memory_space<semaphore_mem>>) src(%dma_wait3A_110 : memref<128xi32, #tpu.memory_space<hbm>>) dst(%dma_wait3A_107 : memref<128xi32, #tpu.memory_space<vmem>>)
    %dma_start3A_111 = arith.constant 0 : i32
    %dma_start3A_112 = arith.constant 0 : i32
    %dma_start3A_113 = arith.constant 0 : i32
    %dma_start3A_114 = arith.constant 0 : i32
    %dma_start3A_115 = tpu.memref_slice %arg8[%dma_start3A_112, %dma_start3A_113, %dma_start3A_114] : memref<3x128x64xf32, #tpu.memory_space<vmem>> -> memref<1x128x64xf32, #tpu.memory_space<vmem>>
    %dma_start3A_116 = tpu.memref_squeeze %dma_start3A_115 : memref<1x128x64xf32, #tpu.memory_space<vmem>> -> memref<128x64xf32, #tpu.memory_space<vmem>>
    %dma_start3A_117 = arith.constant 0 : i32
    %dma_start3A_118 = tpu.memref_slice %arg6[%dma_start3A_111, %dma_start3A_117] : memref<4x128xi32, #tpu.memory_space<vmem>> -> memref<1x128xi32, #tpu.memory_space<vmem>>
    %dma_start3A_119 = tpu.memref_squeeze %dma_start3A_118 : memref<1x128xi32, #tpu.memory_space<vmem>> -> memref<128xi32, #tpu.memory_space<vmem>>
    %dma_start3A_120 = arith.constant 0 : i32
    %dma_start3A_121 = arith.constant 0 : i32
    %dma_start3A_122 = tpu.memref_slice %arg2[%dma_start3A_120, %dma_start3A_121] : memref<50000x64xf32, #tpu.memory_space<hbm>> -> memref<50000x64xf32, #tpu.memory_space<hbm>>
    tpu.enqueue_indirect_dma source(%dma_start3A_122 : memref<50000x64xf32, #tpu.memory_space<hbm>>) target(%dma_start3A_116 : memref<128x64xf32, #tpu.memory_space<vmem>>) offsets(%dma_start3A_119 : memref<128xi32, #tpu.memory_space<vmem>>) semaphore(%arg11 : memref<!tpu.dma_semaphore, #tpu.memory_space<semaphore_mem>>)
    %while3A = arith.constant 0 : i32
    %while3A_123 = arith.constant 0 : i32
    %while3A_124 = arith.subi %add3A_26, %while3A : i32
    %while3A_125 = arith.addi %while3A, %while3A_124 : i32
    %while3A_126 = arith.constant 1 : i32
    %while3A_127 = arith.divsi %while3A_124, %while3A_126 : i32
    %while3A_128 = arith.muli %while3A_127, %while3A_126 : i32
    %while3A_129 = arith.addi %while3A, %while3A_128 : i32
    %while3A_130 = arith.constant 1 : i32
    %while3A_131 = scf.for %while3A_154 = %while3A to %while3A_129 step %while3A_130 iter_args(%while3A_155 = %while3A_123) -> (i32)  : i32 {
      %ge3A = arith.constant 2 : i32
      %ge3A_156 = arith.cmpi sge, %while3A_154, %ge3A : i32
      %convert_element_type3A_157 = arith.extui %ge3A_156 : i1 to i32
      %cond3A_158 = arith.constant 0 : i32
      %cond3A_159 = arith.cmpi ne, %convert_element_type3A_157, %cond3A_158 : i32
      scf.if %cond3A_159 {
        %dma_wait3A_224 = arith.constant 0 : i32
        %dma_wait3A_225 = arith.constant 0 : i32
        %dma_wait3A_226 = arith.constant 0 : i32
        %dma_wait3A_227 = tpu.memref_slice %arg8[%dma_wait3A_224, %dma_wait3A_225, %dma_wait3A_226] : memref<3x128x64xf32, #tpu.memory_space<vmem>> -> memref<1x128x64xf32, #tpu.memory_space<vmem>>
        %dma_wait3A_228 = tpu.memref_squeeze %dma_wait3A_227 : memref<1x128x64xf32, #tpu.memory_space<vmem>> -> memref<128x64xf32, #tpu.memory_space<vmem>>
        %dma_wait3A_229 = arith.constant 0 : i32
        %dma_wait3A_230 = arith.constant 0 : i32
        %dma_wait3A_231 = tpu.memref_slice %arg2[%dma_wait3A_229, %dma_wait3A_230] : memref<50000x64xf32, #tpu.memory_space<hbm>> -> memref<128x64xf32, #tpu.memory_space<hbm>>
        %dma_wait3A_232 = arith.constant 0 : i32
        %dma_wait3A_233 = arith.constant 0 : i32
        %dma_wait3A_234 = tpu.memref_slice %arg8[%dma_wait3A_224, %dma_wait3A_232, %dma_wait3A_233] : memref<3x128x64xf32, #tpu.memory_space<vmem>> -> memref<1x128x64xf32, #tpu.memory_space<vmem>>
        %dma_wait3A_235 = tpu.memref_squeeze %dma_wait3A_234 : memref<1x128x64xf32, #tpu.memory_space<vmem>> -> memref<128x64xf32, #tpu.memory_space<vmem>>
        %dma_wait3A_236 = arith.constant 0 : i32
        %dma_wait3A_237 = arith.constant 0 : i32
        %dma_wait3A_238 = tpu.memref_slice %arg2[%dma_wait3A_236, %dma_wait3A_237] : memref<50000x64xf32, #tpu.memory_space<hbm>> -> memref<128x64xf32, #tpu.memory_space<hbm>>
        tpu.wait_dma2 semaphore(%arg12 : memref<!tpu.dma_semaphore, #tpu.memory_space<semaphore_mem>>) src(%dma_wait3A_238 : memref<128x64xf32, #tpu.memory_space<hbm>>) dst(%dma_wait3A_235 : memref<128x64xf32, #tpu.memory_space<vmem>>)
      } else {
      }
      %add3A_160 = arith.constant 2 : i32
      %add3A_161 = arith.addi %while3A_154, %add3A_160 : i32
      %lt3A_162 = arith.cmpi slt, %add3A_161, %add3A_26 : i32
      %convert_element_type3A_163 = arith.extui %lt3A_162 : i1 to i32
      %cond3A_164 = arith.constant 0 : i32
      %cond3A_165 = arith.cmpi ne, %convert_element_type3A_163, %cond3A_164 : i32
      scf.if %cond3A_165 {
        %add3A_224 = arith.constant 2 : i32
        %add3A_225 = arith.addi %while3A_154, %add3A_224 : i32
        %add3A_226 = arith.addi %add3A_22, %add3A_225 : i32
        %jit3A_227 = arith.constant 4 : i32
        %eq3A_228 = arith.constant 0 : i32
        %eq3A_229 = arith.cmpi eq, %jit3A_227, %eq3A_228 : i32
        %jit3A_230 = arith.constant 1 : i32
        %select_n3A_231 = arith.select %eq3A_229, %jit3A_230, %jit3A_227 : i32
        %rem3A_232 = arith.remsi %add3A_225, %select_n3A_231 : i32
        %ne3A_233 = arith.constant 0 : i32
        %ne3A_234 = arith.cmpi ne, %rem3A_232, %ne3A_233 : i32
        %lt3A_235 = arith.constant 0 : i32
        %lt3A_236 = arith.cmpi slt, %rem3A_232, %lt3A_235 : i32
        %lt3A_237 = arith.constant 0 : i32
        %lt3A_238 = arith.cmpi slt, %select_n3A_231, %lt3A_237 : i32
        %ne3A_239 = arith.xori %lt3A_236, %lt3A_238 : i1
        %and3A_240 = arith.andi %ne3A_239, %ne3A_234 : i1
        %add3A_241 = arith.addi %rem3A_232, %select_n3A_231 : i32
        %select_n3A_242 = arith.select %and3A_240, %add3A_241, %rem3A_232 : i32
        %dma_start3A_243 = arith.constant 0 : i32
        %dma_start3A_244 = tpu.memref_slice %arg6[%select_n3A_242, %dma_start3A_243] : memref<4x128xi32, #tpu.memory_space<vmem>> -> memref<1x128xi32, #tpu.memory_space<vmem>>
        %dma_start3A_245 = tpu.memref_squeeze %dma_start3A_244 : memref<1x128xi32, #tpu.memory_space<vmem>> -> memref<128xi32, #tpu.memory_space<vmem>>
        %dma_start3A_246 = arith.constant 0 : i32
        %dma_start3A_247 = tpu.memref_slice %arg3[%add3A_226, %dma_start3A_246] : memref<6250x128xi32, #tpu.memory_space<hbm>> -> memref<1x128xi32, #tpu.memory_space<hbm>>
        %dma_start3A_248 = tpu.memref_squeeze %dma_start3A_247 : memref<1x128xi32, #tpu.memory_space<hbm>> -> memref<128xi32, #tpu.memory_space<hbm>>
        %dma_start3A_249 = arith.constant 0 : i32
        %dma_start3A_250 = tpu.memref_slice %arg6[%select_n3A_242, %dma_start3A_249] : memref<4x128xi32, #tpu.memory_space<vmem>> -> memref<1x128xi32, #tpu.memory_space<vmem>>
        %dma_start3A_251 = tpu.memref_squeeze %dma_start3A_250 : memref<1x128xi32, #tpu.memory_space<vmem>> -> memref<128xi32, #tpu.memory_space<vmem>>
        %dma_start3A_252 = arith.constant 0 : i32
        %dma_start3A_253 = tpu.memref_slice %arg3[%add3A_226, %dma_start3A_252] : memref<6250x128xi32, #tpu.memory_space<hbm>> -> memref<1x128xi32, #tpu.memory_space<hbm>>
        %dma_start3A_254 = tpu.memref_squeeze %dma_start3A_253 : memref<1x128xi32, #tpu.memory_space<hbm>> -> memref<128xi32, #tpu.memory_space<hbm>>
        tpu.enqueue_dma source(%dma_start3A_254 : memref<128xi32, #tpu.memory_space<hbm>>) target(%dma_start3A_251 : memref<128xi32, #tpu.memory_space<vmem>>) target_semaphore(%arg10 : memref<!tpu.dma_semaphore, #tpu.memory_space<semaphore_mem>>)
        %add3A_255 = arith.addi %add3A_22, %add3A_225 : i32
        %jit3A_256 = arith.constant 4 : i32
        %eq3A_257 = arith.constant 0 : i32
        %eq3A_258 = arith.cmpi eq, %jit3A_256, %eq3A_257 : i32
        %jit3A_259 = arith.constant 1 : i32
        %select_n3A_260 = arith.select %eq3A_258, %jit3A_259, %jit3A_256 : i32
        %rem3A_261 = arith.remsi %add3A_225, %select_n3A_260 : i32
        %ne3A_262 = arith.constant 0 : i32
        %ne3A_263 = arith.cmpi ne, %rem3A_261, %ne3A_262 : i32
        %lt3A_264 = arith.constant 0 : i32
        %lt3A_265 = arith.cmpi slt, %rem3A_261, %lt3A_264 : i32
        %lt3A_266 = arith.constant 0 : i32
        %lt3A_267 = arith.cmpi slt, %select_n3A_260, %lt3A_266 : i32
        %ne3A_268 = arith.xori %lt3A_265, %lt3A_267 : i1
        %and3A_269 = arith.andi %ne3A_268, %ne3A_263 : i1
        %add3A_270 = arith.addi %rem3A_261, %select_n3A_260 : i32
        %select_n3A_271 = arith.select %and3A_269, %add3A_270, %rem3A_261 : i32
        %dma_start3A_272 = arith.constant 0 : i32
        %dma_start3A_273 = tpu.memref_slice %arg7[%select_n3A_271, %dma_start3A_272] : memref<4x128xi32, #tpu.memory_space<vmem>> -> memref<1x128xi32, #tpu.memory_space<vmem>>
        %dma_start3A_274 = tpu.memref_squeeze %dma_start3A_273 : memref<1x128xi32, #tpu.memory_space<vmem>> -> memref<128xi32, #tpu.memory_space<vmem>>
        %dma_start3A_275 = arith.constant 0 : i32
        %dma_start3A_276 = tpu.memref_slice %arg4[%add3A_255, %dma_start3A_275] : memref<6250x128xi32, #tpu.memory_space<hbm>> -> memref<1x128xi32, #tpu.memory_space<hbm>>
        %dma_start3A_277 = tpu.memref_squeeze %dma_start3A_276 : memref<1x128xi32, #tpu.memory_space<hbm>> -> memref<128xi32, #tpu.memory_space<hbm>>
        %dma_start3A_278 = arith.constant 0 : i32
        %dma_start3A_279 = tpu.memref_slice %arg7[%select_n3A_271, %dma_start3A_278] : memref<4x128xi32, #tpu.memory_space<vmem>> -> memref<1x128xi32, #tpu.memory_space<vmem>>
        %dma_start3A_280 = tpu.memref_squeeze %dma_start3A_279 : memref<1x128xi32, #tpu.memory_space<vmem>> -> memref<128xi32, #tpu.memory_space<vmem>>
        %dma_start3A_281 = arith.constant 0 : i32
        %dma_start3A_282 = tpu.memref_slice %arg4[%add3A_255, %dma_start3A_281] : memref<6250x128xi32, #tpu.memory_space<hbm>> -> memref<1x128xi32, #tpu.memory_space<hbm>>
        %dma_start3A_283 = tpu.memref_squeeze %dma_start3A_282 : memref<1x128xi32, #tpu.memory_space<hbm>> -> memref<128xi32, #tpu.memory_space<hbm>>
        tpu.enqueue_dma source(%dma_start3A_283 : memref<128xi32, #tpu.memory_space<hbm>>) target(%dma_start3A_280 : memref<128xi32, #tpu.memory_space<vmem>>) target_semaphore(%arg10 : memref<!tpu.dma_semaphore, #tpu.memory_space<semaphore_mem>>)
      } else {
      }
      %add3A_166 = arith.constant 1 : i32
      %add3A_167 = arith.addi %while3A_154, %add3A_166 : i32
      %lt3A_168 = arith.cmpi slt, %add3A_167, %add3A_26 : i32
      %convert_element_type3A_169 = arith.extui %lt3A_168 : i1 to i32
      %cond3A_170 = arith.constant 0 : i32
      %cond3A_171 = arith.cmpi ne, %convert_element_type3A_169, %cond3A_170 : i32
      scf.if %cond3A_171 {
        %dma_wait3A_224 = arith.constant 0 : i32
        %dma_wait3A_225 = arith.constant 0 : i32
        %dma_wait3A_226 = tpu.memref_slice %arg6[%dma_wait3A_224, %dma_wait3A_225] : memref<4x128xi32, #tpu.memory_space<vmem>> -> memref<1x128xi32, #tpu.memory_space<vmem>>
        %dma_wait3A_227 = tpu.memref_squeeze %dma_wait3A_226 : memref<1x128xi32, #tpu.memory_space<vmem>> -> memref<128xi32, #tpu.memory_space<vmem>>
        %dma_wait3A_228 = arith.constant 0 : i32
        %dma_wait3A_229 = tpu.memref_slice %arg3[%add3A_22, %dma_wait3A_228] : memref<6250x128xi32, #tpu.memory_space<hbm>> -> memref<1x128xi32, #tpu.memory_space<hbm>>
        %dma_wait3A_230 = tpu.memref_squeeze %dma_wait3A_229 : memref<1x128xi32, #tpu.memory_space<hbm>> -> memref<128xi32, #tpu.memory_space<hbm>>
        %dma_wait3A_231 = arith.constant 0 : i32
        %dma_wait3A_232 = tpu.memref_slice %arg6[%dma_wait3A_224, %dma_wait3A_231] : memref<4x128xi32, #tpu.memory_space<vmem>> -> memref<1x128xi32, #tpu.memory_space<vmem>>
        %dma_wait3A_233 = tpu.memref_squeeze %dma_wait3A_232 : memref<1x128xi32, #tpu.memory_space<vmem>> -> memref<128xi32, #tpu.memory_space<vmem>>
        %dma_wait3A_234 = arith.constant 0 : i32
        %dma_wait3A_235 = tpu.memref_slice %arg3[%add3A_22, %dma_wait3A_234] : memref<6250x128xi32, #tpu.memory_space<hbm>> -> memref<1x128xi32, #tpu.memory_space<hbm>>
        %dma_wait3A_236 = tpu.memref_squeeze %dma_wait3A_235 : memref<1x128xi32, #tpu.memory_space<hbm>> -> memref<128xi32, #tpu.memory_space<hbm>>
        tpu.wait_dma2 semaphore(%arg10 : memref<!tpu.dma_semaphore, #tpu.memory_space<semaphore_mem>>) src(%dma_wait3A_236 : memref<128xi32, #tpu.memory_space<hbm>>) dst(%dma_wait3A_233 : memref<128xi32, #tpu.memory_space<vmem>>)
        %dma_wait3A_237 = arith.constant 0 : i32
        %dma_wait3A_238 = arith.constant 0 : i32
        %dma_wait3A_239 = tpu.memref_slice %arg7[%dma_wait3A_237, %dma_wait3A_238] : memref<4x128xi32, #tpu.memory_space<vmem>> -> memref<1x128xi32, #tpu.memory_space<vmem>>
        %dma_wait3A_240 = tpu.memref_squeeze %dma_wait3A_239 : memref<1x128xi32, #tpu.memory_space<vmem>> -> memref<128xi32, #tpu.memory_space<vmem>>
        %dma_wait3A_241 = arith.constant 0 : i32
        %dma_wait3A_242 = tpu.memref_slice %arg4[%add3A_22, %dma_wait3A_241] : memref<6250x128xi32, #tpu.memory_space<hbm>> -> memref<1x128xi32, #tpu.memory_space<hbm>>
        %dma_wait3A_243 = tpu.memref_squeeze %dma_wait3A_242 : memref<1x128xi32, #tpu.memory_space<hbm>> -> memref<128xi32, #tpu.memory_space<hbm>>
        %dma_wait3A_244 = arith.constant 0 : i32
        %dma_wait3A_245 = tpu.memref_slice %arg7[%dma_wait3A_237, %dma_wait3A_244] : memref<4x128xi32, #tpu.memory_space<vmem>> -> memref<1x128xi32, #tpu.memory_space<vmem>>
        %dma_wait3A_246 = tpu.memref_squeeze %dma_wait3A_245 : memref<1x128xi32, #tpu.memory_space<vmem>> -> memref<128xi32, #tpu.memory_space<vmem>>
        %dma_wait3A_247 = arith.constant 0 : i32
        %dma_wait3A_248 = tpu.memref_slice %arg4[%add3A_22, %dma_wait3A_247] : memref<6250x128xi32, #tpu.memory_space<hbm>> -> memref<1x128xi32, #tpu.memory_space<hbm>>
        %dma_wait3A_249 = tpu.memref_squeeze %dma_wait3A_248 : memref<1x128xi32, #tpu.memory_space<hbm>> -> memref<128xi32, #tpu.memory_space<hbm>>
        tpu.wait_dma2 semaphore(%arg10 : memref<!tpu.dma_semaphore, #tpu.memory_space<semaphore_mem>>) src(%dma_wait3A_249 : memref<128xi32, #tpu.memory_space<hbm>>) dst(%dma_wait3A_246 : memref<128xi32, #tpu.memory_space<vmem>>)
        %add3A_250 = arith.constant 1 : i32
        %add3A_251 = arith.addi %while3A_154, %add3A_250 : i32
        %jit3A_252 = arith.constant 4 : i32
        %eq3A_253 = arith.constant 0 : i32
        %eq3A_254 = arith.cmpi eq, %jit3A_252, %eq3A_253 : i32
        %jit3A_255 = arith.constant 1 : i32
        %select_n3A_256 = arith.select %eq3A_254, %jit3A_255, %jit3A_252 : i32
        %rem3A_257 = arith.remsi %add3A_251, %select_n3A_256 : i32
        %ne3A_258 = arith.constant 0 : i32
        %ne3A_259 = arith.cmpi ne, %rem3A_257, %ne3A_258 : i32
        %lt3A_260 = arith.constant 0 : i32
        %lt3A_261 = arith.cmpi slt, %rem3A_257, %lt3A_260 : i32
        %lt3A_262 = arith.constant 0 : i32
        %lt3A_263 = arith.cmpi slt, %select_n3A_256, %lt3A_262 : i32
        %ne3A_264 = arith.xori %lt3A_261, %lt3A_263 : i1
        %and3A_265 = arith.andi %ne3A_264, %ne3A_259 : i1
        %add3A_266 = arith.addi %rem3A_257, %select_n3A_256 : i32
        %select_n3A_267 = arith.select %and3A_265, %add3A_266, %rem3A_257 : i32
        %add3A_268 = arith.constant 1 : i32
        %add3A_269 = arith.addi %while3A_154, %add3A_268 : i32
        %jit3A_270 = arith.constant 3 : i32
        %eq3A_271 = arith.constant 0 : i32
        %eq3A_272 = arith.cmpi eq, %jit3A_270, %eq3A_271 : i32
        %jit3A_273 = arith.constant 1 : i32
        %select_n3A_274 = arith.select %eq3A_272, %jit3A_273, %jit3A_270 : i32
        %rem3A_275 = arith.remsi %add3A_269, %select_n3A_274 : i32
        %ne3A_276 = arith.constant 0 : i32
        %ne3A_277 = arith.cmpi ne, %rem3A_275, %ne3A_276 : i32
        %lt3A_278 = arith.constant 0 : i32
        %lt3A_279 = arith.cmpi slt, %rem3A_275, %lt3A_278 : i32
        %lt3A_280 = arith.constant 0 : i32
        %lt3A_281 = arith.cmpi slt, %select_n3A_274, %lt3A_280 : i32
        %ne3A_282 = arith.xori %lt3A_279, %lt3A_281 : i1
        %and3A_283 = arith.andi %ne3A_282, %ne3A_277 : i1
        %add3A_284 = arith.addi %rem3A_275, %select_n3A_274 : i32
        %select_n3A_285 = arith.select %and3A_283, %add3A_284, %rem3A_275 : i32
        %dma_start3A_286 = arith.constant 0 : i32
        %dma_start3A_287 = arith.constant 0 : i32
        %dma_start3A_288 = tpu.memref_slice %arg8[%select_n3A_285, %dma_start3A_286, %dma_start3A_287] : memref<3x128x64xf32, #tpu.memory_space<vmem>> -> memref<1x128x64xf32, #tpu.memory_space<vmem>>
        %dma_start3A_289 = tpu.memref_squeeze %dma_start3A_288 : memref<1x128x64xf32, #tpu.memory_space<vmem>> -> memref<128x64xf32, #tpu.memory_space<vmem>>
        %dma_start3A_290 = arith.constant 0 : i32
        %dma_start3A_291 = tpu.memref_slice %arg6[%select_n3A_267, %dma_start3A_290] : memref<4x128xi32, #tpu.memory_space<vmem>> -> memref<1x128xi32, #tpu.memory_space<vmem>>
        %dma_start3A_292 = tpu.memref_squeeze %dma_start3A_291 : memref<1x128xi32, #tpu.memory_space<vmem>> -> memref<128xi32, #tpu.memory_space<vmem>>
        %dma_start3A_293 = arith.constant 0 : i32
        %dma_start3A_294 = arith.constant 0 : i32
        %dma_start3A_295 = tpu.memref_slice %arg2[%dma_start3A_293, %dma_start3A_294] : memref<50000x64xf32, #tpu.memory_space<hbm>> -> memref<50000x64xf32, #tpu.memory_space<hbm>>
        tpu.enqueue_indirect_dma source(%dma_start3A_295 : memref<50000x64xf32, #tpu.memory_space<hbm>>) target(%dma_start3A_289 : memref<128x64xf32, #tpu.memory_space<vmem>>) offsets(%dma_start3A_292 : memref<128xi32, #tpu.memory_space<vmem>>) semaphore(%arg11 : memref<!tpu.dma_semaphore, #tpu.memory_space<semaphore_mem>>)
      } else {
      }
      %dma_wait3A_172 = arith.constant 0 : i32
      %dma_wait3A_173 = arith.constant 0 : i32
      %dma_wait3A_174 = arith.constant 0 : i32
      %dma_wait3A_175 = arith.constant 0 : i32
      %dma_wait3A_176 = tpu.memref_slice %arg8[%dma_wait3A_173, %dma_wait3A_174, %dma_wait3A_175] : memref<3x128x64xf32, #tpu.memory_space<vmem>> -> memref<1x128x64xf32, #tpu.memory_space<vmem>>
      %dma_wait3A_177 = tpu.memref_squeeze %dma_wait3A_176 : memref<1x128x64xf32, #tpu.memory_space<vmem>> -> memref<128x64xf32, #tpu.memory_space<vmem>>
      %dma_wait3A_178 = arith.constant 0 : i32
      %dma_wait3A_179 = tpu.memref_slice %arg6[%dma_wait3A_172, %dma_wait3A_178] : memref<4x128xi32, #tpu.memory_space<vmem>> -> memref<1x128xi32, #tpu.memory_space<vmem>>
      %dma_wait3A_180 = tpu.memref_squeeze %dma_wait3A_179 : memref<1x128xi32, #tpu.memory_space<vmem>> -> memref<128xi32, #tpu.memory_space<vmem>>
      %dma_wait3A_181 = arith.constant 0 : i32
      %dma_wait3A_182 = arith.constant 0 : i32
      %dma_wait3A_183 = tpu.memref_slice %arg2[%dma_wait3A_181, %dma_wait3A_182] : memref<50000x64xf32, #tpu.memory_space<hbm>> -> memref<50000x64xf32, #tpu.memory_space<hbm>>
      tpu.wait_indirect_dma semaphore(%arg11 : memref<!tpu.dma_semaphore, #tpu.memory_space<semaphore_mem>>) src(%dma_wait3A_183 : memref<50000x64xf32, #tpu.memory_space<hbm>>) dst(%dma_wait3A_177 : memref<128x64xf32, #tpu.memory_space<vmem>>)
      %jit3A_184 = arith.constant 3 : i32
      %eq3A_185 = arith.constant 0 : i32
      %eq3A_186 = arith.cmpi eq, %jit3A_184, %eq3A_185 : i32
      %jit3A_187 = arith.constant 1 : i32
      %select_n3A_188 = arith.select %eq3A_186, %jit3A_187, %jit3A_184 : i32
      %rem3A = arith.remsi %while3A_154, %select_n3A_188 : i32
      %ne3A = arith.constant 0 : i32
      %ne3A_189 = arith.cmpi ne, %rem3A, %ne3A : i32
      %lt3A_190 = arith.constant 0 : i32
      %lt3A_191 = arith.cmpi slt, %rem3A, %lt3A_190 : i32
      %lt3A_192 = arith.constant 0 : i32
      %lt3A_193 = arith.cmpi slt, %select_n3A_188, %lt3A_192 : i32
      %ne3A_194 = arith.xori %lt3A_191, %lt3A_193 : i1
      %and3A = arith.andi %ne3A_194, %ne3A_189 : i1
      %add3A_195 = arith.addi %rem3A, %select_n3A_188 : i32
      %select_n3A_196 = arith.select %and3A, %add3A_195, %rem3A : i32
      %jit3A_197 = arith.constant 4 : i32
      %eq3A_198 = arith.constant 0 : i32
      %eq3A_199 = arith.cmpi eq, %jit3A_197, %eq3A_198 : i32
      %jit3A_200 = arith.constant 1 : i32
      %select_n3A_201 = arith.select %eq3A_199, %jit3A_200, %jit3A_197 : i32
      %rem3A_202 = arith.remsi %while3A_154, %select_n3A_201 : i32
      %ne3A_203 = arith.constant 0 : i32
      %ne3A_204 = arith.cmpi ne, %rem3A_202, %ne3A_203 : i32
      %lt3A_205 = arith.constant 0 : i32
      %lt3A_206 = arith.cmpi slt, %rem3A_202, %lt3A_205 : i32
      %lt3A_207 = arith.constant 0 : i32
      %lt3A_208 = arith.cmpi slt, %select_n3A_201, %lt3A_207 : i32
      %ne3A_209 = arith.xori %lt3A_206, %lt3A_208 : i1
      %and3A_210 = arith.andi %ne3A_209, %ne3A_204 : i1
      %add3A_211 = arith.addi %rem3A_202, %select_n3A_201 : i32
      %select_n3A_212 = arith.select %and3A_210, %add3A_211, %rem3A_202 : i32
      %dma_start3A_213 = arith.constant 0 : i32
      %dma_start3A_214 = arith.constant 0 : i32
      %dma_start3A_215 = tpu.memref_slice %arg8[%select_n3A_196, %dma_start3A_213, %dma_start3A_214] : memref<3x128x64xf32, #tpu.memory_space<vmem>> -> memref<1x128x64xf32, #tpu.memory_space<vmem>>
      %dma_start3A_216 = tpu.memref_squeeze %dma_start3A_215 : memref<1x128x64xf32, #tpu.memory_space<vmem>> -> memref<128x64xf32, #tpu.memory_space<vmem>>
      %dma_start3A_217 = arith.constant 0 : i32
      %dma_start3A_218 = tpu.memref_slice %arg7[%select_n3A_212, %dma_start3A_217] : memref<4x128xi32, #tpu.memory_space<vmem>> -> memref<1x128xi32, #tpu.memory_space<vmem>>
      %dma_start3A_219 = tpu.memref_squeeze %dma_start3A_218 : memref<1x128xi32, #tpu.memory_space<vmem>> -> memref<128xi32, #tpu.memory_space<vmem>>
      %dma_start3A_220 = arith.constant 0 : i32
      %dma_start3A_221 = arith.constant 0 : i32
      %dma_start3A_222 = tpu.memref_slice %arg9[%dma_start3A_220, %dma_start3A_221] : memref<25088x64xf32, #tpu.memory_space<vmem_shared>> -> memref<25088x64xf32, #tpu.memory_space<vmem_shared>>
      tpu.enqueue_indirect_dma source(%dma_start3A_216 : memref<128x64xf32, #tpu.memory_space<vmem>>) target(%dma_start3A_222 : memref<25088x64xf32, #tpu.memory_space<vmem_shared>>) offsets(%dma_start3A_219 : memref<128xi32, #tpu.memory_space<vmem>>) semaphore(%arg12 : memref<!tpu.dma_semaphore, #tpu.memory_space<semaphore_mem>>) {add = true}
      %while3A_223 = arith.constant 0 : i32
      scf.yield %while3A_223 : i32
    }
    %while3A_132 = arith.constant 1 : i32
    %while3A_133 = scf.for %while3A_154 = %while3A_129 to %while3A_125 step %while3A_132 iter_args(%while3A_155 = %while3A_131) -> (i32)  : i32 {
      %ge3A = arith.constant 2 : i32
      %ge3A_156 = arith.cmpi sge, %while3A_154, %ge3A : i32
      %convert_element_type3A_157 = arith.extui %ge3A_156 : i1 to i32
      %cond3A_158 = arith.constant 0 : i32
      %cond3A_159 = arith.cmpi ne, %convert_element_type3A_157, %cond3A_158 : i32
      scf.if %cond3A_159 {
        %dma_wait3A_224 = arith.constant 0 : i32
        %dma_wait3A_225 = arith.constant 0 : i32
        %dma_wait3A_226 = arith.constant 0 : i32
        %dma_wait3A_227 = tpu.memref_slice %arg8[%dma_wait3A_224, %dma_wait3A_225, %dma_wait3A_226] : memref<3x128x64xf32, #tpu.memory_space<vmem>> -> memref<1x128x64xf32, #tpu.memory_space<vmem>>
        %dma_wait3A_228 = tpu.memref_squeeze %dma_wait3A_227 : memref<1x128x64xf32, #tpu.memory_space<vmem>> -> memref<128x64xf32, #tpu.memory_space<vmem>>
        %dma_wait3A_229 = arith.constant 0 : i32
        %dma_wait3A_230 = arith.constant 0 : i32
        %dma_wait3A_231 = tpu.memref_slice %arg2[%dma_wait3A_229, %dma_wait3A_230] : memref<50000x64xf32, #tpu.memory_space<hbm>> -> memref<128x64xf32, #tpu.memory_space<hbm>>
        %dma_wait3A_232 = arith.constant 0 : i32
        %dma_wait3A_233 = arith.constant 0 : i32
        %dma_wait3A_234 = tpu.memref_slice %arg8[%dma_wait3A_224, %dma_wait3A_232, %dma_wait3A_233] : memref<3x128x64xf32, #tpu.memory_space<vmem>> -> memref<1x128x64xf32, #tpu.memory_space<vmem>>
        %dma_wait3A_235 = tpu.memref_squeeze %dma_wait3A_234 : memref<1x128x64xf32, #tpu.memory_space<vmem>> -> memref<128x64xf32, #tpu.memory_space<vmem>>
        %dma_wait3A_236 = arith.constant 0 : i32
        %dma_wait3A_237 = arith.constant 0 : i32
        %dma_wait3A_238 = tpu.memref_slice %arg2[%dma_wait3A_236, %dma_wait3A_237] : memref<50000x64xf32, #tpu.memory_space<hbm>> -> memref<128x64xf32, #tpu.memory_space<hbm>>
        tpu.wait_dma2 semaphore(%arg12 : memref<!tpu.dma_semaphore, #tpu.memory_space<semaphore_mem>>) src(%dma_wait3A_238 : memref<128x64xf32, #tpu.memory_space<hbm>>) dst(%dma_wait3A_235 : memref<128x64xf32, #tpu.memory_space<vmem>>)
      } else {
      }
      %add3A_160 = arith.constant 2 : i32
      %add3A_161 = arith.addi %while3A_154, %add3A_160 : i32
      %lt3A_162 = arith.cmpi slt, %add3A_161, %add3A_26 : i32
      %convert_element_type3A_163 = arith.extui %lt3A_162 : i1 to i32
      %cond3A_164 = arith.constant 0 : i32
      %cond3A_165 = arith.cmpi ne, %convert_element_type3A_163, %cond3A_164 : i32
      scf.if %cond3A_165 {
        %add3A_224 = arith.constant 2 : i32
        %add3A_225 = arith.addi %while3A_154, %add3A_224 : i32
        %add3A_226 = arith.addi %add3A_22, %add3A_225 : i32
        %jit3A_227 = arith.constant 4 : i32
        %eq3A_228 = arith.constant 0 : i32
        %eq3A_229 = arith.cmpi eq, %jit3A_227, %eq3A_228 : i32
        %jit3A_230 = arith.constant 1 : i32
        %select_n3A_231 = arith.select %eq3A_229, %jit3A_230, %jit3A_227 : i32
        %rem3A_232 = arith.remsi %add3A_225, %select_n3A_231 : i32
        %ne3A_233 = arith.constant 0 : i32
        %ne3A_234 = arith.cmpi ne, %rem3A_232, %ne3A_233 : i32
        %lt3A_235 = arith.constant 0 : i32
        %lt3A_236 = arith.cmpi slt, %rem3A_232, %lt3A_235 : i32
        %lt3A_237 = arith.constant 0 : i32
        %lt3A_238 = arith.cmpi slt, %select_n3A_231, %lt3A_237 : i32
        %ne3A_239 = arith.xori %lt3A_236, %lt3A_238 : i1
        %and3A_240 = arith.andi %ne3A_239, %ne3A_234 : i1
        %add3A_241 = arith.addi %rem3A_232, %select_n3A_231 : i32
        %select_n3A_242 = arith.select %and3A_240, %add3A_241, %rem3A_232 : i32
        %dma_start3A_243 = arith.constant 0 : i32
        %dma_start3A_244 = tpu.memref_slice %arg6[%select_n3A_242, %dma_start3A_243] : memref<4x128xi32, #tpu.memory_space<vmem>> -> memref<1x128xi32, #tpu.memory_space<vmem>>
        %dma_start3A_245 = tpu.memref_squeeze %dma_start3A_244 : memref<1x128xi32, #tpu.memory_space<vmem>> -> memref<128xi32, #tpu.memory_space<vmem>>
        %dma_start3A_246 = arith.constant 0 : i32
        %dma_start3A_247 = tpu.memref_slice %arg3[%add3A_226, %dma_start3A_246] : memref<6250x128xi32, #tpu.memory_space<hbm>> -> memref<1x128xi32, #tpu.memory_space<hbm>>
        %dma_start3A_248 = tpu.memref_squeeze %dma_start3A_247 : memref<1x128xi32, #tpu.memory_space<hbm>> -> memref<128xi32, #tpu.memory_space<hbm>>
        %dma_start3A_249 = arith.constant 0 : i32
        %dma_start3A_250 = tpu.memref_slice %arg6[%select_n3A_242, %dma_start3A_249] : memref<4x128xi32, #tpu.memory_space<vmem>> -> memref<1x128xi32, #tpu.memory_space<vmem>>
        %dma_start3A_251 = tpu.memref_squeeze %dma_start3A_250 : memref<1x128xi32, #tpu.memory_space<vmem>> -> memref<128xi32, #tpu.memory_space<vmem>>
        %dma_start3A_252 = arith.constant 0 : i32
        %dma_start3A_253 = tpu.memref_slice %arg3[%add3A_226, %dma_start3A_252] : memref<6250x128xi32, #tpu.memory_space<hbm>> -> memref<1x128xi32, #tpu.memory_space<hbm>>
        %dma_start3A_254 = tpu.memref_squeeze %dma_start3A_253 : memref<1x128xi32, #tpu.memory_space<hbm>> -> memref<128xi32, #tpu.memory_space<hbm>>
        tpu.enqueue_dma source(%dma_start3A_254 : memref<128xi32, #tpu.memory_space<hbm>>) target(%dma_start3A_251 : memref<128xi32, #tpu.memory_space<vmem>>) target_semaphore(%arg10 : memref<!tpu.dma_semaphore, #tpu.memory_space<semaphore_mem>>)
        %add3A_255 = arith.addi %add3A_22, %add3A_225 : i32
        %jit3A_256 = arith.constant 4 : i32
        %eq3A_257 = arith.constant 0 : i32
        %eq3A_258 = arith.cmpi eq, %jit3A_256, %eq3A_257 : i32
        %jit3A_259 = arith.constant 1 : i32
        %select_n3A_260 = arith.select %eq3A_258, %jit3A_259, %jit3A_256 : i32
        %rem3A_261 = arith.remsi %add3A_225, %select_n3A_260 : i32
        %ne3A_262 = arith.constant 0 : i32
        %ne3A_263 = arith.cmpi ne, %rem3A_261, %ne3A_262 : i32
        %lt3A_264 = arith.constant 0 : i32
        %lt3A_265 = arith.cmpi slt, %rem3A_261, %lt3A_264 : i32
        %lt3A_266 = arith.constant 0 : i32
        %lt3A_267 = arith.cmpi slt, %select_n3A_260, %lt3A_266 : i32
        %ne3A_268 = arith.xori %lt3A_265, %lt3A_267 : i1
        %and3A_269 = arith.andi %ne3A_268, %ne3A_263 : i1
        %add3A_270 = arith.addi %rem3A_261, %select_n3A_260 : i32
        %select_n3A_271 = arith.select %and3A_269, %add3A_270, %rem3A_261 : i32
        %dma_start3A_272 = arith.constant 0 : i32
        %dma_start3A_273 = tpu.memref_slice %arg7[%select_n3A_271, %dma_start3A_272] : memref<4x128xi32, #tpu.memory_space<vmem>> -> memref<1x128xi32, #tpu.memory_space<vmem>>
        %dma_start3A_274 = tpu.memref_squeeze %dma_start3A_273 : memref<1x128xi32, #tpu.memory_space<vmem>> -> memref<128xi32, #tpu.memory_space<vmem>>
        %dma_start3A_275 = arith.constant 0 : i32
        %dma_start3A_276 = tpu.memref_slice %arg4[%add3A_255, %dma_start3A_275] : memref<6250x128xi32, #tpu.memory_space<hbm>> -> memref<1x128xi32, #tpu.memory_space<hbm>>
        %dma_start3A_277 = tpu.memref_squeeze %dma_start3A_276 : memref<1x128xi32, #tpu.memory_space<hbm>> -> memref<128xi32, #tpu.memory_space<hbm>>
        %dma_start3A_278 = arith.constant 0 : i32
        %dma_start3A_279 = tpu.memref_slice %arg7[%select_n3A_271, %dma_start3A_278] : memref<4x128xi32, #tpu.memory_space<vmem>> -> memref<1x128xi32, #tpu.memory_space<vmem>>
        %dma_start3A_280 = tpu.memref_squeeze %dma_start3A_279 : memref<1x128xi32, #tpu.memory_space<vmem>> -> memref<128xi32, #tpu.memory_space<vmem>>
        %dma_start3A_281 = arith.constant 0 : i32
        %dma_start3A_282 = tpu.memref_slice %arg4[%add3A_255, %dma_start3A_281] : memref<6250x128xi32, #tpu.memory_space<hbm>> -> memref<1x128xi32, #tpu.memory_space<hbm>>
        %dma_start3A_283 = tpu.memref_squeeze %dma_start3A_282 : memref<1x128xi32, #tpu.memory_space<hbm>> -> memref<128xi32, #tpu.memory_space<hbm>>
        tpu.enqueue_dma source(%dma_start3A_283 : memref<128xi32, #tpu.memory_space<hbm>>) target(%dma_start3A_280 : memref<128xi32, #tpu.memory_space<vmem>>) target_semaphore(%arg10 : memref<!tpu.dma_semaphore, #tpu.memory_space<semaphore_mem>>)
      } else {
      }
      %add3A_166 = arith.constant 1 : i32
      %add3A_167 = arith.addi %while3A_154, %add3A_166 : i32
      %lt3A_168 = arith.cmpi slt, %add3A_167, %add3A_26 : i32
      %convert_element_type3A_169 = arith.extui %lt3A_168 : i1 to i32
      %cond3A_170 = arith.constant 0 : i32
      %cond3A_171 = arith.cmpi ne, %convert_element_type3A_169, %cond3A_170 : i32
      scf.if %cond3A_171 {
        %dma_wait3A_224 = arith.constant 0 : i32
        %dma_wait3A_225 = arith.constant 0 : i32
        %dma_wait3A_226 = tpu.memref_slice %arg6[%dma_wait3A_224, %dma_wait3A_225] : memref<4x128xi32, #tpu.memory_space<vmem>> -> memref<1x128xi32, #tpu.memory_space<vmem>>
        %dma_wait3A_227 = tpu.memref_squeeze %dma_wait3A_226 : memref<1x128xi32, #tpu.memory_space<vmem>> -> memref<128xi32, #tpu.memory_space<vmem>>
        %dma_wait3A_228 = arith.constant 0 : i32
        %dma_wait3A_229 = tpu.memref_slice %arg3[%add3A_22, %dma_wait3A_228] : memref<6250x128xi32, #tpu.memory_space<hbm>> -> memref<1x128xi32, #tpu.memory_space<hbm>>
        %dma_wait3A_230 = tpu.memref_squeeze %dma_wait3A_229 : memref<1x128xi32, #tpu.memory_space<hbm>> -> memref<128xi32, #tpu.memory_space<hbm>>
        %dma_wait3A_231 = arith.constant 0 : i32
        %dma_wait3A_232 = tpu.memref_slice %arg6[%dma_wait3A_224, %dma_wait3A_231] : memref<4x128xi32, #tpu.memory_space<vmem>> -> memref<1x128xi32, #tpu.memory_space<vmem>>
        %dma_wait3A_233 = tpu.memref_squeeze %dma_wait3A_232 : memref<1x128xi32, #tpu.memory_space<vmem>> -> memref<128xi32, #tpu.memory_space<vmem>>
        %dma_wait3A_234 = arith.constant 0 : i32
        %dma_wait3A_235 = tpu.memref_slice %arg3[%add3A_22, %dma_wait3A_234] : memref<6250x128xi32, #tpu.memory_space<hbm>> -> memref<1x128xi32, #tpu.memory_space<hbm>>
        %dma_wait3A_236 = tpu.memref_squeeze %dma_wait3A_235 : memref<1x128xi32, #tpu.memory_space<hbm>> -> memref<128xi32, #tpu.memory_space<hbm>>
        tpu.wait_dma2 semaphore(%arg10 : memref<!tpu.dma_semaphore, #tpu.memory_space<semaphore_mem>>) src(%dma_wait3A_236 : memref<128xi32, #tpu.memory_space<hbm>>) dst(%dma_wait3A_233 : memref<128xi32, #tpu.memory_space<vmem>>)
        %dma_wait3A_237 = arith.constant 0 : i32
        %dma_wait3A_238 = arith.constant 0 : i32
        %dma_wait3A_239 = tpu.memref_slice %arg7[%dma_wait3A_237, %dma_wait3A_238] : memref<4x128xi32, #tpu.memory_space<vmem>> -> memref<1x128xi32, #tpu.memory_space<vmem>>
        %dma_wait3A_240 = tpu.memref_squeeze %dma_wait3A_239 : memref<1x128xi32, #tpu.memory_space<vmem>> -> memref<128xi32, #tpu.memory_space<vmem>>
        %dma_wait3A_241 = arith.constant 0 : i32
        %dma_wait3A_242 = tpu.memref_slice %arg4[%add3A_22, %dma_wait3A_241] : memref<6250x128xi32, #tpu.memory_space<hbm>> -> memref<1x128xi32, #tpu.memory_space<hbm>>
        %dma_wait3A_243 = tpu.memref_squeeze %dma_wait3A_242 : memref<1x128xi32, #tpu.memory_space<hbm>> -> memref<128xi32, #tpu.memory_space<hbm>>
        %dma_wait3A_244 = arith.constant 0 : i32
        %dma_wait3A_245 = tpu.memref_slice %arg7[%dma_wait3A_237, %dma_wait3A_244] : memref<4x128xi32, #tpu.memory_space<vmem>> -> memref<1x128xi32, #tpu.memory_space<vmem>>
        %dma_wait3A_246 = tpu.memref_squeeze %dma_wait3A_245 : memref<1x128xi32, #tpu.memory_space<vmem>> -> memref<128xi32, #tpu.memory_space<vmem>>
        %dma_wait3A_247 = arith.constant 0 : i32
        %dma_wait3A_248 = tpu.memref_slice %arg4[%add3A_22, %dma_wait3A_247] : memref<6250x128xi32, #tpu.memory_space<hbm>> -> memref<1x128xi32, #tpu.memory_space<hbm>>
        %dma_wait3A_249 = tpu.memref_squeeze %dma_wait3A_248 : memref<1x128xi32, #tpu.memory_space<hbm>> -> memref<128xi32, #tpu.memory_space<hbm>>
        tpu.wait_dma2 semaphore(%arg10 : memref<!tpu.dma_semaphore, #tpu.memory_space<semaphore_mem>>) src(%dma_wait3A_249 : memref<128xi32, #tpu.memory_space<hbm>>) dst(%dma_wait3A_246 : memref<128xi32, #tpu.memory_space<vmem>>)
        %add3A_250 = arith.constant 1 : i32
        %add3A_251 = arith.addi %while3A_154, %add3A_250 : i32
        %jit3A_252 = arith.constant 4 : i32
        %eq3A_253 = arith.constant 0 : i32
        %eq3A_254 = arith.cmpi eq, %jit3A_252, %eq3A_253 : i32
        %jit3A_255 = arith.constant 1 : i32
        %select_n3A_256 = arith.select %eq3A_254, %jit3A_255, %jit3A_252 : i32
        %rem3A_257 = arith.remsi %add3A_251, %select_n3A_256 : i32
        %ne3A_258 = arith.constant 0 : i32
        %ne3A_259 = arith.cmpi ne, %rem3A_257, %ne3A_258 : i32
        %lt3A_260 = arith.constant 0 : i32
        %lt3A_261 = arith.cmpi slt, %rem3A_257, %lt3A_260 : i32
        %lt3A_262 = arith.constant 0 : i32
        %lt3A_263 = arith.cmpi slt, %select_n3A_256, %lt3A_262 : i32
        %ne3A_264 = arith.xori %lt3A_261, %lt3A_263 : i1
        %and3A_265 = arith.andi %ne3A_264, %ne3A_259 : i1
        %add3A_266 = arith.addi %rem3A_257, %select_n3A_256 : i32
        %select_n3A_267 = arith.select %and3A_265, %add3A_266, %rem3A_257 : i32
        %add3A_268 = arith.constant 1 : i32
        %add3A_269 = arith.addi %while3A_154, %add3A_268 : i32
        %jit3A_270 = arith.constant 3 : i32
        %eq3A_271 = arith.constant 0 : i32
        %eq3A_272 = arith.cmpi eq, %jit3A_270, %eq3A_271 : i32
        %jit3A_273 = arith.constant 1 : i32
        %select_n3A_274 = arith.select %eq3A_272, %jit3A_273, %jit3A_270 : i32
        %rem3A_275 = arith.remsi %add3A_269, %select_n3A_274 : i32
        %ne3A_276 = arith.constant 0 : i32
        %ne3A_277 = arith.cmpi ne, %rem3A_275, %ne3A_276 : i32
        %lt3A_278 = arith.constant 0 : i32
        %lt3A_279 = arith.cmpi slt, %rem3A_275, %lt3A_278 : i32
        %lt3A_280 = arith.constant 0 : i32
        %lt3A_281 = arith.cmpi slt, %select_n3A_274, %lt3A_280 : i32
        %ne3A_282 = arith.xori %lt3A_279, %lt3A_281 : i1
        %and3A_283 = arith.andi %ne3A_282, %ne3A_277 : i1
        %add3A_284 = arith.addi %rem3A_275, %select_n3A_274 : i32
        %select_n3A_285 = arith.select %and3A_283, %add3A_284, %rem3A_275 : i32
        %dma_start3A_286 = arith.constant 0 : i32
        %dma_start3A_287 = arith.constant 0 : i32
        %dma_start3A_288 = tpu.memref_slice %arg8[%select_n3A_285, %dma_start3A_286, %dma_start3A_287] : memref<3x128x64xf32, #tpu.memory_space<vmem>> -> memref<1x128x64xf32, #tpu.memory_space<vmem>>
        %dma_start3A_289 = tpu.memref_squeeze %dma_start3A_288 : memref<1x128x64xf32, #tpu.memory_space<vmem>> -> memref<128x64xf32, #tpu.memory_space<vmem>>
        %dma_start3A_290 = arith.constant 0 : i32
        %dma_start3A_291 = tpu.memref_slice %arg6[%select_n3A_267, %dma_start3A_290] : memref<4x128xi32, #tpu.memory_space<vmem>> -> memref<1x128xi32, #tpu.memory_space<vmem>>
        %dma_start3A_292 = tpu.memref_squeeze %dma_start3A_291 : memref<1x128xi32, #tpu.memory_space<vmem>> -> memref<128xi32, #tpu.memory_space<vmem>>
        %dma_start3A_293 = arith.constant 0 : i32
        %dma_start3A_294 = arith.constant 0 : i32
        %dma_start3A_295 = tpu.memref_slice %arg2[%dma_start3A_293, %dma_start3A_294] : memref<50000x64xf32, #tpu.memory_space<hbm>> -> memref<50000x64xf32, #tpu.memory_space<hbm>>
        tpu.enqueue_indirect_dma source(%dma_start3A_295 : memref<50000x64xf32, #tpu.memory_space<hbm>>) target(%dma_start3A_289 : memref<128x64xf32, #tpu.memory_space<vmem>>) offsets(%dma_start3A_292 : memref<128xi32, #tpu.memory_space<vmem>>) semaphore(%arg11 : memref<!tpu.dma_semaphore, #tpu.memory_space<semaphore_mem>>)
      } else {
      }
      %dma_wait3A_172 = arith.constant 0 : i32
      %dma_wait3A_173 = arith.constant 0 : i32
      %dma_wait3A_174 = arith.constant 0 : i32
      %dma_wait3A_175 = arith.constant 0 : i32
      %dma_wait3A_176 = tpu.memref_slice %arg8[%dma_wait3A_173, %dma_wait3A_174, %dma_wait3A_175] : memref<3x128x64xf32, #tpu.memory_space<vmem>> -> memref<1x128x64xf32, #tpu.memory_space<vmem>>
      %dma_wait3A_177 = tpu.memref_squeeze %dma_wait3A_176 : memref<1x128x64xf32, #tpu.memory_space<vmem>> -> memref<128x64xf32, #tpu.memory_space<vmem>>
      %dma_wait3A_178 = arith.constant 0 : i32
      %dma_wait3A_179 = tpu.memref_slice %arg6[%dma_wait3A_172, %dma_wait3A_178] : memref<4x128xi32, #tpu.memory_space<vmem>> -> memref<1x128xi32, #tpu.memory_space<vmem>>
      %dma_wait3A_180 = tpu.memref_squeeze %dma_wait3A_179 : memref<1x128xi32, #tpu.memory_space<vmem>> -> memref<128xi32, #tpu.memory_space<vmem>>
      %dma_wait3A_181 = arith.constant 0 : i32
      %dma_wait3A_182 = arith.constant 0 : i32
      %dma_wait3A_183 = tpu.memref_slice %arg2[%dma_wait3A_181, %dma_wait3A_182] : memref<50000x64xf32, #tpu.memory_space<hbm>> -> memref<50000x64xf32, #tpu.memory_space<hbm>>
      tpu.wait_indirect_dma semaphore(%arg11 : memref<!tpu.dma_semaphore, #tpu.memory_space<semaphore_mem>>) src(%dma_wait3A_183 : memref<50000x64xf32, #tpu.memory_space<hbm>>) dst(%dma_wait3A_177 : memref<128x64xf32, #tpu.memory_space<vmem>>)
      %jit3A_184 = arith.constant 3 : i32
      %eq3A_185 = arith.constant 0 : i32
      %eq3A_186 = arith.cmpi eq, %jit3A_184, %eq3A_185 : i32
      %jit3A_187 = arith.constant 1 : i32
      %select_n3A_188 = arith.select %eq3A_186, %jit3A_187, %jit3A_184 : i32
      %rem3A = arith.remsi %while3A_154, %select_n3A_188 : i32
      %ne3A = arith.constant 0 : i32
      %ne3A_189 = arith.cmpi ne, %rem3A, %ne3A : i32
      %lt3A_190 = arith.constant 0 : i32
      %lt3A_191 = arith.cmpi slt, %rem3A, %lt3A_190 : i32
      %lt3A_192 = arith.constant 0 : i32
      %lt3A_193 = arith.cmpi slt, %select_n3A_188, %lt3A_192 : i32
      %ne3A_194 = arith.xori %lt3A_191, %lt3A_193 : i1
      %and3A = arith.andi %ne3A_194, %ne3A_189 : i1
      %add3A_195 = arith.addi %rem3A, %select_n3A_188 : i32
      %select_n3A_196 = arith.select %and3A, %add3A_195, %rem3A : i32
      %jit3A_197 = arith.constant 4 : i32
      %eq3A_198 = arith.constant 0 : i32
      %eq3A_199 = arith.cmpi eq, %jit3A_197, %eq3A_198 : i32
      %jit3A_200 = arith.constant 1 : i32
      %select_n3A_201 = arith.select %eq3A_199, %jit3A_200, %jit3A_197 : i32
      %rem3A_202 = arith.remsi %while3A_154, %select_n3A_201 : i32
      %ne3A_203 = arith.constant 0 : i32
      %ne3A_204 = arith.cmpi ne, %rem3A_202, %ne3A_203 : i32
      %lt3A_205 = arith.constant 0 : i32
      %lt3A_206 = arith.cmpi slt, %rem3A_202, %lt3A_205 : i32
      %lt3A_207 = arith.constant 0 : i32
      %lt3A_208 = arith.cmpi slt, %select_n3A_201, %lt3A_207 : i32
      %ne3A_209 = arith.xori %lt3A_206, %lt3A_208 : i1
      %and3A_210 = arith.andi %ne3A_209, %ne3A_204 : i1
      %add3A_211 = arith.addi %rem3A_202, %select_n3A_201 : i32
      %select_n3A_212 = arith.select %and3A_210, %add3A_211, %rem3A_202 : i32
      %dma_start3A_213 = arith.constant 0 : i32
      %dma_start3A_214 = arith.constant 0 : i32
      %dma_start3A_215 = tpu.memref_slice %arg8[%select_n3A_196, %dma_start3A_213, %dma_start3A_214] : memref<3x128x64xf32, #tpu.memory_space<vmem>> -> memref<1x128x64xf32, #tpu.memory_space<vmem>>
      %dma_start3A_216 = tpu.memref_squeeze %dma_start3A_215 : memref<1x128x64xf32, #tpu.memory_space<vmem>> -> memref<128x64xf32, #tpu.memory_space<vmem>>
      %dma_start3A_217 = arith.constant 0 : i32
      %dma_start3A_218 = tpu.memref_slice %arg7[%select_n3A_212, %dma_start3A_217] : memref<4x128xi32, #tpu.memory_space<vmem>> -> memref<1x128xi32, #tpu.memory_space<vmem>>
      %dma_start3A_219 = tpu.memref_squeeze %dma_start3A_218 : memref<1x128xi32, #tpu.memory_space<vmem>> -> memref<128xi32, #tpu.memory_space<vmem>>
      %dma_start3A_220 = arith.constant 0 : i32
      %dma_start3A_221 = arith.constant 0 : i32
      %dma_start3A_222 = tpu.memref_slice %arg9[%dma_start3A_220, %dma_start3A_221] : memref<25088x64xf32, #tpu.memory_space<vmem_shared>> -> memref<25088x64xf32, #tpu.memory_space<vmem_shared>>
      tpu.enqueue_indirect_dma source(%dma_start3A_216 : memref<128x64xf32, #tpu.memory_space<vmem>>) target(%dma_start3A_222 : memref<25088x64xf32, #tpu.memory_space<vmem_shared>>) offsets(%dma_start3A_219 : memref<128xi32, #tpu.memory_space<vmem>>) semaphore(%arg12 : memref<!tpu.dma_semaphore, #tpu.memory_space<semaphore_mem>>) {add = true}
      %while3A_223 = arith.constant 0 : i32
      scf.yield %while3A_223 : i32
    }
    %scan3A_134 = arith.constant 0 : i32
    %scan3A_135 = arith.constant 0 : i32
    %scan3A_136 = arith.constant 2 : i32
    %scan3A_137 = arith.addi %scan3A_135, %scan3A_136 : i32
    %scan3A_138 = arith.constant 1 : i32
    %scan3A_139 = scf.for %scan3A_154 = %scan3A_135 to %scan3A_137 step %scan3A_138 iter_args(%scan3A_155 = %scan3A_134) -> (i32)  : i32 {
      %dma_wait3A_156 = arith.constant 0 : i32
      %dma_wait3A_157 = arith.constant 0 : i32
      %dma_wait3A_158 = arith.constant 0 : i32
      %dma_wait3A_159 = tpu.memref_slice %arg8[%dma_wait3A_156, %dma_wait3A_157, %dma_wait3A_158] : memref<3x128x64xf32, #tpu.memory_space<vmem>> -> memref<1x128x64xf32, #tpu.memory_space<vmem>>
      %dma_wait3A_160 = tpu.memref_squeeze %dma_wait3A_159 : memref<1x128x64xf32, #tpu.memory_space<vmem>> -> memref<128x64xf32, #tpu.memory_space<vmem>>
      %dma_wait3A_161 = arith.constant 0 : i32
      %dma_wait3A_162 = arith.constant 0 : i32
      %dma_wait3A_163 = tpu.memref_slice %arg2[%dma_wait3A_161, %dma_wait3A_162] : memref<50000x64xf32, #tpu.memory_space<hbm>> -> memref<128x64xf32, #tpu.memory_space<hbm>>
      %dma_wait3A_164 = arith.constant 0 : i32
      %dma_wait3A_165 = arith.constant 0 : i32
      %dma_wait3A_166 = tpu.memref_slice %arg8[%dma_wait3A_156, %dma_wait3A_164, %dma_wait3A_165] : memref<3x128x64xf32, #tpu.memory_space<vmem>> -> memref<1x128x64xf32, #tpu.memory_space<vmem>>
      %dma_wait3A_167 = tpu.memref_squeeze %dma_wait3A_166 : memref<1x128x64xf32, #tpu.memory_space<vmem>> -> memref<128x64xf32, #tpu.memory_space<vmem>>
      %dma_wait3A_168 = arith.constant 0 : i32
      %dma_wait3A_169 = arith.constant 0 : i32
      %dma_wait3A_170 = tpu.memref_slice %arg2[%dma_wait3A_168, %dma_wait3A_169] : memref<50000x64xf32, #tpu.memory_space<hbm>> -> memref<128x64xf32, #tpu.memory_space<hbm>>
      tpu.wait_dma2 semaphore(%arg12 : memref<!tpu.dma_semaphore, #tpu.memory_space<semaphore_mem>>) src(%dma_wait3A_170 : memref<128x64xf32, #tpu.memory_space<hbm>>) dst(%dma_wait3A_167 : memref<128x64xf32, #tpu.memory_space<vmem>>)
      %scan3A_171 = arith.constant 0 : i32
      scf.yield %scan3A_171 : i32
    }
    %scan3A_140 = arith.constant 2 : i32
    %barrier3A_141 = arith.constant 0 : index
    tpu.barrier barrier_id(%barrier3A_141)
    %mul3A_142 = arith.constant 25000 : i32
    %mul3A_143 = arith.muli %arg0, %mul3A_142 : i32
    %mul3A_144 = arith.constant 1568 : i32
    %mul3A_145 = arith.muli %arg1, %mul3A_144 : i32
    %add3A_146 = arith.addi %mul3A_143, %mul3A_145 : i32
    %lt3A_147 = arith.constant 15 : i32
    %lt3A_148 = arith.cmpi slt, %arg1, %lt3A_147 : i32
    %convert_element_type3A = arith.extui %lt3A_148 : i1 to i32
    %cond3A = arith.constant 0 : i32
    %cond3A_149 = arith.cmpi ne, %convert_element_type3A, %cond3A : i32
    scf.if %cond3A_149 {
      %scan3A_154 = arith.constant 0 : i32
      %scan3A_155 = arith.constant 0 : i32
      %scan3A_156 = arith.constant 12 : i32
      %scan3A_157 = arith.addi %scan3A_155, %scan3A_156 : i32
      %scan3A_158 = arith.constant 1 : i32
      %scan3A_159 = scf.for %scan3A_169 = %scan3A_155 to %scan3A_157 step %scan3A_158 iter_args(%scan3A_170 = %scan3A_154) -> (i32)  : i32 {
        %mul3A_171 = arith.constant 1568 : i32
        %mul3A_172 = arith.muli %arg1, %mul3A_171 : i32
        %mul3A_173 = arith.constant 128 : i32
        %mul3A_174 = arith.muli %scan3A_169, %mul3A_173 : i32
        %add3A_175 = arith.addi %mul3A_172, %mul3A_174 : i32
        %run_scoped3A_176 = arith.constant 0 : i32
        "tpu.region"() ({
          %run_scoped3A_182 = tpu.sem_alloc : memref<!tpu.dma_semaphore, #tpu.memory_space<semaphore_mem>>
          %dma_start3A_183 = arith.constant 0 : i32
          %dma_start3A_184 = arith.constant 0 : i32
          %dma_start3A_185 = tpu.memref_slice %arg8[%run_scoped3A_176, %dma_start3A_183, %dma_start3A_184] : memref<3x128x64xf32, #tpu.memory_space<vmem>> -> memref<1x128x64xf32, #tpu.memory_space<vmem>>
          %dma_start3A_186 = tpu.memref_squeeze %dma_start3A_185 : memref<1x128x64xf32, #tpu.memory_space<vmem>> -> memref<128x64xf32, #tpu.memory_space<vmem>>
          %dma_start3A_187 = arith.constant 0 : i32
          %dma_start3A_188 = tpu.memref_slice %arg9[%add3A_175, %dma_start3A_187] : memref<25088x64xf32, #tpu.memory_space<vmem_shared>> -> memref<128x64xf32, #tpu.memory_space<vmem_shared>>
          %dma_start3A_189 = arith.constant 0 : i32
          %dma_start3A_190 = arith.constant 0 : i32
          %dma_start3A_191 = tpu.memref_slice %arg8[%run_scoped3A_176, %dma_start3A_189, %dma_start3A_190] : memref<3x128x64xf32, #tpu.memory_space<vmem>> -> memref<1x128x64xf32, #tpu.memory_space<vmem>>
          %dma_start3A_192 = tpu.memref_squeeze %dma_start3A_191 : memref<1x128x64xf32, #tpu.memory_space<vmem>> -> memref<128x64xf32, #tpu.memory_space<vmem>>
          %dma_start3A_193 = arith.constant 0 : i32
          %dma_start3A_194 = tpu.memref_slice %arg9[%add3A_175, %dma_start3A_193] : memref<25088x64xf32, #tpu.memory_space<vmem_shared>> -> memref<128x64xf32, #tpu.memory_space<vmem_shared>>
          tpu.enqueue_dma source(%dma_start3A_194 : memref<128x64xf32, #tpu.memory_space<vmem_shared>>) target(%dma_start3A_192 : memref<128x64xf32, #tpu.memory_space<vmem>>) target_semaphore(%run_scoped3A_182 : memref<!tpu.dma_semaphore, #tpu.memory_space<semaphore_mem>>)
          %dma_wait3A_195 = arith.constant 0 : i32
          %dma_wait3A_196 = arith.constant 0 : i32
          %dma_wait3A_197 = tpu.memref_slice %arg8[%run_scoped3A_176, %dma_wait3A_195, %dma_wait3A_196] : memref<3x128x64xf32, #tpu.memory_space<vmem>> -> memref<1x128x64xf32, #tpu.memory_space<vmem>>
          %dma_wait3A_198 = tpu.memref_squeeze %dma_wait3A_197 : memref<1x128x64xf32, #tpu.memory_space<vmem>> -> memref<128x64xf32, #tpu.memory_space<vmem>>
          %dma_wait3A_199 = arith.constant 0 : i32
          %dma_wait3A_200 = tpu.memref_slice %arg9[%add3A_175, %dma_wait3A_199] : memref<25088x64xf32, #tpu.memory_space<vmem_shared>> -> memref<128x64xf32, #tpu.memory_space<vmem_shared>>
          %dma_wait3A_201 = arith.constant 0 : i32
          %dma_wait3A_202 = arith.constant 0 : i32
          %dma_wait3A_203 = tpu.memref_slice %arg8[%run_scoped3A_176, %dma_wait3A_201, %dma_wait3A_202] : memref<3x128x64xf32, #tpu.memory_space<vmem>> -> memref<1x128x64xf32, #tpu.memory_space<vmem>>
          %dma_wait3A_204 = tpu.memref_squeeze %dma_wait3A_203 : memref<1x128x64xf32, #tpu.memory_space<vmem>> -> memref<128x64xf32, #tpu.memory_space<vmem>>
          %dma_wait3A_205 = arith.constant 0 : i32
          %dma_wait3A_206 = tpu.memref_slice %arg9[%add3A_175, %dma_wait3A_205] : memref<25088x64xf32, #tpu.memory_space<vmem_shared>> -> memref<128x64xf32, #tpu.memory_space<vmem_shared>>
          tpu.wait_dma2 semaphore(%run_scoped3A_182 : memref<!tpu.dma_semaphore, #tpu.memory_space<semaphore_mem>>) src(%dma_wait3A_206 : memref<128x64xf32, #tpu.memory_space<vmem_shared>>) dst(%dma_wait3A_204 : memref<128x64xf32, #tpu.memory_space<vmem>>)
          tpu.yield
        }) : () -> ()
        %mul3A_177 = arith.constant 128 : i32
        %mul3A_178 = arith.muli %scan3A_169, %mul3A_177 : i32
        %add3A_179 = arith.addi %add3A_146, %mul3A_178 : i32
        %run_scoped3A_180 = arith.constant 0 : i32
        "tpu.region"() ({
          %run_scoped3A_182 = tpu.sem_alloc : memref<!tpu.dma_semaphore, #tpu.memory_space<semaphore_mem>>
          %dma_start3A_183 = arith.constant 0 : i32
          %dma_start3A_184 = arith.constant 0 : i32
          %dma_start3A_185 = tpu.memref_slice %arg8[%run_scoped3A_180, %dma_start3A_183, %dma_start3A_184] : memref<3x128x64xf32, #tpu.memory_space<vmem>> -> memref<1x128x64xf32, #tpu.memory_space<vmem>>
          %dma_start3A_186 = tpu.memref_squeeze %dma_start3A_185 : memref<1x128x64xf32, #tpu.memory_space<vmem>> -> memref<128x64xf32, #tpu.memory_space<vmem>>
          %dma_start3A_187 = arith.constant 0 : i32
          %dma_start3A_188 = tpu.memref_slice %arg5[%add3A_179, %dma_start3A_187] : memref<50000x64xf32, #tpu.memory_space<hbm>> -> memref<128x64xf32, #tpu.memory_space<hbm>>
          %dma_start3A_189 = arith.constant 0 : i32
          %dma_start3A_190 = tpu.memref_slice %arg5[%add3A_179, %dma_start3A_189] : memref<50000x64xf32, #tpu.memory_space<hbm>> -> memref<128x64xf32, #tpu.memory_space<hbm>>
          %dma_start3A_191 = arith.constant 0 : i32
          %dma_start3A_192 = arith.constant 0 : i32
          %dma_start3A_193 = tpu.memref_slice %arg8[%run_scoped3A_180, %dma_start3A_191, %dma_start3A_192] : memref<3x128x64xf32, #tpu.memory_space<vmem>> -> memref<1x128x64xf32, #tpu.memory_space<vmem>>
          %dma_start3A_194 = tpu.memref_squeeze %dma_start3A_193 : memref<1x128x64xf32, #tpu.memory_space<vmem>> -> memref<128x64xf32, #tpu.memory_space<vmem>>
          tpu.enqueue_dma source(%dma_start3A_194 : memref<128x64xf32, #tpu.memory_space<vmem>>) target(%dma_start3A_190 : memref<128x64xf32, #tpu.memory_space<hbm>>) target_semaphore(%run_scoped3A_182 : memref<!tpu.dma_semaphore, #tpu.memory_space<semaphore_mem>>)
          %dma_wait3A_195 = arith.constant 0 : i32
          %dma_wait3A_196 = arith.constant 0 : i32
          %dma_wait3A_197 = tpu.memref_slice %arg8[%run_scoped3A_180, %dma_wait3A_195, %dma_wait3A_196] : memref<3x128x64xf32, #tpu.memory_space<vmem>> -> memref<1x128x64xf32, #tpu.memory_space<vmem>>
          %dma_wait3A_198 = tpu.memref_squeeze %dma_wait3A_197 : memref<1x128x64xf32, #tpu.memory_space<vmem>> -> memref<128x64xf32, #tpu.memory_space<vmem>>
          %dma_wait3A_199 = arith.constant 0 : i32
          %dma_wait3A_200 = tpu.memref_slice %arg5[%add3A_179, %dma_wait3A_199] : memref<50000x64xf32, #tpu.memory_space<hbm>> -> memref<128x64xf32, #tpu.memory_space<hbm>>
          %dma_wait3A_201 = arith.constant 0 : i32
          %dma_wait3A_202 = tpu.memref_slice %arg5[%add3A_179, %dma_wait3A_201] : memref<50000x64xf32, #tpu.memory_space<hbm>> -> memref<128x64xf32, #tpu.memory_space<hbm>>
          %dma_wait3A_203 = arith.constant 0 : i32
          %dma_wait3A_204 = arith.constant 0 : i32
          %dma_wait3A_205 = tpu.memref_slice %arg8[%run_scoped3A_180, %dma_wait3A_203, %dma_wait3A_204] : memref<3x128x64xf32, #tpu.memory_space<vmem>> -> memref<1x128x64xf32, #tpu.memory_space<vmem>>
          %dma_wait3A_206 = tpu.memref_squeeze %dma_wait3A_205 : memref<1x128x64xf32, #tpu.memory_space<vmem>> -> memref<128x64xf32, #tpu.memory_space<vmem>>
          tpu.wait_dma2 semaphore(%run_scoped3A_182 : memref<!tpu.dma_semaphore, #tpu.memory_space<semaphore_mem>>) src(%dma_wait3A_206 : memref<128x64xf32, #tpu.memory_space<vmem>>) dst(%dma_wait3A_202 : memref<128x64xf32, #tpu.memory_space<hbm>>)
          tpu.yield
        }) : () -> ()
        %scan3A_181 = arith.constant 0 : i32
        scf.yield %scan3A_181 : i32
      }
      %scan3A_160 = arith.constant 12 : i32
      %mul3A_161 = arith.constant 1568 : i32
      %mul3A_162 = arith.muli %arg1, %mul3A_161 : i32
      %add3A_163 = arith.constant 1536 : i32
      %add3A_164 = arith.addi %mul3A_162, %add3A_163 : i32
      %run_scoped3A_165 = arith.constant 0 : i32
      "tpu.region"() ({
        %run_scoped3A_169 = tpu.sem_alloc : memref<!tpu.dma_semaphore, #tpu.memory_space<semaphore_mem>>
        %dma_start3A_170 = arith.constant 0 : i32
        %dma_start3A_171 = arith.constant 0 : i32
        %dma_start3A_172 = tpu.memref_slice %arg8[%run_scoped3A_165, %dma_start3A_170, %dma_start3A_171] : memref<3x128x64xf32, #tpu.memory_space<vmem>> -> memref<1x32x64xf32, #tpu.memory_space<vmem>>
        %dma_start3A_173 = tpu.memref_squeeze %dma_start3A_172 : memref<1x32x64xf32, #tpu.memory_space<vmem>> -> memref<32x64xf32, #tpu.memory_space<vmem>>
        %dma_start3A_174 = arith.constant 0 : i32
        %dma_start3A_175 = tpu.memref_slice %arg9[%add3A_164, %dma_start3A_174] : memref<25088x64xf32, #tpu.memory_space<vmem_shared>> -> memref<32x64xf32, #tpu.memory_space<vmem_shared>>
        %dma_start3A_176 = arith.constant 0 : i32
        %dma_start3A_177 = arith.constant 0 : i32
        %dma_start3A_178 = tpu.memref_slice %arg8[%run_scoped3A_165, %dma_start3A_176, %dma_start3A_177] : memref<3x128x64xf32, #tpu.memory_space<vmem>> -> memref<1x32x64xf32, #tpu.memory_space<vmem>>
        %dma_start3A_179 = tpu.memref_squeeze %dma_start3A_178 : memref<1x32x64xf32, #tpu.memory_space<vmem>> -> memref<32x64xf32, #tpu.memory_space<vmem>>
        %dma_start3A_180 = arith.constant 0 : i32
        %dma_start3A_181 = tpu.memref_slice %arg9[%add3A_164, %dma_start3A_180] : memref<25088x64xf32, #tpu.memory_space<vmem_shared>> -> memref<32x64xf32, #tpu.memory_space<vmem_shared>>
        tpu.enqueue_dma source(%dma_start3A_181 : memref<32x64xf32, #tpu.memory_space<vmem_shared>>) target(%dma_start3A_179 : memref<32x64xf32, #tpu.memory_space<vmem>>) target_semaphore(%run_scoped3A_169 : memref<!tpu.dma_semaphore, #tpu.memory_space<semaphore_mem>>)
        %dma_wait3A_182 = arith.constant 0 : i32
        %dma_wait3A_183 = arith.constant 0 : i32
        %dma_wait3A_184 = tpu.memref_slice %arg8[%run_scoped3A_165, %dma_wait3A_182, %dma_wait3A_183] : memref<3x128x64xf32, #tpu.memory_space<vmem>> -> memref<1x32x64xf32, #tpu.memory_space<vmem>>
        %dma_wait3A_185 = tpu.memref_squeeze %dma_wait3A_184 : memref<1x32x64xf32, #tpu.memory_space<vmem>> -> memref<32x64xf32, #tpu.memory_space<vmem>>
        %dma_wait3A_186 = arith.constant 0 : i32
        %dma_wait3A_187 = tpu.memref_slice %arg9[%add3A_164, %dma_wait3A_186] : memref<25088x64xf32, #tpu.memory_space<vmem_shared>> -> memref<32x64xf32, #tpu.memory_space<vmem_shared>>
        %dma_wait3A_188 = arith.constant 0 : i32
        %dma_wait3A_189 = arith.constant 0 : i32
        %dma_wait3A_190 = tpu.memref_slice %arg8[%run_scoped3A_165, %dma_wait3A_188, %dma_wait3A_189] : memref<3x128x64xf32, #tpu.memory_space<vmem>> -> memref<1x32x64xf32, #tpu.memory_space<vmem>>
        %dma_wait3A_191 = tpu.memref_squeeze %dma_wait3A_190 : memref<1x32x64xf32, #tpu.memory_space<vmem>> -> memref<32x64xf32, #tpu.memory_space<vmem>>
        %dma_wait3A_192 = arith.constant 0 : i32
        %dma_wait3A_193 = tpu.memref_slice %arg9[%add3A_164, %dma_wait3A_192] : memref<25088x64xf32, #tpu.memory_space<vmem_shared>> -> memref<32x64xf32, #tpu.memory_space<vmem_shared>>
        tpu.wait_dma2 semaphore(%run_scoped3A_169 : memref<!tpu.dma_semaphore, #tpu.memory_space<semaphore_mem>>) src(%dma_wait3A_193 : memref<32x64xf32, #tpu.memory_space<vmem_shared>>) dst(%dma_wait3A_191 : memref<32x64xf32, #tpu.memory_space<vmem>>)
        tpu.yield
      }) : () -> ()
      %add3A_166 = arith.constant 1536 : i32
      %add3A_167 = arith.addi %add3A_146, %add3A_166 : i32
      %run_scoped3A_168 = arith.constant 0 : i32
      "tpu.region"() ({
        %run_scoped3A_169 = tpu.sem_alloc : memref<!tpu.dma_semaphore, #tpu.memory_space<semaphore_mem>>
        %dma_start3A_170 = arith.constant 0 : i32
        %dma_start3A_171 = arith.constant 0 : i32
        %dma_start3A_172 = tpu.memref_slice %arg8[%run_scoped3A_168, %dma_start3A_170, %dma_start3A_171] : memref<3x128x64xf32, #tpu.memory_space<vmem>> -> memref<1x32x64xf32, #tpu.memory_space<vmem>>
        %dma_start3A_173 = tpu.memref_squeeze %dma_start3A_172 : memref<1x32x64xf32, #tpu.memory_space<vmem>> -> memref<32x64xf32, #tpu.memory_space<vmem>>
        %dma_start3A_174 = arith.constant 0 : i32
        %dma_start3A_175 = tpu.memref_slice %arg5[%add3A_167, %dma_start3A_174] : memref<50000x64xf32, #tpu.memory_space<hbm>> -> memref<32x64xf32, #tpu.memory_space<hbm>>
        %dma_start3A_176 = arith.constant 0 : i32
        %dma_start3A_177 = tpu.memref_slice %arg5[%add3A_167, %dma_start3A_176] : memref<50000x64xf32, #tpu.memory_space<hbm>> -> memref<32x64xf32, #tpu.memory_space<hbm>>
        %dma_start3A_178 = arith.constant 0 : i32
        %dma_start3A_179 = arith.constant 0 : i32
        %dma_start3A_180 = tpu.memref_slice %arg8[%run_scoped3A_168, %dma_start3A_178, %dma_start3A_179] : memref<3x128x64xf32, #tpu.memory_space<vmem>> -> memref<1x32x64xf32, #tpu.memory_space<vmem>>
        %dma_start3A_181 = tpu.memref_squeeze %dma_start3A_180 : memref<1x32x64xf32, #tpu.memory_space<vmem>> -> memref<32x64xf32, #tpu.memory_space<vmem>>
        tpu.enqueue_dma source(%dma_start3A_181 : memref<32x64xf32, #tpu.memory_space<vmem>>) target(%dma_start3A_177 : memref<32x64xf32, #tpu.memory_space<hbm>>) target_semaphore(%run_scoped3A_169 : memref<!tpu.dma_semaphore, #tpu.memory_space<semaphore_mem>>)
        %dma_wait3A_182 = arith.constant 0 : i32
        %dma_wait3A_183 = arith.constant 0 : i32
        %dma_wait3A_184 = tpu.memref_slice %arg8[%run_scoped3A_168, %dma_wait3A_182, %dma_wait3A_183] : memref<3x128x64xf32, #tpu.memory_space<vmem>> -> memref<1x32x64xf32, #tpu.memory_space<vmem>>
        %dma_wait3A_185 = tpu.memref_squeeze %dma_wait3A_184 : memref<1x32x64xf32, #tpu.memory_space<vmem>> -> memref<32x64xf32, #tpu.memory_space<vmem>>
        %dma_wait3A_186 = arith.constant 0 : i32
        %dma_wait3A_187 = tpu.memref_slice %arg5[%add3A_167, %dma_wait3A_186] : memref<50000x64xf32, #tpu.memory_space<hbm>> -> memref<32x64xf32, #tpu.memory_space<hbm>>
        %dma_wait3A_188 = arith.constant 0 : i32
        %dma_wait3A_189 = tpu.memref_slice %arg5[%add3A_167, %dma_wait3A_188] : memref<50000x64xf32, #tpu.memory_space<hbm>> -> memref<32x64xf32, #tpu.memory_space<hbm>>
        %dma_wait3A_190 = arith.constant 0 : i32
        %dma_wait3A_191 = arith.constant 0 : i32
        %dma_wait3A_192 = tpu.memref_slice %arg8[%run_scoped3A_168, %dma_wait3A_190, %dma_wait3A_191] : memref<3x128x64xf32, #tpu.memory_space<vmem>> -> memref<1x32x64xf32, #tpu.memory_space<vmem>>
        %dma_wait3A_193 = tpu.memref_squeeze %dma_wait3A_192 : memref<1x32x64xf32, #tpu.memory_space<vmem>> -> memref<32x64xf32, #tpu.memory_space<vmem>>
        tpu.wait_dma2 semaphore(%run_scoped3A_169 : memref<!tpu.dma_semaphore, #tpu.memory_space<semaphore_mem>>) src(%dma_wait3A_193 : memref<32x64xf32, #tpu.memory_space<vmem>>) dst(%dma_wait3A_189 : memref<32x64xf32, #tpu.memory_space<hbm>>)
        tpu.yield
      }) : () -> ()
    } else {
    }
    %eq3A = arith.constant 15 : i32
    %eq3A_150 = arith.cmpi eq, %arg1, %eq3A : i32
    %convert_element_type3A_151 = arith.extui %eq3A_150 : i1 to i32
    %cond3A_152 = arith.constant 0 : i32
    %cond3A_153 = arith.cmpi ne, %convert_element_type3A_151, %cond3A_152 : i32
    scf.if %cond3A_153 {
      %scan3A_154 = arith.constant 0 : i32
      %scan3A_155 = arith.constant 0 : i32
      %scan3A_156 = arith.constant 11 : i32
      %scan3A_157 = arith.addi %scan3A_155, %scan3A_156 : i32
      %scan3A_158 = arith.constant 1 : i32
      %scan3A_159 = scf.for %scan3A_169 = %scan3A_155 to %scan3A_157 step %scan3A_158 iter_args(%scan3A_170 = %scan3A_154) -> (i32)  : i32 {
        %mul3A_171 = arith.constant 1568 : i32
        %mul3A_172 = arith.muli %arg1, %mul3A_171 : i32
        %mul3A_173 = arith.constant 128 : i32
        %mul3A_174 = arith.muli %scan3A_169, %mul3A_173 : i32
        %add3A_175 = arith.addi %mul3A_172, %mul3A_174 : i32
        %run_scoped3A_176 = arith.constant 0 : i32
        "tpu.region"() ({
          %run_scoped3A_182 = tpu.sem_alloc : memref<!tpu.dma_semaphore, #tpu.memory_space<semaphore_mem>>
          %dma_start3A_183 = arith.constant 0 : i32
          %dma_start3A_184 = arith.constant 0 : i32
          %dma_start3A_185 = tpu.memref_slice %arg8[%run_scoped3A_176, %dma_start3A_183, %dma_start3A_184] : memref<3x128x64xf32, #tpu.memory_space<vmem>> -> memref<1x128x64xf32, #tpu.memory_space<vmem>>
          %dma_start3A_186 = tpu.memref_squeeze %dma_start3A_185 : memref<1x128x64xf32, #tpu.memory_space<vmem>> -> memref<128x64xf32, #tpu.memory_space<vmem>>
          %dma_start3A_187 = arith.constant 0 : i32
          %dma_start3A_188 = tpu.memref_slice %arg9[%add3A_175, %dma_start3A_187] : memref<25088x64xf32, #tpu.memory_space<vmem_shared>> -> memref<128x64xf32, #tpu.memory_space<vmem_shared>>
          %dma_start3A_189 = arith.constant 0 : i32
          %dma_start3A_190 = arith.constant 0 : i32
          %dma_start3A_191 = tpu.memref_slice %arg8[%run_scoped3A_176, %dma_start3A_189, %dma_start3A_190] : memref<3x128x64xf32, #tpu.memory_space<vmem>> -> memref<1x128x64xf32, #tpu.memory_space<vmem>>
          %dma_start3A_192 = tpu.memref_squeeze %dma_start3A_191 : memref<1x128x64xf32, #tpu.memory_space<vmem>> -> memref<128x64xf32, #tpu.memory_space<vmem>>
          %dma_start3A_193 = arith.constant 0 : i32
          %dma_start3A_194 = tpu.memref_slice %arg9[%add3A_175, %dma_start3A_193] : memref<25088x64xf32, #tpu.memory_space<vmem_shared>> -> memref<128x64xf32, #tpu.memory_space<vmem_shared>>
          tpu.enqueue_dma source(%dma_start3A_194 : memref<128x64xf32, #tpu.memory_space<vmem_shared>>) target(%dma_start3A_192 : memref<128x64xf32, #tpu.memory_space<vmem>>) target_semaphore(%run_scoped3A_182 : memref<!tpu.dma_semaphore, #tpu.memory_space<semaphore_mem>>)
          %dma_wait3A_195 = arith.constant 0 : i32
          %dma_wait3A_196 = arith.constant 0 : i32
          %dma_wait3A_197 = tpu.memref_slice %arg8[%run_scoped3A_176, %dma_wait3A_195, %dma_wait3A_196] : memref<3x128x64xf32, #tpu.memory_space<vmem>> -> memref<1x128x64xf32, #tpu.memory_space<vmem>>
          %dma_wait3A_198 = tpu.memref_squeeze %dma_wait3A_197 : memref<1x128x64xf32, #tpu.memory_space<vmem>> -> memref<128x64xf32, #tpu.memory_space<vmem>>
          %dma_wait3A_199 = arith.constant 0 : i32
          %dma_wait3A_200 = tpu.memref_slice %arg9[%add3A_175, %dma_wait3A_199] : memref<25088x64xf32, #tpu.memory_space<vmem_shared>> -> memref<128x64xf32, #tpu.memory_space<vmem_shared>>
          %dma_wait3A_201 = arith.constant 0 : i32
          %dma_wait3A_202 = arith.constant 0 : i32
          %dma_wait3A_203 = tpu.memref_slice %arg8[%run_scoped3A_176, %dma_wait3A_201, %dma_wait3A_202] : memref<3x128x64xf32, #tpu.memory_space<vmem>> -> memref<1x128x64xf32, #tpu.memory_space<vmem>>
          %dma_wait3A_204 = tpu.memref_squeeze %dma_wait3A_203 : memref<1x128x64xf32, #tpu.memory_space<vmem>> -> memref<128x64xf32, #tpu.memory_space<vmem>>
          %dma_wait3A_205 = arith.constant 0 : i32
          %dma_wait3A_206 = tpu.memref_slice %arg9[%add3A_175, %dma_wait3A_205] : memref<25088x64xf32, #tpu.memory_space<vmem_shared>> -> memref<128x64xf32, #tpu.memory_space<vmem_shared>>
          tpu.wait_dma2 semaphore(%run_scoped3A_182 : memref<!tpu.dma_semaphore, #tpu.memory_space<semaphore_mem>>) src(%dma_wait3A_206 : memref<128x64xf32, #tpu.memory_space<vmem_shared>>) dst(%dma_wait3A_204 : memref<128x64xf32, #tpu.memory_space<vmem>>)
          tpu.yield
        }) : () -> ()
        %mul3A_177 = arith.constant 128 : i32
        %mul3A_178 = arith.muli %scan3A_169, %mul3A_177 : i32
        %add3A_179 = arith.addi %add3A_146, %mul3A_178 : i32
        %run_scoped3A_180 = arith.constant 0 : i32
        "tpu.region"() ({
          %run_scoped3A_182 = tpu.sem_alloc : memref<!tpu.dma_semaphore, #tpu.memory_space<semaphore_mem>>
          %dma_start3A_183 = arith.constant 0 : i32
          %dma_start3A_184 = arith.constant 0 : i32
          %dma_start3A_185 = tpu.memref_slice %arg8[%run_scoped3A_180, %dma_start3A_183, %dma_start3A_184] : memref<3x128x64xf32, #tpu.memory_space<vmem>> -> memref<1x128x64xf32, #tpu.memory_space<vmem>>
          %dma_start3A_186 = tpu.memref_squeeze %dma_start3A_185 : memref<1x128x64xf32, #tpu.memory_space<vmem>> -> memref<128x64xf32, #tpu.memory_space<vmem>>
          %dma_start3A_187 = arith.constant 0 : i32
          %dma_start3A_188 = tpu.memref_slice %arg5[%add3A_179, %dma_start3A_187] : memref<50000x64xf32, #tpu.memory_space<hbm>> -> memref<128x64xf32, #tpu.memory_space<hbm>>
          %dma_start3A_189 = arith.constant 0 : i32
          %dma_start3A_190 = tpu.memref_slice %arg5[%add3A_179, %dma_start3A_189] : memref<50000x64xf32, #tpu.memory_space<hbm>> -> memref<128x64xf32, #tpu.memory_space<hbm>>
          %dma_start3A_191 = arith.constant 0 : i32
          %dma_start3A_192 = arith.constant 0 : i32
          %dma_start3A_193 = tpu.memref_slice %arg8[%run_scoped3A_180, %dma_start3A_191, %dma_start3A_192] : memref<3x128x64xf32, #tpu.memory_space<vmem>> -> memref<1x128x64xf32, #tpu.memory_space<vmem>>
          %dma_start3A_194 = tpu.memref_squeeze %dma_start3A_193 : memref<1x128x64xf32, #tpu.memory_space<vmem>> -> memref<128x64xf32, #tpu.memory_space<vmem>>
          tpu.enqueue_dma source(%dma_start3A_194 : memref<128x64xf32, #tpu.memory_space<vmem>>) target(%dma_start3A_190 : memref<128x64xf32, #tpu.memory_space<hbm>>) target_semaphore(%run_scoped3A_182 : memref<!tpu.dma_semaphore, #tpu.memory_space<semaphore_mem>>)
          %dma_wait3A_195 = arith.constant 0 : i32
          %dma_wait3A_196 = arith.constant 0 : i32
          %dma_wait3A_197 = tpu.memref_slice %arg8[%run_scoped3A_180, %dma_wait3A_195, %dma_wait3A_196] : memref<3x128x64xf32, #tpu.memory_space<vmem>> -> memref<1x128x64xf32, #tpu.memory_space<vmem>>
          %dma_wait3A_198 = tpu.memref_squeeze %dma_wait3A_197 : memref<1x128x64xf32, #tpu.memory_space<vmem>> -> memref<128x64xf32, #tpu.memory_space<vmem>>
          %dma_wait3A_199 = arith.constant 0 : i32
          %dma_wait3A_200 = tpu.memref_slice %arg5[%add3A_179, %dma_wait3A_199] : memref<50000x64xf32, #tpu.memory_space<hbm>> -> memref<128x64xf32, #tpu.memory_space<hbm>>
          %dma_wait3A_201 = arith.constant 0 : i32
          %dma_wait3A_202 = tpu.memref_slice %arg5[%add3A_179, %dma_wait3A_201] : memref<50000x64xf32, #tpu.memory_space<hbm>> -> memref<128x64xf32, #tpu.memory_space<hbm>>
          %dma_wait3A_203 = arith.constant 0 : i32
          %dma_wait3A_204 = arith.constant 0 : i32
          %dma_wait3A_205 = tpu.memref_slice %arg8[%run_scoped3A_180, %dma_wait3A_203, %dma_wait3A_204] : memref<3x128x64xf32, #tpu.memory_space<vmem>> -> memref<1x128x64xf32, #tpu.memory_space<vmem>>
          %dma_wait3A_206 = tpu.memref_squeeze %dma_wait3A_205 : memref<1x128x64xf32, #tpu.memory_space<vmem>> -> memref<128x64xf32, #tpu.memory_space<vmem>>
          tpu.wait_dma2 semaphore(%run_scoped3A_182 : memref<!tpu.dma_semaphore, #tpu.memory_space<semaphore_mem>>) src(%dma_wait3A_206 : memref<128x64xf32, #tpu.memory_space<vmem>>) dst(%dma_wait3A_202 : memref<128x64xf32, #tpu.memory_space<hbm>>)
          tpu.yield
        }) : () -> ()
        %scan3A_181 = arith.constant 0 : i32
        scf.yield %scan3A_181 : i32
      }
      %scan3A_160 = arith.constant 11 : i32
      %mul3A_161 = arith.constant 1568 : i32
      %mul3A_162 = arith.muli %arg1, %mul3A_161 : i32
      %add3A_163 = arith.constant 1408 : i32
      %add3A_164 = arith.addi %mul3A_162, %add3A_163 : i32
      %run_scoped3A_165 = arith.constant 0 : i32
      "tpu.region"() ({
        %run_scoped3A_169 = tpu.sem_alloc : memref<!tpu.dma_semaphore, #tpu.memory_space<semaphore_mem>>
        %dma_start3A_170 = arith.constant 0 : i32
        %dma_start3A_171 = arith.constant 0 : i32
        %dma_start3A_172 = tpu.memref_slice %arg8[%run_scoped3A_165, %dma_start3A_170, %dma_start3A_171] : memref<3x128x64xf32, #tpu.memory_space<vmem>> -> memref<1x72x64xf32, #tpu.memory_space<vmem>>
        %dma_start3A_173 = tpu.memref_squeeze %dma_start3A_172 : memref<1x72x64xf32, #tpu.memory_space<vmem>> -> memref<72x64xf32, #tpu.memory_space<vmem>>
        %dma_start3A_174 = arith.constant 0 : i32
        %dma_start3A_175 = tpu.memref_slice %arg9[%add3A_164, %dma_start3A_174] : memref<25088x64xf32, #tpu.memory_space<vmem_shared>> -> memref<72x64xf32, #tpu.memory_space<vmem_shared>>
        %dma_start3A_176 = arith.constant 0 : i32
        %dma_start3A_177 = arith.constant 0 : i32
        %dma_start3A_178 = tpu.memref_slice %arg8[%run_scoped3A_165, %dma_start3A_176, %dma_start3A_177] : memref<3x128x64xf32, #tpu.memory_space<vmem>> -> memref<1x72x64xf32, #tpu.memory_space<vmem>>
        %dma_start3A_179 = tpu.memref_squeeze %dma_start3A_178 : memref<1x72x64xf32, #tpu.memory_space<vmem>> -> memref<72x64xf32, #tpu.memory_space<vmem>>
        %dma_start3A_180 = arith.constant 0 : i32
        %dma_start3A_181 = tpu.memref_slice %arg9[%add3A_164, %dma_start3A_180] : memref<25088x64xf32, #tpu.memory_space<vmem_shared>> -> memref<72x64xf32, #tpu.memory_space<vmem_shared>>
        tpu.enqueue_dma source(%dma_start3A_181 : memref<72x64xf32, #tpu.memory_space<vmem_shared>>) target(%dma_start3A_179 : memref<72x64xf32, #tpu.memory_space<vmem>>) target_semaphore(%run_scoped3A_169 : memref<!tpu.dma_semaphore, #tpu.memory_space<semaphore_mem>>)
        %dma_wait3A_182 = arith.constant 0 : i32
        %dma_wait3A_183 = arith.constant 0 : i32
        %dma_wait3A_184 = tpu.memref_slice %arg8[%run_scoped3A_165, %dma_wait3A_182, %dma_wait3A_183] : memref<3x128x64xf32, #tpu.memory_space<vmem>> -> memref<1x72x64xf32, #tpu.memory_space<vmem>>
        %dma_wait3A_185 = tpu.memref_squeeze %dma_wait3A_184 : memref<1x72x64xf32, #tpu.memory_space<vmem>> -> memref<72x64xf32, #tpu.memory_space<vmem>>
        %dma_wait3A_186 = arith.constant 0 : i32
        %dma_wait3A_187 = tpu.memref_slice %arg9[%add3A_164, %dma_wait3A_186] : memref<25088x64xf32, #tpu.memory_space<vmem_shared>> -> memref<72x64xf32, #tpu.memory_space<vmem_shared>>
        %dma_wait3A_188 = arith.constant 0 : i32
        %dma_wait3A_189 = arith.constant 0 : i32
        %dma_wait3A_190 = tpu.memref_slice %arg8[%run_scoped3A_165, %dma_wait3A_188, %dma_wait3A_189] : memref<3x128x64xf32, #tpu.memory_space<vmem>> -> memref<1x72x64xf32, #tpu.memory_space<vmem>>
        %dma_wait3A_191 = tpu.memref_squeeze %dma_wait3A_190 : memref<1x72x64xf32, #tpu.memory_space<vmem>> -> memref<72x64xf32, #tpu.memory_space<vmem>>
        %dma_wait3A_192 = arith.constant 0 : i32
        %dma_wait3A_193 = tpu.memref_slice %arg9[%add3A_164, %dma_wait3A_192] : memref<25088x64xf32, #tpu.memory_space<vmem_shared>> -> memref<72x64xf32, #tpu.memory_space<vmem_shared>>
        tpu.wait_dma2 semaphore(%run_scoped3A_169 : memref<!tpu.dma_semaphore, #tpu.memory_space<semaphore_mem>>) src(%dma_wait3A_193 : memref<72x64xf32, #tpu.memory_space<vmem_shared>>) dst(%dma_wait3A_191 : memref<72x64xf32, #tpu.memory_space<vmem>>)
        tpu.yield
      }) : () -> ()
      %add3A_166 = arith.constant 1408 : i32
      %add3A_167 = arith.addi %add3A_146, %add3A_166 : i32
      %run_scoped3A_168 = arith.constant 0 : i32
      "tpu.region"() ({
        %run_scoped3A_169 = tpu.sem_alloc : memref<!tpu.dma_semaphore, #tpu.memory_space<semaphore_mem>>
        %dma_start3A_170 = arith.constant 0 : i32
        %dma_start3A_171 = arith.constant 0 : i32
        %dma_start3A_172 = tpu.memref_slice %arg8[%run_scoped3A_168, %dma_start3A_170, %dma_start3A_171] : memref<3x128x64xf32, #tpu.memory_space<vmem>> -> memref<1x72x64xf32, #tpu.memory_space<vmem>>
        %dma_start3A_173 = tpu.memref_squeeze %dma_start3A_172 : memref<1x72x64xf32, #tpu.memory_space<vmem>> -> memref<72x64xf32, #tpu.memory_space<vmem>>
        %dma_start3A_174 = arith.constant 0 : i32
        %dma_start3A_175 = tpu.memref_slice %arg5[%add3A_167, %dma_start3A_174] : memref<50000x64xf32, #tpu.memory_space<hbm>> -> memref<72x64xf32, #tpu.memory_space<hbm>>
        %dma_start3A_176 = arith.constant 0 : i32
        %dma_start3A_177 = tpu.memref_slice %arg5[%add3A_167, %dma_start3A_176] : memref<50000x64xf32, #tpu.memory_space<hbm>> -> memref<72x64xf32, #tpu.memory_space<hbm>>
        %dma_start3A_178 = arith.constant 0 : i32
        %dma_start3A_179 = arith.constant 0 : i32
        %dma_start3A_180 = tpu.memref_slice %arg8[%run_scoped3A_168, %dma_start3A_178, %dma_start3A_179] : memref<3x128x64xf32, #tpu.memory_space<vmem>> -> memref<1x72x64xf32, #tpu.memory_space<vmem>>
        %dma_start3A_181 = tpu.memref_squeeze %dma_start3A_180 : memref<1x72x64xf32, #tpu.memory_space<vmem>> -> memref<72x64xf32, #tpu.memory_space<vmem>>
        tpu.enqueue_dma source(%dma_start3A_181 : memref<72x64xf32, #tpu.memory_space<vmem>>) target(%dma_start3A_177 : memref<72x64xf32, #tpu.memory_space<hbm>>) target_semaphore(%run_scoped3A_169 : memref<!tpu.dma_semaphore, #tpu.memory_space<semaphore_mem>>)
        %dma_wait3A_182 = arith.constant 0 : i32
        %dma_wait3A_183 = arith.constant 0 : i32
        %dma_wait3A_184 = tpu.memref_slice %arg8[%run_scoped3A_168, %dma_wait3A_182, %dma_wait3A_183] : memref<3x128x64xf32, #tpu.memory_space<vmem>> -> memref<1x72x64xf32, #tpu.memory_space<vmem>>
        %dma_wait3A_185 = tpu.memref_squeeze %dma_wait3A_184 : memref<1x72x64xf32, #tpu.memory_space<vmem>> -> memref<72x64xf32, #tpu.memory_space<vmem>>
        %dma_wait3A_186 = arith.constant 0 : i32
        %dma_wait3A_187 = tpu.memref_slice %arg5[%add3A_167, %dma_wait3A_186] : memref<50000x64xf32, #tpu.memory_space<hbm>> -> memref<72x64xf32, #tpu.memory_space<hbm>>
        %dma_wait3A_188 = arith.constant 0 : i32
        %dma_wait3A_189 = tpu.memref_slice %arg5[%add3A_167, %dma_wait3A_188] : memref<50000x64xf32, #tpu.memory_space<hbm>> -> memref<72x64xf32, #tpu.memory_space<hbm>>
        %dma_wait3A_190 = arith.constant 0 : i32
        %dma_wait3A_191 = arith.constant 0 : i32
        %dma_wait3A_192 = tpu.memref_slice %arg8[%run_scoped3A_168, %dma_wait3A_190, %dma_wait3A_191] : memref<3x128x64xf32, #tpu.memory_space<vmem>> -> memref<1x72x64xf32, #tpu.memory_space<vmem>>
        %dma_wait3A_193 = tpu.memref_squeeze %dma_wait3A_192 : memref<1x72x64xf32, #tpu.memory_space<vmem>> -> memref<72x64xf32, #tpu.memory_space<vmem>>
        tpu.wait_dma2 semaphore(%run_scoped3A_169 : memref<!tpu.dma_semaphore, #tpu.memory_space<semaphore_mem>>) src(%dma_wait3A_193 : memref<72x64xf32, #tpu.memory_space<vmem>>) dst(%dma_wait3A_189 : memref<72x64xf32, #tpu.memory_space<hbm>>)
        tpu.yield
      }) : () -> ()
    } else {
    }
    return
  }
}

module attributes {stable_mosaic.version = 14 : i64} {
  func.func @_prep_body(%arg0: i32, %arg1: memref<1000x128xf32, #tpu.memory_space<vmem>>, %arg2: memref<1000x128xf32, #tpu.memory_space<vmem>>, %arg3: memref<1000x128xf32, #tpu.memory_space<vmem>>, %arg4: memref<1000x128xf32, #tpu.memory_space<vmem>>) attributes {dimension_semantics = [#tpu.dimension_semantics<arbitrary>], iteration_bounds = array<i64: 25>, scalar_prefetch = 0 : i64, scratch_operands = 0 : i64, tpu.core_type = #tpu.core_type<tc>, window_params = [{transform_indices = @transform_0, window_bounds = array<i64: 1000, 128>}, {transform_indices = @transform_1, window_bounds = array<i64: 1000, 128>}, {transform_indices = @transform_2, window_bounds = array<i64: 1000, 128>}, {transform_indices = @transform_3, window_bounds = array<i64: 1000, 128>}]} {
    %get3A = arith.constant 0 : index
    %get3A_0 = arith.constant 0 : index
    %get3A_1 = vector.load %arg1[%get3A, %get3A_0] : memref<1000x128xf32, #tpu.memory_space<vmem>>, vector<1000x128xf32>
    %max3A = arith.constant 1.000000e+00 : f32
    %max3A_2 = vector.broadcast %max3A : f32 to vector<1000x128xf32>
    %max3A_3 = arith.maximumf %get3A_1, %max3A_2 : vector<1000x128xf32>
    %rsqrt3A = math.rsqrt %max3A_3 : vector<1000x128xf32>
    %swap3A = arith.constant 0 : index
    %swap3A_4 = arith.constant 0 : index
    %swap3A_5 = vector.load %arg3[%swap3A, %swap3A_4] : memref<1000x128xf32, #tpu.memory_space<vmem>>, vector<1000x128xf32>
    tpu.vector_store %arg3[%swap3A, %swap3A_4], %rsqrt3A {strides = array<i32>} : memref<1000x128xf32, #tpu.memory_space<vmem>>, vector<1000x128xf32>,
    %get3A_6 = arith.constant 0 : index
    %get3A_7 = arith.constant 0 : index
    %get3A_8 = vector.load %arg2[%get3A_6, %get3A_7] : memref<1000x128xf32, #tpu.memory_space<vmem>>, vector<1000x128xf32>
    %mul3A = arith.mulf %get3A_8, %rsqrt3A : vector<1000x128xf32>
    %swap3A_9 = arith.constant 0 : index
    %swap3A_10 = arith.constant 0 : index
    %swap3A_11 = vector.load %arg4[%swap3A_9, %swap3A_10] : memref<1000x128xf32, #tpu.memory_space<vmem>>, vector<1000x128xf32>
    tpu.vector_store %arg4[%swap3A_9, %swap3A_10], %mul3A {strides = array<i32>} : memref<1000x128xf32, #tpu.memory_space<vmem>>, vector<1000x128xf32>,
    return
  }
  func.func @transform_0(%arg0: i32) -> (i32, i32) {
    %c0_i32 = arith.constant 0 : i32
    %c0_i32_0 = arith.constant 0 : i32
    return %arg0, %c0_i32 : i32, i32
  }
  func.func @transform_1(%arg0: i32) -> (i32, i32) {
    %c0_i32 = arith.constant 0 : i32
    %c0_i32_0 = arith.constant 0 : i32
    return %arg0, %c0_i32 : i32, i32
  }
  func.func @transform_2(%arg0: i32) -> (i32, i32) {
    %c0_i32 = arith.constant 0 : i32
    %c0_i32_0 = arith.constant 0 : i32
    return %arg0, %c0_i32 : i32, i32
  }
  func.func @transform_3(%arg0: i32) -> (i32, i32) {
    %c0_i32 = arith.constant 0 : i32
    %c0_i32_0 = arith.constant 0 : i32
    return %arg0, %c0_i32 : i32, i32
  }
}

module attributes {stable_mosaic.version = 14 : i64} {
  func.func @_layer0_body(%arg0: i32, %arg1: memref<1000x128xf32, #tpu.memory_space<vmem>>, %arg2: memref<1000x128xf32, #tpu.memory_space<vmem>>, %arg3: memref<1000x128xf32, #tpu.memory_space<vmem>>, %arg4: memref<64x64xf32, #tpu.memory_space<vmem>>, %arg5: memref<1x64xf32, #tpu.memory_space<vmem>>, %arg6: memref<64x64xf32, #tpu.memory_space<vmem>>, %arg7: memref<1x64xf32, #tpu.memory_space<vmem>>, %arg8: memref<1000x128xf32, #tpu.memory_space<vmem>>, %arg9: memref<1000x128xf32, #tpu.memory_space<vmem>>, %arg10: memref<1000x128xf32, #tpu.memory_space<vmem>>) attributes {dimension_semantics = [#tpu.dimension_semantics<arbitrary>], iteration_bounds = array<i64: 25>, scalar_prefetch = 0 : i64, scratch_operands = 0 : i64, tpu.core_type = #tpu.core_type<tc>, window_params = [{transform_indices = @transform_0, window_bounds = array<i64: 1000, 128>}, {transform_indices = @transform_1, window_bounds = array<i64: 1000, 128>}, {transform_indices = @transform_2, window_bounds = array<i64: 1000, 128>}, {pipeline_mode = #tpu.pipeline_mode<synchronous>, transform_indices = @transform_3, window_bounds = array<i64: 64, 64>}, {pipeline_mode = #tpu.pipeline_mode<synchronous>, transform_indices = @transform_4, window_bounds = array<i64: 1, 64>}, {pipeline_mode = #tpu.pipeline_mode<synchronous>, transform_indices = @transform_5, window_bounds = array<i64: 64, 64>}, {pipeline_mode = #tpu.pipeline_mode<synchronous>, transform_indices = @transform_6, window_bounds = array<i64: 1, 64>}, {transform_indices = @transform_7, window_bounds = array<i64: 1000, 128>}, {transform_indices = @transform_8, window_bounds = array<i64: 1000, 128>}, {transform_indices = @transform_9, window_bounds = array<i64: 1000, 128>}]} {
    %get3A = arith.constant 0 : index
    %get3A_0 = arith.constant 0 : index
    %get3A_1 = vector.load %arg2[%get3A, %get3A_0] : memref<1000x128xf32, #tpu.memory_space<vmem>>, vector<1000x128xf32>
    %get3A_2 = arith.constant 0 : index
    %get3A_3 = arith.constant 0 : index
    %get3A_4 = vector.load %arg1[%get3A_2, %get3A_3] : memref<1000x128xf32, #tpu.memory_space<vmem>>, vector<1000x128xf32>
    %mul3A = arith.mulf %get3A_4, %get3A_1 : vector<1000x128xf32>
    %get3A_5 = arith.constant 0 : index
    %get3A_6 = arith.constant 0 : index
    %get3A_7 = vector.load %arg3[%get3A_5, %get3A_6] : memref<1000x128xf32, #tpu.memory_space<vmem>>, vector<1000x128xf32>
    %get3A_8 = arith.constant 0 : index
    %get3A_9 = arith.constant 0 : index
    %get3A_10 = vector.load %arg4[%get3A_8, %get3A_9] : memref<64x64xf32, #tpu.memory_space<vmem>>, vector<64x64xf32>
    %broadcast_in_dim3A = arith.constant 0.000000e+00 : f32
    %broadcast_in_dim3A_11 = vector.broadcast %broadcast_in_dim3A : f32 to vector<64x64xf32>
    %concatenate3A = tpu.concatenate %get3A_10, %broadcast_in_dim3A_11 in 1 : vector<64x64xf32>, vector<64x64xf32> -> vector<64x128xf32>
    %concatenate3A_12 = tpu.concatenate %broadcast_in_dim3A_11, %get3A_10 in 1 : vector<64x64xf32>, vector<64x64xf32> -> vector<64x128xf32>
    %concatenate3A_13 = tpu.concatenate %concatenate3A, %concatenate3A_12 in 0 : vector<64x128xf32>, vector<64x128xf32> -> vector<128x128xf32>
    %dot_general3A = arith.constant dense<0.000000e+00> : vector<1000x128xf32>
    %dot_general3A_14 = tpu.matmul %mul3A, %concatenate3A_13, %dot_general3A {dimension_numbers = #tpu.dot_dimension_numbers<[1], [0], [0], [1], [0, 0, 1, 1], [], []>, transpose_lhs_hint = false} : vector<1000x128xf32>, vector<128x128xf32>, vector<1000x128xf32> -> vector<1000x128xf32>
    %get3A_15 = arith.constant 0 : index
    %get3A_16 = arith.constant 0 : index
    %get3A_17 = vector.load %arg5[%get3A_15, %get3A_16] : memref<1x64xf32, #tpu.memory_space<vmem>>, vector<1x64xf32>
    %concatenate3A_18 = tpu.concatenate %get3A_17, %get3A_17 in 1 : vector<1x64xf32>, vector<1x64xf32> -> vector<1x128xf32>
    %add3A = vector.broadcast %concatenate3A_18 : vector<1x128xf32> to vector<1000x128xf32>
    %add3A_19 = arith.addf %dot_general3A_14, %add3A : vector<1000x128xf32>
    %mul3A_20 = arith.mulf %get3A_7, %mul3A : vector<1000x128xf32>
    %get3A_21 = arith.constant 0 : index
    %get3A_22 = arith.constant 0 : index
    %get3A_23 = vector.load %arg6[%get3A_21, %get3A_22] : memref<64x64xf32, #tpu.memory_space<vmem>>, vector<64x64xf32>
    %broadcast_in_dim3A_24 = arith.constant 0.000000e+00 : f32
    %broadcast_in_dim3A_25 = vector.broadcast %broadcast_in_dim3A_24 : f32 to vector<64x64xf32>
    %concatenate3A_26 = tpu.concatenate %get3A_23, %broadcast_in_dim3A_25 in 1 : vector<64x64xf32>, vector<64x64xf32> -> vector<64x128xf32>
    %concatenate3A_27 = tpu.concatenate %broadcast_in_dim3A_25, %get3A_23 in 1 : vector<64x64xf32>, vector<64x64xf32> -> vector<64x128xf32>
    %concatenate3A_28 = tpu.concatenate %concatenate3A_26, %concatenate3A_27 in 0 : vector<64x128xf32>, vector<64x128xf32> -> vector<128x128xf32>
    %dot_general3A_29 = arith.constant dense<0.000000e+00> : vector<1000x128xf32>
    %dot_general3A_30 = tpu.matmul %mul3A_20, %concatenate3A_28, %dot_general3A_29 {dimension_numbers = #tpu.dot_dimension_numbers<[1], [0], [0], [1], [0, 0, 1, 1], [], []>, transpose_lhs_hint = false} : vector<1000x128xf32>, vector<128x128xf32>, vector<1000x128xf32> -> vector<1000x128xf32>
    %add3A_31 = arith.addf %add3A_19, %dot_general3A_30 : vector<1000x128xf32>
    %get3A_32 = arith.constant 0 : index
    %get3A_33 = arith.constant 0 : index
    %get3A_34 = vector.load %arg7[%get3A_32, %get3A_33] : memref<1x64xf32, #tpu.memory_space<vmem>>, vector<1x64xf32>
    %concatenate3A_35 = tpu.concatenate %get3A_34, %get3A_34 in 1 : vector<1x64xf32>, vector<1x64xf32> -> vector<1x128xf32>
    %add3A_36 = vector.broadcast %concatenate3A_35 : vector<1x128xf32> to vector<1000x128xf32>
    %add3A_37 = arith.addf %add3A_31, %add3A_36 : vector<1000x128xf32>
    %gt3A = arith.constant 0.000000e+00 : f32
    %gt3A_38 = vector.broadcast %gt3A : f32 to vector<1000x128xf32>
    %gt3A_39 = arith.cmpf ogt, %add3A_37, %gt3A_38 : vector<1000x128xf32>
    %mul3A_40 = arith.constant 2.000000e-01 : f32
    %mul3A_41 = vector.broadcast %mul3A_40 : f32 to vector<1000x128xf32>
    %mul3A_42 = arith.mulf %mul3A_41, %add3A_37 : vector<1000x128xf32>
    %select_n3A = arith.select %gt3A_39, %add3A_37, %mul3A_42 : vector<1000x128xi1>, vector<1000x128xf32>
    %mul3A_43 = arith.mulf %select_n3A, %select_n3A : vector<1000x128xf32>
    %broadcast_in_dim3A_44 = arith.constant 1.000000e+00 : f32
    %broadcast_in_dim3A_45 = vector.broadcast %broadcast_in_dim3A_44 : f32 to vector<64x1xf32>
    %broadcast_in_dim3A_46 = arith.constant 0.000000e+00 : f32
    %broadcast_in_dim3A_47 = vector.broadcast %broadcast_in_dim3A_46 : f32 to vector<64x1xf32>
    %concatenate3A_48 = tpu.concatenate %broadcast_in_dim3A_45, %broadcast_in_dim3A_47 in 1 : vector<64x1xf32>, vector<64x1xf32> -> vector<64x2xf32>
    %concatenate3A_49 = tpu.concatenate %broadcast_in_dim3A_47, %broadcast_in_dim3A_45 in 1 : vector<64x1xf32>, vector<64x1xf32> -> vector<64x2xf32>
    %concatenate3A_50 = tpu.concatenate %concatenate3A_48, %concatenate3A_49 in 0 : vector<64x2xf32>, vector<64x2xf32> -> vector<128x2xf32>
    %dot_general3A_51 = arith.constant dense<0.000000e+00> : vector<1000x2xf32>
    %dot_general3A_52 = tpu.matmul %mul3A_43, %concatenate3A_50, %dot_general3A_51 {dimension_numbers = #tpu.dot_dimension_numbers<[1], [0], [0], [1], [0, 0, 1, 1], [], []>, transpose_lhs_hint = false} : vector<1000x128xf32>, vector<128x2xf32>, vector<1000x2xf32> -> vector<1000x2xf32>
    %sqrt3A = math.sqrt %dot_general3A_52 : vector<1000x2xf32>
    %max3A = arith.constant 9.99999996E-13 : f32
    %max3A_53 = vector.broadcast %max3A : f32 to vector<1000x2xf32>
    %max3A_54 = arith.maximumf %sqrt3A, %max3A_53 : vector<1000x2xf32>
    %div3A = arith.constant 1.000000e+00 : f32
    %div3A_55 = vector.broadcast %div3A : f32 to vector<1000x2xf32>
    %div3A_56 = arith.divf %div3A_55, %max3A_54 : vector<1000x2xf32>
    %broadcast_in_dim3A_57 = arith.constant 1.000000e+00 : f32
    %broadcast_in_dim3A_58 = vector.broadcast %broadcast_in_dim3A_57 : f32 to vector<1x64xf32>
    %broadcast_in_dim3A_59 = arith.constant 0.000000e+00 : f32
    %broadcast_in_dim3A_60 = vector.broadcast %broadcast_in_dim3A_59 : f32 to vector<1x64xf32>
    %concatenate3A_61 = tpu.concatenate %broadcast_in_dim3A_58, %broadcast_in_dim3A_60 in 1 : vector<1x64xf32>, vector<1x64xf32> -> vector<1x128xf32>
    %concatenate3A_62 = tpu.concatenate %broadcast_in_dim3A_60, %broadcast_in_dim3A_58 in 1 : vector<1x64xf32>, vector<1x64xf32> -> vector<1x128xf32>
    %concatenate3A_63 = tpu.concatenate %concatenate3A_61, %concatenate3A_62 in 0 : vector<1x128xf32>, vector<1x128xf32> -> vector<2x128xf32>
    %dot_general3A_64 = arith.constant dense<0.000000e+00> : vector<1000x128xf32>
    %dot_general3A_65 = tpu.matmul %div3A_56, %concatenate3A_63, %dot_general3A_64 {dimension_numbers = #tpu.dot_dimension_numbers<[1], [0], [0], [1], [0, 0, 1, 1], [], []>, transpose_lhs_hint = false} : vector<1000x2xf32>, vector<2x128xf32>, vector<1000x128xf32> -> vector<1000x128xf32>
    %mul3A_66 = arith.mulf %select_n3A, %dot_general3A_65 : vector<1000x128xf32>
    %swap3A = arith.constant 0 : index
    %swap3A_67 = arith.constant 0 : index
    %swap3A_68 = vector.load %arg8[%swap3A, %swap3A_67] : memref<1000x128xf32, #tpu.memory_space<vmem>>, vector<1000x128xf32>
    tpu.vector_store %arg8[%swap3A, %swap3A_67], %select_n3A {strides = array<i32>} : memref<1000x128xf32, #tpu.memory_space<vmem>>, vector<1000x128xf32>,
    %mul3A_69 = arith.mulf %select_n3A, %get3A_1 : vector<1000x128xf32>
    %swap3A_70 = arith.constant 0 : index
    %swap3A_71 = arith.constant 0 : index
    %swap3A_72 = vector.load %arg9[%swap3A_70, %swap3A_71] : memref<1000x128xf32, #tpu.memory_space<vmem>>, vector<1000x128xf32>
    tpu.vector_store %arg9[%swap3A_70, %swap3A_71], %mul3A_69 {strides = array<i32>} : memref<1000x128xf32, #tpu.memory_space<vmem>>, vector<1000x128xf32>,
    %get3A_73 = arith.constant 0 : index
    %get3A_74 = arith.constant 0 : index
    %get3A_75 = vector.load %arg3[%get3A_73, %get3A_74] : memref<1000x128xf32, #tpu.memory_space<vmem>>, vector<1000x128xf32>
    %add3A_76 = arith.addf %get3A_75, %mul3A_66 : vector<1000x128xf32>
    %swap3A_77 = arith.constant 0 : index
    %swap3A_78 = arith.constant 0 : index
    %swap3A_79 = vector.load %arg10[%swap3A_77, %swap3A_78] : memref<1000x128xf32, #tpu.memory_space<vmem>>, vector<1000x128xf32>
    tpu.vector_store %arg10[%swap3A_77, %swap3A_78], %add3A_76 {strides = array<i32>} : memref<1000x128xf32, #tpu.memory_space<vmem>>, vector<1000x128xf32>,
    return
  }
  func.func @transform_0(%arg0: i32) -> (i32, i32) {
    %c0_i32 = arith.constant 0 : i32
    %c0_i32_0 = arith.constant 0 : i32
    return %arg0, %c0_i32 : i32, i32
  }
  func.func @transform_1(%arg0: i32) -> (i32, i32) {
    %c0_i32 = arith.constant 0 : i32
    %c0_i32_0 = arith.constant 0 : i32
    return %arg0, %c0_i32 : i32, i32
  }
  func.func @transform_2(%arg0: i32) -> (i32, i32) {
    %c0_i32 = arith.constant 0 : i32
    %c0_i32_0 = arith.constant 0 : i32
    return %arg0, %c0_i32 : i32, i32
  }
  func.func @transform_3(%arg0: i32) -> (i32, i32) {
    %c0_i32 = arith.constant 0 : i32
    %c0_i32_0 = arith.constant 0 : i32
    %c0_i32_1 = arith.constant 0 : i32
    return %c0_i32, %c0_i32_0 : i32, i32
  }
  func.func @transform_4(%arg0: i32) -> (i32, i32) {
    %c0_i32 = arith.constant 0 : i32
    %c0_i32_0 = arith.constant 0 : i32
    %c0_i32_1 = arith.constant 0 : i32
    return %c0_i32, %c0_i32_0 : i32, i32
  }
  func.func @transform_5(%arg0: i32) -> (i32, i32) {
    %c0_i32 = arith.constant 0 : i32
    %c0_i32_0 = arith.constant 0 : i32
    %c0_i32_1 = arith.constant 0 : i32
    return %c0_i32, %c0_i32_0 : i32, i32
  }
  func.func @transform_6(%arg0: i32) -> (i32, i32) {
    %c0_i32 = arith.constant 0 : i32
    %c0_i32_0 = arith.constant 0 : i32
    %c0_i32_1 = arith.constant 0 : i32
    return %c0_i32, %c0_i32_0 : i32, i32
  }
  func.func @transform_7(%arg0: i32) -> (i32, i32) {
    %c0_i32 = arith.constant 0 : i32
    %c0_i32_0 = arith.constant 0 : i32
    return %arg0, %c0_i32 : i32, i32
  }
  func.func @transform_8(%arg0: i32) -> (i32, i32) {
    %c0_i32 = arith.constant 0 : i32
    %c0_i32_0 = arith.constant 0 : i32
    return %arg0, %c0_i32 : i32, i32
  }
  func.func @transform_9(%arg0: i32) -> (i32, i32) {
    %c0_i32 = arith.constant 0 : i32
    %c0_i32_0 = arith.constant 0 : i32
    return %arg0, %c0_i32 : i32, i32
  }
}

module attributes {stable_mosaic.version = 14 : i64} {
  func.func @_layer1_body(%arg0: i32, %arg1: memref<1000x128xf32, #tpu.memory_space<vmem>>, %arg2: memref<1000x128xf32, #tpu.memory_space<vmem>>, %arg3: memref<1000x128xf32, #tpu.memory_space<vmem>>, %arg4: memref<1000x128xf32, #tpu.memory_space<vmem>>, %arg5: memref<64x64xf32, #tpu.memory_space<vmem>>, %arg6: memref<1x64xf32, #tpu.memory_space<vmem>>, %arg7: memref<64x64xf32, #tpu.memory_space<vmem>>, %arg8: memref<1x64xf32, #tpu.memory_space<vmem>>, %arg9: memref<1000x128xf32, #tpu.memory_space<vmem>>) attributes {dimension_semantics = [#tpu.dimension_semantics<arbitrary>], iteration_bounds = array<i64: 25>, scalar_prefetch = 0 : i64, scratch_operands = 0 : i64, tpu.core_type = #tpu.core_type<tc>, window_params = [{transform_indices = @transform_0, window_bounds = array<i64: 1000, 128>}, {transform_indices = @transform_1, window_bounds = array<i64: 1000, 128>}, {transform_indices = @transform_2, window_bounds = array<i64: 1000, 128>}, {transform_indices = @transform_3, window_bounds = array<i64: 1000, 128>}, {pipeline_mode = #tpu.pipeline_mode<synchronous>, transform_indices = @transform_4, window_bounds = array<i64: 64, 64>}, {pipeline_mode = #tpu.pipeline_mode<synchronous>, transform_indices = @transform_5, window_bounds = array<i64: 1, 64>}, {pipeline_mode = #tpu.pipeline_mode<synchronous>, transform_indices = @transform_6, window_bounds = array<i64: 64, 64>}, {pipeline_mode = #tpu.pipeline_mode<synchronous>, transform_indices = @transform_7, window_bounds = array<i64: 1, 64>}, {transform_indices = @transform_8, window_bounds = array<i64: 1000, 128>}]} {
    %get3A = arith.constant 0 : index
    %get3A_0 = arith.constant 0 : index
    %get3A_1 = vector.load %arg2[%get3A, %get3A_0] : memref<1000x128xf32, #tpu.memory_space<vmem>>, vector<1000x128xf32>
    %get3A_2 = arith.constant 0 : index
    %get3A_3 = arith.constant 0 : index
    %get3A_4 = vector.load %arg1[%get3A_2, %get3A_3] : memref<1000x128xf32, #tpu.memory_space<vmem>>, vector<1000x128xf32>
    %mul3A = arith.mulf %get3A_4, %get3A_1 : vector<1000x128xf32>
    %get3A_5 = arith.constant 0 : index
    %get3A_6 = arith.constant 0 : index
    %get3A_7 = vector.load %arg3[%get3A_5, %get3A_6] : memref<1000x128xf32, #tpu.memory_space<vmem>>, vector<1000x128xf32>
    %get3A_8 = arith.constant 0 : index
    %get3A_9 = arith.constant 0 : index
    %get3A_10 = vector.load %arg5[%get3A_8, %get3A_9] : memref<64x64xf32, #tpu.memory_space<vmem>>, vector<64x64xf32>
    %broadcast_in_dim3A = arith.constant 0.000000e+00 : f32
    %broadcast_in_dim3A_11 = vector.broadcast %broadcast_in_dim3A : f32 to vector<64x64xf32>
    %concatenate3A = tpu.concatenate %get3A_10, %broadcast_in_dim3A_11 in 1 : vector<64x64xf32>, vector<64x64xf32> -> vector<64x128xf32>
    %concatenate3A_12 = tpu.concatenate %broadcast_in_dim3A_11, %get3A_10 in 1 : vector<64x64xf32>, vector<64x64xf32> -> vector<64x128xf32>
    %concatenate3A_13 = tpu.concatenate %concatenate3A, %concatenate3A_12 in 0 : vector<64x128xf32>, vector<64x128xf32> -> vector<128x128xf32>
    %dot_general3A = arith.constant dense<0.000000e+00> : vector<1000x128xf32>
    %dot_general3A_14 = tpu.matmul %mul3A, %concatenate3A_13, %dot_general3A {dimension_numbers = #tpu.dot_dimension_numbers<[1], [0], [0], [1], [0, 0, 1, 1], [], []>, transpose_lhs_hint = false} : vector<1000x128xf32>, vector<128x128xf32>, vector<1000x128xf32> -> vector<1000x128xf32>
    %get3A_15 = arith.constant 0 : index
    %get3A_16 = arith.constant 0 : index
    %get3A_17 = vector.load %arg6[%get3A_15, %get3A_16] : memref<1x64xf32, #tpu.memory_space<vmem>>, vector<1x64xf32>
    %concatenate3A_18 = tpu.concatenate %get3A_17, %get3A_17 in 1 : vector<1x64xf32>, vector<1x64xf32> -> vector<1x128xf32>
    %add3A = vector.broadcast %concatenate3A_18 : vector<1x128xf32> to vector<1000x128xf32>
    %add3A_19 = arith.addf %dot_general3A_14, %add3A : vector<1000x128xf32>
    %mul3A_20 = arith.mulf %get3A_7, %mul3A : vector<1000x128xf32>
    %get3A_21 = arith.constant 0 : index
    %get3A_22 = arith.constant 0 : index
    %get3A_23 = vector.load %arg7[%get3A_21, %get3A_22] : memref<64x64xf32, #tpu.memory_space<vmem>>, vector<64x64xf32>
    %broadcast_in_dim3A_24 = arith.constant 0.000000e+00 : f32
    %broadcast_in_dim3A_25 = vector.broadcast %broadcast_in_dim3A_24 : f32 to vector<64x64xf32>
    %concatenate3A_26 = tpu.concatenate %get3A_23, %broadcast_in_dim3A_25 in 1 : vector<64x64xf32>, vector<64x64xf32> -> vector<64x128xf32>
    %concatenate3A_27 = tpu.concatenate %broadcast_in_dim3A_25, %get3A_23 in 1 : vector<64x64xf32>, vector<64x64xf32> -> vector<64x128xf32>
    %concatenate3A_28 = tpu.concatenate %concatenate3A_26, %concatenate3A_27 in 0 : vector<64x128xf32>, vector<64x128xf32> -> vector<128x128xf32>
    %dot_general3A_29 = arith.constant dense<0.000000e+00> : vector<1000x128xf32>
    %dot_general3A_30 = tpu.matmul %mul3A_20, %concatenate3A_28, %dot_general3A_29 {dimension_numbers = #tpu.dot_dimension_numbers<[1], [0], [0], [1], [0, 0, 1, 1], [], []>, transpose_lhs_hint = false} : vector<1000x128xf32>, vector<128x128xf32>, vector<1000x128xf32> -> vector<1000x128xf32>
    %add3A_31 = arith.addf %add3A_19, %dot_general3A_30 : vector<1000x128xf32>
    %get3A_32 = arith.constant 0 : index
    %get3A_33 = arith.constant 0 : index
    %get3A_34 = vector.load %arg8[%get3A_32, %get3A_33] : memref<1x64xf32, #tpu.memory_space<vmem>>, vector<1x64xf32>
    %concatenate3A_35 = tpu.concatenate %get3A_34, %get3A_34 in 1 : vector<1x64xf32>, vector<1x64xf32> -> vector<1x128xf32>
    %add3A_36 = vector.broadcast %concatenate3A_35 : vector<1x128xf32> to vector<1000x128xf32>
    %add3A_37 = arith.addf %add3A_31, %add3A_36 : vector<1000x128xf32>
    %gt3A = arith.constant 0.000000e+00 : f32
    %gt3A_38 = vector.broadcast %gt3A : f32 to vector<1000x128xf32>
    %gt3A_39 = arith.cmpf ogt, %add3A_37, %gt3A_38 : vector<1000x128xf32>
    %mul3A_40 = arith.constant 2.000000e-01 : f32
    %mul3A_41 = vector.broadcast %mul3A_40 : f32 to vector<1000x128xf32>
    %mul3A_42 = arith.mulf %mul3A_41, %add3A_37 : vector<1000x128xf32>
    %select_n3A = arith.select %gt3A_39, %add3A_37, %mul3A_42 : vector<1000x128xi1>, vector<1000x128xf32>
    %mul3A_43 = arith.mulf %select_n3A, %select_n3A : vector<1000x128xf32>
    %broadcast_in_dim3A_44 = arith.constant 1.000000e+00 : f32
    %broadcast_in_dim3A_45 = vector.broadcast %broadcast_in_dim3A_44 : f32 to vector<64x1xf32>
    %broadcast_in_dim3A_46 = arith.constant 0.000000e+00 : f32
    %broadcast_in_dim3A_47 = vector.broadcast %broadcast_in_dim3A_46 : f32 to vector<64x1xf32>
    %concatenate3A_48 = tpu.concatenate %broadcast_in_dim3A_45, %broadcast_in_dim3A_47 in 1 : vector<64x1xf32>, vector<64x1xf32> -> vector<64x2xf32>
    %concatenate3A_49 = tpu.concatenate %broadcast_in_dim3A_47, %broadcast_in_dim3A_45 in 1 : vector<64x1xf32>, vector<64x1xf32> -> vector<64x2xf32>
    %concatenate3A_50 = tpu.concatenate %concatenate3A_48, %concatenate3A_49 in 0 : vector<64x2xf32>, vector<64x2xf32> -> vector<128x2xf32>
    %dot_general3A_51 = arith.constant dense<0.000000e+00> : vector<1000x2xf32>
    %dot_general3A_52 = tpu.matmul %mul3A_43, %concatenate3A_50, %dot_general3A_51 {dimension_numbers = #tpu.dot_dimension_numbers<[1], [0], [0], [1], [0, 0, 1, 1], [], []>, transpose_lhs_hint = false} : vector<1000x128xf32>, vector<128x2xf32>, vector<1000x2xf32> -> vector<1000x2xf32>
    %sqrt3A = math.sqrt %dot_general3A_52 : vector<1000x2xf32>
    %max3A = arith.constant 9.99999996E-13 : f32
    %max3A_53 = vector.broadcast %max3A : f32 to vector<1000x2xf32>
    %max3A_54 = arith.maximumf %sqrt3A, %max3A_53 : vector<1000x2xf32>
    %div3A = arith.constant 1.000000e+00 : f32
    %div3A_55 = vector.broadcast %div3A : f32 to vector<1000x2xf32>
    %div3A_56 = arith.divf %div3A_55, %max3A_54 : vector<1000x2xf32>
    %broadcast_in_dim3A_57 = arith.constant 1.000000e+00 : f32
    %broadcast_in_dim3A_58 = vector.broadcast %broadcast_in_dim3A_57 : f32 to vector<1x64xf32>
    %broadcast_in_dim3A_59 = arith.constant 0.000000e+00 : f32
    %broadcast_in_dim3A_60 = vector.broadcast %broadcast_in_dim3A_59 : f32 to vector<1x64xf32>
    %concatenate3A_61 = tpu.concatenate %broadcast_in_dim3A_58, %broadcast_in_dim3A_60 in 1 : vector<1x64xf32>, vector<1x64xf32> -> vector<1x128xf32>
    %concatenate3A_62 = tpu.concatenate %broadcast_in_dim3A_60, %broadcast_in_dim3A_58 in 1 : vector<1x64xf32>, vector<1x64xf32> -> vector<1x128xf32>
    %concatenate3A_63 = tpu.concatenate %concatenate3A_61, %concatenate3A_62 in 0 : vector<1x128xf32>, vector<1x128xf32> -> vector<2x128xf32>
    %dot_general3A_64 = arith.constant dense<0.000000e+00> : vector<1000x128xf32>
    %dot_general3A_65 = tpu.matmul %div3A_56, %concatenate3A_63, %dot_general3A_64 {dimension_numbers = #tpu.dot_dimension_numbers<[1], [0], [0], [1], [0, 0, 1, 1], [], []>, transpose_lhs_hint = false} : vector<1000x2xf32>, vector<2x128xf32>, vector<1000x128xf32> -> vector<1000x128xf32>
    %mul3A_66 = arith.mulf %select_n3A, %dot_general3A_65 : vector<1000x128xf32>
    %get3A_67 = arith.constant 0 : index
    %get3A_68 = arith.constant 0 : index
    %get3A_69 = vector.load %arg4[%get3A_67, %get3A_68] : memref<1000x128xf32, #tpu.memory_space<vmem>>, vector<1000x128xf32>
    %add3A_70 = arith.addf %get3A_69, %mul3A_66 : vector<1000x128xf32>
    %mul3A_71 = arith.constant 0.333333343 : f32
    %mul3A_72 = vector.broadcast %mul3A_71 : f32 to vector<1000x128xf32>
    %mul3A_73 = arith.mulf %add3A_70, %mul3A_72 : vector<1000x128xf32>
    %swap3A = arith.constant 0 : index
    %swap3A_74 = arith.constant 0 : index
    %swap3A_75 = vector.load %arg9[%swap3A, %swap3A_74] : memref<1000x128xf32, #tpu.memory_space<vmem>>, vector<1000x128xf32>
    tpu.vector_store %arg9[%swap3A, %swap3A_74], %mul3A_73 {strides = array<i32>} : memref<1000x128xf32, #tpu.memory_space<vmem>>, vector<1000x128xf32>,
    return
  }
  func.func @transform_0(%arg0: i32) -> (i32, i32) {
    %c0_i32 = arith.constant 0 : i32
    %c0_i32_0 = arith.constant 0 : i32
    return %arg0, %c0_i32 : i32, i32
  }
  func.func @transform_1(%arg0: i32) -> (i32, i32) {
    %c0_i32 = arith.constant 0 : i32
    %c0_i32_0 = arith.constant 0 : i32
    return %arg0, %c0_i32 : i32, i32
  }
  func.func @transform_2(%arg0: i32) -> (i32, i32) {
    %c0_i32 = arith.constant 0 : i32
    %c0_i32_0 = arith.constant 0 : i32
    return %arg0, %c0_i32 : i32, i32
  }
  func.func @transform_3(%arg0: i32) -> (i32, i32) {
    %c0_i32 = arith.constant 0 : i32
    %c0_i32_0 = arith.constant 0 : i32
    return %arg0, %c0_i32 : i32, i32
  }
  func.func @transform_4(%arg0: i32) -> (i32, i32) {
    %c0_i32 = arith.constant 0 : i32
    %c0_i32_0 = arith.constant 0 : i32
    %c0_i32_1 = arith.constant 0 : i32
    return %c0_i32, %c0_i32_0 : i32, i32
  }
  func.func @transform_5(%arg0: i32) -> (i32, i32) {
    %c0_i32 = arith.constant 0 : i32
    %c0_i32_0 = arith.constant 0 : i32
    %c0_i32_1 = arith.constant 0 : i32
    return %c0_i32, %c0_i32_0 : i32, i32
  }
  func.func @transform_6(%arg0: i32) -> (i32, i32) {
    %c0_i32 = arith.constant 0 : i32
    %c0_i32_0 = arith.constant 0 : i32
    %c0_i32_1 = arith.constant 0 : i32
    return %c0_i32, %c0_i32_0 : i32, i32
  }
  func.func @transform_7(%arg0: i32) -> (i32, i32) {
    %c0_i32 = arith.constant 0 : i32
    %c0_i32_0 = arith.constant 0 : i32
    %c0_i32_1 = arith.constant 0 : i32
    return %c0_i32, %c0_i32_0 : i32, i32
  }
  func.func @transform_8(%arg0: i32) -> (i32, i32) {
    %c0_i32 = arith.constant 0 : i32
    %c0_i32_0 = arith.constant 0 : i32
    return %arg0, %c0_i32 : i32, i32
  }
}

</mosaic_0001>

<sc_bundles>
// kernel: kernel.12.cloned.1.call-start
scs
__scs_entry_jumppad:
0x0: {  	(pc) =	sbr.rel $0x88, $3  }
0x1: {  	(tag) =	ssettag $0x0;
	lr =	simm.s32 $0x1  }
0x2: {  	[smem:$0x3F92] =	sst lr;
	_ =	strace $0xD0000000  }
0x3: {  	_ = 	snop  }
0x4: {  	_ = 	snop  }
0x5: {  	_ = 	snop  }
0x6: {  	_ = 	snop  }
0x7: {  	_ = 	snop  }
__scs_overlays_trampoline_lowered:
0x8: {  	[smem:$0x3FA1] =	sst s0  }
0x9: {  	[smem:$0x3FA2] =	sst s1  }
0xa: {  	[smem:$0x3FA3] =	sst s2  }
0xb: {  	[smem:$0x3FA4] =	sst s3  }
0xc: {  	[smem:$0x3FA5] =	sst s4  }
0xd: {  	[smem:$0x3FA6] =	sst s5  }
0xe: {  	[smem:$0x3FA7] =	sst s6  }
0xf: {  	[smem:$0x3FA8] =	sst s7  }
0x10: {  	[smem:$0x3FA9] =	sst s8  }
0x11: {  	[smem:$0x3FAA] =	sst s9;
	s0 =	simm.s32 @!p0 $0x0  }
0x12: {  	s1 =	sld [smem:$0x3F90];
	s0 =	simm.s32 @p0 $0x1  }
0x13: {  	[smem:$0x3FAB] =	sst s0;
	s0 =	simm.s32 @!p1 $0x0  }
0x14: {  	s2 =	sld [smem:$0x3F8F];
	s0 =	simm.s32 @p1 $0x1  }
0x15: {  	[smem:$0x3FAC] =	sst s0;
	s0 =	simm.s32 @!p2 $0x0  }
0x16: {  	s3 =	sld [smem:$0x3FDB];
	s0 =	simm.s32 @p2 $0x1  }
0x17: {  	s4 =	simm.s32 $0x1BF5;
	[smem:$0x3FAE] =	sst s0  }
0x18: {  	s0 =	sld [smem:$0x3F91];
	_ =	swait.ge [sflag:s4], $0x0  }
0x19: {  	s7 =	sld [smem:$0x3F92]  }
0x1a: {  	s8 =	sadd.s32 $0xFFFFE003, lr  }
0x1b: {  	s9 =	sadd.s32 $0xFFFFFEF7, lr;
	s5 =	simm.s32 $0xFFFFFFFF;
	p2 =	slt.u32 s8, $0xFFFFF086  }
0x1c: {  	p1 =	slt.u32 s9, $0xF7A;
	s5 =	simm.s32 @!p2 $0x0  }
0x1d: {  	s5 =	simm.s32 @p1 $0x1;
	p0 =	seq.s32 s7, s2  }
0x1e: {  	s7 =	smul.u32 @!p0 $0xF7A, s2;
	p2 =	seq.s32 @!p0 s5, $0x0  }
0x1f: {  	s9 =	smul.u32 $0xF7A, s1;
	s8 =	simm.s32 @!p0 $0x1BF5;
	p2 =	por !p2, p0  }
0x20: {  	[sflag:s8] =	ssyncset.s32 @!p0 $0xFFFFF086;
	s6 =	sadd.s32 @!p0 s3, s7;
	s7 =	simm.s32 @!p0 $0x108  }
0x21: {  	s3 =	sadd.s32 s3, s9;
	s6 =	sadd.s32 @!p0 $0x88, s6;
	s7 =	simm.s32 @p2 $0x1082  }
0x22: {  	[simem:s7], [sflag:s8] =	dma.local @!p0 [hbm:s6], $0xF7A  }
0x23: {  	s9 =	sor.u32 $0xD0000000, s2;
	s6 =	simm.s32 $0x108;
	_ =	swait.ge @!p0 [sflag:s8], $0x0  }
0x24: {  	s3 =	sadd.s32 $0x88, s3;
	s6 =	simm.s32 @!p1 $0x1082;
	[sflag:s4] =	ssyncset.s32 $0xFFFFF086  }
0x25: {  	[simem:s6], [sflag:s4] =	dma.local [hbm:s3], $0xF7A  }
0x26: {  	[smem:$0x3F92] =	sst s1;
	(tag) =	ssettag s2;
	_ =	strace s9  }
0x27: {  	s1 =	sld [smem:$0x3FA2]  }
0x28: {  	s2 =	sld [smem:$0x3FA3]  }
0x29: {  	s4 =	sld [smem:$0x3FA5]  }
0x2a: {  	p0 =	seq.s32 s5, $0x0;
	s5 =	sld [smem:$0x3FA6]  }
0x2b: {  	s6 =	sld [smem:$0x3FA7]  }
0x2c: {  	s7 =	sld [smem:$0x3FA8]  }
0x2d: {  	s3 =	simm.s32 $0x108;
	s8 =	sld [smem:$0x3FA9]  }
0x2e: {  	s3 =	simm.s32 @!p0 $0x1082;
	s9 =	sld [smem:$0x3FAA]  }
0x2f: {  	lr =	sadd.s32 s0, s3;
	s0 =	sld [smem:$0x3FA1]  }
0x30: {  	s3 =	sld [smem:$0x3FA4]  }
0x31: {  	[smem:$0x3FAD] =	sst s10  }
0x32: {  	s10 =	sld [smem:$0x3FAB];
	_ =	sdelay $0x3  }
0x33: {  	p0 =	seq.s32 s10, $0x1;
	s10 =	sld [smem:$0x3FAD];
	_ =	sdelay $0x3  }
0x34: {  	[smem:$0x3FAD] =	sst s10  }
0x35: {  	s10 =	sld [smem:$0x3FAC];
	_ =	sdelay $0x3  }
0x36: {  	p1 =	seq.s32 s10, $0x1;
	s10 =	sld [smem:$0x3FAD];
	_ =	sdelay $0x3  }
0x37: {  	[smem:$0x3FAD] =	sst s10  }
0x38: {  	s10 =	sld [smem:$0x3FAE]  }
0x39: {  	_ = 	snop;
	(pc) =	sbr.ind lr, $3  }
0x3a: {  	_ = 	snop  }
0x3b: {  	_ = 	snop  }
0x3c: {  	p2 =	seq.s32 s10, $0x1;
	s10 =	sld [smem:$0x3FAD]  }
0x3d: {  	_ =	shalt  }
0x3e: {  	_ =	shalt  }
0x3f: {  	_ =	shalt  }
0x40: {  	_ =	shalt  }
0x41: {  	_ =	shalt  }
0x42: {  	_ =	shalt  }
0x43: {  	_ =	shalt  }
0x44: {  	_ =	shalt  }
0x45: {  	_ =	shalt  }
0x46: {  	_ =	shalt  }
0x47: {  	_ =	shalt  }
0x48: {  	_ =	shalt  }
0x49: {  	_ =	shalt  }
0x4a: {  	_ =	shalt  }
0x4b: {  	_ =	shalt  }
0x4c: {  	_ =	shalt  }
0x4d: {  	_ =	shalt  }
0x4e: {  	_ =	shalt  }
0x4f: {  	_ =	shalt  }
0x50: {  	_ =	shalt  }
0x51: {  	_ =	shalt  }
0x52: {  	_ =	shalt  }
0x53: {  	_ =	shalt  }
0x54: {  	_ =	shalt  }
0x55: {  	_ =	shalt  }
0x56: {  	_ =	shalt  }
0x57: {  	_ =	shalt  }
0x58: {  	_ =	shalt  }
0x59: {  	_ =	shalt  }
0x5a: {  	_ =	shalt  }
0x5b: {  	_ =	shalt  }
0x5c: {  	_ =	shalt  }
0x5d: {  	_ =	shalt  }
0x5e: {  	_ =	shalt  }
0x5f: {  	_ =	shalt  }
0x60: {  	_ =	shalt  }
0x61: {  	_ =	shalt  }
0x62: {  	_ =	shalt  }
0x63: {  	_ =	shalt  }
0x64: {  	_ =	shalt  }
0x65: {  	_ =	shalt  }
0x66: {  	_ =	shalt  }
0x67: {  	_ =	shalt  }
0x68: {  	_ =	shalt  }
0x69: {  	_ =	shalt  }
0x6a: {  	_ =	shalt  }
0x6b: {  	_ =	shalt  }
0x6c: {  	_ =	shalt  }
0x6d: {  	_ =	shalt  }
0x6e: {  	_ =	shalt  }
0x6f: {  	_ =	shalt  }
0x70: {  	_ =	shalt  }
0x71: {  	_ =	shalt  }
0x72: {  	_ =	shalt  }
0x73: {  	_ =	shalt  }
0x74: {  	_ =	shalt  }
0x75: {  	_ =	shalt  }
0x76: {  	_ =	shalt  }
0x77: {  	_ =	shalt  }
0x78: {  	_ =	shalt  }
0x79: {  	_ =	shalt  }
0x7a: {  	_ =	shalt  }
0x7b: {  	_ =	shalt  }
0x7c: {  	_ =	shalt  }
0x7d: {  	_ =	shalt  }
0x7e: {  	_ =	shalt  }
0x7f: {  	_ =	shalt  }
0x80: {  	_ =	shalt  }
0x81: {  	_ =	shalt  }
0x82: {  	_ =	shalt  }
0x83: {  	_ =	shalt  }
0x84: {  	_ =	shalt  }
0x85: {  	_ =	shalt  }
0x86: {  	_ =	shalt  }
0x87: {  	_ =	shalt  }
.Lfunc_end0:
.L_simem_size_0:
called_computation.1_lowered:
.L_overlay_start_0:
0x88: {  	s2 =	sld [smem:$0x3FD9]  }
0x89: {  	s3 =	sld [smem:$0x3FFE];
	_ =	sdelay $0x1  }
0x8a: {  	s1 =	srdreg.scid  }
0x8b: {  	s0 =	sand.u32 $0x1, s1  }
0x8c: {  	s17 =	sshll.u32 s0, $0xA;
	s2 =	sadd.s32 s3, s2  }
0x8d: {  	s2 =	sadd.s32 s2, s17  }
0x8e: {  	[smem:$0x3FB9] =	sst s2  }
0x8f: {  	_ = 	snop  }
0x90: {  	s2 =	sld [smem:$0x3FC6];
	(tm) =	ssettm $0x1  }
0x91: {  	s18 =	sld [smem:$0x3FFB];
	_ =	sdelay $0x3  }
0x92: {  	_ =	strace s18  }
0x93: {  	s3 =	sld [smem:$0x3FFC];
	_ =	sdelay $0x3  }
0x94: {  	_ =	strace s3  }
0x95: {  	s3 =	sld [smem:$0x3FFD];
	_ =	sdelay $0x3  }
0x96: {  	_ =	strace s3  }
0x97: {  	_ =	strace $0x8FFFFFFF  }
0x98: {  	s19 =	sld [smem:$0x3FDB];
	_ =	sdelay $0x1  }
0x99: {  	s4 =	simm.s32 $_scs_section_size  }
0x9a: {  	s5 =	simm.s32 $_size__tile_overlayer_lowered;
	s6 =	simm.s32 $_tile_overlayer_lowered  }
0x9b: {  	s22 =	simm.s32 $0x1BFF;
	s21 =	sshll.u32 s6, $0x1;
	s3 =	sadd.s32 s4, s19  }
0x9c: {  	s7 =	simm.s32 $0x0;
	s20 =	sshll.u32 s5, $0x1;
	s5 =	sadd.s32 s21, s3  }
0x9d: {  	[timem:s7], [sflag:s22] =	dma.local [hbm:s5], s20  }
0x9e: {  	_ =	swait.ge [sflag:s22], s20  }
0x9f: {  	s4 =	ssub.s32 $0x0, s20;
	[sflag:s22] =	ssyncset.done $0x0  }
0xa0: {  	[sflag:s22] =	ssyncadd.s32 s4;
	_ =	sdelay $0x1  }
0xa1: {  	s23 =	simm.s32 $0x1B8B  }
0xa2: {  	_ =	swait.ge [sflag:s23], $0x1  }
0xa3: {  	[sflag:s23] =	ssyncset.done $0x0  }
0xa4: {  	s25 =	simm.s32 $0x1B8E;
	s24 =	sld [smem:$0x3FFE];
	[sflag:s23] =	ssyncadd.s32 $0xFFFFFFFF  }
0xa5: {  	s26 =	simm.s32 $execute0_lowered;
	[smem:$0x3FD2] =	sst s25  }
0xa6: {  	s5 =	sshll.u32 s26, $0x1;
	_ =	strace $0x80000049;
	[dreg:$0x1] =	wrdreg $0xFFFFFFFF  }
0xa7: {  	s28 =	simm.s32 $_size_execute0_lowered;
	s3 =	sadd.s32 s3, s5;
	[dreg:$0x0] =	wrdreg $0x0  }
0xa8: {  	s5 =	sshll.u32 s28, $0x1;
	[dreg:$0x2] =	wrdreg s3  }
0xa9: {  	[dreg:$0x3] =	wrdreg s5  }
0xaa: {  	[dreg:$0x4] =	wrdreg $0xC0  }
0xab: {  	_ =	task [dreg:s7], $0x5FFFF  }
0xac: {  	[dreg:$0x1] =	wrdreg $0xFFFFFFFF  }
0xad: {  	[dreg:$0x0] =	wrdreg $0x60  }
0xae: {  	[dreg:$0x2] =	wrdreg s24  }
0xaf: {  	[dreg:$0x3] =	wrdreg s2  }
0xb0: {  	[dreg:$0x4] =	wrdreg $0x64000  }
0xb1: {  	[dreg:$0x5] =	wrdreg $0x9  }
0xb2: {  	_ =	task.clear_ibuf [dreg:s7], $0x6FFFF;
	_ =	strace $0x90000049  }
0xb3: {  	s29 =	simm.s32 $0x9;
	_ =	strace $0x8000004B  }
0xb4: {  	_ =	swait.ge [sflag:s29], $0x1  }
0xb5: {  	[sflag:s29] =	ssyncadd.s32 $0xFFFFFFFF  }
0xb6: {  	_ =	strace $0x9000004B  }
0xb7: {  	_ =	sfence  }
0xb8: {  	s30 =	sld [smem:$0x0];
	_ =	sdelay $0x2  }
0xb9: {  	s31 =	sshll.u32 s1, $0xD;
	s1 =	sshrl.u32 s1, $0x2  }
0xba: {  	s3 =	sand.u32 $0x4000, s31;
	s1 =	sadd.s32 s1, s30  }
0xbb: {  	s0 =	sor.u32 s3, s0;
	s1 =	sshll.u32 s1, $0x11  }
0xbc: {  	s0 =	sor.u32 s1, s0  }
0xbd: {  	s0 =	sadd.s32 $0x8F2B, s0  }
0xbe: {  	[sflag:s0] =	ssyncadd.remote.s32 $0x1  }
0xbf: {  	_ =	sfence.sel $0xFFFF  }
0xc0: {  	[dreg:$0x0] =	wrdreg $0xFFFFFFFF;
	(pc) =	sbr.abs _section_cstart, $3  }
0xc1: {  	[dreg:$0x1] =	wrdreg $0xFFFFFFFF  }
0xc2: {  	_ =	task.clear_ibuf [dreg:s7], $0x2FFFF;
	_ =	strace $0x9FFFFFFF  }
0xc3: {  	(tm) =	ssettm $0x7FFFFFFF  }
tec
execute0_lowered:
.L_overlay_start_1:
0x0: {  	(tag) =	ssettag $0x1  }
0x1: {  	s0 =	rddreg [dreg:$0x0]  }
0x2: {  	s3 =	rddreg [dreg:$0x1]  }
0x3: {  	s1 =	rddreg [dreg:$0x2]  }
0x4: {  	s2 =	simm.s32 $0x0;
	s4 =	srdreg.scid;
	s16 =	stileid.u32  }
0x5: {  	[smem:$0x7FF] =	sst s2;
	s7 =	smul.u32 $0x62000, s16  }
0x6: {  	s8 =	sand.u32 $0x1, s4;
	s4 =	sadd.s32 $0xE0400, s0;
	s11 =	smul.u32 $0xC3, s16  }
0x7: {  	s9 =	sadd.s32 $0x4400, s0;
	s0 =	sadd.s32 $0x142000, s0;
	s13 =	smul.u32 $0x620, s16  }
0x8: {  	s12 =	smin.u32 s16, $0x5;
	s28 =	sadd.s32 $0x185800, s1;
	s20 =	smul.u32 $0x3100, s16  }
0x9: {  	p0 =	slt.u32 s16, $0x5;
	s31 =	sadd.s32 $0x16F800, s1;
	_ =	strace $0x8000004A  }
0xa: {  	s5 =	ssub.s32 $0x2, s8;
	s22 =	sxor.u32 $0x1, s8;
	s15 =	smul.u32 $0x61A8, s8  }
0xb: {  	p6 =	seq.s32 s8, $0x1;
	[dreg:$0x9] =	wrdreg s28;
	s8 =	smul.u32 $0x30D40, s8  }
0xc: {  	s6 =	sshrl.u32 s5, $0x1;
	s21 =	sshrl.u32 s7, $0x2;
	s23 =	smul.u32 $0xC35, s22  }
0xd: {  	s14 =	sadd.s32 s11, s12;
	s7 =	simm.s32 $0xC4;
	s10 =	ssub.s32 s5, s6  }
0xe: {  	s5 =	sadd.s32 s21, s1;
	s7 =	simm.s32 @!p0 $0xC3;
	s13 =	sadd.s32 s13, s15  }
0xf: {  	p0 =	por !p6, !p6;
	s15 =	simm.s32 $0x1;
	s6 =	sadd.s32 $0x18000, s5  }
0x10: {  	s14 =	sadd.s32 s23, s14;
	s13 =	sshll.u32 s13, $0x3;
	s10 =	smax.u32 s10, $0x1  }
0x11: {  	s15 =	simm.s32 @!p0 $0x0;
	s18 =	sadd.s32 $0x6000, s5;
	[dreg:$0xb] =	wrdreg s10  }
0x12: {  	s19 =	sadd.s32 $0x8000, s5;
	s23 =	sadd.s32 $0xA000, s5;
	[dreg:$0xe] =	wrdreg s18  }
0x13: {  	p0 =	seq.s32 s16, $0xF;
	s28 =	sadd.s32 $0x12000, s5;
	[dreg:$0xf] =	wrdreg s19  }
0x14: {  	s29 =	sadd.s32 $0x14000, s5;
	s14 =	sshll.u32 s14, $0x4;
	[dreg:$0x10] =	wrdreg s23  }
0x15: {  	s30 =	sadd.s32 $0x16000, s5;
	[dreg:$0x14] =	wrdreg s28;
	s17 =	sadd.s32 s3, s14  }
0x16: {  	s13 =	sadd.s32 s13, s0;
	s24 =	sadd.s32 s9, s14;
	[dreg:$0x4] =	wrdreg s17  }
0x17: {  	s15 =	smul.u32 $0xC35, s15;
	s26 =	sadd.s32 $0x3000, s13;
	[dreg:$0x5] =	wrdreg s24  }
0x18: {  	s14 =	sadd.s32 $0x10, s14;
	s13 =	sadd.s32 $0x2C00, s13;
	[dreg:$0x8] =	wrdreg s26  }
0x19: {  	s0 =	sadd.s32 s8, s0;
	s25 =	sadd.s32 s3, s14;
	[dreg:$0xa] =	wrdreg s13  }
0x1a: {  	s8 =	simm.s32 $0x0;
	s14 =	sadd.s32 s9, s14;
	[dreg:$0x6] =	wrdreg s25  }
0x1b: {  	s17 =	sadd.s32 $0x4000, s5;
	s24 =	sadd.s32 $0xC000, s5;
	[dreg:$0x7] =	wrdreg s14  }
0x1c: {  	s26 =	sadd.s32 $0x10000, s5;
	s13 =	simm.s32 $0x400;
	[dreg:$0xd] =	wrdreg s17  }
0x1d: {  	s14 =	sadd.s32 s11, s15;
	s15 =	sadd.s32 $0x2000, s5;
	[dreg:$0x11] =	wrdreg s24  }
.Ltmp0:
0x1e: {  	s24 =	sadd.s32 s20, s0;
	[dreg:$0x13] =	wrdreg s26;
	(pc) =	sbr.rel .LBB2_1-.Ltmp0, $4  }
0x1f: {  	s25 =	sadd.s32 $0xE000, s5;
	[dreg:$0xc] =	wrdreg s15;
	s10 =	sadd.s32 s12, s14  }
0x20: {  	s0 =	simm.s32 $0x4;
	[dreg:$0x12] =	wrdreg s25;
	s10 =	sshll.u32 s10, $0x4  }
0x21: {  	s12 =	simm.s32 $0x80;
	s14 =	simm.s32 $0x2;
	s10 =	sadd.s32 $0x20, s10  }
0x22: {  	v0 =	vimm.f32 $0.0e+00;
	s21 =	sadd.s32 s10, s3;
	s22 =	sadd.s32 s10, s9;
	s3 =	simm.s32 $0x3  }
.LBB2_8:
0x23: {  	[sflag:s0] =	ssyncadd.s32 $0xFFFFE000  }
0x24: {  	[tilespmem:s13], [sflag:$0x4] =	stream.linear.gather [spmem:s6], $0x800, $0x38;
	[tilespmem:$0x1EC00] =	vst v63  }
0x25: {  	_ =	swait.ge [sflag:s0], $0x800  }
0x26: {  	[sflag:s0] =	ssyncset.done $0x0  }
0x27: {  	s9 =	rddreg [dreg:$0x8];
	[sflag:s0] =	ssyncadd.s32 $0xFFFFF800  }
0x28: {  	[hbm4b:s9+s2] =	stream.linear.scatter [tilespmem:s13], [sflag:$0x4], $0x800, $0x38;
	[tilespmem:$0x1EC00] =	vst v63  }
0x29: {  	_ =	swait.ge [sflag:s0], $0x800  }
0x2a: {  	[sflag:s0] =	ssyncset.done $0x0  }
0x2b: {  	[sflag:s0] =	ssyncadd.s32 $0xFFFFF800  }
.LBB2_12:
0x2c: {  	s8 =	sadd.s32 $0x1, s8;
	s9 =	rddreg [dreg:$0xb]  }
0x2d: {  	p1 =	sne.s32 s8, s9  }
.Ltmp1:
0x2e: {  	_ = 	snop;
	(pc) =	sbr.rel @!p1 .LBB2_13-.Ltmp1, $1  }
0x2f: {  	_ =	sdelay $0x3  }
.LBB2_1:
0x30: {  	s10 =	simm.s32 $0x100;
	s9 =	simm.s32 $0x0  }
.LBB2_2:
0x31: {  	p1 =	sne.s32 s10, $0x7F00;
	[tilespmem:s9+$0x430] =	vst v0;
	s11 =	smov.u32 s10;
	s10 =	sadd.s32 $0x100, s10  }
.Ltmp2:
0x32: {  	[tilespmem:s9+$0x420] =	vst v0;
	(pc) =	sbr.rel @p1 .LBB2_2-.Ltmp2, $3  }
0x33: {  	[tilespmem:s9+$0x400] =	vst v0  }
0x34: {  	[tilespmem:s9+$0x410] =	vst v0;
	_ =	sdelay $0x1  }
0x35: {  	s9 =	sshra.s32 s11, $0x2  }
0x36: {  	[tilespmem:s9+$0x430] =	vst v0  }
0x37: {  	[tilespmem:s9+$0x420] =	vst v0  }
0x38: {  	[tilespmem:s9+$0x400] =	vst v0  }
0x39: {  	[tilespmem:s9+$0x410] =	vst v0;
	s10 =	simm.s32 $0x400  }
0x3a: {  	[spmem:s5] =	stream.linear.scatter [tilespmem:s10], [sflag:$0x4], $0x2000, $0x38;
	[tilespmem:$0x1EC00] =	vst v63  }
0x3b: {  	_ =	swait.ge [sflag:s0], $0x2000  }
0x3c: {  	[sflag:s0] =	ssyncset.done $0x0  }
0x3d: {  	s20 =	rddreg [dreg:$0xc];
	[sflag:s0] =	ssyncadd.s32 $0xFFFFE000  }
0x3e: {  	[spmem:s20] =	stream.linear.scatter [tilespmem:s10], [sflag:$0x4], $0x2000, $0x38;
	[tilespmem:$0x1EC00] =	vst v63  }
0x3f: {  	_ =	swait.ge [sflag:s0], $0x2000  }
0x40: {  	[sflag:s0] =	ssyncset.done $0x0  }
0x41: {  	s23 =	rddreg [dreg:$0xd];
	[sflag:s0] =	ssyncadd.s32 $0xFFFFE000  }
0x42: {  	[spmem:s23] =	stream.linear.scatter [tilespmem:s10], [sflag:$0x4], $0x2000, $0x38;
	[tilespmem:$0x1EC00] =	vst v63  }
0x43: {  	_ =	swait.ge [sflag:s0], $0x2000  }
0x44: {  	[sflag:s0] =	ssyncset.done $0x0  }
0x45: {  	s25 =	rddreg [dreg:$0xe];
	[sflag:s0] =	ssyncadd.s32 $0xFFFFE000  }
0x46: {  	[spmem:s25] =	stream.linear.scatter [tilespmem:s10], [sflag:$0x4], $0x2000, $0x38;
	[tilespmem:$0x1EC00] =	vst v63  }
0x47: {  	_ =	swait.ge [sflag:s0], $0x2000  }
0x48: {  	[sflag:s0] =	ssyncset.done $0x0  }
0x49: {  	s26 =	rddreg [dreg:$0xf];
	[sflag:s0] =	ssyncadd.s32 $0xFFFFE000  }
0x4a: {  	[spmem:s26] =	stream.linear.scatter [tilespmem:s10], [sflag:$0x4], $0x2000, $0x38;
	[tilespmem:$0x1EC00] =	vst v63  }
0x4b: {  	_ =	swait.ge [sflag:s0], $0x2000  }
0x4c: {  	[sflag:s0] =	ssyncset.done $0x0  }
0x4d: {  	s28 =	rddreg [dreg:$0x10];
	[sflag:s0] =	ssyncadd.s32 $0xFFFFE000  }
0x4e: {  	[spmem:s28] =	stream.linear.scatter [tilespmem:s10], [sflag:$0x4], $0x2000, $0x38;
	[tilespmem:$0x1EC00] =	vst v63  }
0x4f: {  	_ =	swait.ge [sflag:s0], $0x2000  }
0x50: {  	[sflag:s0] =	ssyncset.done $0x0  }
0x51: {  	s11 =	rddreg [dreg:$0x11];
	[sflag:s0] =	ssyncadd.s32 $0xFFFFE000  }
0x52: {  	[spmem:s11] =	stream.linear.scatter [tilespmem:s10], [sflag:$0x4], $0x2000, $0x38;
	[tilespmem:$0x1EC00] =	vst v63  }
0x53: {  	_ =	swait.ge [sflag:s0], $0x2000  }
0x54: {  	[sflag:s0] =	ssyncset.done $0x0  }
0x55: {  	s15 =	rddreg [dreg:$0x12];
	[sflag:s0] =	ssyncadd.s32 $0xFFFFE000  }
0x56: {  	[spmem:s15] =	stream.linear.scatter [tilespmem:s10], [sflag:$0x4], $0x2000, $0x38;
	[tilespmem:$0x1EC00] =	vst v63  }
0x57: {  	_ =	swait.ge [sflag:s0], $0x2000  }
0x58: {  	[sflag:s0] =	ssyncset.done $0x0  }
0x59: {  	s16 =	rddreg [dreg:$0x13];
	[sflag:s0] =	ssyncadd.s32 $0xFFFFE000  }
0x5a: {  	[spmem:s16] =	stream.linear.scatter [tilespmem:s10], [sflag:$0x4], $0x2000, $0x38;
	[tilespmem:$0x1EC00] =	vst v63  }
0x5b: {  	_ =	swait.ge [sflag:s0], $0x2000  }
0x5c: {  	[sflag:s0] =	ssyncset.done $0x0  }
0x5d: {  	s17 =	rddreg [dreg:$0x14];
	[sflag:s0] =	ssyncadd.s32 $0xFFFFE000  }
0x5e: {  	[spmem:s17] =	stream.linear.scatter [tilespmem:s10], [sflag:$0x4], $0x2000, $0x38;
	[tilespmem:$0x1EC00] =	vst v63  }
0x5f: {  	_ =	swait.ge [sflag:s0], $0x2000  }
0x60: {  	[sflag:s0] =	ssyncset.done $0x0  }
0x61: {  	[sflag:s0] =	ssyncadd.s32 $0xFFFFE000  }
0x62: {  	[spmem:s29] =	stream.linear.scatter [tilespmem:s10], [sflag:$0x4], $0x2000, $0x38;
	[tilespmem:$0x1EC00] =	vst v63  }
0x63: {  	_ =	swait.ge [sflag:s0], $0x2000  }
0x64: {  	[sflag:s0] =	ssyncset.done $0x0  }
0x65: {  	[sflag:s0] =	ssyncadd.s32 $0xFFFFE000  }
0x66: {  	[spmem:s30] =	stream.linear.scatter [tilespmem:s10], [sflag:$0x4], $0x2000, $0x38;
	[tilespmem:$0x1EC00] =	vst v63  }
0x67: {  	_ =	swait.ge [sflag:s0], $0x2000  }
0x68: {  	[sflag:s0] =	ssyncset.done $0x0  }
0x69: {  	[sflag:s0] =	ssyncadd.s32 $0xFFFFE000  }
0x6a: {  	[spmem:s6] =	stream.linear.scatter [tilespmem:s10], [sflag:$0x4], $0x800, $0x38;
	[tilespmem:$0x1EC00] =	vst v63  }
0x6b: {  	_ =	swait.ge [sflag:s0], $0x800  }
0x6c: {  	[sflag:s0] =	ssyncset.done $0x0  }
0x6d: {  	[sflag:s0] =	ssyncadd.s32 $0xFFFFF800  }
0x6e: {  	[bflag:$0x0] =	sbarrier.arrive $0xFFFF  }
0x6f: {  	s9 =	simm.s32 $0x0;
	s11 =	rddreg [dreg:$0x4]  }
0x70: {  	[tilespmem:s9], [sflag:$0x1] =	stream.linear.gather [hbm4b:s11+s9], $0x80, $0x38;
	[tilespmem:$0x1EC00] =	vst v63  }
0x71: {  	s15 =	simm.s32 $0x200;
	s18 =	rddreg [dreg:$0x5]  }
0x72: {  	[tilespmem:s15], [sflag:$0x1] =	stream.linear.gather [hbm4b:s18+s9], $0x80, $0x38;
	[tilespmem:$0x1EC00] =	vst v63  }
0x73: {  	s19 =	rddreg [dreg:$0x6]  }
0x74: {  	[tilespmem:s12], [sflag:$0x1] =	stream.linear.gather [hbm4b:s19+s9], $0x80, $0x38;
	[tilespmem:$0x1EC00] =	vst v63  }
0x75: {  	s23 =	simm.s32 $0x280;
	s25 =	simm.s32 $0x1;
	s20 =	rddreg [dreg:$0x7]  }
0x76: {  	[tilespmem:s23], [sflag:$0x1] =	stream.linear.gather [hbm4b:s20+s9], $0x80, $0x38;
	[tilespmem:$0x1EC00] =	vst v63  }
0x77: {  	_ =	swait.ge [sflag:s25], $0x80  }
0x78: {  	[sflag:s25] =	ssyncset.done $0x0  }
0x79: {  	[sflag:s25] =	ssyncadd.s32 $0xFFFFFF80  }
0x7a: {  	_ =	swait.ge [sflag:s25], $0x80  }
0x7b: {  	p1 =	por $0x1, $0x1;
	p3 =	sle.u32 s7, $0x2;
	[sflag:s25] =	ssyncset.done $0x0  }
0x7c: {  	p2 =	sle.u32 s7, $0x1;
	s16 =	smulhi.u32 $0xAAAAAAAB, s25;
	[sflag:s25] =	ssyncadd.s32 $0xFFFFFF80  }
0x7d: {  	[tilespmem:s10], [sflag:$0x2] =	stream.indirect.gather [hbm4b:s4+s12], $0x40, s9, s12, $0xb8;
	[tilespmem:$0x1EC00] =	vst v63  }
0x7e: {  	s26 =	sshrl.u32 s16, $0x1;
	s16 =	simm.s32 @!p2 $0x80;
	s10 =	simm.s32 @!p1 $0x3  }
0x7f: {  	s28 =	sand.u32 $0x180, s9;
	s16 =	sand.u32 @!p2 $0x180, s16;
	_ =	swait.ge @!p1 [sflag:s10], $0x2000  }
0x80: {  	s15 =	simm.s32 @!p3 $0x100;
	s18 =	smul.u32 $0xFFFE8000, s26;
	[sflag:s10] =	ssyncset.done @!p1 $0x0  }
0x81: {  	[sflag:s10] =	ssyncadd.s32 @!p1 $0xFFFFE000;
	s10 =	sand.u32 @!p3 $0x180, s15;
	s15 =	simm.s32 @!p3 $0x0  }
0x82: {  	[tilespmem:s10], [sflag:$0x1] =	stream.linear.gather @!p3 [hbm4b:s21+s15], $0x80, $0x38;
	[tilespmem:$0x1EC00] =	vst v63  }
0x83: {  	s17 =	simm.s32 @!p2 $0x1;
	s19 =	smulhi.u32 $0xAAAAAAAB, s9;
	s10 =	sor.u32 @!p3 $0x200, s10  }
0x84: {  	[tilespmem:s10], [sflag:$0x1] =	stream.linear.gather @!p3 [hbm4b:s22+s15], $0x80, $0x38;
	[tilespmem:$0x1EC00] =	vst v63  }
0x85: {  	s11 =	simm.s32 $0x1;
	s19 =	sshrl.u32 s19, $0x1;
	_ =	swait.ge @!p2 [sflag:s17], $0x80  }
0x86: {  	s18 =	sshra.s32 s18, $0x2;
	s19 =	smul.u32 $0xFFFE8000, s19;
	[sflag:s17] =	ssyncset.done @!p2 $0x0  }
0x87: {  	s18 =	sadd.s32 $0x2400, s18;
	s20 =	simm.s32 @!p2 $0x80;
	[sflag:s17] =	ssyncadd.s32 @!p2 $0xFFFFFF80  }
0x88: {  	s19 =	sshra.s32 s19, $0x2;
	p1 =	sne.s32 s7, $0x1;
	_ =	swait.ge @!p2 [sflag:s17], $0x80  }
.Ltmp3:
0x89: {  	s19 =	sadd.s32 $0x400, s19;
	[sflag:s17] =	ssyncset.done @!p2 $0x0;
	(pc) =	sbr.rel @!p1 .LBB2_5-.Ltmp3, $4  }
0x8a: {  	s10 =	simm.s32 $0x2400;
	s15 =	sadd.s32 $0x10, s22;
	[sflag:s17] =	ssyncadd.s32 @!p2 $0xFFFFFF80  }
0x8b: {  	[tilespmem:s18], [sflag:$0x2] =	stream.indirect.gather @!p2 [hbm4b:s4+s20], $0x40, s16, s20, $0xb8;
	[tilespmem:$0x1EC00] =	vst v63  }
0x8c: {  	s17 =	simm.s32 $0x2;
	s16 =	simm.s32 $0x2400;
	_ =	swait.ge [sflag:s14], $0x2000  }
0x8d: {  	s18 =	sadd.s32 $0x10, s21;
	s20 =	sor.u32 $0x200, s28;
	[sflag:s14] =	ssyncset.done $0x0  }
.LBB2_4:
0x8e: {  	[sflag:s14] =	ssyncadd.s32 $0xFFFFE000;
	s9 =	sadd.s32 $0x80, s9;
	s10 =	sadd.s32 $0x2000, s10  }
0x8f: {  	[spmem:s1] =	stream.indirect.scatter.add.f32 [tilespmem:s19], [sflag:$0x3], $0x40, s20, s12, $0xb8;
	[tilespmem:$0x1EC00] =	vst v63  }
0x90: {  	s19 =	smov.u32 s11;
	s20 =	smov.u32 s16  }
0x91: {  	p2 =	slt.u32 s11, $0x2  }
0x92: {  	s26 =	smulhi.u32 $0xAAAAAAAB, s17;
	s23 =	simm.s32 @!p2 $0x3;
	s11 =	sadd.s32 $0x2, s11  }
0x93: {  	p3 =	sge.u32 s11, s7;
	s11 =	sadd.s32 $0xFFFFFFFF, s11;
	_ =	swait.ge @!p2 [sflag:s23], $0x2000  }
0x94: {  	s25 =	sadd.s32 @!p3 $0x100, s9;
	p1 =	sne.s32 s11, s7;
	[sflag:s23] =	ssyncset.done @!p2 $0x0  }
0x95: {  	[sflag:s23] =	ssyncadd.s32 @!p2 $0xFFFFE000;
	s23 =	sand.u32 @!p3 $0x180, s25;
	s25 =	simm.s32 @!p3 $0x0  }
0x96: {  	[tilespmem:s23], [sflag:$0x1] =	stream.linear.gather @!p3 [hbm4b:s18+s25], $0x80, $0x38;
	[tilespmem:$0x1EC00] =	vst v63  }
0x97: {  	s16 =	sadd.s32 $0x2000, s16;
	p2 =	sge.u32 s11, s7;
	s23 =	sor.u32 @!p3 $0x200, s23  }
0x98: {  	[tilespmem:s23], [sflag:$0x1] =	stream.linear.gather @!p3 [hbm4b:s15+s25], $0x80, $0x38;
	[tilespmem:$0x1EC00] =	vst v63  }
0x99: {  	s23 =	sshrl.u32 s26, $0x1;
	s25 =	simm.s32 @!p2 $0x1;
	s26 =	sadd.s32 @!p2 $0x80, s9  }
0x9a: {  	s23 =	smul.u32 $0xFFFE8000, s23;
	s26 =	sand.u32 @!p2 $0x180, s26;
	_ =	swait.ge @!p2 [sflag:s25], $0x80  }
0x9b: {  	s19 =	smulhi.u32 $0xAAAAAAAB, s19;
	s15 =	sadd.s32 $0x10, s15;
	[sflag:s25] =	ssyncset.done @!p2 $0x0  }
0x9c: {  	s17 =	sadd.s32 $0x1, s17;
	s23 =	sshra.s32 s23, $0x2;
	[sflag:s25] =	ssyncadd.s32 @!p2 $0xFFFFFF80  }
0x9d: {  	s19 =	sshrl.u32 s19, $0x1;
	s18 =	sadd.s32 $0x10, s18;
	_ =	swait.ge @!p2 [sflag:s25], $0x80  }
.Ltmp4:
0x9e: {  	s28 =	simm.s32 @!p2 $0x80;
	[sflag:s25] =	ssyncset.done @!p2 $0x0;
	(pc) =	sbr.rel @p1 .LBB2_4-.Ltmp4, $4  }
0x9f: {  	s19 =	smul.u32 $0xFFFE8000, s19;
	s23 =	sadd.s32 s23, s10;
	[sflag:s25] =	ssyncadd.s32 @!p2 $0xFFFFFF80  }
0xa0: {  	[tilespmem:s23], [sflag:$0x2] =	stream.indirect.gather @!p2 [hbm4b:s4+s28], $0x40, s26, s28, $0xb8;
	[tilespmem:$0x1EC00] =	vst v63  }
0xa1: {  	s19 =	sshra.s32 s19, $0x2;
	s23 =	sand.u32 $0x180, s9;
	_ =	swait.ge [sflag:s14], $0x2000  }
0xa2: {  	s19 =	sadd.s32 s19, s20;
	s20 =	sor.u32 $0x200, s23;
	[sflag:s14] =	ssyncset.done $0x0  }
.LBB2_5:
0xa3: {  	[sflag:s14] =	ssyncadd.s32 $0xFFFFE000  }
0xa4: {  	[spmem:s1] =	stream.indirect.scatter.add.f32 [tilespmem:s19], [sflag:$0x3], $0x40, s20, s12, $0xb8;
	[tilespmem:$0x1EC00] =	vst v63  }
0xa5: {  	_ =	swait.ge [sflag:s3], $0x2000  }
0xa6: {  	[sflag:s3] =	ssyncset.done $0x0  }
0xa7: {  	[sflag:s3] =	ssyncadd.s32 $0xFFFFE000  }
.Ltmp5:
0xa8: {  	_ =	swait.ge [sflag:s3], $0x2000;
	(pc) =	sbr.rel @!p0 .LBB2_6-.Ltmp5, $3  }
0xa9: {  	[sflag:s3] =	ssyncset.done $0x0  }
0xaa: {  	[sflag:s3] =	ssyncadd.s32 $0xFFFFE000  }
0xab: {  	[bflag:$0x0] =	sbarrier.arrive $0xFFFF;
	_ =	sdelay $0x1  }
0xac: {  	[tilespmem:s13], [sflag:$0x4] =	stream.linear.gather [spmem:s31], $0x2000, $0x38;
	[tilespmem:$0x1EC00] =	vst v63  }
0xad: {  	_ =	swait.ge [sflag:s0], $0x2000  }
0xae: {  	[sflag:s0] =	ssyncset.done $0x0  }
0xaf: {  	s9 =	sadd.s32 $0x0, s24;
	[sflag:s0] =	ssyncadd.s32 $0xFFFFE000  }
0xb0: {  	[hbm4b:s9+s2] =	stream.linear.scatter [tilespmem:s13], [sflag:$0x4], $0x2000, $0x38;
	[tilespmem:$0x1EC00] =	vst v63  }
0xb1: {  	_ =	swait.ge [sflag:s0], $0x2000  }
0xb2: {  	s10 =	smov.u32 s31;
	s9 =	simm.s32 $0x400;
	[sflag:s0] =	ssyncset.done $0x0  }
.LBB2_10:
0xb3: {  	p1 =	sne.s32 s9, $0x2800;
	[sflag:s0] =	ssyncadd.s32 $0xFFFFE000;
	s10 =	sadd.s32 $0x2000, s10  }
0xb4: {  	[tilespmem:s13], [sflag:$0x4] =	stream.linear.gather [spmem:s10], $0x2000, $0x38;
	[tilespmem:$0x1EC00] =	vst v63  }
0xb5: {  	s11 =	smov.u32 s9;
	s9 =	sadd.s32 $0x400, s9;
	_ =	swait.ge [sflag:s0], $0x2000  }
.Ltmp6:
0xb6: {  	[sflag:s0] =	ssyncset.done $0x0;
	(pc) =	sbr.rel @p1 .LBB2_10-.Ltmp6, $4  }
0xb7: {  	s11 =	sadd.s32 s11, s24;
	[sflag:s0] =	ssyncadd.s32 $0xFFFFE000  }
0xb8: {  	[hbm4b:s11+s2] =	stream.linear.scatter [tilespmem:s13], [sflag:$0x4], $0x2000, $0x38;
	[tilespmem:$0x1EC00] =	vst v63  }
0xb9: {  	_ =	swait.ge [sflag:s0], $0x2000  }
0xba: {  	[sflag:s0] =	ssyncset.done $0x0  }
0xbb: {  	[sflag:s0] =	ssyncadd.s32 $0xFFFFE000;
	s9 =	rddreg [dreg:$0x9]  }
0xbc: {  	[tilespmem:s13], [sflag:$0x4] =	stream.linear.gather [spmem:s9], $0x1200, $0x38;
	[tilespmem:$0x1EC00] =	vst v63  }
0xbd: {  	_ =	swait.ge [sflag:s0], $0x1200  }
0xbe: {  	[sflag:s0] =	ssyncset.done $0x0  }
.Ltmp7:
0xbf: {  	s28 =	rddreg [dreg:$0xa];
	[sflag:s0] =	ssyncadd.s32 $0xFFFFEE00;
	(pc) =	sbr.rel .LBB2_12-.Ltmp7, $4  }
0xc0: {  	[hbm4b:s28+s2] =	stream.linear.scatter [tilespmem:s13], [sflag:$0x4], $0x1200, $0x38;
	[tilespmem:$0x1EC00] =	vst v63  }
0xc1: {  	_ =	swait.ge [sflag:s0], $0x1200  }
0xc2: {  	[sflag:s0] =	ssyncset.done $0x0  }
0xc3: {  	[sflag:s0] =	ssyncadd.s32 $0xFFFFEE00  }
.LBB2_6:
0xc4: {  	[tilespmem:s13], [sflag:$0x4] =	stream.linear.gather [spmem:s5], $0x2000, $0x38;
	[tilespmem:$0x1EC00] =	vst v63  }
0xc5: {  	_ =	swait.ge [sflag:s0], $0x2000  }
0xc6: {  	[sflag:s0] =	ssyncset.done $0x0  }
0xc7: {  	s9 =	sadd.s32 $0x0, s24;
	[sflag:s0] =	ssyncadd.s32 $0xFFFFE000  }
0xc8: {  	[hbm4b:s9+s2] =	stream.linear.scatter [tilespmem:s13], [sflag:$0x4], $0x2000, $0x38;
	[tilespmem:$0x1EC00] =	vst v63  }
0xc9: {  	_ =	swait.ge [sflag:s0], $0x2000  }
0xca: {  	s10 =	smov.u32 s5;
	s9 =	simm.s32 $0x400;
	[sflag:s0] =	ssyncset.done $0x0  }
.LBB2_7:
0xcb: {  	p1 =	sne.s32 s9, $0x2C00;
	[sflag:s0] =	ssyncadd.s32 $0xFFFFE000;
	s10 =	sadd.s32 $0x2000, s10  }
0xcc: {  	[tilespmem:s13], [sflag:$0x4] =	stream.linear.gather [spmem:s10], $0x2000, $0x38;
	[tilespmem:$0x1EC00] =	vst v63  }
0xcd: {  	s11 =	smov.u32 s9;
	s9 =	sadd.s32 $0x400, s9;
	_ =	swait.ge [sflag:s0], $0x2000  }
.Ltmp8:
0xce: {  	[sflag:s0] =	ssyncset.done $0x0;
	(pc) =	sbr.rel @p1 .LBB2_7-.Ltmp8, $4  }
0xcf: {  	s11 =	sadd.s32 s11, s24;
	[sflag:s0] =	ssyncadd.s32 $0xFFFFE000  }
0xd0: {  	[hbm4b:s11+s2] =	stream.linear.scatter [tilespmem:s13], [sflag:$0x4], $0x2000, $0x38;
	[tilespmem:$0x1EC00] =	vst v63  }
0xd1: {  	_ =	swait.ge [sflag:s0], $0x2000  }
0xd2: {  	[sflag:s0] =	ssyncset.done $0x0  }
.Ltmp9:
0xd3: {  	_ = 	snop;
	(pc) =	sbr.rel .LBB2_8-.Ltmp9, $1  }
0xd4: {  	_ =	sdelay $0x3  }
.LBB2_13:
0xd5: {  	_ =	sfence.sel $0x180000  }
0xd6: {  	[bflag:$0x0] =	sbarrier.arrive $0xFFFF  }
0xd7: {  	_ =	strace $0x9000004A  }
0xd8: {  	s0 =	stileid.u32;
	[bflag:$0x2] =	sbarrier.arrive $0xFFFF  }
0xd9: {  	p0 =	sne.s32 s0, $0x0;
	s0 =	rddreg [dreg:$0x3]  }
0xda: {  	s0 =	sadd.s32 @!p0 $0x100000, s0  }
0xdb: {  	[sflag:s0] =	ssyncadd.tile.s32 @!p0 $0x1;
	_ =	shalt  }
.Lfunc_end2:
_tile_overlayer_lowered:
.L_overlay_start_2:
0xdc: {  	(tag) =	ssettag $0x2  }
0xdd: {  	s0 =	rddreg [dreg:$0x0];
	s2 =	stileid.u32  }
0xde: {  	s1 =	rddreg [dreg:$0x1];
	p0 =	sne.s32 s2, $0x0  }
0xdf: {  	s3 =	rddreg [dreg:$0x2];
	[bflag:$0x3] =	sbarrier.arrive $0xFFFF;
	s2 =	simm.s32 @!p0 $0x1C04  }
0xe0: {  	[timem:s3], [sflag:s2] =	dma.local @!p0 [hbm:s0], s1  }
0xe1: {  	s0 =	simm.s32 @!p0 $0x4  }
0xe2: {  	_ =	swait.ge @!p0 [sflag:s0], s1  }
0xe3: {  	s1 =	ssub.s32 @!p0 $0x0, s1;
	[sflag:s0] =	ssyncset.done @!p0 $0x0  }
0xe4: {  	[sflag:s0] =	ssyncadd.s32 @!p0 s1  }
0xe5: {  	[bflag:$0x3] =	sbarrier.arrive $0xFFFF  }
0xe6: {  	_ =	shalt  }

// kernel: kernel.15.cloned.1.call-start
scs
__scs_entry_jumppad:
0x0: {  	(pc) =	sbr.rel $0x88, $3  }
0x1: {  	(tag) =	ssettag $0x0;
	lr =	simm.s32 $0x1  }
0x2: {  	[smem:$0x3F92] =	sst lr;
	_ =	strace $0xD0000000  }
0x3: {  	_ = 	snop  }
0x4: {  	_ = 	snop  }
0x5: {  	_ = 	snop  }
0x6: {  	_ = 	snop  }
0x7: {  	_ = 	snop  }
__scs_overlays_trampoline_lowered:
0x8: {  	[smem:$0x3FA1] =	sst s0  }
0x9: {  	[smem:$0x3FA2] =	sst s1  }
0xa: {  	[smem:$0x3FA3] =	sst s2  }
0xb: {  	[smem:$0x3FA4] =	sst s3  }
0xc: {  	[smem:$0x3FA5] =	sst s4  }
0xd: {  	[smem:$0x3FA6] =	sst s5  }
0xe: {  	[smem:$0x3FA7] =	sst s6  }
0xf: {  	[smem:$0x3FA8] =	sst s7  }
0x10: {  	[smem:$0x3FA9] =	sst s8  }
0x11: {  	[smem:$0x3FAA] =	sst s9;
	s0 =	simm.s32 @!p0 $0x0  }
0x12: {  	s1 =	sld [smem:$0x3F90];
	s0 =	simm.s32 @p0 $0x1  }
0x13: {  	[smem:$0x3FAB] =	sst s0;
	s0 =	simm.s32 @!p1 $0x0  }
0x14: {  	s2 =	sld [smem:$0x3F8F];
	s0 =	simm.s32 @p1 $0x1  }
0x15: {  	[smem:$0x3FAC] =	sst s0;
	s0 =	simm.s32 @!p2 $0x0  }
0x16: {  	s3 =	sld [smem:$0x3FDB];
	s0 =	simm.s32 @p2 $0x1  }
0x17: {  	s4 =	simm.s32 $0x1BF5;
	[smem:$0x3FAE] =	sst s0  }
0x18: {  	s0 =	sld [smem:$0x3F91];
	_ =	swait.ge [sflag:s4], $0x0  }
0x19: {  	s7 =	sld [smem:$0x3F92]  }
0x1a: {  	s8 =	sadd.s32 $0xFFFFE003, lr  }
0x1b: {  	s9 =	sadd.s32 $0xFFFFFEF7, lr;
	s5 =	simm.s32 $0xFFFFFFFF;
	p2 =	slt.u32 s8, $0xFFFFF086  }
0x1c: {  	p1 =	slt.u32 s9, $0xF7A;
	s5 =	simm.s32 @!p2 $0x0  }
0x1d: {  	s5 =	simm.s32 @p1 $0x1;
	p0 =	seq.s32 s7, s2  }
0x1e: {  	s7 =	smul.u32 @!p0 $0xF7A, s2;
	p2 =	seq.s32 @!p0 s5, $0x0  }
0x1f: {  	s9 =	smul.u32 $0xF7A, s1;
	s8 =	simm.s32 @!p0 $0x1BF5;
	p2 =	por !p2, p0  }
0x20: {  	[sflag:s8] =	ssyncset.s32 @!p0 $0xFFFFF086;
	s6 =	sadd.s32 @!p0 s3, s7;
	s7 =	simm.s32 @!p0 $0x108  }
0x21: {  	s3 =	sadd.s32 s3, s9;
	s6 =	sadd.s32 @!p0 $0x88, s6;
	s7 =	simm.s32 @p2 $0x1082  }
0x22: {  	[simem:s7], [sflag:s8] =	dma.local @!p0 [hbm:s6], $0xF7A  }
0x23: {  	s9 =	sor.u32 $0xD0000000, s2;
	s6 =	simm.s32 $0x108;
	_ =	swait.ge @!p0 [sflag:s8], $0x0  }
0x24: {  	s3 =	sadd.s32 $0x88, s3;
	s6 =	simm.s32 @!p1 $0x1082;
	[sflag:s4] =	ssyncset.s32 $0xFFFFF086  }
0x25: {  	[simem:s6], [sflag:s4] =	dma.local [hbm:s3], $0xF7A  }
0x26: {  	[smem:$0x3F92] =	sst s1;
	(tag) =	ssettag s2;
	_ =	strace s9  }
0x27: {  	s1 =	sld [smem:$0x3FA2]  }
0x28: {  	s2 =	sld [smem:$0x3FA3]  }
0x29: {  	s4 =	sld [smem:$0x3FA5]  }
0x2a: {  	p0 =	seq.s32 s5, $0x0;
	s5 =	sld [smem:$0x3FA6]  }
0x2b: {  	s6 =	sld [smem:$0x3FA7]  }
0x2c: {  	s7 =	sld [smem:$0x3FA8]  }
0x2d: {  	s3 =	simm.s32 $0x108;
	s8 =	sld [smem:$0x3FA9]  }
0x2e: {  	s3 =	simm.s32 @!p0 $0x1082;
	s9 =	sld [smem:$0x3FAA]  }
0x2f: {  	lr =	sadd.s32 s0, s3;
	s0 =	sld [smem:$0x3FA1]  }
0x30: {  	s3 =	sld [smem:$0x3FA4]  }
0x31: {  	[smem:$0x3FAD] =	sst s10  }
0x32: {  	s10 =	sld [smem:$0x3FAB];
	_ =	sdelay $0x3  }
0x33: {  	p0 =	seq.s32 s10, $0x1;
	s10 =	sld [smem:$0x3FAD];
	_ =	sdelay $0x3  }
0x34: {  	[smem:$0x3FAD] =	sst s10  }
0x35: {  	s10 =	sld [smem:$0x3FAC];
	_ =	sdelay $0x3  }
0x36: {  	p1 =	seq.s32 s10, $0x1;
	s10 =	sld [smem:$0x3FAD];
	_ =	sdelay $0x3  }
0x37: {  	[smem:$0x3FAD] =	sst s10  }
0x38: {  	s10 =	sld [smem:$0x3FAE]  }
0x39: {  	_ = 	snop;
	(pc) =	sbr.ind lr, $3  }
0x3a: {  	_ = 	snop  }
0x3b: {  	_ = 	snop  }
0x3c: {  	p2 =	seq.s32 s10, $0x1;
	s10 =	sld [smem:$0x3FAD]  }
0x3d: {  	_ =	shalt  }
0x3e: {  	_ =	shalt  }
0x3f: {  	_ =	shalt  }
0x40: {  	_ =	shalt  }
0x41: {  	_ =	shalt  }
0x42: {  	_ =	shalt  }
0x43: {  	_ =	shalt  }
0x44: {  	_ =	shalt  }
0x45: {  	_ =	shalt  }
0x46: {  	_ =	shalt  }
0x47: {  	_ =	shalt  }
0x48: {  	_ =	shalt  }
0x49: {  	_ =	shalt  }
0x4a: {  	_ =	shalt  }
0x4b: {  	_ =	shalt  }
0x4c: {  	_ =	shalt  }
0x4d: {  	_ =	shalt  }
0x4e: {  	_ =	shalt  }
0x4f: {  	_ =	shalt  }
0x50: {  	_ =	shalt  }
0x51: {  	_ =	shalt  }
0x52: {  	_ =	shalt  }
0x53: {  	_ =	shalt  }
0x54: {  	_ =	shalt  }
0x55: {  	_ =	shalt  }
0x56: {  	_ =	shalt  }
0x57: {  	_ =	shalt  }
0x58: {  	_ =	shalt  }
0x59: {  	_ =	shalt  }
0x5a: {  	_ =	shalt  }
0x5b: {  	_ =	shalt  }
0x5c: {  	_ =	shalt  }
0x5d: {  	_ =	shalt  }
0x5e: {  	_ =	shalt  }
0x5f: {  	_ =	shalt  }
0x60: {  	_ =	shalt  }
0x61: {  	_ =	shalt  }
0x62: {  	_ =	shalt  }
0x63: {  	_ =	shalt  }
0x64: {  	_ =	shalt  }
0x65: {  	_ =	shalt  }
0x66: {  	_ =	shalt  }
0x67: {  	_ =	shalt  }
0x68: {  	_ =	shalt  }
0x69: {  	_ =	shalt  }
0x6a: {  	_ =	shalt  }
0x6b: {  	_ =	shalt  }
0x6c: {  	_ =	shalt  }
0x6d: {  	_ =	shalt  }
0x6e: {  	_ =	shalt  }
0x6f: {  	_ =	shalt  }
0x70: {  	_ =	shalt  }
0x71: {  	_ =	shalt  }
0x72: {  	_ =	shalt  }
0x73: {  	_ =	shalt  }
0x74: {  	_ =	shalt  }
0x75: {  	_ =	shalt  }
0x76: {  	_ =	shalt  }
0x77: {  	_ =	shalt  }
0x78: {  	_ =	shalt  }
0x79: {  	_ =	shalt  }
0x7a: {  	_ =	shalt  }
0x7b: {  	_ =	shalt  }
0x7c: {  	_ =	shalt  }
0x7d: {  	_ =	shalt  }
0x7e: {  	_ =	shalt  }
0x7f: {  	_ =	shalt  }
0x80: {  	_ =	shalt  }
0x81: {  	_ =	shalt  }
0x82: {  	_ =	shalt  }
0x83: {  	_ =	shalt  }
0x84: {  	_ =	shalt  }
0x85: {  	_ =	shalt  }
0x86: {  	_ =	shalt  }
0x87: {  	_ =	shalt  }
.Lfunc_end0:
.L_simem_size_0:
called_computation.2_lowered:
.L_overlay_start_0:
0x88: {  	s2 =	sld [smem:$0x3FD9]  }
0x89: {  	s3 =	sld [smem:$0x3FFE];
	_ =	sdelay $0x1  }
0x8a: {  	s1 =	srdreg.scid  }
0x8b: {  	s0 =	sand.u32 $0x1, s1  }
0x8c: {  	s17 =	sshll.u32 s0, $0xA;
	s2 =	sadd.s32 s3, s2  }
0x8d: {  	s2 =	sadd.s32 s2, s17  }
0x8e: {  	[smem:$0x3FB9] =	sst s2  }
0x8f: {  	_ = 	snop  }
0x90: {  	s2 =	sld [smem:$0x3FC6];
	(tm) =	ssettm $0x1  }
0x91: {  	s18 =	sld [smem:$0x3FFB];
	_ =	sdelay $0x3  }
0x92: {  	_ =	strace s18  }
0x93: {  	s3 =	sld [smem:$0x3FFC];
	_ =	sdelay $0x3  }
0x94: {  	_ =	strace s3  }
0x95: {  	s3 =	sld [smem:$0x3FFD];
	_ =	sdelay $0x3  }
0x96: {  	_ =	strace s3  }
0x97: {  	_ =	strace $0x8FFFFFFF  }
0x98: {  	s19 =	sld [smem:$0x3FDB];
	_ =	sdelay $0x1  }
0x99: {  	s4 =	simm.s32 $_scs_section_size  }
0x9a: {  	s5 =	simm.s32 $_size__tile_overlayer_lowered;
	s6 =	simm.s32 $_tile_overlayer_lowered  }
0x9b: {  	s22 =	simm.s32 $0x1BFF;
	s21 =	sshll.u32 s6, $0x1;
	s3 =	sadd.s32 s4, s19  }
0x9c: {  	s7 =	simm.s32 $0x0;
	s20 =	sshll.u32 s5, $0x1;
	s5 =	sadd.s32 s21, s3  }
0x9d: {  	[timem:s7], [sflag:s22] =	dma.local [hbm:s5], s20  }
0x9e: {  	_ =	swait.ge [sflag:s22], s20  }
0x9f: {  	s4 =	ssub.s32 $0x0, s20;
	[sflag:s22] =	ssyncset.done $0x0  }
0xa0: {  	[sflag:s22] =	ssyncadd.s32 s4;
	_ =	sdelay $0x1  }
0xa1: {  	s23 =	simm.s32 $0x1B8B  }
0xa2: {  	_ =	swait.ge [sflag:s23], $0x1  }
0xa3: {  	[sflag:s23] =	ssyncset.done $0x0  }
0xa4: {  	s25 =	simm.s32 $0x1B8E;
	s24 =	sld [smem:$0x3FFE];
	[sflag:s23] =	ssyncadd.s32 $0xFFFFFFFF  }
0xa5: {  	s26 =	simm.s32 $execute0_lowered;
	[smem:$0x3FD2] =	sst s25  }
0xa6: {  	s5 =	sshll.u32 s26, $0x1;
	_ =	strace $0x8000004C;
	[dreg:$0x1] =	wrdreg $0xFFFFFFFF  }
0xa7: {  	s28 =	simm.s32 $_size_execute0_lowered;
	s3 =	sadd.s32 s3, s5;
	[dreg:$0x0] =	wrdreg $0x0  }
0xa8: {  	s5 =	sshll.u32 s28, $0x1;
	[dreg:$0x2] =	wrdreg s3  }
0xa9: {  	[dreg:$0x3] =	wrdreg s5  }
0xaa: {  	[dreg:$0x4] =	wrdreg $0xC0  }
0xab: {  	_ =	task [dreg:s7], $0x5FFFF  }
0xac: {  	[dreg:$0x1] =	wrdreg $0xFFFFFFFF  }
0xad: {  	[dreg:$0x0] =	wrdreg $0x60  }
0xae: {  	[dreg:$0x2] =	wrdreg s24  }
0xaf: {  	[dreg:$0x3] =	wrdreg s2  }
0xb0: {  	[dreg:$0x4] =	wrdreg $0x64000  }
0xb1: {  	[dreg:$0x5] =	wrdreg $0x9  }
0xb2: {  	_ =	task.clear_ibuf [dreg:s7], $0x6FFFF;
	_ =	strace $0x9000004C  }
0xb3: {  	s29 =	simm.s32 $0x9;
	_ =	strace $0x8000004E  }
0xb4: {  	_ =	swait.ge [sflag:s29], $0x1  }
0xb5: {  	[sflag:s29] =	ssyncadd.s32 $0xFFFFFFFF  }
0xb6: {  	_ =	strace $0x9000004E  }
0xb7: {  	_ =	sfence  }
0xb8: {  	s30 =	sld [smem:$0x0];
	_ =	sdelay $0x2  }
0xb9: {  	s31 =	sshll.u32 s1, $0xD;
	s1 =	sshrl.u32 s1, $0x2  }
0xba: {  	s3 =	sand.u32 $0x4000, s31;
	s1 =	sadd.s32 s1, s30  }
0xbb: {  	s0 =	sor.u32 s3, s0;
	s1 =	sshll.u32 s1, $0x11  }
0xbc: {  	s0 =	sor.u32 s1, s0  }
0xbd: {  	s0 =	sadd.s32 $0x8F2B, s0  }
0xbe: {  	[sflag:s0] =	ssyncadd.remote.s32 $0x1  }
0xbf: {  	_ =	sfence.sel $0xFFFF  }
0xc0: {  	[dreg:$0x0] =	wrdreg $0xFFFFFFFF;
	(pc) =	sbr.abs _section_cstart, $3  }
0xc1: {  	[dreg:$0x1] =	wrdreg $0xFFFFFFFF  }
0xc2: {  	_ =	task.clear_ibuf [dreg:s7], $0x2FFFF;
	_ =	strace $0x9FFFFFFF  }
0xc3: {  	(tm) =	ssettm $0x7FFFFFFF  }
tec
execute0_lowered:
.L_overlay_start_1:
0x0: {  	(tag) =	ssettag $0x1  }
0x1: {  	s0 =	rddreg [dreg:$0x0]  }
0x2: {  	s3 =	rddreg [dreg:$0x1]  }
0x3: {  	s1 =	rddreg [dreg:$0x2]  }
0x4: {  	s2 =	simm.s32 $0x0;
	s4 =	srdreg.scid;
	s16 =	stileid.u32  }
0x5: {  	[smem:$0x7FF] =	sst s2;
	s7 =	smul.u32 $0x62000, s16  }
0x6: {  	s8 =	sand.u32 $0x1, s4;
	s4 =	sadd.s32 $0xE0400, s0;
	s11 =	smul.u32 $0xC3, s16  }
0x7: {  	s9 =	sadd.s32 $0x4400, s0;
	s0 =	sadd.s32 $0x142000, s0;
	s13 =	smul.u32 $0x620, s16  }
0x8: {  	s12 =	smin.u32 s16, $0x5;
	s28 =	sadd.s32 $0x185800, s1;
	s20 =	smul.u32 $0x3100, s16  }
0x9: {  	p0 =	slt.u32 s16, $0x5;
	s31 =	sadd.s32 $0x16F800, s1;
	_ =	strace $0x8000004D  }
0xa: {  	s5 =	ssub.s32 $0x2, s8;
	s22 =	sxor.u32 $0x1, s8;
	s15 =	smul.u32 $0x61A8, s8  }
0xb: {  	p6 =	seq.s32 s8, $0x1;
	[dreg:$0x9] =	wrdreg s28;
	s8 =	smul.u32 $0x30D40, s8  }
0xc: {  	s6 =	sshrl.u32 s5, $0x1;
	s21 =	sshrl.u32 s7, $0x2;
	s23 =	smul.u32 $0xC35, s22  }
0xd: {  	s14 =	sadd.s32 s11, s12;
	s7 =	simm.s32 $0xC4;
	s10 =	ssub.s32 s5, s6  }
0xe: {  	s5 =	sadd.s32 s21, s1;
	s7 =	simm.s32 @!p0 $0xC3;
	s13 =	sadd.s32 s13, s15  }
0xf: {  	p0 =	por !p6, !p6;
	s15 =	simm.s32 $0x1;
	s6 =	sadd.s32 $0x18000, s5  }
0x10: {  	s14 =	sadd.s32 s23, s14;
	s13 =	sshll.u32 s13, $0x3;
	s10 =	smax.u32 s10, $0x1  }
0x11: {  	s15 =	simm.s32 @!p0 $0x0;
	s18 =	sadd.s32 $0x6000, s5;
	[dreg:$0xb] =	wrdreg s10  }
0x12: {  	s19 =	sadd.s32 $0x8000, s5;
	s23 =	sadd.s32 $0xA000, s5;
	[dreg:$0xe] =	wrdreg s18  }
0x13: {  	p0 =	seq.s32 s16, $0xF;
	s28 =	sadd.s32 $0x12000, s5;
	[dreg:$0xf] =	wrdreg s19  }
0x14: {  	s29 =	sadd.s32 $0x14000, s5;
	s14 =	sshll.u32 s14, $0x4;
	[dreg:$0x10] =	wrdreg s23  }
0x15: {  	s30 =	sadd.s32 $0x16000, s5;
	[dreg:$0x14] =	wrdreg s28;
	s17 =	sadd.s32 s3, s14  }
0x16: {  	s13 =	sadd.s32 s13, s0;
	s24 =	sadd.s32 s9, s14;
	[dreg:$0x4] =	wrdreg s17  }
0x17: {  	s15 =	smul.u32 $0xC35, s15;
	s26 =	sadd.s32 $0x3000, s13;
	[dreg:$0x5] =	wrdreg s24  }
0x18: {  	s14 =	sadd.s32 $0x10, s14;
	s13 =	sadd.s32 $0x2C00, s13;
	[dreg:$0x8] =	wrdreg s26  }
0x19: {  	s0 =	sadd.s32 s8, s0;
	s25 =	sadd.s32 s3, s14;
	[dreg:$0xa] =	wrdreg s13  }
0x1a: {  	s8 =	simm.s32 $0x0;
	s14 =	sadd.s32 s9, s14;
	[dreg:$0x6] =	wrdreg s25  }
0x1b: {  	s17 =	sadd.s32 $0x4000, s5;
	s24 =	sadd.s32 $0xC000, s5;
	[dreg:$0x7] =	wrdreg s14  }
0x1c: {  	s26 =	sadd.s32 $0x10000, s5;
	s13 =	simm.s32 $0x400;
	[dreg:$0xd] =	wrdreg s17  }
0x1d: {  	s14 =	sadd.s32 s11, s15;
	s15 =	sadd.s32 $0x2000, s5;
	[dreg:$0x11] =	wrdreg s24  }
.Ltmp0:
0x1e: {  	s24 =	sadd.s32 s20, s0;
	[dreg:$0x13] =	wrdreg s26;
	(pc) =	sbr.rel .LBB2_1-.Ltmp0, $4  }
0x1f: {  	s25 =	sadd.s32 $0xE000, s5;
	[dreg:$0xc] =	wrdreg s15;
	s10 =	sadd.s32 s12, s14  }
0x20: {  	s0 =	simm.s32 $0x4;
	[dreg:$0x12] =	wrdreg s25;
	s10 =	sshll.u32 s10, $0x4  }
0x21: {  	s12 =	simm.s32 $0x80;
	s14 =	simm.s32 $0x2;
	s10 =	sadd.s32 $0x20, s10  }
0x22: {  	v0 =	vimm.f32 $0.0e+00;
	s21 =	sadd.s32 s10, s3;
	s22 =	sadd.s32 s10, s9;
	s3 =	simm.s32 $0x3  }
.LBB2_8:
0x23: {  	[sflag:s0] =	ssyncadd.s32 $0xFFFFE000  }
0x24: {  	[tilespmem:s13], [sflag:$0x4] =	stream.linear.gather [spmem:s6], $0x800, $0x38;
	[tilespmem:$0x1EC00] =	vst v63  }
0x25: {  	_ =	swait.ge [sflag:s0], $0x800  }
0x26: {  	[sflag:s0] =	ssyncset.done $0x0  }
0x27: {  	s9 =	rddreg [dreg:$0x8];
	[sflag:s0] =	ssyncadd.s32 $0xFFFFF800  }
0x28: {  	[hbm4b:s9+s2] =	stream.linear.scatter [tilespmem:s13], [sflag:$0x4], $0x800, $0x38;
	[tilespmem:$0x1EC00] =	vst v63  }
0x29: {  	_ =	swait.ge [sflag:s0], $0x800  }
0x2a: {  	[sflag:s0] =	ssyncset.done $0x0  }
0x2b: {  	[sflag:s0] =	ssyncadd.s32 $0xFFFFF800  }
.LBB2_12:
0x2c: {  	s8 =	sadd.s32 $0x1, s8;
	s9 =	rddreg [dreg:$0xb]  }
0x2d: {  	p1 =	sne.s32 s8, s9  }
.Ltmp1:
0x2e: {  	_ = 	snop;
	(pc) =	sbr.rel @!p1 .LBB2_13-.Ltmp1, $1  }
0x2f: {  	_ =	sdelay $0x3  }
.LBB2_1:
0x30: {  	s10 =	simm.s32 $0x100;
	s9 =	simm.s32 $0x0  }
.LBB2_2:
0x31: {  	p1 =	sne.s32 s10, $0x7F00;
	[tilespmem:s9+$0x430] =	vst v0;
	s11 =	smov.u32 s10;
	s10 =	sadd.s32 $0x100, s10  }
.Ltmp2:
0x32: {  	[tilespmem:s9+$0x420] =	vst v0;
	(pc) =	sbr.rel @p1 .LBB2_2-.Ltmp2, $3  }
0x33: {  	[tilespmem:s9+$0x400] =	vst v0  }
0x34: {  	[tilespmem:s9+$0x410] =	vst v0;
	_ =	sdelay $0x1  }
0x35: {  	s9 =	sshra.s32 s11, $0x2  }
0x36: {  	[tilespmem:s9+$0x430] =	vst v0  }
0x37: {  	[tilespmem:s9+$0x420] =	vst v0  }
0x38: {  	[tilespmem:s9+$0x400] =	vst v0  }
0x39: {  	[tilespmem:s9+$0x410] =	vst v0;
	s10 =	simm.s32 $0x400  }
0x3a: {  	[spmem:s5] =	stream.linear.scatter [tilespmem:s10], [sflag:$0x4], $0x2000, $0x38;
	[tilespmem:$0x1EC00] =	vst v63  }
0x3b: {  	_ =	swait.ge [sflag:s0], $0x2000  }
0x3c: {  	[sflag:s0] =	ssyncset.done $0x0  }
0x3d: {  	s20 =	rddreg [dreg:$0xc];
	[sflag:s0] =	ssyncadd.s32 $0xFFFFE000  }
0x3e: {  	[spmem:s20] =	stream.linear.scatter [tilespmem:s10], [sflag:$0x4], $0x2000, $0x38;
	[tilespmem:$0x1EC00] =	vst v63  }
0x3f: {  	_ =	swait.ge [sflag:s0], $0x2000  }
0x40: {  	[sflag:s0] =	ssyncset.done $0x0  }
0x41: {  	s23 =	rddreg [dreg:$0xd];
	[sflag:s0] =	ssyncadd.s32 $0xFFFFE000  }
0x42: {  	[spmem:s23] =	stream.linear.scatter [tilespmem:s10], [sflag:$0x4], $0x2000, $0x38;
	[tilespmem:$0x1EC00] =	vst v63  }
0x43: {  	_ =	swait.ge [sflag:s0], $0x2000  }
0x44: {  	[sflag:s0] =	ssyncset.done $0x0  }
0x45: {  	s25 =	rddreg [dreg:$0xe];
	[sflag:s0] =	ssyncadd.s32 $0xFFFFE000  }
0x46: {  	[spmem:s25] =	stream.linear.scatter [tilespmem:s10], [sflag:$0x4], $0x2000, $0x38;
	[tilespmem:$0x1EC00] =	vst v63  }
0x47: {  	_ =	swait.ge [sflag:s0], $0x2000  }
0x48: {  	[sflag:s0] =	ssyncset.done $0x0  }
0x49: {  	s26 =	rddreg [dreg:$0xf];
	[sflag:s0] =	ssyncadd.s32 $0xFFFFE000  }
0x4a: {  	[spmem:s26] =	stream.linear.scatter [tilespmem:s10], [sflag:$0x4], $0x2000, $0x38;
	[tilespmem:$0x1EC00] =	vst v63  }
0x4b: {  	_ =	swait.ge [sflag:s0], $0x2000  }
0x4c: {  	[sflag:s0] =	ssyncset.done $0x0  }
0x4d: {  	s28 =	rddreg [dreg:$0x10];
	[sflag:s0] =	ssyncadd.s32 $0xFFFFE000  }
0x4e: {  	[spmem:s28] =	stream.linear.scatter [tilespmem:s10], [sflag:$0x4], $0x2000, $0x38;
	[tilespmem:$0x1EC00] =	vst v63  }
0x4f: {  	_ =	swait.ge [sflag:s0], $0x2000  }
0x50: {  	[sflag:s0] =	ssyncset.done $0x0  }
0x51: {  	s11 =	rddreg [dreg:$0x11];
	[sflag:s0] =	ssyncadd.s32 $0xFFFFE000  }
0x52: {  	[spmem:s11] =	stream.linear.scatter [tilespmem:s10], [sflag:$0x4], $0x2000, $0x38;
	[tilespmem:$0x1EC00] =	vst v63  }
0x53: {  	_ =	swait.ge [sflag:s0], $0x2000  }
0x54: {  	[sflag:s0] =	ssyncset.done $0x0  }
0x55: {  	s15 =	rddreg [dreg:$0x12];
	[sflag:s0] =	ssyncadd.s32 $0xFFFFE000  }
0x56: {  	[spmem:s15] =	stream.linear.scatter [tilespmem:s10], [sflag:$0x4], $0x2000, $0x38;
	[tilespmem:$0x1EC00] =	vst v63  }
0x57: {  	_ =	swait.ge [sflag:s0], $0x2000  }
0x58: {  	[sflag:s0] =	ssyncset.done $0x0  }
0x59: {  	s16 =	rddreg [dreg:$0x13];
	[sflag:s0] =	ssyncadd.s32 $0xFFFFE000  }
0x5a: {  	[spmem:s16] =	stream.linear.scatter [tilespmem:s10], [sflag:$0x4], $0x2000, $0x38;
	[tilespmem:$0x1EC00] =	vst v63  }
0x5b: {  	_ =	swait.ge [sflag:s0], $0x2000  }
0x5c: {  	[sflag:s0] =	ssyncset.done $0x0  }
0x5d: {  	s17 =	rddreg [dreg:$0x14];
	[sflag:s0] =	ssyncadd.s32 $0xFFFFE000  }
0x5e: {  	[spmem:s17] =	stream.linear.scatter [tilespmem:s10], [sflag:$0x4], $0x2000, $0x38;
	[tilespmem:$0x1EC00] =	vst v63  }
0x5f: {  	_ =	swait.ge [sflag:s0], $0x2000  }
0x60: {  	[sflag:s0] =	ssyncset.done $0x0  }
0x61: {  	[sflag:s0] =	ssyncadd.s32 $0xFFFFE000  }
0x62: {  	[spmem:s29] =	stream.linear.scatter [tilespmem:s10], [sflag:$0x4], $0x2000, $0x38;
	[tilespmem:$0x1EC00] =	vst v63  }
0x63: {  	_ =	swait.ge [sflag:s0], $0x2000  }
0x64: {  	[sflag:s0] =	ssyncset.done $0x0  }
0x65: {  	[sflag:s0] =	ssyncadd.s32 $0xFFFFE000  }
0x66: {  	[spmem:s30] =	stream.linear.scatter [tilespmem:s10], [sflag:$0x4], $0x2000, $0x38;
	[tilespmem:$0x1EC00] =	vst v63  }
0x67: {  	_ =	swait.ge [sflag:s0], $0x2000  }
0x68: {  	[sflag:s0] =	ssyncset.done $0x0  }
0x69: {  	[sflag:s0] =	ssyncadd.s32 $0xFFFFE000  }
0x6a: {  	[spmem:s6] =	stream.linear.scatter [tilespmem:s10], [sflag:$0x4], $0x800, $0x38;
	[tilespmem:$0x1EC00] =	vst v63  }
0x6b: {  	_ =	swait.ge [sflag:s0], $0x800  }
0x6c: {  	[sflag:s0] =	ssyncset.done $0x0  }
0x6d: {  	[sflag:s0] =	ssyncadd.s32 $0xFFFFF800  }
0x6e: {  	[bflag:$0x0] =	sbarrier.arrive $0xFFFF  }
0x6f: {  	s9 =	simm.s32 $0x0;
	s11 =	rddreg [dreg:$0x4]  }
0x70: {  	[tilespmem:s9], [sflag:$0x1] =	stream.linear.gather [hbm4b:s11+s9], $0x80, $0x38;
	[tilespmem:$0x1EC00] =	vst v63  }
0x71: {  	s15 =	simm.s32 $0x200;
	s18 =	rddreg [dreg:$0x5]  }
0x72: {  	[tilespmem:s15], [sflag:$0x1] =	stream.linear.gather [hbm4b:s18+s9], $0x80, $0x38;
	[tilespmem:$0x1EC00] =	vst v63  }
0x73: {  	s19 =	rddreg [dreg:$0x6]  }
0x74: {  	[tilespmem:s12], [sflag:$0x1] =	stream.linear.gather [hbm4b:s19+s9], $0x80, $0x38;
	[tilespmem:$0x1EC00] =	vst v63  }
0x75: {  	s23 =	simm.s32 $0x280;
	s25 =	simm.s32 $0x1;
	s20 =	rddreg [dreg:$0x7]  }
0x76: {  	[tilespmem:s23], [sflag:$0x1] =	stream.linear.gather [hbm4b:s20+s9], $0x80, $0x38;
	[tilespmem:$0x1EC00] =	vst v63  }
0x77: {  	_ =	swait.ge [sflag:s25], $0x80  }
0x78: {  	[sflag:s25] =	ssyncset.done $0x0  }
0x79: {  	[sflag:s25] =	ssyncadd.s32 $0xFFFFFF80  }
0x7a: {  	_ =	swait.ge [sflag:s25], $0x80  }
0x7b: {  	p1 =	por $0x1, $0x1;
	p3 =	sle.u32 s7, $0x2;
	[sflag:s25] =	ssyncset.done $0x0  }
0x7c: {  	p2 =	sle.u32 s7, $0x1;
	s16 =	smulhi.u32 $0xAAAAAAAB, s25;
	[sflag:s25] =	ssyncadd.s32 $0xFFFFFF80  }
0x7d: {  	[tilespmem:s10], [sflag:$0x2] =	stream.indirect.gather [hbm4b:s4+s12], $0x40, s9, s12, $0xb8;
	[tilespmem:$0x1EC00] =	vst v63  }
0x7e: {  	s26 =	sshrl.u32 s16, $0x1;
	s16 =	simm.s32 @!p2 $0x80;
	s10 =	simm.s32 @!p1 $0x3  }
0x7f: {  	s28 =	sand.u32 $0x180, s9;
	s16 =	sand.u32 @!p2 $0x180, s16;
	_ =	swait.ge @!p1 [sflag:s10], $0x2000  }
0x80: {  	s15 =	simm.s32 @!p3 $0x100;
	s18 =	smul.u32 $0xFFFE8000, s26;
	[sflag:s10] =	ssyncset.done @!p1 $0x0  }
0x81: {  	[sflag:s10] =	ssyncadd.s32 @!p1 $0xFFFFE000;
	s10 =	sand.u32 @!p3 $0x180, s15;
	s15 =	simm.s32 @!p3 $0x0  }
0x82: {  	[tilespmem:s10], [sflag:$0x1] =	stream.linear.gather @!p3 [hbm4b:s21+s15], $0x80, $0x38;
	[tilespmem:$0x1EC00] =	vst v63  }
0x83: {  	s17 =	simm.s32 @!p2 $0x1;
	s19 =	smulhi.u32 $0xAAAAAAAB, s9;
	s10 =	sor.u32 @!p3 $0x200, s10  }
0x84: {  	[tilespmem:s10], [sflag:$0x1] =	stream.linear.gather @!p3 [hbm4b:s22+s15], $0x80, $0x38;
	[tilespmem:$0x1EC00] =	vst v63  }
0x85: {  	s11 =	simm.s32 $0x1;
	s19 =	sshrl.u32 s19, $0x1;
	_ =	swait.ge @!p2 [sflag:s17], $0x80  }
0x86: {  	s18 =	sshra.s32 s18, $0x2;
	s19 =	smul.u32 $0xFFFE8000, s19;
	[sflag:s17] =	ssyncset.done @!p2 $0x0  }
0x87: {  	s18 =	sadd.s32 $0x2400, s18;
	s20 =	simm.s32 @!p2 $0x80;
	[sflag:s17] =	ssyncadd.s32 @!p2 $0xFFFFFF80  }
0x88: {  	s19 =	sshra.s32 s19, $0x2;
	p1 =	sne.s32 s7, $0x1;
	_ =	swait.ge @!p2 [sflag:s17], $0x80  }
.Ltmp3:
0x89: {  	s19 =	sadd.s32 $0x400, s19;
	[sflag:s17] =	ssyncset.done @!p2 $0x0;
	(pc) =	sbr.rel @!p1 .LBB2_5-.Ltmp3, $4  }
0x8a: {  	s10 =	simm.s32 $0x2400;
	s15 =	sadd.s32 $0x10, s22;
	[sflag:s17] =	ssyncadd.s32 @!p2 $0xFFFFFF80  }
0x8b: {  	[tilespmem:s18], [sflag:$0x2] =	stream.indirect.gather @!p2 [hbm4b:s4+s20], $0x40, s16, s20, $0xb8;
	[tilespmem:$0x1EC00] =	vst v63  }
0x8c: {  	s17 =	simm.s32 $0x2;
	s16 =	simm.s32 $0x2400;
	_ =	swait.ge [sflag:s14], $0x2000  }
0x8d: {  	s18 =	sadd.s32 $0x10, s21;
	s20 =	sor.u32 $0x200, s28;
	[sflag:s14] =	ssyncset.done $0x0  }
.LBB2_4:
0x8e: {  	[sflag:s14] =	ssyncadd.s32 $0xFFFFE000;
	s9 =	sadd.s32 $0x80, s9;
	s10 =	sadd.s32 $0x2000, s10  }
0x8f: {  	[spmem:s1] =	stream.indirect.scatter.add.f32 [tilespmem:s19], [sflag:$0x3], $0x40, s20, s12, $0xb8;
	[tilespmem:$0x1EC00] =	vst v63  }
0x90: {  	s19 =	smov.u32 s11;
	s20 =	smov.u32 s16  }
0x91: {  	p2 =	slt.u32 s11, $0x2  }
0x92: {  	s26 =	smulhi.u32 $0xAAAAAAAB, s17;
	s23 =	simm.s32 @!p2 $0x3;
	s11 =	sadd.s32 $0x2, s11  }
0x93: {  	p3 =	sge.u32 s11, s7;
	s11 =	sadd.s32 $0xFFFFFFFF, s11;
	_ =	swait.ge @!p2 [sflag:s23], $0x2000  }
0x94: {  	s25 =	sadd.s32 @!p3 $0x100, s9;
	p1 =	sne.s32 s11, s7;
	[sflag:s23] =	ssyncset.done @!p2 $0x0  }
0x95: {  	[sflag:s23] =	ssyncadd.s32 @!p2 $0xFFFFE000;
	s23 =	sand.u32 @!p3 $0x180, s25;
	s25 =	simm.s32 @!p3 $0x0  }
0x96: {  	[tilespmem:s23], [sflag:$0x1] =	stream.linear.gather @!p3 [hbm4b:s18+s25], $0x80, $0x38;
	[tilespmem:$0x1EC00] =	vst v63  }
0x97: {  	s16 =	sadd.s32 $0x2000, s16;
	p2 =	sge.u32 s11, s7;
	s23 =	sor.u32 @!p3 $0x200, s23  }
0x98: {  	[tilespmem:s23], [sflag:$0x1] =	stream.linear.gather @!p3 [hbm4b:s15+s25], $0x80, $0x38;
	[tilespmem:$0x1EC00] =	vst v63  }
0x99: {  	s23 =	sshrl.u32 s26, $0x1;
	s25 =	simm.s32 @!p2 $0x1;
	s26 =	sadd.s32 @!p2 $0x80, s9  }
0x9a: {  	s23 =	smul.u32 $0xFFFE8000, s23;
	s26 =	sand.u32 @!p2 $0x180, s26;
	_ =	swait.ge @!p2 [sflag:s25], $0x80  }
0x9b: {  	s19 =	smulhi.u32 $0xAAAAAAAB, s19;
	s15 =	sadd.s32 $0x10, s15;
	[sflag:s25] =	ssyncset.done @!p2 $0x0  }
0x9c: {  	s17 =	sadd.s32 $0x1, s17;
	s23 =	sshra.s32 s23, $0x2;
	[sflag:s25] =	ssyncadd.s32 @!p2 $0xFFFFFF80  }
0x9d: {  	s19 =	sshrl.u32 s19, $0x1;
	s18 =	sadd.s32 $0x10, s18;
	_ =	swait.ge @!p2 [sflag:s25], $0x80  }
.Ltmp4:
0x9e: {  	s28 =	simm.s32 @!p2 $0x80;
	[sflag:s25] =	ssyncset.done @!p2 $0x0;
	(pc) =	sbr.rel @p1 .LBB2_4-.Ltmp4, $4  }
0x9f: {  	s19 =	smul.u32 $0xFFFE8000, s19;
	s23 =	sadd.s32 s23, s10;
	[sflag:s25] =	ssyncadd.s32 @!p2 $0xFFFFFF80  }
0xa0: {  	[tilespmem:s23], [sflag:$0x2] =	stream.indirect.gather @!p2 [hbm4b:s4+s28], $0x40, s26, s28, $0xb8;
	[tilespmem:$0x1EC00] =	vst v63  }
0xa1: {  	s19 =	sshra.s32 s19, $0x2;
	s23 =	sand.u32 $0x180, s9;
	_ =	swait.ge [sflag:s14], $0x2000  }
0xa2: {  	s19 =	sadd.s32 s19, s20;
	s20 =	sor.u32 $0x200, s23;
	[sflag:s14] =	ssyncset.done $0x0  }
.LBB2_5:
0xa3: {  	[sflag:s14] =	ssyncadd.s32 $0xFFFFE000  }
0xa4: {  	[spmem:s1] =	stream.indirect.scatter.add.f32 [tilespmem:s19], [sflag:$0x3], $0x40, s20, s12, $0xb8;
	[tilespmem:$0x1EC00] =	vst v63  }
0xa5: {  	_ =	swait.ge [sflag:s3], $0x2000  }
0xa6: {  	[sflag:s3] =	ssyncset.done $0x0  }
0xa7: {  	[sflag:s3] =	ssyncadd.s32 $0xFFFFE000  }
.Ltmp5:
0xa8: {  	_ =	swait.ge [sflag:s3], $0x2000;
	(pc) =	sbr.rel @!p0 .LBB2_6-.Ltmp5, $3  }
0xa9: {  	[sflag:s3] =	ssyncset.done $0x0  }
0xaa: {  	[sflag:s3] =	ssyncadd.s32 $0xFFFFE000  }
0xab: {  	[bflag:$0x0] =	sbarrier.arrive $0xFFFF;
	_ =	sdelay $0x1  }
0xac: {  	[tilespmem:s13], [sflag:$0x4] =	stream.linear.gather [spmem:s31], $0x2000, $0x38;
	[tilespmem:$0x1EC00] =	vst v63  }
0xad: {  	_ =	swait.ge [sflag:s0], $0x2000  }
0xae: {  	[sflag:s0] =	ssyncset.done $0x0  }
0xaf: {  	s9 =	sadd.s32 $0x0, s24;
	[sflag:s0] =	ssyncadd.s32 $0xFFFFE000  }
0xb0: {  	[hbm4b:s9+s2] =	stream.linear.scatter [tilespmem:s13], [sflag:$0x4], $0x2000, $0x38;
	[tilespmem:$0x1EC00] =	vst v63  }
0xb1: {  	_ =	swait.ge [sflag:s0], $0x2000  }
0xb2: {  	s10 =	smov.u32 s31;
	s9 =	simm.s32 $0x400;
	[sflag:s0] =	ssyncset.done $0x0  }
.LBB2_10:
0xb3: {  	p1 =	sne.s32 s9, $0x2800;
	[sflag:s0] =	ssyncadd.s32 $0xFFFFE000;
	s10 =	sadd.s32 $0x2000, s10  }
0xb4: {  	[tilespmem:s13], [sflag:$0x4] =	stream.linear.gather [spmem:s10], $0x2000, $0x38;
	[tilespmem:$0x1EC00] =	vst v63  }
0xb5: {  	s11 =	smov.u32 s9;
	s9 =	sadd.s32 $0x400, s9;
	_ =	swait.ge [sflag:s0], $0x2000  }
.Ltmp6:
0xb6: {  	[sflag:s0] =	ssyncset.done $0x0;
	(pc) =	sbr.rel @p1 .LBB2_10-.Ltmp6, $4  }
0xb7: {  	s11 =	sadd.s32 s11, s24;
	[sflag:s0] =	ssyncadd.s32 $0xFFFFE000  }
0xb8: {  	[hbm4b:s11+s2] =	stream.linear.scatter [tilespmem:s13], [sflag:$0x4], $0x2000, $0x38;
	[tilespmem:$0x1EC00] =	vst v63  }
0xb9: {  	_ =	swait.ge [sflag:s0], $0x2000  }
0xba: {  	[sflag:s0] =	ssyncset.done $0x0  }
0xbb: {  	[sflag:s0] =	ssyncadd.s32 $0xFFFFE000;
	s9 =	rddreg [dreg:$0x9]  }
0xbc: {  	[tilespmem:s13], [sflag:$0x4] =	stream.linear.gather [spmem:s9], $0x1200, $0x38;
	[tilespmem:$0x1EC00] =	vst v63  }
0xbd: {  	_ =	swait.ge [sflag:s0], $0x1200  }
0xbe: {  	[sflag:s0] =	ssyncset.done $0x0  }
.Ltmp7:
0xbf: {  	s28 =	rddreg [dreg:$0xa];
	[sflag:s0] =	ssyncadd.s32 $0xFFFFEE00;
	(pc) =	sbr.rel .LBB2_12-.Ltmp7, $4  }
0xc0: {  	[hbm4b:s28+s2] =	stream.linear.scatter [tilespmem:s13], [sflag:$0x4], $0x1200, $0x38;
	[tilespmem:$0x1EC00] =	vst v63  }
0xc1: {  	_ =	swait.ge [sflag:s0], $0x1200  }
0xc2: {  	[sflag:s0] =	ssyncset.done $0x0  }
0xc3: {  	[sflag:s0] =	ssyncadd.s32 $0xFFFFEE00  }
.LBB2_6:
0xc4: {  	[tilespmem:s13], [sflag:$0x4] =	stream.linear.gather [spmem:s5], $0x2000, $0x38;
	[tilespmem:$0x1EC00] =	vst v63  }
0xc5: {  	_ =	swait.ge [sflag:s0], $0x2000  }
0xc6: {  	[sflag:s0] =	ssyncset.done $0x0  }
0xc7: {  	s9 =	sadd.s32 $0x0, s24;
	[sflag:s0] =	ssyncadd.s32 $0xFFFFE000  }
0xc8: {  	[hbm4b:s9+s2] =	stream.linear.scatter [tilespmem:s13], [sflag:$0x4], $0x2000, $0x38;
	[tilespmem:$0x1EC00] =	vst v63  }
0xc9: {  	_ =	swait.ge [sflag:s0], $0x2000  }
0xca: {  	s10 =	smov.u32 s5;
	s9 =	simm.s32 $0x400;
	[sflag:s0] =	ssyncset.done $0x0  }
.LBB2_7:
0xcb: {  	p1 =	sne.s32 s9, $0x2C00;
	[sflag:s0] =	ssyncadd.s32 $0xFFFFE000;
	s10 =	sadd.s32 $0x2000, s10  }
0xcc: {  	[tilespmem:s13], [sflag:$0x4] =	stream.linear.gather [spmem:s10], $0x2000, $0x38;
	[tilespmem:$0x1EC00] =	vst v63  }
0xcd: {  	s11 =	smov.u32 s9;
	s9 =	sadd.s32 $0x400, s9;
	_ =	swait.ge [sflag:s0], $0x2000  }
.Ltmp8:
0xce: {  	[sflag:s0] =	ssyncset.done $0x0;
	(pc) =	sbr.rel @p1 .LBB2_7-.Ltmp8, $4  }
0xcf: {  	s11 =	sadd.s32 s11, s24;
	[sflag:s0] =	ssyncadd.s32 $0xFFFFE000  }
0xd0: {  	[hbm4b:s11+s2] =	stream.linear.scatter [tilespmem:s13], [sflag:$0x4], $0x2000, $0x38;
	[tilespmem:$0x1EC00] =	vst v63  }
0xd1: {  	_ =	swait.ge [sflag:s0], $0x2000  }
0xd2: {  	[sflag:s0] =	ssyncset.done $0x0  }
.Ltmp9:
0xd3: {  	_ = 	snop;
	(pc) =	sbr.rel .LBB2_8-.Ltmp9, $1  }
0xd4: {  	_ =	sdelay $0x3  }
.LBB2_13:
0xd5: {  	_ =	sfence.sel $0x180000  }
0xd6: {  	[bflag:$0x0] =	sbarrier.arrive $0xFFFF  }
0xd7: {  	_ =	strace $0x9000004D  }
0xd8: {  	s0 =	stileid.u32;
	[bflag:$0x2] =	sbarrier.arrive $0xFFFF  }
0xd9: {  	p0 =	sne.s32 s0, $0x0;
	s0 =	rddreg [dreg:$0x3]  }
0xda: {  	s0 =	sadd.s32 @!p0 $0x100000, s0  }
0xdb: {  	[sflag:s0] =	ssyncadd.tile.s32 @!p0 $0x1;
	_ =	shalt  }
.Lfunc_end2:
_tile_overlayer_lowered:
.L_overlay_start_2:
0xdc: {  	(tag) =	ssettag $0x2  }
0xdd: {  	s0 =	rddreg [dreg:$0x0];
	s2 =	stileid.u32  }
0xde: {  	s1 =	rddreg [dreg:$0x1];
	p0 =	sne.s32 s2, $0x0  }
0xdf: {  	s3 =	rddreg [dreg:$0x2];
	[bflag:$0x3] =	sbarrier.arrive $0xFFFF;
	s2 =	simm.s32 @!p0 $0x1C04  }
0xe0: {  	[timem:s3], [sflag:s2] =	dma.local @!p0 [hbm:s0], s1  }
0xe1: {  	s0 =	simm.s32 @!p0 $0x4  }
0xe2: {  	_ =	swait.ge @!p0 [sflag:s0], s1  }
0xe3: {  	s1 =	ssub.s32 @!p0 $0x0, s1;
	[sflag:s0] =	ssyncset.done @!p0 $0x0  }
0xe4: {  	[sflag:s0] =	ssyncadd.s32 @!p0 s1  }
0xe5: {  	[bflag:$0x3] =	sbarrier.arrive $0xFFFF  }
0xe6: {  	_ =	shalt  }

// kernel: kernel.18.cloned.1.call-start
scs
__scs_entry_jumppad:
0x0: {  	(pc) =	sbr.rel $0x88, $3  }
0x1: {  	(tag) =	ssettag $0x0;
	lr =	simm.s32 $0x1  }
0x2: {  	[smem:$0x3F92] =	sst lr;
	_ =	strace $0xD0000000  }
0x3: {  	_ = 	snop  }
0x4: {  	_ = 	snop  }
0x5: {  	_ = 	snop  }
0x6: {  	_ = 	snop  }
0x7: {  	_ = 	snop  }
__scs_overlays_trampoline_lowered:
0x8: {  	[smem:$0x3FA1] =	sst s0  }
0x9: {  	[smem:$0x3FA2] =	sst s1  }
0xa: {  	[smem:$0x3FA3] =	sst s2  }
0xb: {  	[smem:$0x3FA4] =	sst s3  }
0xc: {  	[smem:$0x3FA5] =	sst s4  }
0xd: {  	[smem:$0x3FA6] =	sst s5  }
0xe: {  	[smem:$0x3FA7] =	sst s6  }
0xf: {  	[smem:$0x3FA8] =	sst s7  }
0x10: {  	[smem:$0x3FA9] =	sst s8  }
0x11: {  	[smem:$0x3FAA] =	sst s9;
	s0 =	simm.s32 @!p0 $0x0  }
0x12: {  	s1 =	sld [smem:$0x3F90];
	s0 =	simm.s32 @p0 $0x1  }
0x13: {  	[smem:$0x3FAB] =	sst s0;
	s0 =	simm.s32 @!p1 $0x0  }
0x14: {  	s2 =	sld [smem:$0x3F8F];
	s0 =	simm.s32 @p1 $0x1  }
0x15: {  	[smem:$0x3FAC] =	sst s0;
	s0 =	simm.s32 @!p2 $0x0  }
0x16: {  	s3 =	sld [smem:$0x3FDB];
	s0 =	simm.s32 @p2 $0x1  }
0x17: {  	s4 =	simm.s32 $0x1BF5;
	[smem:$0x3FAE] =	sst s0  }
0x18: {  	s0 =	sld [smem:$0x3F91];
	_ =	swait.ge [sflag:s4], $0x0  }
0x19: {  	s7 =	sld [smem:$0x3F92]  }
0x1a: {  	s8 =	sadd.s32 $0xFFFFE003, lr  }
0x1b: {  	s9 =	sadd.s32 $0xFFFFFEF7, lr;
	s5 =	simm.s32 $0xFFFFFFFF;
	p2 =	slt.u32 s8, $0xFFFFF086  }
0x1c: {  	p1 =	slt.u32 s9, $0xF7A;
	s5 =	simm.s32 @!p2 $0x0  }
0x1d: {  	s5 =	simm.s32 @p1 $0x1;
	p0 =	seq.s32 s7, s2  }
0x1e: {  	s7 =	smul.u32 @!p0 $0xF7A, s2;
	p2 =	seq.s32 @!p0 s5, $0x0  }
0x1f: {  	s9 =	smul.u32 $0xF7A, s1;
	s8 =	simm.s32 @!p0 $0x1BF5;
	p2 =	por !p2, p0  }
0x20: {  	[sflag:s8] =	ssyncset.s32 @!p0 $0xFFFFF086;
	s6 =	sadd.s32 @!p0 s3, s7;
	s7 =	simm.s32 @!p0 $0x108  }
0x21: {  	s3 =	sadd.s32 s3, s9;
	s6 =	sadd.s32 @!p0 $0x88, s6;
	s7 =	simm.s32 @p2 $0x1082  }
0x22: {  	[simem:s7], [sflag:s8] =	dma.local @!p0 [hbm:s6], $0xF7A  }
0x23: {  	s9 =	sor.u32 $0xD0000000, s2;
	s6 =	simm.s32 $0x108;
	_ =	swait.ge @!p0 [sflag:s8], $0x0  }
0x24: {  	s3 =	sadd.s32 $0x88, s3;
	s6 =	simm.s32 @!p1 $0x1082;
	[sflag:s4] =	ssyncset.s32 $0xFFFFF086  }
0x25: {  	[simem:s6], [sflag:s4] =	dma.local [hbm:s3], $0xF7A  }
0x26: {  	[smem:$0x3F92] =	sst s1;
	(tag) =	ssettag s2;
	_ =	strace s9  }
0x27: {  	s1 =	sld [smem:$0x3FA2]  }
0x28: {  	s2 =	sld [smem:$0x3FA3]  }
0x29: {  	s4 =	sld [smem:$0x3FA5]  }
0x2a: {  	p0 =	seq.s32 s5, $0x0;
	s5 =	sld [smem:$0x3FA6]  }
0x2b: {  	s6 =	sld [smem:$0x3FA7]  }
0x2c: {  	s7 =	sld [smem:$0x3FA8]  }
0x2d: {  	s3 =	simm.s32 $0x108;
	s8 =	sld [smem:$0x3FA9]  }
0x2e: {  	s3 =	simm.s32 @!p0 $0x1082;
	s9 =	sld [smem:$0x3FAA]  }
0x2f: {  	lr =	sadd.s32 s0, s3;
	s0 =	sld [smem:$0x3FA1]  }
0x30: {  	s3 =	sld [smem:$0x3FA4]  }
0x31: {  	[smem:$0x3FAD] =	sst s10  }
0x32: {  	s10 =	sld [smem:$0x3FAB];
	_ =	sdelay $0x3  }
0x33: {  	p0 =	seq.s32 s10, $0x1;
	s10 =	sld [smem:$0x3FAD];
	_ =	sdelay $0x3  }
0x34: {  	[smem:$0x3FAD] =	sst s10  }
0x35: {  	s10 =	sld [smem:$0x3FAC];
	_ =	sdelay $0x3  }
0x36: {  	p1 =	seq.s32 s10, $0x1;
	s10 =	sld [smem:$0x3FAD];
	_ =	sdelay $0x3  }
0x37: {  	[smem:$0x3FAD] =	sst s10  }
0x38: {  	s10 =	sld [smem:$0x3FAE]  }
0x39: {  	_ = 	snop;
	(pc) =	sbr.ind lr, $3  }
0x3a: {  	_ = 	snop  }
0x3b: {  	_ = 	snop  }
0x3c: {  	p2 =	seq.s32 s10, $0x1;
	s10 =	sld [smem:$0x3FAD]  }
0x3d: {  	_ =	shalt  }
0x3e: {  	_ =	shalt  }
0x3f: {  	_ =	shalt  }
0x40: {  	_ =	shalt  }
0x41: {  	_ =	shalt  }
0x42: {  	_ =	shalt  }
0x43: {  	_ =	shalt  }
0x44: {  	_ =	shalt  }
0x45: {  	_ =	shalt  }
0x46: {  	_ =	shalt  }
0x47: {  	_ =	shalt  }
0x48: {  	_ =	shalt  }
0x49: {  	_ =	shalt  }
0x4a: {  	_ =	shalt  }
0x4b: {  	_ =	shalt  }
0x4c: {  	_ =	shalt  }
0x4d: {  	_ =	shalt  }
0x4e: {  	_ =	shalt  }
0x4f: {  	_ =	shalt  }
0x50: {  	_ =	shalt  }
0x51: {  	_ =	shalt  }
0x52: {  	_ =	shalt  }
0x53: {  	_ =	shalt  }
0x54: {  	_ =	shalt  }
0x55: {  	_ =	shalt  }
0x56: {  	_ =	shalt  }
0x57: {  	_ =	shalt  }
0x58: {  	_ =	shalt  }
0x59: {  	_ =	shalt  }
0x5a: {  	_ =	shalt  }
0x5b: {  	_ =	shalt  }
0x5c: {  	_ =	shalt  }
0x5d: {  	_ =	shalt  }
0x5e: {  	_ =	shalt  }
0x5f: {  	_ =	shalt  }
0x60: {  	_ =	shalt  }
0x61: {  	_ =	shalt  }
0x62: {  	_ =	shalt  }
0x63: {  	_ =	shalt  }
0x64: {  	_ =	shalt  }
0x65: {  	_ =	shalt  }
0x66: {  	_ =	shalt  }
0x67: {  	_ =	shalt  }
0x68: {  	_ =	shalt  }
0x69: {  	_ =	shalt  }
0x6a: {  	_ =	shalt  }
0x6b: {  	_ =	shalt  }
0x6c: {  	_ =	shalt  }
0x6d: {  	_ =	shalt  }
0x6e: {  	_ =	shalt  }
0x6f: {  	_ =	shalt  }
0x70: {  	_ =	shalt  }
0x71: {  	_ =	shalt  }
0x72: {  	_ =	shalt  }
0x73: {  	_ =	shalt  }
0x74: {  	_ =	shalt  }
0x75: {  	_ =	shalt  }
0x76: {  	_ =	shalt  }
0x77: {  	_ =	shalt  }
0x78: {  	_ =	shalt  }
0x79: {  	_ =	shalt  }
0x7a: {  	_ =	shalt  }
0x7b: {  	_ =	shalt  }
0x7c: {  	_ =	shalt  }
0x7d: {  	_ =	shalt  }
0x7e: {  	_ =	shalt  }
0x7f: {  	_ =	shalt  }
0x80: {  	_ =	shalt  }
0x81: {  	_ =	shalt  }
0x82: {  	_ =	shalt  }
0x83: {  	_ =	shalt  }
0x84: {  	_ =	shalt  }
0x85: {  	_ =	shalt  }
0x86: {  	_ =	shalt  }
0x87: {  	_ =	shalt  }
.Lfunc_end0:
.L_simem_size_0:
called_computation.3_lowered:
.L_overlay_start_0:
0x88: {  	s2 =	sld [smem:$0x3FD9]  }
0x89: {  	s3 =	sld [smem:$0x3FFE];
	_ =	sdelay $0x1  }
0x8a: {  	s1 =	srdreg.scid  }
0x8b: {  	s0 =	sand.u32 $0x1, s1  }
0x8c: {  	s14 =	sshll.u32 s0, $0xA;
	s2 =	sadd.s32 s3, s2  }
0x8d: {  	s2 =	sadd.s32 s2, s14  }
0x8e: {  	[smem:$0x3FB9] =	sst s2  }
0x8f: {  	_ = 	snop  }
0x90: {  	s2 =	sld [smem:$0x3FD0];
	_ =	sdelay $0x2  }
0x91: {  	s15 =	simm.s32 $0xA;
	s4 =	simm.s32 $0x10  }
0x92: {  	[smem:s4], [sflag:s15] =	dma.local [hbm:s2], $0x1  }
0x93: {  	_ =	swait.eq [sflag:s15], $0x1  }
0x94: {  	[sflag:s15] =	ssyncset.done $0x0  }
0x95: {  	s16 =	sld [smem:$0x10];
	[sflag:s15] =	ssyncadd.s32 $0xFFFFFFFF  }
0x96: {  	s17 =	sld [smem:$0x11];
	(tm) =	ssettm $0x1  }
0x97: {  	s18 =	sld [smem:$0x3FFB];
	_ =	sdelay $0x3  }
0x98: {  	_ =	strace s18  }
0x99: {  	s4 =	sld [smem:$0x3FFC];
	_ =	sdelay $0x3  }
0x9a: {  	_ =	strace s4  }
0x9b: {  	s4 =	sld [smem:$0x3FFD];
	_ =	sdelay $0x3  }
0x9c: {  	_ =	strace s4  }
0x9d: {  	_ =	strace $0x8FFFFFFF  }
0x9e: {  	s19 =	sld [smem:$0x3FDB];
	_ =	sdelay $0x1  }
0x9f: {  	s5 =	simm.s32 $_scs_section_size  }
0xa0: {  	s6 =	simm.s32 $_size__tile_overlayer_lowered;
	s7 =	simm.s32 $_tile_overlayer_lowered  }
0xa1: {  	s22 =	simm.s32 $0x1BFF;
	s21 =	sshll.u32 s7, $0x1;
	s4 =	sadd.s32 s5, s19  }
0xa2: {  	s8 =	simm.s32 $0x0;
	s20 =	sshll.u32 s6, $0x1;
	s6 =	sadd.s32 s21, s4  }
0xa3: {  	[timem:s8], [sflag:s22] =	dma.local [hbm:s6], s20  }
0xa4: {  	_ =	swait.ge [sflag:s22], s20  }
0xa5: {  	s5 =	ssub.s32 $0x0, s20;
	[sflag:s22] =	ssyncset.done $0x0  }
0xa6: {  	[sflag:s22] =	ssyncadd.s32 s5;
	_ =	sdelay $0x1  }
0xa7: {  	s23 =	simm.s32 $0x1B8B  }
0xa8: {  	_ =	swait.ge [sflag:s23], $0x1  }
0xa9: {  	[sflag:s23] =	ssyncset.done $0x0  }
0xaa: {  	s25 =	simm.s32 $0x1B8E;
	s24 =	sld [smem:$0x3FFE];
	[sflag:s23] =	ssyncadd.s32 $0xFFFFFFFF  }
0xab: {  	s26 =	simm.s32 $execute0_lowered;
	[smem:$0x3FD2] =	sst s25  }
0xac: {  	s6 =	sshll.u32 s26, $0x1;
	_ =	strace $0x8000004F;
	[dreg:$0x1] =	wrdreg $0xFFFFFFFF  }
0xad: {  	s28 =	simm.s32 $_size_execute0_lowered;
	s4 =	sadd.s32 s4, s6;
	[dreg:$0x0] =	wrdreg $0x0  }
0xae: {  	s6 =	sshll.u32 s28, $0x1;
	[dreg:$0x2] =	wrdreg s4  }
0xaf: {  	[dreg:$0x3] =	wrdreg s6  }
0xb0: {  	[dreg:$0x4] =	wrdreg $0xC0  }
0xb1: {  	_ =	task [dreg:s8], $0x5FFFF  }
0xb2: {  	[dreg:$0x1] =	wrdreg $0xFFFFFFFF  }
0xb3: {  	[dreg:$0x0] =	wrdreg $0x60  }
0xb4: {  	[dreg:$0x2] =	wrdreg s24  }
0xb5: {  	[dreg:$0x3] =	wrdreg s16  }
0xb6: {  	[dreg:$0x4] =	wrdreg s17  }
0xb7: {  	[dreg:$0x5] =	wrdreg $0x9  }
0xb8: {  	_ =	task.clear_ibuf [dreg:s8], $0x6FFFF;
	_ =	strace $0x9000004F  }
0xb9: {  	s29 =	simm.s32 $0x9;
	_ =	strace $0x80000051  }
0xba: {  	_ =	swait.ge [sflag:s29], $0x1  }
0xbb: {  	[sflag:s29] =	ssyncadd.s32 $0xFFFFFFFF  }
0xbc: {  	_ =	strace $0x90000051  }
0xbd: {  	_ =	sfence  }
0xbe: {  	s30 =	sld [smem:$0x0];
	_ =	sdelay $0x2  }
0xbf: {  	s31 =	sshll.u32 s1, $0xD;
	s1 =	sshrl.u32 s1, $0x2  }
0xc0: {  	s3 =	sand.u32 $0x4000, s31;
	s1 =	sadd.s32 s1, s30  }
0xc1: {  	s0 =	sor.u32 s3, s0;
	s1 =	sshll.u32 s1, $0x11  }
0xc2: {  	s0 =	sor.u32 s1, s0  }
0xc3: {  	s0 =	sadd.s32 $0x8F2B, s0  }
0xc4: {  	[sflag:s0] =	ssyncadd.remote.s32 $0x1  }
0xc5: {  	_ =	sfence.sel $0xFFFF  }
0xc6: {  	[dreg:$0x0] =	wrdreg $0xFFFFFFFF;
	(pc) =	sbr.abs _section_cstart, $3  }
0xc7: {  	[dreg:$0x1] =	wrdreg $0xFFFFFFFF  }
0xc8: {  	_ =	task.clear_ibuf [dreg:s8], $0x2FFFF;
	_ =	strace $0x9FFFFFFF  }
0xc9: {  	(tm) =	ssettm $0x7FFFFFFF  }
tec
execute0_lowered:
.L_overlay_start_1:
0x0: {  	(tag) =	ssettag $0x1  }
0x1: {  	s4 =	rddreg [dreg:$0x0]  }
0x2: {  	s0 =	srdreg.scid;
	s5 =	rddreg [dreg:$0x1]  }
0x3: {  	s7 =	rddreg [dreg:$0x2];
	s1 =	stileid.u32;
	s2 =	simm.s32 $0x0  }
0x4: {  	s10 =	simm.s32 $0x180;
	s11 =	simm.s32 $0x2180;
	s12 =	simm.s32 $0x100  }
0x5: {  	s13 =	simm.s32 $0x4180;
	s14 =	simm.s32 $0x1;
	s6 =	sand.u32 $0x1, s0  }
0x6: {  	s15 =	simm.s32 $0x6180;
	s16 =	simm.s32 $0x6200;
	s3 =	sshll.u32 s6, $0x4  }
0x7: {  	s17 =	simm.s32 $0x0;
	[smem:$0x7FF] =	sst s2;
	s8 =	sor.u32 s1, s3  }
0x8: {  	s0 =	rddreg [dreg:$0x3];
	_ =	strace $0x80000050;
	s9 =	smul.u32 $0x30, s8  }
0x9: {  	s6 =	ssub.s32 $0x2, s6;
	s3 =	sadd.s32 $0x4400, s4;
	s8 =	sshll.u32 s8, $0x4  }
0xa: {  	s31 =	sshrl.u32 s6, $0x1;
	s5 =	sadd.s32 s5, s8;
	s4 =	sadd.s32 s9, s4  }
0xb: {  	v0 =	vlaneseq.u32;
	s9 =	ssub.s32 s6, s31;
	s6 =	sadd.s32 s7, s8;
	s8 =	simm.s32 $0x2  }
0xc: {  	v0 =	vmul.u32 $0x40, v0;
	s4 =	sadd.s32 $0x205800, s4;
	s7 =	smax.u32 s9, $0x1;
	s9 =	simm.s32 $0x80  }
.LBB2_1:
0xd: {  	[tilespmem:s2], [sflag:$0x2] =	stream.linear.gather [hbm4b:s4+s2], $0x180, $0x38;
	[tilespmem:$0x6280] =	vst v63  }
0xe: {  	_ =	swait.ge [sflag:s8], $0x180  }
0xf: {  	[sflag:s8] =	ssyncset.done $0x0  }
0x10: {  	[sflag:s8] =	ssyncadd.s32 $0xFFFFFE80  }
0x11: {  	[tilespmem:s10], [sflag:$0x1] =	stream.indirect.gather [hbm4b:s3+s9], $0x40, s2, s9, $0xb8;
	[tilespmem:$0x6280] =	vst v63  }
0x12: {  	_ = 	snop  }
0x13: {  	[tilespmem:s11], [sflag:$0x1] =	stream.indirect.gather [hbm4b:s3+s9], $0x40, s9, s9, $0xb8;
	[tilespmem:$0x6280] =	vst v63  }
0x14: {  	_ = 	snop  }
0x15: {  	[tilespmem:s13], [sflag:$0x1] =	stream.indirect.gather [hbm4b:s3+s9], $0x40, s12, s9, $0xb8;
	[tilespmem:$0x6280] =	vst v63  }
0x16: {  	_ =	swait.ge [sflag:s14], $0x2000  }
0x17: {  	[sflag:s14] =	ssyncset.done $0x0  }
0x18: {  	[sflag:s14] =	ssyncadd.s32 $0xFFFFE000  }
0x19: {  	_ =	swait.ge [sflag:s14], $0x2000  }
0x1a: {  	[sflag:s14] =	ssyncset.done $0x0  }
0x1b: {  	[sflag:s14] =	ssyncadd.s32 $0xFFFFE000  }
0x1c: {  	_ =	swait.ge [sflag:s14], $0x2000  }
0x1d: {  	[sflag:s14] =	ssyncset.done $0x0  }
0x1e: {  	s18 =	simm.s32 $0x0;
	[sflag:s14] =	ssyncadd.s32 $0xFFFFE000  }
.LBB2_2:
0x1f: {  	s20 =	simm.s32 $0x0  }
0x20: {  	s19 =	sshll.u32 s18, $0x4;
	v1 =	vmov s20  }
0x21: {  	v2 =	vmov s19;
	v1 =	vand.u32 $0x3F, v1  }
0x22: {  	v2 =	vshll.u32 v2, $0x6;
	v3 =	vbroadcast v1, $0x0  }
0x23: {  	v1 =	vor.u32 v0, v2  }
0x24: {  	s30 =	simm.s32 $0x1;
	v2 =	vor.u32 v1, v3  }
0x25: {  	v3 =	vmov s30  }
0x26: {  	v3 =	vand.u32 $0x3F, v3  }
0x27: {  	v3 =	vbroadcast v3, $0x0;
	_ =	sdelay $0x1  }
0x28: {  	v5 =	vor.u32 v1, v3;
	v7 =	vld.idx.msk [tilespmem:v2+s10+$0x0], $0xffff  }
0x29: {  	s31 =	simm.s32 $0x2;
	v8 =	vld.idx.msk [tilespmem:v2+s13+$0x0], $0xffff  }
0x2a: {  	v10 =	vld.idx.msk [tilespmem:v2+s11+$0x0], $0xffff;
	v2 =	vmov s31  }
0x2b: {  	v2 =	vand.u32 $0x3F, v2  }
0x2c: {  	v4 =	vbroadcast v2, $0x0  }
0x2d: {  	v2 =	vld.idx.msk [tilespmem:v5+s10+$0x0], $0xffff  }
0x2e: {  	v6 =	vor.u32 v1, v4;
	v4 =	vld.idx.msk [tilespmem:v5+s13+$0x0], $0xffff;
	v9 =	vmul.f32 v8, v7  }
0x2f: {  	s20 =	simm.s32 $0x3;
	v3 =	vimm.f32 $0.0e+00;
	v5 =	vld.idx.msk [tilespmem:v5+s11+$0x0], $0xffff;
	v10 =	vmul.f32 v10, v7;
	v7 =	vimm.f32 $0.0e+00;
	v8 =	vmovc v6  }
.LBB2_3:
0x30: {  	v11 =	vmov s20;
	v3 =	vadd.f32 v9, v3;
	p0 =	sne.s32 s20, $0x3F  }
.Ltmp0:
0x31: {  	s20 =	sadd.s32 $0x1, s20;
	v9 =	vand.u32 $0x3F, v11;
	v7 =	vadd.f32 v10, v7;
	(pc) =	sbr.rel @p0 .LBB2_3-.Ltmp0, $4  }
0x32: {  	v9 =	vbroadcast v9, $0x0  }
0x33: {  	v10 =	vmov v2;
	v2 =	vld.idx.msk [tilespmem:v6+s10+$0x0], $0xffff  }
0x34: {  	v6 =	vor.u32 v1, v9;
	v9 =	vmul.f32 v4, v10;
	v4 =	vld.idx.msk [tilespmem:v8+s13+$0x0], $0xffff  }
0x35: {  	v10 =	vmul.f32 v5, v10;
	v5 =	vld.idx.msk [tilespmem:v8+s11+$0x0], $0xffff;
	v8 =	vmov v6  }
0x36: {  	_ =	sdelay $0x3  }
0x37: {  	v1 =	vld.idx.msk [tilespmem:v6+s10+$0x0], $0xffff  }
0x38: {  	v60 =	vld.idx.msk [tilespmem:v8+s11+$0x0], $0xffff  }
0x39: {  	v61 =	vld.idx.msk [tilespmem:v8+s13+$0x0], $0xffff;
	_ =	sdelay $0x1  }
0x3a: {  	v7 =	vadd.f32 v10, v7;
	v5 =	vmul.f32 v5, v2  }
0x3b: {  	v3 =	vadd.f32 v9, v3;
	s18 =	sadd.s32 $0x1, s18;
	v2 =	vmul.f32 v4, v2  }
0x3c: {  	p0 =	sne.s32 s18, $0x8;
	v63 =	vmul.f32 v60, v1;
	v62 =	vadd.f32 v5, v7  }
.Ltmp1:
0x3d: {  	v1 =	vmul.f32 v61, v1;
	v2 =	vadd.f32 v2, v3;
	(pc) =	sbr.rel @p0 .LBB2_2-.Ltmp1, $4  }
0x3e: {  	v3 =	vadd.f32 v63, v62  }
0x3f: {  	v1 =	vadd.f32 v1, v2  }
0x40: {  	[tilespmem:s19+$0x6180] =	vst v3  }
0x41: {  	[tilespmem:s19+$0x6200] =	vst v1  }
0x42: {  	[hbm4b:s5+s2] =	stream.linear.scatter [tilespmem:s15], [sflag:$0x2], $0x80, $0x38;
	[tilespmem:$0x6280] =	vst v63  }
0x43: {  	s17 =	sadd.s32 $0x1, s17;
	_ =	swait.ge [sflag:s8], $0x80  }
0x44: {  	p0 =	sne.s32 s17, s7;
	[sflag:s8] =	ssyncset.done $0x0  }
.Ltmp2:
0x45: {  	[sflag:s8] =	ssyncadd.s32 $0xFFFFFF80;
	(pc) =	sbr.rel @p0 .LBB2_1-.Ltmp2, $4  }
0x46: {  	[hbm4b:s6+s2] =	stream.linear.scatter [tilespmem:s16], [sflag:$0x2], $0x80, $0x38;
	[tilespmem:$0x6280] =	vst v63  }
0x47: {  	_ =	swait.ge [sflag:s8], $0x80  }
0x48: {  	[sflag:s8] =	ssyncset.done $0x0  }
0x49: {  	[sflag:s8] =	ssyncadd.s32 $0xFFFFFF80  }
0x4a: {  	_ =	sfence.sel $0x180000  }
0x4b: {  	[bflag:$0x0] =	sbarrier.arrive $0xFFFF  }
0x4c: {  	p0 =	sne.s32 s1, $0x0;
	_ =	strace $0x90000050  }
0x4d: {  	s0 =	sadd.s32 @!p0 $0x100000, s0;
	[bflag:$0x2] =	sbarrier.arrive $0xFFFF  }
0x4e: {  	[sflag:s0] =	ssyncadd.tile.s32 @!p0 $0x1;
	_ =	shalt  }
.Lfunc_end2:
_tile_overlayer_lowered:
.L_overlay_start_2:
0x4f: {  	(tag) =	ssettag $0x2  }
0x50: {  	s0 =	rddreg [dreg:$0x0];
	s2 =	stileid.u32  }
0x51: {  	s1 =	rddreg [dreg:$0x1];
	p0 =	sne.s32 s2, $0x0  }
0x52: {  	s3 =	rddreg [dreg:$0x2];
	[bflag:$0x3] =	sbarrier.arrive $0xFFFF;
	s2 =	simm.s32 @!p0 $0x1C02  }
0x53: {  	[timem:s3], [sflag:s2] =	dma.local @!p0 [hbm:s0], s1  }
0x54: {  	s0 =	simm.s32 @!p0 $0x2  }
0x55: {  	_ =	swait.ge @!p0 [sflag:s0], s1  }
0x56: {  	s1 =	ssub.s32 @!p0 $0x0, s1;
	[sflag:s0] =	ssyncset.done @!p0 $0x0  }
0x57: {  	[sflag:s0] =	ssyncadd.s32 @!p0 s1  }
0x58: {  	[bflag:$0x3] =	sbarrier.arrive $0xFFFF  }
0x59: {  	_ =	shalt  }

// kernel: kernel.9.cloned.1.call-start
scs
__scs_entry_jumppad:
0x0: {  	(pc) =	sbr.rel $0x88, $3  }
0x1: {  	(tag) =	ssettag $0x0;
	lr =	simm.s32 $0x1  }
0x2: {  	[smem:$0x3F92] =	sst lr;
	_ =	strace $0xD0000000  }
0x3: {  	_ = 	snop  }
0x4: {  	_ = 	snop  }
0x5: {  	_ = 	snop  }
0x6: {  	_ = 	snop  }
0x7: {  	_ = 	snop  }
__scs_overlays_trampoline_lowered:
0x8: {  	[smem:$0x3FA1] =	sst s0  }
0x9: {  	[smem:$0x3FA2] =	sst s1  }
0xa: {  	[smem:$0x3FA3] =	sst s2  }
0xb: {  	[smem:$0x3FA4] =	sst s3  }
0xc: {  	[smem:$0x3FA5] =	sst s4  }
0xd: {  	[smem:$0x3FA6] =	sst s5  }
0xe: {  	[smem:$0x3FA7] =	sst s6  }
0xf: {  	[smem:$0x3FA8] =	sst s7  }
0x10: {  	[smem:$0x3FA9] =	sst s8  }
0x11: {  	[smem:$0x3FAA] =	sst s9;
	s0 =	simm.s32 @!p0 $0x0  }
0x12: {  	s1 =	sld [smem:$0x3F90];
	s0 =	simm.s32 @p0 $0x1  }
0x13: {  	[smem:$0x3FAB] =	sst s0;
	s0 =	simm.s32 @!p1 $0x0  }
0x14: {  	s2 =	sld [smem:$0x3F8F];
	s0 =	simm.s32 @p1 $0x1  }
0x15: {  	[smem:$0x3FAC] =	sst s0;
	s0 =	simm.s32 @!p2 $0x0  }
0x16: {  	s3 =	sld [smem:$0x3FDB];
	s0 =	simm.s32 @p2 $0x1  }
0x17: {  	s4 =	simm.s32 $0x1BF5;
	[smem:$0x3FAE] =	sst s0  }
0x18: {  	s0 =	sld [smem:$0x3F91];
	_ =	swait.ge [sflag:s4], $0x0  }
0x19: {  	s7 =	sld [smem:$0x3F92]  }
0x1a: {  	s8 =	sadd.s32 $0xFFFFE003, lr  }
0x1b: {  	s9 =	sadd.s32 $0xFFFFFEF7, lr;
	s5 =	simm.s32 $0xFFFFFFFF;
	p2 =	slt.u32 s8, $0xFFFFF086  }
0x1c: {  	p1 =	slt.u32 s9, $0xF7A;
	s5 =	simm.s32 @!p2 $0x0  }
0x1d: {  	s5 =	simm.s32 @p1 $0x1;
	p0 =	seq.s32 s7, s2  }
0x1e: {  	s7 =	smul.u32 @!p0 $0xF7A, s2;
	p2 =	seq.s32 @!p0 s5, $0x0  }
0x1f: {  	s9 =	smul.u32 $0xF7A, s1;
	s8 =	simm.s32 @!p0 $0x1BF5;
	p2 =	por !p2, p0  }
0x20: {  	[sflag:s8] =	ssyncset.s32 @!p0 $0xFFFFF086;
	s6 =	sadd.s32 @!p0 s3, s7;
	s7 =	simm.s32 @!p0 $0x108  }
0x21: {  	s3 =	sadd.s32 s3, s9;
	s6 =	sadd.s32 @!p0 $0x88, s6;
	s7 =	simm.s32 @p2 $0x1082  }
0x22: {  	[simem:s7], [sflag:s8] =	dma.local @!p0 [hbm:s6], $0xF7A  }
0x23: {  	s9 =	sor.u32 $0xD0000000, s2;
	s6 =	simm.s32 $0x108;
	_ =	swait.ge @!p0 [sflag:s8], $0x0  }
0x24: {  	s3 =	sadd.s32 $0x88, s3;
	s6 =	simm.s32 @!p1 $0x1082;
	[sflag:s4] =	ssyncset.s32 $0xFFFFF086  }
0x25: {  	[simem:s6], [sflag:s4] =	dma.local [hbm:s3], $0xF7A  }
0x26: {  	[smem:$0x3F92] =	sst s1;
	(tag) =	ssettag s2;
	_ =	strace s9  }
0x27: {  	s1 =	sld [smem:$0x3FA2]  }
0x28: {  	s2 =	sld [smem:$0x3FA3]  }
0x29: {  	s4 =	sld [smem:$0x3FA5]  }
0x2a: {  	p0 =	seq.s32 s5, $0x0;
	s5 =	sld [smem:$0x3FA6]  }
0x2b: {  	s6 =	sld [smem:$0x3FA7]  }
0x2c: {  	s7 =	sld [smem:$0x3FA8]  }
0x2d: {  	s3 =	simm.s32 $0x108;
	s8 =	sld [smem:$0x3FA9]  }
0x2e: {  	s3 =	simm.s32 @!p0 $0x1082;
	s9 =	sld [smem:$0x3FAA]  }
0x2f: {  	lr =	sadd.s32 s0, s3;
	s0 =	sld [smem:$0x3FA1]  }
0x30: {  	s3 =	sld [smem:$0x3FA4]  }
0x31: {  	[smem:$0x3FAD] =	sst s10  }
0x32: {  	s10 =	sld [smem:$0x3FAB];
	_ =	sdelay $0x3  }
0x33: {  	p0 =	seq.s32 s10, $0x1;
	s10 =	sld [smem:$0x3FAD];
	_ =	sdelay $0x3  }
0x34: {  	[smem:$0x3FAD] =	sst s10  }
0x35: {  	s10 =	sld [smem:$0x3FAC];
	_ =	sdelay $0x3  }
0x36: {  	p1 =	seq.s32 s10, $0x1;
	s10 =	sld [smem:$0x3FAD];
	_ =	sdelay $0x3  }
0x37: {  	[smem:$0x3FAD] =	sst s10  }
0x38: {  	s10 =	sld [smem:$0x3FAE]  }
0x39: {  	_ = 	snop;
	(pc) =	sbr.ind lr, $3  }
0x3a: {  	_ = 	snop  }
0x3b: {  	_ = 	snop  }
0x3c: {  	p2 =	seq.s32 s10, $0x1;
	s10 =	sld [smem:$0x3FAD]  }
0x3d: {  	_ =	shalt  }
0x3e: {  	_ =	shalt  }
0x3f: {  	_ =	shalt  }
0x40: {  	_ =	shalt  }
0x41: {  	_ =	shalt  }
0x42: {  	_ =	shalt  }
0x43: {  	_ =	shalt  }
0x44: {  	_ =	shalt  }
0x45: {  	_ =	shalt  }
0x46: {  	_ =	shalt  }
0x47: {  	_ =	shalt  }
0x48: {  	_ =	shalt  }
0x49: {  	_ =	shalt  }
0x4a: {  	_ =	shalt  }
0x4b: {  	_ =	shalt  }
0x4c: {  	_ =	shalt  }
0x4d: {  	_ =	shalt  }
0x4e: {  	_ =	shalt  }
0x4f: {  	_ =	shalt  }
0x50: {  	_ =	shalt  }
0x51: {  	_ =	shalt  }
0x52: {  	_ =	shalt  }
0x53: {  	_ =	shalt  }
0x54: {  	_ =	shalt  }
0x55: {  	_ =	shalt  }
0x56: {  	_ =	shalt  }
0x57: {  	_ =	shalt  }
0x58: {  	_ =	shalt  }
0x59: {  	_ =	shalt  }
0x5a: {  	_ =	shalt  }
0x5b: {  	_ =	shalt  }
0x5c: {  	_ =	shalt  }
0x5d: {  	_ =	shalt  }
0x5e: {  	_ =	shalt  }
0x5f: {  	_ =	shalt  }
0x60: {  	_ =	shalt  }
0x61: {  	_ =	shalt  }
0x62: {  	_ =	shalt  }
0x63: {  	_ =	shalt  }
0x64: {  	_ =	shalt  }
0x65: {  	_ =	shalt  }
0x66: {  	_ =	shalt  }
0x67: {  	_ =	shalt  }
0x68: {  	_ =	shalt  }
0x69: {  	_ =	shalt  }
0x6a: {  	_ =	shalt  }
0x6b: {  	_ =	shalt  }
0x6c: {  	_ =	shalt  }
0x6d: {  	_ =	shalt  }
0x6e: {  	_ =	shalt  }
0x6f: {  	_ =	shalt  }
0x70: {  	_ =	shalt  }
0x71: {  	_ =	shalt  }
0x72: {  	_ =	shalt  }
0x73: {  	_ =	shalt  }
0x74: {  	_ =	shalt  }
0x75: {  	_ =	shalt  }
0x76: {  	_ =	shalt  }
0x77: {  	_ =	shalt  }
0x78: {  	_ =	shalt  }
0x79: {  	_ =	shalt  }
0x7a: {  	_ =	shalt  }
0x7b: {  	_ =	shalt  }
0x7c: {  	_ =	shalt  }
0x7d: {  	_ =	shalt  }
0x7e: {  	_ =	shalt  }
0x7f: {  	_ =	shalt  }
0x80: {  	_ =	shalt  }
0x81: {  	_ =	shalt  }
0x82: {  	_ =	shalt  }
0x83: {  	_ =	shalt  }
0x84: {  	_ =	shalt  }
0x85: {  	_ =	shalt  }
0x86: {  	_ =	shalt  }
0x87: {  	_ =	shalt  }
.Lfunc_end0:
.L_simem_size_0:
called_computation_lowered:
.L_overlay_start_0:
0x88: {  	s2 =	sld [smem:$0x3FD9]  }
0x89: {  	s3 =	sld [smem:$0x3FFE];
	_ =	sdelay $0x1  }
0x8a: {  	s1 =	srdreg.scid  }
0x8b: {  	s0 =	sand.u32 $0x1, s1  }
0x8c: {  	s16 =	sshll.u32 s0, $0xA;
	s2 =	sadd.s32 s3, s2  }
0x8d: {  	s2 =	sadd.s32 s2, s16  }
0x8e: {  	[smem:$0x3FB9] =	sst s2  }
0x8f: {  	_ = 	snop  }
0x90: {  	(tm) =	ssettm $0x1  }
0x91: {  	s17 =	sld [smem:$0x3FFB];
	_ =	sdelay $0x3  }
0x92: {  	_ =	strace s17  }
0x93: {  	s2 =	sld [smem:$0x3FFC];
	_ =	sdelay $0x3  }
0x94: {  	_ =	strace s2  }
0x95: {  	s2 =	sld [smem:$0x3FFD];
	_ =	sdelay $0x3  }
0x96: {  	_ =	strace s2  }
0x97: {  	_ =	strace $0x8FFFFFFF  }
0x98: {  	s18 =	sld [smem:$0x3FDB];
	_ =	sdelay $0x1  }
0x99: {  	s19 =	simm.s32 $_scs_section_size  }
0x9a: {  	s4 =	simm.s32 $_size__tile_overlayer_lowered;
	s5 =	simm.s32 $_tile_overlayer_lowered  }
0x9b: {  	s22 =	simm.s32 $0x1BFF;
	s21 =	sshll.u32 s5, $0x1;
	s2 =	sadd.s32 s19, s18  }
0x9c: {  	s6 =	simm.s32 $0x0;
	s20 =	sshll.u32 s4, $0x1;
	s4 =	sadd.s32 s21, s2  }
0x9d: {  	[timem:s6], [sflag:s22] =	dma.local [hbm:s4], s20  }
0x9e: {  	_ =	swait.ge [sflag:s22], s20  }
0x9f: {  	s3 =	ssub.s32 $0x0, s20;
	[sflag:s22] =	ssyncset.done $0x0  }
0xa0: {  	[sflag:s22] =	ssyncadd.s32 s3;
	_ =	sdelay $0x1  }
0xa1: {  	s23 =	simm.s32 $0x1B8B  }
0xa2: {  	_ =	swait.ge [sflag:s23], $0x1  }
0xa3: {  	[sflag:s23] =	ssyncset.done $0x0  }
0xa4: {  	s25 =	simm.s32 $0x1B8E;
	s24 =	sld [smem:$0x3FFE];
	[sflag:s23] =	ssyncadd.s32 $0xFFFFFFFF  }
0xa5: {  	s26 =	simm.s32 $execute0_lowered;
	[smem:$0x3FD2] =	sst s25  }
0xa6: {  	s4 =	sshll.u32 s26, $0x1;
	_ =	strace $0x80000046;
	[dreg:$0x1] =	wrdreg $0xFFFFFFFF  }
0xa7: {  	s28 =	simm.s32 $_size_execute0_lowered;
	s2 =	sadd.s32 s2, s4;
	[dreg:$0x0] =	wrdreg $0x0  }
0xa8: {  	s4 =	sshll.u32 s28, $0x1;
	[dreg:$0x2] =	wrdreg s2  }
0xa9: {  	[dreg:$0x3] =	wrdreg s4  }
0xaa: {  	[dreg:$0x4] =	wrdreg $0xC0  }
0xab: {  	_ =	task [dreg:s6], $0x5FFFF  }
0xac: {  	[dreg:$0x1] =	wrdreg $0xFFFFFFFF  }
0xad: {  	[dreg:$0x0] =	wrdreg $0x60  }
0xae: {  	[dreg:$0x2] =	wrdreg s24  }
0xaf: {  	[dreg:$0x3] =	wrdreg $0x23000  }
0xb0: {  	[dreg:$0x4] =	wrdreg $0x9  }
0xb1: {  	_ =	task.clear_ibuf [dreg:s6], $0x5FFFF;
	_ =	strace $0x90000046  }
0xb2: {  	s29 =	simm.s32 $0x9;
	_ =	strace $0x80000048  }
0xb3: {  	_ =	swait.ge [sflag:s29], $0x1  }
0xb4: {  	[sflag:s29] =	ssyncadd.s32 $0xFFFFFFFF  }
0xb5: {  	_ =	strace $0x90000048  }
0xb6: {  	_ =	sfence  }
0xb7: {  	s30 =	sld [smem:$0x0];
	_ =	sdelay $0x2  }
0xb8: {  	s31 =	sshll.u32 s1, $0xD;
	s1 =	sshrl.u32 s1, $0x2  }
0xb9: {  	s3 =	sand.u32 $0x4000, s31;
	s1 =	sadd.s32 s1, s30  }
0xba: {  	s0 =	sor.u32 s3, s0;
	s1 =	sshll.u32 s1, $0x11  }
0xbb: {  	s0 =	sor.u32 s1, s0  }
0xbc: {  	s0 =	sadd.s32 $0x8F2B, s0  }
0xbd: {  	[sflag:s0] =	ssyncadd.remote.s32 $0x1  }
0xbe: {  	_ =	sfence.sel $0xFFFF  }
0xbf: {  	[dreg:$0x0] =	wrdreg $0xFFFFFFFF;
	(pc) =	sbr.abs _section_cstart, $3  }
0xc0: {  	[dreg:$0x1] =	wrdreg $0xFFFFFFFF  }
0xc1: {  	_ =	task.clear_ibuf [dreg:s6], $0x2FFFF;
	_ =	strace $0x9FFFFFFF  }
0xc2: {  	(tm) =	ssettm $0x7FFFFFFF  }
0xc3: {  	_ =	shalt  }
tec
execute0_lowered:
.L_overlay_start_1:
0x0: {  	(tag) =	ssettag $0x1  }
0x1: {  	s0 =	rddreg [dreg:$0x0]  }
0x2: {  	s1 =	rddreg [dreg:$0x1]  }
0x3: {  	s3 =	simm.s32 $0x0;
	s2 =	srdreg.scid;
	s15 =	stileid.u32  }
0x4: {  	[smem:$0x7FF] =	sst s3;
	s2 =	sand.u32 $0x1, s2;
	s6 =	smul.u32 $0x1880, s15  }
0x5: {  	s11 =	sadd.s32 $0x4400, s0;
	s4 =	sadd.s32 $0x1CC00, s0;
	s9 =	smul.u32 $0x620, s15  }
0x6: {  	s7 =	smul.u32 $0xC3, s15;
	s13 =	smin.u32 s15, $0x5;
	p0 =	slt.u32 s15, $0x5  }
0x7: {  	s17 =	smul.u32 $0x6180, s15;
	_ =	strace $0x80000047;
	s5 =	ssub.s32 $0x2, s2  }
0x8: {  	s12 =	sxor.u32 $0x1, s2;
	s2 =	smul.u32 $0x61A8, s2;
	s20 =	sshll.u32 s13, $0x7  }
0x9: {  	s23 =	sshrl.u32 s5, $0x1;
	s6 =	sshrl.u32 s6, $0x2;
	s8 =	smul.u32 $0xC35, s12  }
0xa: {  	s10 =	sadd.s32 s7, s13;
	s12 =	smul.u32 $0x61A80, s12;
	s13 =	simm.s32 $0x1  }
0xb: {  	s0 =	ssub.s32 s5, s23;
	s5 =	sadd.s32 s9, s1;
	s6 =	sadd.s32 s6, s1  }
0xc: {  	s9 =	sadd.s32 s9, s2;
	s7 =	sadd.s32 $0x600, s5;
	s10 =	sadd.s32 s8, s10  }
0xd: {  	s8 =	simm.s32 $0xC4;
	s14 =	sshll.u32 s9, $0x3;
	s0 =	smax.u32 s0, $0x1  }
0xe: {  	s18 =	sadd.s32 $0x80, s6;
	s19 =	sadd.s32 s17, s12;
	s21 =	sadd.s32 $0x100, s6  }
0xf: {  	s22 =	sadd.s32 $0x180, s6;
	s23 =	sadd.s32 $0x200, s6;
	[dreg:$0x7] =	wrdreg s0  }
0x10: {  	s28 =	sadd.s32 $0x580, s6;
	s12 =	simm.s32 $0x80;
	[dreg:$0x8] =	wrdreg s18  }
0x11: {  	s8 =	simm.s32 @!p0 $0xC3;
	s24 =	sshll.u32 s10, $0x4;
	[dreg:$0x9] =	wrdreg s21  }
0x12: {  	s25 =	sadd.s32 s14, s4;
	[dreg:$0xa] =	wrdreg s22;
	s0 =	sadd.s32 s20, s19  }
0x13: {  	[dreg:$0xb] =	wrdreg s23;
	s23 =	sadd.s32 $0x400, s6;
	p0 =	seq.s32 s15, $0xF  }
0x14: {  	s14 =	simm.s32 $0x200;
	s15 =	simm.s32 $0x300;
	s16 =	sadd.s32 $0x3000, s25  }
0x15: {  	s10 =	sadd.s32 s11, s24;
	s2 =	sadd.s32 $0x2C00, s25;
	[dreg:$0x4] =	wrdreg s16  }
0x16: {  	s24 =	sadd.s32 $0x280, s6;
	s0 =	sadd.s32 $0x200, s0;
	[dreg:$0x6] =	wrdreg s2  }
0x17: {  	s25 =	sadd.s32 $0x300, s6;
	s31 =	sshll.u32 s8, $0x7;
	[dreg:$0xc] =	wrdreg s24  }
0x18: {  	s26 =	sadd.s32 $0x10, s10;
	s16 =	sadd.s32 $0x6160, s1;
	[dreg:$0xd] =	wrdreg s25  }
.Ltmp0:
0x19: {  	s0 =	sshrl.u32 s0, $0x3;
	s25 =	sadd.s32 $0x480, s6;
	(pc) =	sbr.rel .LBB2_1-.Ltmp0, $4  }
0x1a: {  	s29 =	sadd.s32 $0x20, s10;
	s30 =	sadd.s32 $0x30, s10;
	[dreg:$0x3] =	wrdreg s26  }
0x1b: {  	s2 =	simm.s32 $0x3;
	[dreg:$0x5] =	wrdreg s16;
	s26 =	sadd.s32 $0x380, s6  }
0x1c: {  	s24 =	sadd.s32 s0, s11;
	s0 =	simm.s32 $0x280;
	s11 =	simm.s32 $0x2  }
0x1d: {  	v0 =	vimm.f32 $1.000000000e+00;
	v1 =	vimm.f32 $0.0e+00;
	s16 =	simm.s32 $0x0;
	[dreg:$0xe] =	wrdreg s26;
	s26 =	sadd.s32 $0x500, s6  }
.LBB2_16:
0x1e: {  	s16 =	sadd.s32 $0x1, s16;
	s17 =	rddreg [dreg:$0x7]  }
0x1f: {  	p1 =	sne.s32 s16, s17  }
.Ltmp1:
0x20: {  	_ = 	snop;
	(pc) =	sbr.rel @!p1 .LBB2_17-.Ltmp1, $1  }
0x21: {  	_ =	sdelay $0x3  }
.LBB2_1:
0x22: {  	[tilespmem:$0x200] =	vst v0  }
0x23: {  	[tilespmem:$0x280] =	vst v1  }
0x24: {  	[tilespmem:$0x210] =	vst v0  }
0x25: {  	[tilespmem:$0x290] =	vst v1  }
0x26: {  	[tilespmem:$0x220] =	vst v0  }
0x27: {  	[tilespmem:$0x2A0] =	vst v1  }
0x28: {  	[tilespmem:$0x230] =	vst v0  }
0x29: {  	[tilespmem:$0x2B0] =	vst v1  }
0x2a: {  	[tilespmem:$0x240] =	vst v0  }
0x2b: {  	[tilespmem:$0x2C0] =	vst v1  }
0x2c: {  	[tilespmem:$0x250] =	vst v0  }
0x2d: {  	[tilespmem:$0x2D0] =	vst v1  }
0x2e: {  	[tilespmem:$0x260] =	vst v0  }
0x2f: {  	[tilespmem:$0x2E0] =	vst v1  }
0x30: {  	[tilespmem:$0x270] =	vst v0  }
0x31: {  	[tilespmem:$0x2F0] =	vst v1  }
0x32: {  	[spmem:s6] =	stream.linear.scatter [tilespmem:s0], [sflag:$0x3], $0x80, $0x38;
	[tilespmem:$0x2920] =	vst v63  }
0x33: {  	_ =	swait.ge [sflag:s2], $0x80  }
0x34: {  	[sflag:s2] =	ssyncset.done $0x0  }
0x35: {  	s17 =	rddreg [dreg:$0x8];
	[sflag:s2] =	ssyncadd.s32 $0xFFFFFF80  }
0x36: {  	[spmem:s17] =	stream.linear.scatter [tilespmem:s0], [sflag:$0x3], $0x80, $0x38;
	[tilespmem:$0x2920] =	vst v63  }
0x37: {  	_ =	swait.ge [sflag:s2], $0x80  }
0x38: {  	[sflag:s2] =	ssyncset.done $0x0  }
0x39: {  	s20 =	rddreg [dreg:$0x9];
	[sflag:s2] =	ssyncadd.s32 $0xFFFFFF80  }
0x3a: {  	[spmem:s20] =	stream.linear.scatter [tilespmem:s0], [sflag:$0x3], $0x80, $0x38;
	[tilespmem:$0x2920] =	vst v63  }
0x3b: {  	_ =	swait.ge [sflag:s2], $0x80  }
0x3c: {  	[sflag:s2] =	ssyncset.done $0x0  }
0x3d: {  	s21 =	rddreg [dreg:$0xa];
	[sflag:s2] =	ssyncadd.s32 $0xFFFFFF80  }
0x3e: {  	[spmem:s21] =	stream.linear.scatter [tilespmem:s0], [sflag:$0x3], $0x80, $0x38;
	[tilespmem:$0x2920] =	vst v63  }
0x3f: {  	_ =	swait.ge [sflag:s2], $0x80  }
0x40: {  	[sflag:s2] =	ssyncset.done $0x0  }
0x41: {  	s22 =	rddreg [dreg:$0xb];
	[sflag:s2] =	ssyncadd.s32 $0xFFFFFF80  }
0x42: {  	[spmem:s22] =	stream.linear.scatter [tilespmem:s0], [sflag:$0x3], $0x80, $0x38;
	[tilespmem:$0x2920] =	vst v63  }
0x43: {  	_ =	swait.ge [sflag:s2], $0x80  }
0x44: {  	[sflag:s2] =	ssyncset.done $0x0  }
0x45: {  	s18 =	rddreg [dreg:$0xc];
	[sflag:s2] =	ssyncadd.s32 $0xFFFFFF80  }
0x46: {  	[spmem:s18] =	stream.linear.scatter [tilespmem:s0], [sflag:$0x3], $0x80, $0x38;
	[tilespmem:$0x2920] =	vst v63  }
0x47: {  	_ =	swait.ge [sflag:s2], $0x80  }
0x48: {  	[sflag:s2] =	ssyncset.done $0x0  }
0x49: {  	s19 =	rddreg [dreg:$0xd];
	[sflag:s2] =	ssyncadd.s32 $0xFFFFFF80  }
0x4a: {  	[spmem:s19] =	stream.linear.scatter [tilespmem:s0], [sflag:$0x3], $0x80, $0x38;
	[tilespmem:$0x2920] =	vst v63  }
0x4b: {  	_ =	swait.ge [sflag:s2], $0x80  }
0x4c: {  	[sflag:s2] =	ssyncset.done $0x0  }
0x4d: {  	s20 =	rddreg [dreg:$0xe];
	[sflag:s2] =	ssyncadd.s32 $0xFFFFFF80  }
0x4e: {  	[spmem:s20] =	stream.linear.scatter [tilespmem:s0], [sflag:$0x3], $0x80, $0x38;
	[tilespmem:$0x2920] =	vst v63  }
0x4f: {  	_ =	swait.ge [sflag:s2], $0x80  }
0x50: {  	[sflag:s2] =	ssyncset.done $0x0  }
0x51: {  	[sflag:s2] =	ssyncadd.s32 $0xFFFFFF80  }
0x52: {  	[spmem:s23] =	stream.linear.scatter [tilespmem:s0], [sflag:$0x3], $0x80, $0x38;
	[tilespmem:$0x2920] =	vst v63  }
0x53: {  	_ =	swait.ge [sflag:s2], $0x80  }
0x54: {  	[sflag:s2] =	ssyncset.done $0x0  }
0x55: {  	[sflag:s2] =	ssyncadd.s32 $0xFFFFFF80  }
0x56: {  	[spmem:s25] =	stream.linear.scatter [tilespmem:s0], [sflag:$0x3], $0x80, $0x38;
	[tilespmem:$0x2920] =	vst v63  }
0x57: {  	_ =	swait.ge [sflag:s2], $0x80  }
0x58: {  	[sflag:s2] =	ssyncset.done $0x0  }
0x59: {  	[sflag:s2] =	ssyncadd.s32 $0xFFFFFF80  }
0x5a: {  	[spmem:s26] =	stream.linear.scatter [tilespmem:s0], [sflag:$0x3], $0x80, $0x38;
	[tilespmem:$0x2920] =	vst v63  }
0x5b: {  	_ =	swait.ge [sflag:s2], $0x80  }
0x5c: {  	[sflag:s2] =	ssyncset.done $0x0  }
0x5d: {  	[sflag:s2] =	ssyncadd.s32 $0xFFFFFF80  }
0x5e: {  	[spmem:s28] =	stream.linear.scatter [tilespmem:s0], [sflag:$0x3], $0x80, $0x38;
	[tilespmem:$0x2920] =	vst v63  }
0x5f: {  	_ =	swait.ge [sflag:s2], $0x80  }
0x60: {  	[sflag:s2] =	ssyncset.done $0x0  }
0x61: {  	[sflag:s2] =	ssyncadd.s32 $0xFFFFFF80  }
0x62: {  	[spmem:s7] =	stream.linear.scatter [tilespmem:s0], [sflag:$0x3], $0x20, $0x38;
	[tilespmem:$0x2920] =	vst v63  }
0x63: {  	_ =	swait.ge [sflag:s2], $0x20  }
0x64: {  	[sflag:s2] =	ssyncset.done $0x0  }
0x65: {  	[sflag:s2] =	ssyncadd.s32 $0xFFFFFFE0  }
0x66: {  	[bflag:$0x0] =	sbarrier.arrive $0xFFFF  }
0x67: {  	[tilespmem:s3], [sflag:$0x1] =	stream.linear.gather [hbm4b:s10+s3], $0x80, $0x38;
	[tilespmem:$0x2920] =	vst v63  }
0x68: {  	s21 =	rddreg [dreg:$0x3]  }
0x69: {  	[tilespmem:s12], [sflag:$0x1] =	stream.linear.gather [hbm4b:s21+s3], $0x80, $0x38;
	[tilespmem:$0x2920] =	vst v63  }
0x6a: {  	s19 =	simm.s32 $0x100  }
0x6b: {  	[tilespmem:s19], [sflag:$0x1] =	stream.linear.gather [hbm4b:s29+s3], $0x80, $0x38;
	[tilespmem:$0x2920] =	vst v63  }
0x6c: {  	_ =	swait.ge [sflag:s13], $0x80  }
0x6d: {  	[sflag:s13] =	ssyncset.done $0x0  }
0x6e: {  	[sflag:s13] =	ssyncadd.s32 $0xFFFFFF80  }
0x6f: {  	[spmem:s1] =	stream.indirect.scatter.add.f32 [tilespmem:s14], [sflag:$0x2], $0x1, s3, s12, $0xb8;
	[tilespmem:$0x2920] =	vst v63  }
0x70: {  	s22 =	simm.s32 $0x180  }
0x71: {  	[tilespmem:s22], [sflag:$0x1] =	stream.linear.gather [hbm4b:s30+s3], $0x80, $0x38;
	[tilespmem:$0x2920] =	vst v63  }
0x72: {  	_ =	swait.ge [sflag:s13], $0x80  }
0x73: {  	[sflag:s13] =	ssyncset.done $0x0  }
0x74: {  	[sflag:s13] =	ssyncadd.s32 $0xFFFFFF80  }
0x75: {  	[spmem:s1] =	stream.indirect.scatter.add.f32 [tilespmem:s14], [sflag:$0x2], $0x1, s12, s12, $0xb8;
	[tilespmem:$0x2920] =	vst v63  }
0x76: {  	p1 =	sle.u32 s8, $0x4;
	_ =	swait.ge [sflag:s11], $0x80  }
0x77: {  	s17 =	simm.s32 @!p1 $0x200;
	[sflag:s11] =	ssyncset.done $0x0  }
0x78: {  	s17 =	sand.u32 @!p1 $0x180, s17;
	s18 =	simm.s32 @!p1 $0x0;
	[sflag:s11] =	ssyncadd.s32 $0xFFFFFF80  }
0x79: {  	[tilespmem:s17], [sflag:$0x1] =	stream.linear.gather @!p1 [hbm4b:s24+s18], $0x80, $0x38;
	[tilespmem:$0x2920] =	vst v63  }
0x7a: {  	p1 =	sne.s32 s31, $0x180  }
.Ltmp2:
0x7b: {  	_ = 	snop;
	(pc) =	sbr.rel @!p1 .LBB2_3-.Ltmp2, $4  }
0x7c: {  	_ = 	snop  }
0x7d: {  	_ =	swait.ge [sflag:s13], $0x80  }
0x7e: {  	s20 =	sand.u32 $0x180, s19;
	s19 =	sadd.s32 $0x10, s24;
	[sflag:s13] =	ssyncset.done $0x0  }
0x7f: {  	s17 =	simm.s32 $0x180;
	s18 =	simm.s32 $0x5;
	[sflag:s13] =	ssyncadd.s32 $0xFFFFFF80  }
.LBB2_2:
0x80: {  	[spmem:s1] =	stream.indirect.scatter.add.f32 [tilespmem:s14], [sflag:$0x2], $0x1, s20, s12, $0xb8;
	[tilespmem:$0x2920] =	vst v63  }
0x81: {  	s20 =	smov.u32 s17  }
0x82: {  	p1 =	sge.u32 s18, s8;
	s17 =	sadd.s32 $0x80, s17;
	_ =	swait.ge [sflag:s11], $0x80  }
0x83: {  	s21 =	sadd.s32 @!p1 $0x100, s20;
	s22 =	simm.s32 @!p1 $0x0;
	[sflag:s11] =	ssyncset.done $0x0  }
0x84: {  	s21 =	sand.u32 @!p1 $0x180, s21;
	[sflag:s11] =	ssyncadd.s32 $0xFFFFFF80  }
0x85: {  	[tilespmem:s21], [sflag:$0x1] =	stream.linear.gather @!p1 [hbm4b:s19+s22], $0x80, $0x38;
	[tilespmem:$0x2920] =	vst v63  }
0x86: {  	p1 =	sne.s32 s31, s17  }
.Ltmp3:
0x87: {  	_ = 	snop;
	(pc) =	sbr.rel @p1 .LBB2_2-.Ltmp3, $4  }
0x88: {  	_ = 	snop  }
0x89: {  	_ =	swait.ge [sflag:s13], $0x80  }
0x8a: {  	s18 =	sadd.s32 $0x1, s18;
	[sflag:s13] =	ssyncset.done $0x0  }
0x8b: {  	s20 =	sand.u32 $0x180, s20;
	s19 =	sadd.s32 $0x10, s19;
	[sflag:s13] =	ssyncadd.s32 $0xFFFFFF80  }
.LBB2_3:
0x8c: {  	[spmem:s1] =	stream.indirect.scatter.add.f32 [tilespmem:s14], [sflag:$0x2], $0x1, s20, s12, $0xb8;
	[tilespmem:$0x2920] =	vst v63  }
0x8d: {  	_ =	swait.ge [sflag:s11], $0x80  }
0x8e: {  	[sflag:s11] =	ssyncset.done $0x0  }
0x8f: {  	[sflag:s11] =	ssyncadd.s32 $0xFFFFFF80  }
.Ltmp4:
0x90: {  	_ =	swait.ge [sflag:s11], $0x80;
	(pc) =	sbr.rel @!p0 .LBB2_4-.Ltmp4, $4  }
0x91: {  	[sflag:s11] =	ssyncset.done $0x0  }
0x92: {  	[sflag:s11] =	ssyncadd.s32 $0xFFFFFF80  }
0x93: {  	[bflag:$0x0] =	sbarrier.arrive $0xFFFF  }
0x94: {  	s17 =	simm.s32 $0x0;
	s18 =	simm.s32 $0x0;
	s19 =	simm.s32 $0x0  }
.LBB2_10:
0x95: {  	s18 =	sshll.u32 s19, $0x7  }
0x96: {  	s20 =	sadd.s32 s18, s1  }
0x97: {  	v2 =	vmov s17;
	s20 =	sadd.s32 $0x5BE0, s20  }
0x98: {  	[tilespmem:s0], [sflag:$0x3] =	stream.linear.gather [spmem:s20], $0x80, $0x38;
	[tilespmem:$0x2920] =	vst v63  }
0x99: {  	_ =	swait.ge [sflag:s2], $0x80  }
0x9a: {  	[sflag:s2] =	ssyncset.done $0x0  }
0x9b: {  	[sflag:s2] =	ssyncadd.s32 $0xFFFFFF80  }
0x9c: {  	v2 =	vld.idx.msk [tilespmem:v2+s0+$0x0], $0xffff;
	_ =	sdelay $0x2  }
0x9d: {  	s21 =	simm.s32 $0x1  }
0x9e: {  	v3 =	vmov s21;
	s21 =	simm.s32 $0x2;
	s20 =	simm.s32 $0x320  }
.LBB2_11:
0x9f: {  	p1 =	sne.s32 s21, $0x7F;
	[tilespmem:s20+$0xFFFFFFE0] =	vst v2  }
0xa0: {  	[tilespmem:s20+$0xFFFFFFF0] =	vst v2  }
0xa1: {  	[tilespmem:s20+$0x0] =	vst v2  }
0xa2: {  	[tilespmem:s20+$0x10] =	vst v2  }
0xa3: {  	v2 =	vld.idx.msk [tilespmem:v3+s0+$0x0], $0xffff  }
.Ltmp5:
0xa4: {  	(pc) =	sbr.rel @p1 .LBB2_11-.Ltmp5, $2  }
0xa5: {  	_ =	sdelay $0x2  }
0xa6: {  	s20 =	sadd.s32 $0x40, s20;
	v3 =	vmov s21;
	s21 =	sadd.s32 $0x1, s21  }
0xa7: {  	[tilespmem:s20+$0xFFFFFFE0] =	vst v2  }
0xa8: {  	[tilespmem:s20+$0xFFFFFFF0] =	vst v2  }
0xa9: {  	[tilespmem:s20+$0x0] =	vst v2  }
0xaa: {  	[tilespmem:s20+$0x10] =	vst v2  }
0xab: {  	v2 =	vld.idx.msk [tilespmem:v3+s0+$0x0], $0xffff;
	_ =	sdelay $0x3  }
0xac: {  	s22 =	sadd.s32 $0x40, s20  }
0xad: {  	[tilespmem:s22+$0xFFFFFFE0] =	vst v2  }
0xae: {  	s18 =	sadd.s32 s9, s18;
	s19 =	sadd.s32 $0x1, s19;
	[tilespmem:s22+$0xFFFFFFF0] =	vst v2  }
0xaf: {  	s18 =	sshll.u32 s18, $0x3;
	p1 =	sne.s32 s19, $0xB;
	[tilespmem:s22+$0x0] =	vst v2  }
.Ltmp6:
0xb0: {  	s18 =	sadd.s32 s4, s18;
	[tilespmem:s22+$0x10] =	vst v2;
	(pc) =	sbr.rel @p1 .LBB2_10-.Ltmp6, $4  }
0xb1: {  	[hbm4b:s18+s3] =	stream.linear.scatter [tilespmem:s15], [sflag:$0x3], $0x2000, $0x38;
	[tilespmem:$0x2920] =	vst v63  }
0xb2: {  	_ =	swait.ge [sflag:s2], $0x2000  }
0xb3: {  	[sflag:s2] =	ssyncset.done $0x0  }
0xb4: {  	[sflag:s2] =	ssyncadd.s32 $0xFFFFE000  }
0xb5: {  	s17 =	simm.s32 $0x0  }
0xb6: {  	s22 =	rddreg [dreg:$0x5];
	v2 =	vmov s17  }
0xb7: {  	[tilespmem:s0], [sflag:$0x3] =	stream.linear.gather [spmem:s22], $0x48, $0x38;
	[tilespmem:$0x2920] =	vst v63  }
0xb8: {  	_ =	swait.ge [sflag:s2], $0x48  }
0xb9: {  	[sflag:s2] =	ssyncset.done $0x0  }
0xba: {  	[sflag:s2] =	ssyncadd.s32 $0xFFFFFFB8  }
0xbb: {  	v2 =	vld.idx.msk [tilespmem:v2+s0+$0x0], $0xffff;
	_ =	sdelay $0x2  }
0xbc: {  	s18 =	simm.s32 $0x1  }
0xbd: {  	s17 =	simm.s32 $0x320;
	v3 =	vmov s18;
	s18 =	simm.s32 $0x2  }
.LBB2_14:
0xbe: {  	p1 =	sne.s32 s18, $0x47;
	[tilespmem:s17+$0xFFFFFFE0] =	vst v2  }
0xbf: {  	[tilespmem:s17+$0xFFFFFFF0] =	vst v2  }
0xc0: {  	[tilespmem:s17+$0x0] =	vst v2  }
0xc1: {  	[tilespmem:s17+$0x10] =	vst v2  }
0xc2: {  	v2 =	vld.idx.msk [tilespmem:v3+s0+$0x0], $0xffff  }
.Ltmp7:
0xc3: {  	(pc) =	sbr.rel @p1 .LBB2_14-.Ltmp7, $2  }
0xc4: {  	_ =	sdelay $0x2  }
0xc5: {  	s17 =	sadd.s32 $0x40, s17;
	v3 =	vmov s18;
	s18 =	sadd.s32 $0x1, s18  }
0xc6: {  	[tilespmem:s17+$0xFFFFFFE0] =	vst v2  }
0xc7: {  	[tilespmem:s17+$0xFFFFFFF0] =	vst v2  }
0xc8: {  	[tilespmem:s17+$0x0] =	vst v2  }
0xc9: {  	[tilespmem:s17+$0x10] =	vst v2  }
0xca: {  	v2 =	vld.idx.msk [tilespmem:v3+s0+$0x0], $0xffff;
	_ =	sdelay $0x3  }
0xcb: {  	s21 =	sadd.s32 $0x40, s17  }
0xcc: {  	[tilespmem:s21+$0xFFFFFFE0] =	vst v2  }
0xcd: {  	[tilespmem:s21+$0xFFFFFFF0] =	vst v2  }
0xce: {  	[tilespmem:s21+$0x0] =	vst v2  }
.Ltmp8:
0xcf: {  	s22 =	rddreg [dreg:$0x6];
	[tilespmem:s21+$0x10] =	vst v2;
	(pc) =	sbr.rel .LBB2_16-.Ltmp8, $4  }
0xd0: {  	[hbm4b:s22+s3] =	stream.linear.scatter [tilespmem:s15], [sflag:$0x3], $0x1200, $0x38;
	[tilespmem:$0x2920] =	vst v63  }
0xd1: {  	_ =	swait.ge [sflag:s2], $0x1200  }
0xd2: {  	[sflag:s2] =	ssyncset.done $0x0  }
0xd3: {  	[sflag:s2] =	ssyncadd.s32 $0xFFFFEE00  }
.LBB2_4:
0xd4: {  	s19 =	sshll.u32 s18, $0x7  }
0xd5: {  	v2 =	vmov s17;
	s20 =	sadd.s32 s19, s5  }
0xd6: {  	[tilespmem:s0], [sflag:$0x3] =	stream.linear.gather [spmem:s20], $0x80, $0x38;
	[tilespmem:$0x2920] =	vst v63  }
0xd7: {  	_ =	swait.ge [sflag:s2], $0x80  }
0xd8: {  	[sflag:s2] =	ssyncset.done $0x0  }
0xd9: {  	[sflag:s2] =	ssyncadd.s32 $0xFFFFFF80  }
0xda: {  	v2 =	vld.idx.msk [tilespmem:v2+s0+$0x0], $0xffff;
	_ =	sdelay $0x2  }
0xdb: {  	s21 =	simm.s32 $0x1  }
0xdc: {  	v3 =	vmov s21;
	s21 =	simm.s32 $0x2;
	s20 =	simm.s32 $0x320  }
.LBB2_5:
0xdd: {  	p1 =	sne.s32 s21, $0x7F;
	[tilespmem:s20+$0xFFFFFFE0] =	vst v2  }
0xde: {  	[tilespmem:s20+$0xFFFFFFF0] =	vst v2  }
0xdf: {  	[tilespmem:s20+$0x0] =	vst v2  }
0xe0: {  	[tilespmem:s20+$0x10] =	vst v2  }
0xe1: {  	v2 =	vld.idx.msk [tilespmem:v3+s0+$0x0], $0xffff  }
.Ltmp9:
0xe2: {  	(pc) =	sbr.rel @p1 .LBB2_5-.Ltmp9, $2  }
0xe3: {  	_ =	sdelay $0x2  }
0xe4: {  	s20 =	sadd.s32 $0x40, s20;
	v3 =	vmov s21;
	s21 =	sadd.s32 $0x1, s21  }
0xe5: {  	[tilespmem:s20+$0xFFFFFFE0] =	vst v2  }
0xe6: {  	[tilespmem:s20+$0xFFFFFFF0] =	vst v2  }
0xe7: {  	[tilespmem:s20+$0x0] =	vst v2  }
0xe8: {  	[tilespmem:s20+$0x10] =	vst v2  }
0xe9: {  	v2 =	vld.idx.msk [tilespmem:v3+s0+$0x0], $0xffff;
	_ =	sdelay $0x3  }
0xea: {  	s22 =	sadd.s32 $0x40, s20  }
0xeb: {  	[tilespmem:s22+$0xFFFFFFE0] =	vst v2  }
0xec: {  	s19 =	sadd.s32 s9, s19;
	s18 =	sadd.s32 $0x1, s18;
	[tilespmem:s22+$0xFFFFFFF0] =	vst v2  }
0xed: {  	s19 =	sshll.u32 s19, $0x3;
	p1 =	sne.s32 s18, $0xC;
	[tilespmem:s22+$0x0] =	vst v2  }
.Ltmp10:
0xee: {  	s19 =	sadd.s32 s4, s19;
	[tilespmem:s22+$0x10] =	vst v2;
	(pc) =	sbr.rel @p1 .LBB2_4-.Ltmp10, $4  }
0xef: {  	[hbm4b:s19+s3] =	stream.linear.scatter [tilespmem:s15], [sflag:$0x3], $0x2000, $0x38;
	[tilespmem:$0x2920] =	vst v63  }
0xf0: {  	_ =	swait.ge [sflag:s2], $0x2000  }
0xf1: {  	[sflag:s2] =	ssyncset.done $0x0  }
0xf2: {  	[sflag:s2] =	ssyncadd.s32 $0xFFFFE000  }
0xf3: {  	s17 =	simm.s32 $0x0  }
0xf4: {  	v2 =	vmov s17  }
0xf5: {  	[tilespmem:s0], [sflag:$0x3] =	stream.linear.gather [spmem:s7], $0x20, $0x38;
	[tilespmem:$0x2920] =	vst v63  }
0xf6: {  	_ =	swait.ge [sflag:s2], $0x20  }
0xf7: {  	[sflag:s2] =	ssyncset.done $0x0  }
0xf8: {  	[sflag:s2] =	ssyncadd.s32 $0xFFFFFFE0  }
0xf9: {  	v2 =	vld.idx.msk [tilespmem:v2+s0+$0x0], $0xffff;
	_ =	sdelay $0x2  }
0xfa: {  	s18 =	simm.s32 $0x1  }
0xfb: {  	s17 =	simm.s32 $0x320;
	v3 =	vmov s18;
	s18 =	simm.s32 $0x2  }
.LBB2_8:
0xfc: {  	p1 =	sne.s32 s18, $0x1F;
	[tilespmem:s17+$0xFFFFFFE0] =	vst v2  }
0xfd: {  	[tilespmem:s17+$0xFFFFFFF0] =	vst v2  }
0xfe: {  	[tilespmem:s17+$0x0] =	vst v2  }
0xff: {  	[tilespmem:s17+$0x10] =	vst v2  }
0x100: {  	v2 =	vld.idx.msk [tilespmem:v3+s0+$0x0], $0xffff  }
.Ltmp11:
0x101: {  	(pc) =	sbr.rel @p1 .LBB2_8-.Ltmp11, $2  }
0x102: {  	_ =	sdelay $0x2  }
0x103: {  	s17 =	sadd.s32 $0x40, s17;
	v3 =	vmov s18;
	s18 =	sadd.s32 $0x1, s18  }
0x104: {  	[tilespmem:s17+$0xFFFFFFE0] =	vst v2  }
0x105: {  	[tilespmem:s17+$0xFFFFFFF0] =	vst v2  }
0x106: {  	[tilespmem:s17+$0x0] =	vst v2  }
0x107: {  	[tilespmem:s17+$0x10] =	vst v2  }
0x108: {  	v2 =	vld.idx.msk [tilespmem:v3+s0+$0x0], $0xffff;
	_ =	sdelay $0x3  }
0x109: {  	s21 =	sadd.s32 $0x40, s17  }
0x10a: {  	[tilespmem:s21+$0xFFFFFFE0] =	vst v2  }
0x10b: {  	[tilespmem:s21+$0xFFFFFFF0] =	vst v2  }
0x10c: {  	[tilespmem:s21+$0x0] =	vst v2  }
.Ltmp12:
0x10d: {  	s22 =	rddreg [dreg:$0x4];
	[tilespmem:s21+$0x10] =	vst v2;
	(pc) =	sbr.rel .LBB2_16-.Ltmp12, $4  }
0x10e: {  	[hbm4b:s22+s3] =	stream.linear.scatter [tilespmem:s15], [sflag:$0x3], $0x800, $0x38;
	[tilespmem:$0x2920] =	vst v63  }
0x10f: {  	_ =	swait.ge [sflag:s2], $0x800  }
0x110: {  	[sflag:s2] =	ssyncset.done $0x0  }
0x111: {  	[sflag:s2] =	ssyncadd.s32 $0xFFFFF800  }
.LBB2_17:
0x112: {  	_ =	sfence.sel $0x180000  }
0x113: {  	[bflag:$0x0] =	sbarrier.arrive $0xFFFF  }
0x114: {  	_ =	strace $0x90000047  }
0x115: {  	s0 =	stileid.u32;
	[bflag:$0x2] =	sbarrier.arrive $0xFFFF  }
0x116: {  	p0 =	sne.s32 s0, $0x0;
	s0 =	rddreg [dreg:$0x2]  }
0x117: {  	s0 =	sadd.s32 @!p0 $0x100000, s0  }
0x118: {  	[sflag:s0] =	ssyncadd.tile.s32 @!p0 $0x1;
	_ =	shalt  }
.Lfunc_end2:
_tile_overlayer_lowered:
.L_overlay_start_2:
0x119: {  	(tag) =	ssettag $0x2  }
0x11a: {  	s0 =	rddreg [dreg:$0x0];
	s2 =	stileid.u32  }
0x11b: {  	s1 =	rddreg [dreg:$0x1];
	p0 =	sne.s32 s2, $0x0  }
0x11c: {  	s3 =	rddreg [dreg:$0x2];
	[bflag:$0x3] =	sbarrier.arrive $0xFFFF;
	s2 =	simm.s32 @!p0 $0x1C03  }
0x11d: {  	[timem:s3], [sflag:s2] =	dma.local @!p0 [hbm:s0], s1  }
0x11e: {  	s0 =	simm.s32 @!p0 $0x3  }
0x11f: {  	_ =	swait.ge @!p0 [sflag:s0], s1  }
0x120: {  	s1 =	ssub.s32 @!p0 $0x0, s1;
	[sflag:s0] =	ssyncset.done @!p0 $0x0  }
0x121: {  	[sflag:s0] =	ssyncadd.s32 @!p0 s1  }
0x122: {  	[bflag:$0x3] =	sbarrier.arrive $0xFFFF  }
0x123: {  	_ =	shalt  }

</sc_bundles>
